<compile_context>
chip_gen: v7x
topology: tpu7x:2x2x1
jax: 0.10.2.dev20260603
libtpu: 0.0.44.dev20260713+nightly
codegen_flags: <defaults>
</compile_context>

<pallas_src>
import functools

import jax
import jax.numpy as jnp
from jax import lax
from jax.experimental import pallas as pl
from jax.experimental.pallas import tpu as pltpu
from jax.experimental.pallas import tpu_sc as plsc

NH = 3
INV_SQRT2 = 0.7071067811865475

NCHUNKS = 2
E_TOTAL = 160000
E_CHUNK = E_TOTAL // NCHUNKS
EDGES_PER_TILE = E_CHUNK // 16
LOADW = 128
NMAIN = EDGES_PER_TILE // LOADW
TAILW = EDGES_PER_TILE - NMAIN * LOADW


def _silu_half(y):
    return y + y * jnp.tanh(y)


def _res_mlp(t16, wres_ref, wout_ref):
    t = t16.astype(jnp.float32)
    for i in range(NH):
        y = _silu_half(jnp.dot(t16, wres_ref[i, 0],
                               preferred_element_type=jnp.float32
                               ).astype(jnp.bfloat16))
        y = _silu_half(jnp.dot(y, wres_ref[i, 1],
                               preferred_element_type=jnp.float32
                               ).astype(jnp.bfloat16))
        t = (t + y.astype(jnp.float32)) * INV_SQRT2
        t16 = t.astype(jnp.bfloat16)
    return jnp.dot(t16, wout_ref[...], preferred_element_type=jnp.float32)




def _fused_body(m_ref, rbf_ref, wr_ref, w1_ref, wres_ref, wout_ref,
                x_ref, o_ref):
    prod = jnp.dot(rbf_ref[...], wr_ref[...],
                   preferred_element_type=jnp.float32)
    xb = m_ref[...] * prod
    x_ref[...] = xb
    t16 = _silu_half(jnp.dot(xb.astype(jnp.bfloat16), w1_ref[...],
                             preferred_element_type=jnp.float32
                             ).astype(jnp.bfloat16))
    o_ref[...] = _res_mlp(t16, wres_ref, wout_ref)


def _fused_stage(m, rbf, w_rbf, w1, wres, wout, chunk, block):
    dE = m.shape[1]
    dR = rbf.shape[1]
    T = wout.shape[1]
    grid = (E_CHUNK // block,)
    off = chunk * (E_CHUNK // block)
    return pl.pallas_call(
        _fused_body,
        grid=grid,
        in_specs=[
            pl.BlockSpec((block, dE), lambda i: (i + off, 0)),
            pl.BlockSpec((block, dR), lambda i: (i + off, 0)),
            pl.BlockSpec((dR, dE), lambda i: (0, 0)),
            pl.BlockSpec((dE, dE), lambda i: (0, 0)),
            pl.BlockSpec((NH, 2, dE, dE), lambda i: (0, 0, 0, 0)),
            pl.BlockSpec((dE, T), lambda i: (0, 0)),
        ],
        out_specs=[
            pl.BlockSpec((block, dE), lambda i: (i, 0)),
            pl.BlockSpec((block, T), lambda i: (i, 0)),
        ],
        out_shape=[
            jax.ShapeDtypeStruct((E_CHUNK, dE), jnp.float32),
            jax.ShapeDtypeStruct((E_CHUNK, T), jnp.float32),
        ],
    )(m, rbf, w_rbf, w1, wres, wout)




def _energy_body(*refs):
    xs_refs = refs[:NCHUNKS]
    w1_ref, wres_ref, wout_ref, o_ref = refs[NCHUNKS:]
    xs = xs_refs[0][...]
    for r in xs_refs[1:]:
        xs = xs + r[...]
    t16 = _silu_half(jnp.dot(xs.astype(jnp.bfloat16), w1_ref[...],
                             preferred_element_type=jnp.float32
                             ).astype(jnp.bfloat16))
    o_ref[...] = _res_mlp(t16, wres_ref, wout_ref)


def _energy_stage(xs_parts, w1, wres, wout, block):
    R, D = xs_parts[0].shape
    T = wout.shape[1]
    grid = (R // block,)
    return pl.pallas_call(
        _energy_body,
        grid=grid,
        in_specs=(
            [pl.BlockSpec((block, D), lambda i: (i, 0))
             for _ in range(NCHUNKS)] +
            [pl.BlockSpec((D, D), lambda i: (0, 0)),
             pl.BlockSpec((NH, 2, D, D), lambda i: (0, 0, 0, 0)),
             pl.BlockSpec((D, T), lambda i: (0, 0))]
        ),
        out_specs=pl.BlockSpec((block, T), lambda i: (i, 0)),
        out_shape=jax.ShapeDtypeStruct((R, T), jnp.float32),
    )(*xs_parts, w1, wres, wout)




def _segsum(x, ids_main, ids_tail, nAtoms):
    _, dE = x.shape
    half = dE // 2
    rpt = 624
    tail0 = 15 * rpt
    tail_n = nAtoms - tail0

    mesh = plsc.VectorSubcoreMesh(core_axis_name="c", subcore_axis_name="s")

    @functools.partial(
        pl.kernel,
        out_type=jax.ShapeDtypeStruct((nAtoms, dE), jnp.float32),
        mesh=mesh,
        scratch_types=[
            pltpu.VMEM((NMAIN, LOADW), jnp.int32),
            pltpu.VMEM((TAILW,), jnp.int32),
            pltpu.VMEM((LOADW, half), jnp.float32),
            pltpu.VMEM((LOADW, half), jnp.float32),
            pltpu.VMEM_SHARED((nAtoms, half), jnp.float32),
            pltpu.SemaphoreType.DMA,
            pltpu.SemaphoreType.DMA,
        ],
    )
    def k(x_hbm, idm_hbm, idt_hbm, out_hbm, ids_v, idt_v, xb0, xb1, acc,
          sem0, sem1):
        c = lax.axis_index("c")
        s = lax.axis_index("s")
        xbufs = (xb0, xb1)
        sems = (sem0, sem1)

        @pl.loop(0, LOADW)
        def _(r):
            @pl.loop(0, half, step=16)
            def _(cc):
                xb0[r, pl.ds(cc, 16)] = jnp.zeros((16,), jnp.float32)

        row0 = s * rpt
        for z in range(4):
            pltpu.sync_copy(xb0, acc.at[pl.ds(row0 + z * LOADW, LOADW)])
        pltpu.sync_copy(xb0.at[pl.ds(0, rpt - 4 * LOADW)],
                        acc.at[pl.ds(row0 + 4 * LOADW, rpt - 4 * LOADW)])

        @pl.when(s == 15)
        def _():
            pltpu.sync_copy(xb0.at[pl.ds(0, tail_n - rpt)],
                            acc.at[pl.ds(tail0 + rpt, tail_n - rpt)])

        pltpu.sync_copy(idm_hbm.at[s], ids_v)
        pltpu.sync_copy(idt_hbm.at[s], idt_v)
        plsc.subcore_barrier()

        e_base = s * EDGES_PER_TILE
        col = c * half

        def start_load(w):
            return pltpu.async_copy(
                x_hbm.at[pl.ds(e_base + w * LOADW, LOADW),
                         pl.ds(col, half)],
                xbufs[w % 2], sems[w % 2])

        handles = {0: start_load(0)}
        for w in range(NMAIN):
            if w + 1 < NMAIN:
                handles[w + 1] = start_load(w + 1)
            handles.pop(w).wait()
            pltpu.sync_copy(xbufs[w % 2], acc.at[ids_v.at[w]], add=True)

        pltpu.sync_copy(
            x_hbm.at[pl.ds(e_base + NMAIN * LOADW, TAILW), pl.ds(col, half)],
            xb0.at[pl.ds(0, TAILW)])
        pltpu.sync_copy(xb0.at[pl.ds(0, TAILW)], acc.at[idt_v], add=True)

        plsc.subcore_barrier()
        pltpu.sync_copy(
            acc.at[pl.ds(row0, rpt)],
            out_hbm.at[pl.ds(row0, rpt), pl.ds(c * half, half)])

        @pl.when(s == 15)
        def _():
            pltpu.sync_copy(
                acc.at[pl.ds(tail0 + rpt, tail_n - rpt)],
                out_hbm.at[pl.ds(tail0 + rpt, tail_n - rpt),
                           pl.ds(c * half, half)])

    return k(x, ids_main, ids_tail)




def kernel(h, m, rbf, id_j, W_rbf, W1_E, Wres_E, W_out_E,
           W1_F, Wres_F, W_out_F, scale_sum, scale_rbf):
    nAtoms = h.shape[0]

    ids = id_j.astype(jnp.int32).reshape(NCHUNKS, 16, EDGES_PER_TILE)
    wr16 = W_rbf.astype(jnp.bfloat16)
    rbf16 = rbf.astype(jnp.bfloat16)
    w1_f = (W1_F * (0.5 * scale_rbf)).astype(jnp.bfloat16)
    wres_f = (Wres_F * 0.5).astype(jnp.bfloat16)
    wout_f = W_out_F.astype(jnp.bfloat16)
    w1_e = (W1_E * (0.5 * scale_sum)).astype(jnp.bfloat16)
    wres_e = (Wres_E * 0.5).astype(jnp.bfloat16)
    wout_e = W_out_E.astype(jnp.bfloat16)

    xs_parts = []
    xf_parts = []
    for chunk in range(NCHUNKS):
        x_c, xf_c = _fused_stage(m, rbf16, wr16, w1_f, wres_f, wout_f,
                                 chunk, block=4000)
        ids_c = ids[chunk]
        ids_main = ids_c[:, :NMAIN * LOADW].reshape(16, NMAIN, LOADW)
        ids_tail = ids_c[:, NMAIN * LOADW:]
        xs_parts.append(_segsum(x_c, ids_main, ids_tail, nAtoms))
        xf_parts.append(xf_c)

    x_E = _energy_stage(xs_parts, w1_e, wres_e, wout_e, block=2000)
    x_F = jnp.concatenate(xf_parts, axis=0)
    return (x_E, x_F)

# --- scband reference (transcript-rebuilt; emitter-appended) ---
"""Pipeline reference for scband-output-block-78408922956495 (READ-ONLY COPY).

The authoritative reference and input builder live on the scoring server;
editing this copy changes nothing except your own understanding.
"""

import jax, jax.numpy as jnp
import numpy as np

NH = 3  # nHidden residual blocks
INV_SQRT2 = 1.0 / np.sqrt(2.0)


def setup_inputs(seed: int = 0) -> dict:
    key = jax.random.key(seed)
    ks = jax.random.split(key, 16)
    nAtoms, nEdges = 10000, 160000
    dA, dE, dR, T = 256, 256, 16, 1
    h = jax.random.normal(ks[0], (nAtoms, dA), dtype=jnp.float32)
    m = jax.random.normal(ks[1], (nEdges, dE), dtype=jnp.float32)
    rbf = jax.random.uniform(ks[2], (nEdges, dR), dtype=jnp.float32)
    id_j = jax.random.randint(ks[3], (nEdges,), 0, nAtoms).astype(jnp.int64)
    # learned parameters (stored as [in, out]; torch Dense does x @ W.T with W=[out,in])
    W_rbf = jax.random.normal(ks[4], (dR, dE), dtype=jnp.float32) * 0.1
    W1_E = jax.random.normal(ks[5], (dE, dA), dtype=jnp.float32) * 0.05
    Wres_E = jax.random.normal(ks[6], (NH, 2, dA, dA), dtype=jnp.float32) * 0.05
    W_out_E = jax.random.normal(ks[7], (dA, T), dtype=jnp.float32) * 0.05
    W1_F = jax.random.normal(ks[8], (dE, dE), dtype=jnp.float32) * 0.05
    Wres_F = jax.random.normal(ks[9], (NH, 2, dE, dE), dtype=jnp.float32) * 0.05
    W_out_F = jax.random.normal(ks[10], (dE, T), dtype=jnp.float32) * 0.05
    scale_sum = jnp.array(1.0, dtype=jnp.float32)
    scale_rbf = jnp.array(1.0, dtype=jnp.float32)
    return {"h": h, "m": m, "rbf": rbf, "id_j": id_j, "W_rbf": W_rbf,
            "W1_E": W1_E, "Wres_E": Wres_E, "W_out_E": W_out_E,
            "W1_F": W1_F, "Wres_F": Wres_F, "W_out_F": W_out_F,
            "scale_sum": scale_sum, "scale_rbf": scale_rbf}


def reference(h, m, rbf, id_j, W_rbf, W1_E, Wres_E, W_out_E, W1_F, Wres_F, W_out_F, scale_sum, scale_rbf):
    act = jax.nn.silu
    nAtoms = h.shape[0]
    # dense_rbf (no bias, no activation)
    rbf_mlp = rbf @ W_rbf                       # [E, dE]
    x = m * rbf_mlp                             # [E, dE]
    # scatter-add over destination atoms
    x_E = jax.ops.segment_sum(x, id_j, num_segments=nAtoms)  # [N, dA==dE]
    x_E = x_E * scale_sum                       # ScalingFactor (scale_file=None -> 1.0)
    # energy MLP: dense1 + residual blocks
    x_E = act(x_E @ W1_E)
    for i in range(NH):
        y = act(x_E @ Wres_E[i, 0])
        y = act(y @ Wres_E[i, 1])
        x_E = (x_E + y) * INV_SQRT2
    x_E = x_E @ W_out_E                         # [N, T]
    # force branch (direct_forces=True)
    x_F = x * scale_rbf
    x_F = act(x_F @ W1_F)
    for i in range(NH):
        y = act(x_F @ Wres_F[i, 0])
        y = act(y @ Wres_F[i, 1])
        x_F = (x_F + y) * INV_SQRT2
    x_F = x_F @ W_out_F                         # [E, T]
    return (x_E, x_F)

if __name__ == "__main__":
    import jax
    _d = setup_inputs()
    print(jax.jit(kernel)(*tuple(_d.values())))

</pallas_src>

<mosaic_0001>
#map = affine_map<(d0, d1) -> (0, 0)>
#map1 = affine_map<(d0, d1) -> (0, 0, 0)>
module attributes {stable_mosaic.version = 14 : i64} {
  func.func @k(%arg0: i32, %arg1: i32, %arg2: memref<80000x256xf32, #tpu.memory_space<hbm>>, %arg3: memref<16x39x128xi32, #tpu.memory_space<hbm>>, %arg4: memref<16x8xi32, #tpu.memory_space<hbm>>, %arg5: memref<10000x256xf32, #tpu.memory_space<hbm>>, %arg6: memref<39x128xi32, #tpu.memory_space<vmem>>, %arg7: memref<8xi32, #tpu.memory_space<vmem>>, %arg8: memref<128x128xf32, #tpu.memory_space<vmem>>, %arg9: memref<128x128xf32, #tpu.memory_space<vmem>>, %arg10: memref<10000x128xf32, #tpu.memory_space<vmem_shared>>, %arg11: memref<!tpu.dma_semaphore, #tpu.memory_space<semaphore_mem>>, %arg12: memref<!tpu.dma_semaphore, #tpu.memory_space<semaphore_mem>>) attributes {dimension_semantics = [#tpu.dimension_semantics<core_parallel>, #tpu.dimension_semantics<subcore_parallel>], iteration_bounds = array<i64: 2, 16>, scalar_prefetch = 0 : i64, scratch_operands = 7 : i64, tpu.core_type = #tpu.core_type<sc_vector_subcore>, window_params = [{transform_indices = #map}, {transform_indices = #map1}, {transform_indices = #map}, {transform_indices = #map}]} {
    %scan3A = arith.constant 0 : i32
    %scan3A_0 = arith.constant 128 : i32
    %scan3A_1 = arith.addi %scan3A, %scan3A_0 : i32
    %scan3A_2 = arith.constant 1 : i32
    scf.for %scan3A_300 = %scan3A to %scan3A_1 step %scan3A_2  : i32 {
      %mul3A_301 = arith.constant 1 : i32
      %mul3A_302 = arith.muli %scan3A_300, %mul3A_301 : i32
      %add3A_303 = arith.constant 0 : i32
      %add3A_304 = arith.addi %add3A_303, %mul3A_302 : i32
      %scan3A_305 = arith.constant 0 : i32
      %scan3A_306 = arith.constant 8 : i32
      %scan3A_307 = arith.addi %scan3A_305, %scan3A_306 : i32
      %scan3A_308 = arith.constant 1 : i32
      scf.for %scan3A_310 = %scan3A_305 to %scan3A_307 step %scan3A_308  : i32 {
        %mul3A_311 = arith.constant 16 : i32
        %mul3A_312 = arith.muli %scan3A_310, %mul3A_311 : i32
        %add3A_313 = arith.constant 0 : i32
        %add3A_314 = arith.addi %add3A_313, %mul3A_312 : i32
        %broadcast_in_dim3A = arith.constant 0.000000e+00 : f32
        %broadcast_in_dim3A_315 = vector.broadcast %broadcast_in_dim3A : f32 to vector<16xf32>
        %swap3A = arith.index_cast %add3A_304 : i32 to index
        %swap3A_316 = arith.index_cast %add3A_314 : i32 to index
        %swap3A_317 = tpu.vector_load %arg8[%swap3A, %swap3A_316] {strides = array<i32>} : memref<128x128xf32, #tpu.memory_space<vmem>>, vector<1x16xf32>,
        %swap3A_318 = vector.shape_cast %swap3A_317 : vector<1x16xf32> to vector<16xf32>
        %swap3A_319 = vector.shape_cast %broadcast_in_dim3A_315 : vector<16xf32> to vector<1x16xf32>
        tpu.vector_store %arg8[%swap3A, %swap3A_316], %swap3A_319 {strides = array<i32>} : memref<128x128xf32, #tpu.memory_space<vmem>>, vector<1x16xf32>,
      }
      %scan3A_309 = arith.constant 8 : i32
    }
    %scan3A_3 = arith.constant 128 : i32
    %mul3A = arith.constant 624 : i32
    %mul3A_4 = arith.muli %arg1, %mul3A : i32
    %add3A = arith.constant 0 : i32
    %add3A_5 = arith.addi %mul3A_4, %add3A : i32
    "tpu.region"() ({
      %run_scoped3A_300 = tpu.sem_alloc : memref<!tpu.dma_semaphore, #tpu.memory_space<semaphore_mem>>
      %dma_start3A_301 = arith.constant 0 : i32
      %dma_start3A_302 = tpu.memref_slice %arg10[%add3A_5, %dma_start3A_301] : memref<10000x128xf32, #tpu.memory_space<vmem_shared>> -> memref<128x128xf32, #tpu.memory_space<vmem_shared>>
      %dma_start3A_303 = arith.constant 0 : i32
      %dma_start3A_304 = tpu.memref_slice %arg10[%add3A_5, %dma_start3A_303] : memref<10000x128xf32, #tpu.memory_space<vmem_shared>> -> memref<128x128xf32, #tpu.memory_space<vmem_shared>>
      tpu.enqueue_dma source(%arg8 : memref<128x128xf32, #tpu.memory_space<vmem>>) target(%dma_start3A_304 : memref<128x128xf32, #tpu.memory_space<vmem_shared>>) target_semaphore(%run_scoped3A_300 : memref<!tpu.dma_semaphore, #tpu.memory_space<semaphore_mem>>)
      %dma_wait3A_305 = arith.constant 0 : i32
      %dma_wait3A_306 = tpu.memref_slice %arg10[%add3A_5, %dma_wait3A_305] : memref<10000x128xf32, #tpu.memory_space<vmem_shared>> -> memref<128x128xf32, #tpu.memory_space<vmem_shared>>
      %dma_wait3A_307 = arith.constant 0 : i32
      %dma_wait3A_308 = tpu.memref_slice %arg10[%add3A_5, %dma_wait3A_307] : memref<10000x128xf32, #tpu.memory_space<vmem_shared>> -> memref<128x128xf32, #tpu.memory_space<vmem_shared>>
      tpu.wait_dma2 semaphore(%run_scoped3A_300 : memref<!tpu.dma_semaphore, #tpu.memory_space<semaphore_mem>>) src(%arg8 : memref<128x128xf32, #tpu.memory_space<vmem>>) dst(%dma_wait3A_308 : memref<128x128xf32, #tpu.memory_space<vmem_shared>>)
      tpu.yield
    }) : () -> ()
    %add3A_6 = arith.constant 128 : i32
    %add3A_7 = arith.addi %mul3A_4, %add3A_6 : i32
    "tpu.region"() ({
      %run_scoped3A_300 = tpu.sem_alloc : memref<!tpu.dma_semaphore, #tpu.memory_space<semaphore_mem>>
      %dma_start3A_301 = arith.constant 0 : i32
      %dma_start3A_302 = tpu.memref_slice %arg10[%add3A_7, %dma_start3A_301] : memref<10000x128xf32, #tpu.memory_space<vmem_shared>> -> memref<128x128xf32, #tpu.memory_space<vmem_shared>>
      %dma_start3A_303 = arith.constant 0 : i32
      %dma_start3A_304 = tpu.memref_slice %arg10[%add3A_7, %dma_start3A_303] : memref<10000x128xf32, #tpu.memory_space<vmem_shared>> -> memref<128x128xf32, #tpu.memory_space<vmem_shared>>
      tpu.enqueue_dma source(%arg8 : memref<128x128xf32, #tpu.memory_space<vmem>>) target(%dma_start3A_304 : memref<128x128xf32, #tpu.memory_space<vmem_shared>>) target_semaphore(%run_scoped3A_300 : memref<!tpu.dma_semaphore, #tpu.memory_space<semaphore_mem>>)
      %dma_wait3A_305 = arith.constant 0 : i32
      %dma_wait3A_306 = tpu.memref_slice %arg10[%add3A_7, %dma_wait3A_305] : memref<10000x128xf32, #tpu.memory_space<vmem_shared>> -> memref<128x128xf32, #tpu.memory_space<vmem_shared>>
      %dma_wait3A_307 = arith.constant 0 : i32
      %dma_wait3A_308 = tpu.memref_slice %arg10[%add3A_7, %dma_wait3A_307] : memref<10000x128xf32, #tpu.memory_space<vmem_shared>> -> memref<128x128xf32, #tpu.memory_space<vmem_shared>>
      tpu.wait_dma2 semaphore(%run_scoped3A_300 : memref<!tpu.dma_semaphore, #tpu.memory_space<semaphore_mem>>) src(%arg8 : memref<128x128xf32, #tpu.memory_space<vmem>>) dst(%dma_wait3A_308 : memref<128x128xf32, #tpu.memory_space<vmem_shared>>)
      tpu.yield
    }) : () -> ()
    %add3A_8 = arith.constant 256 : i32
    %add3A_9 = arith.addi %mul3A_4, %add3A_8 : i32
    "tpu.region"() ({
      %run_scoped3A_300 = tpu.sem_alloc : memref<!tpu.dma_semaphore, #tpu.memory_space<semaphore_mem>>
      %dma_start3A_301 = arith.constant 0 : i32
      %dma_start3A_302 = tpu.memref_slice %arg10[%add3A_9, %dma_start3A_301] : memref<10000x128xf32, #tpu.memory_space<vmem_shared>> -> memref<128x128xf32, #tpu.memory_space<vmem_shared>>
      %dma_start3A_303 = arith.constant 0 : i32
      %dma_start3A_304 = tpu.memref_slice %arg10[%add3A_9, %dma_start3A_303] : memref<10000x128xf32, #tpu.memory_space<vmem_shared>> -> memref<128x128xf32, #tpu.memory_space<vmem_shared>>
      tpu.enqueue_dma source(%arg8 : memref<128x128xf32, #tpu.memory_space<vmem>>) target(%dma_start3A_304 : memref<128x128xf32, #tpu.memory_space<vmem_shared>>) target_semaphore(%run_scoped3A_300 : memref<!tpu.dma_semaphore, #tpu.memory_space<semaphore_mem>>)
      %dma_wait3A_305 = arith.constant 0 : i32
      %dma_wait3A_306 = tpu.memref_slice %arg10[%add3A_9, %dma_wait3A_305] : memref<10000x128xf32, #tpu.memory_space<vmem_shared>> -> memref<128x128xf32, #tpu.memory_space<vmem_shared>>
      %dma_wait3A_307 = arith.constant 0 : i32
      %dma_wait3A_308 = tpu.memref_slice %arg10[%add3A_9, %dma_wait3A_307] : memref<10000x128xf32, #tpu.memory_space<vmem_shared>> -> memref<128x128xf32, #tpu.memory_space<vmem_shared>>
      tpu.wait_dma2 semaphore(%run_scoped3A_300 : memref<!tpu.dma_semaphore, #tpu.memory_space<semaphore_mem>>) src(%arg8 : memref<128x128xf32, #tpu.memory_space<vmem>>) dst(%dma_wait3A_308 : memref<128x128xf32, #tpu.memory_space<vmem_shared>>)
      tpu.yield
    }) : () -> ()
    %add3A_10 = arith.constant 384 : i32
    %add3A_11 = arith.addi %mul3A_4, %add3A_10 : i32
    "tpu.region"() ({
      %run_scoped3A_300 = tpu.sem_alloc : memref<!tpu.dma_semaphore, #tpu.memory_space<semaphore_mem>>
      %dma_start3A_301 = arith.constant 0 : i32
      %dma_start3A_302 = tpu.memref_slice %arg10[%add3A_11, %dma_start3A_301] : memref<10000x128xf32, #tpu.memory_space<vmem_shared>> -> memref<128x128xf32, #tpu.memory_space<vmem_shared>>
      %dma_start3A_303 = arith.constant 0 : i32
      %dma_start3A_304 = tpu.memref_slice %arg10[%add3A_11, %dma_start3A_303] : memref<10000x128xf32, #tpu.memory_space<vmem_shared>> -> memref<128x128xf32, #tpu.memory_space<vmem_shared>>
      tpu.enqueue_dma source(%arg8 : memref<128x128xf32, #tpu.memory_space<vmem>>) target(%dma_start3A_304 : memref<128x128xf32, #tpu.memory_space<vmem_shared>>) target_semaphore(%run_scoped3A_300 : memref<!tpu.dma_semaphore, #tpu.memory_space<semaphore_mem>>)
      %dma_wait3A_305 = arith.constant 0 : i32
      %dma_wait3A_306 = tpu.memref_slice %arg10[%add3A_11, %dma_wait3A_305] : memref<10000x128xf32, #tpu.memory_space<vmem_shared>> -> memref<128x128xf32, #tpu.memory_space<vmem_shared>>
      %dma_wait3A_307 = arith.constant 0 : i32
      %dma_wait3A_308 = tpu.memref_slice %arg10[%add3A_11, %dma_wait3A_307] : memref<10000x128xf32, #tpu.memory_space<vmem_shared>> -> memref<128x128xf32, #tpu.memory_space<vmem_shared>>
      tpu.wait_dma2 semaphore(%run_scoped3A_300 : memref<!tpu.dma_semaphore, #tpu.memory_space<semaphore_mem>>) src(%arg8 : memref<128x128xf32, #tpu.memory_space<vmem>>) dst(%dma_wait3A_308 : memref<128x128xf32, #tpu.memory_space<vmem_shared>>)
      tpu.yield
    }) : () -> ()
    %add3A_12 = arith.constant 512 : i32
    %add3A_13 = arith.addi %mul3A_4, %add3A_12 : i32
    "tpu.region"() ({
      %run_scoped3A_300 = tpu.sem_alloc : memref<!tpu.dma_semaphore, #tpu.memory_space<semaphore_mem>>
      %dma_start3A_301 = arith.constant 0 : i32
      %dma_start3A_302 = arith.constant 0 : i32
      %dma_start3A_303 = tpu.memref_slice %arg8[%dma_start3A_301, %dma_start3A_302] : memref<128x128xf32, #tpu.memory_space<vmem>> -> memref<112x128xf32, #tpu.memory_space<vmem>>
      %dma_start3A_304 = arith.constant 0 : i32
      %dma_start3A_305 = tpu.memref_slice %arg10[%add3A_13, %dma_start3A_304] : memref<10000x128xf32, #tpu.memory_space<vmem_shared>> -> memref<112x128xf32, #tpu.memory_space<vmem_shared>>
      %dma_start3A_306 = arith.constant 0 : i32
      %dma_start3A_307 = tpu.memref_slice %arg10[%add3A_13, %dma_start3A_306] : memref<10000x128xf32, #tpu.memory_space<vmem_shared>> -> memref<112x128xf32, #tpu.memory_space<vmem_shared>>
      %dma_start3A_308 = arith.constant 0 : i32
      %dma_start3A_309 = arith.constant 0 : i32
      %dma_start3A_310 = tpu.memref_slice %arg8[%dma_start3A_308, %dma_start3A_309] : memref<128x128xf32, #tpu.memory_space<vmem>> -> memref<112x128xf32, #tpu.memory_space<vmem>>
      tpu.enqueue_dma source(%dma_start3A_310 : memref<112x128xf32, #tpu.memory_space<vmem>>) target(%dma_start3A_307 : memref<112x128xf32, #tpu.memory_space<vmem_shared>>) target_semaphore(%run_scoped3A_300 : memref<!tpu.dma_semaphore, #tpu.memory_space<semaphore_mem>>)
      %dma_wait3A_311 = arith.constant 0 : i32
      %dma_wait3A_312 = arith.constant 0 : i32
      %dma_wait3A_313 = tpu.memref_slice %arg8[%dma_wait3A_311, %dma_wait3A_312] : memref<128x128xf32, #tpu.memory_space<vmem>> -> memref<112x128xf32, #tpu.memory_space<vmem>>
      %dma_wait3A_314 = arith.constant 0 : i32
      %dma_wait3A_315 = tpu.memref_slice %arg10[%add3A_13, %dma_wait3A_314] : memref<10000x128xf32, #tpu.memory_space<vmem_shared>> -> memref<112x128xf32, #tpu.memory_space<vmem_shared>>
      %dma_wait3A_316 = arith.constant 0 : i32
      %dma_wait3A_317 = tpu.memref_slice %arg10[%add3A_13, %dma_wait3A_316] : memref<10000x128xf32, #tpu.memory_space<vmem_shared>> -> memref<112x128xf32, #tpu.memory_space<vmem_shared>>
      %dma_wait3A_318 = arith.constant 0 : i32
      %dma_wait3A_319 = arith.constant 0 : i32
      %dma_wait3A_320 = tpu.memref_slice %arg8[%dma_wait3A_318, %dma_wait3A_319] : memref<128x128xf32, #tpu.memory_space<vmem>> -> memref<112x128xf32, #tpu.memory_space<vmem>>
      tpu.wait_dma2 semaphore(%run_scoped3A_300 : memref<!tpu.dma_semaphore, #tpu.memory_space<semaphore_mem>>) src(%dma_wait3A_320 : memref<112x128xf32, #tpu.memory_space<vmem>>) dst(%dma_wait3A_317 : memref<112x128xf32, #tpu.memory_space<vmem_shared>>)
      tpu.yield
    }) : () -> ()
    %eq3A = arith.constant 15 : i32
    %eq3A_14 = arith.cmpi eq, %arg1, %eq3A : i32
    %convert_element_type3A = arith.extui %eq3A_14 : i1 to i32
    %cond3A = arith.constant 0 : i32
    %cond3A_15 = arith.cmpi ne, %convert_element_type3A, %cond3A : i32
    scf.if %cond3A_15 {
      "tpu.region"() ({
        %run_scoped3A_300 = tpu.sem_alloc : memref<!tpu.dma_semaphore, #tpu.memory_space<semaphore_mem>>
        %dma_start3A_301 = arith.constant 0 : i32
        %dma_start3A_302 = arith.constant 0 : i32
        %dma_start3A_303 = tpu.memref_slice %arg8[%dma_start3A_301, %dma_start3A_302] : memref<128x128xf32, #tpu.memory_space<vmem>> -> memref<16x128xf32, #tpu.memory_space<vmem>>
        %dma_start3A_304 = arith.constant 9984 : i32
        %dma_start3A_305 = arith.constant 0 : i32
        %dma_start3A_306 = tpu.memref_slice %arg10[%dma_start3A_304, %dma_start3A_305] : memref<10000x128xf32, #tpu.memory_space<vmem_shared>> -> memref<16x128xf32, #tpu.memory_space<vmem_shared>>
        %dma_start3A_307 = arith.constant 9984 : i32
        %dma_start3A_308 = arith.constant 0 : i32
        %dma_start3A_309 = tpu.memref_slice %arg10[%dma_start3A_307, %dma_start3A_308] : memref<10000x128xf32, #tpu.memory_space<vmem_shared>> -> memref<16x128xf32, #tpu.memory_space<vmem_shared>>
        %dma_start3A_310 = arith.constant 0 : i32
        %dma_start3A_311 = arith.constant 0 : i32
        %dma_start3A_312 = tpu.memref_slice %arg8[%dma_start3A_310, %dma_start3A_311] : memref<128x128xf32, #tpu.memory_space<vmem>> -> memref<16x128xf32, #tpu.memory_space<vmem>>
        tpu.enqueue_dma source(%dma_start3A_312 : memref<16x128xf32, #tpu.memory_space<vmem>>) target(%dma_start3A_309 : memref<16x128xf32, #tpu.memory_space<vmem_shared>>) target_semaphore(%run_scoped3A_300 : memref<!tpu.dma_semaphore, #tpu.memory_space<semaphore_mem>>)
        %dma_wait3A_313 = arith.constant 0 : i32
        %dma_wait3A_314 = arith.constant 0 : i32
        %dma_wait3A_315 = tpu.memref_slice %arg8[%dma_wait3A_313, %dma_wait3A_314] : memref<128x128xf32, #tpu.memory_space<vmem>> -> memref<16x128xf32, #tpu.memory_space<vmem>>
        %dma_wait3A_316 = arith.constant 9984 : i32
        %dma_wait3A_317 = arith.constant 0 : i32
        %dma_wait3A_318 = tpu.memref_slice %arg10[%dma_wait3A_316, %dma_wait3A_317] : memref<10000x128xf32, #tpu.memory_space<vmem_shared>> -> memref<16x128xf32, #tpu.memory_space<vmem_shared>>
        %dma_wait3A_319 = arith.constant 9984 : i32
        %dma_wait3A_320 = arith.constant 0 : i32
        %dma_wait3A_321 = tpu.memref_slice %arg10[%dma_wait3A_319, %dma_wait3A_320] : memref<10000x128xf32, #tpu.memory_space<vmem_shared>> -> memref<16x128xf32, #tpu.memory_space<vmem_shared>>
        %dma_wait3A_322 = arith.constant 0 : i32
        %dma_wait3A_323 = arith.constant 0 : i32
        %dma_wait3A_324 = tpu.memref_slice %arg8[%dma_wait3A_322, %dma_wait3A_323] : memref<128x128xf32, #tpu.memory_space<vmem>> -> memref<16x128xf32, #tpu.memory_space<vmem>>
        tpu.wait_dma2 semaphore(%run_scoped3A_300 : memref<!tpu.dma_semaphore, #tpu.memory_space<semaphore_mem>>) src(%dma_wait3A_324 : memref<16x128xf32, #tpu.memory_space<vmem>>) dst(%dma_wait3A_321 : memref<16x128xf32, #tpu.memory_space<vmem_shared>>)
        tpu.yield
      }) : () -> ()
    } else {
    }
    "tpu.region"() ({
      %run_scoped3A_300 = tpu.sem_alloc : memref<!tpu.dma_semaphore, #tpu.memory_space<semaphore_mem>>
      %dma_start3A_301 = arith.constant 0 : i32
      %dma_start3A_302 = arith.constant 0 : i32
      %dma_start3A_303 = tpu.memref_slice %arg3[%arg1, %dma_start3A_301, %dma_start3A_302] : memref<16x39x128xi32, #tpu.memory_space<hbm>> -> memref<1x39x128xi32, #tpu.memory_space<hbm>>
      %dma_start3A_304 = tpu.memref_squeeze %dma_start3A_303 : memref<1x39x128xi32, #tpu.memory_space<hbm>> -> memref<39x128xi32, #tpu.memory_space<hbm>>
      %dma_start3A_305 = arith.constant 0 : i32
      %dma_start3A_306 = arith.constant 0 : i32
      %dma_start3A_307 = tpu.memref_slice %arg3[%arg1, %dma_start3A_305, %dma_start3A_306] : memref<16x39x128xi32, #tpu.memory_space<hbm>> -> memref<1x39x128xi32, #tpu.memory_space<hbm>>
      %dma_start3A_308 = tpu.memref_squeeze %dma_start3A_307 : memref<1x39x128xi32, #tpu.memory_space<hbm>> -> memref<39x128xi32, #tpu.memory_space<hbm>>
      tpu.enqueue_dma source(%dma_start3A_308 : memref<39x128xi32, #tpu.memory_space<hbm>>) target(%arg6 : memref<39x128xi32, #tpu.memory_space<vmem>>) target_semaphore(%run_scoped3A_300 : memref<!tpu.dma_semaphore, #tpu.memory_space<semaphore_mem>>)
      %dma_wait3A_309 = arith.constant 0 : i32
      %dma_wait3A_310 = arith.constant 0 : i32
      %dma_wait3A_311 = tpu.memref_slice %arg3[%arg1, %dma_wait3A_309, %dma_wait3A_310] : memref<16x39x128xi32, #tpu.memory_space<hbm>> -> memref<1x39x128xi32, #tpu.memory_space<hbm>>
      %dma_wait3A_312 = tpu.memref_squeeze %dma_wait3A_311 : memref<1x39x128xi32, #tpu.memory_space<hbm>> -> memref<39x128xi32, #tpu.memory_space<hbm>>
      %dma_wait3A_313 = arith.constant 0 : i32
      %dma_wait3A_314 = arith.constant 0 : i32
      %dma_wait3A_315 = tpu.memref_slice %arg3[%arg1, %dma_wait3A_313, %dma_wait3A_314] : memref<16x39x128xi32, #tpu.memory_space<hbm>> -> memref<1x39x128xi32, #tpu.memory_space<hbm>>
      %dma_wait3A_316 = tpu.memref_squeeze %dma_wait3A_315 : memref<1x39x128xi32, #tpu.memory_space<hbm>> -> memref<39x128xi32, #tpu.memory_space<hbm>>
      tpu.wait_dma2 semaphore(%run_scoped3A_300 : memref<!tpu.dma_semaphore, #tpu.memory_space<semaphore_mem>>) src(%dma_wait3A_316 : memref<39x128xi32, #tpu.memory_space<hbm>>) dst(%arg6 : memref<39x128xi32, #tpu.memory_space<vmem>>)
      tpu.yield
    }) : () -> ()
    "tpu.region"() ({
      %run_scoped3A_300 = tpu.sem_alloc : memref<!tpu.dma_semaphore, #tpu.memory_space<semaphore_mem>>
      %dma_start3A_301 = arith.constant 0 : i32
      %dma_start3A_302 = tpu.memref_slice %arg4[%arg1, %dma_start3A_301] : memref<16x8xi32, #tpu.memory_space<hbm>> -> memref<1x8xi32, #tpu.memory_space<hbm>>
      %dma_start3A_303 = tpu.memref_squeeze %dma_start3A_302 : memref<1x8xi32, #tpu.memory_space<hbm>> -> memref<8xi32, #tpu.memory_space<hbm>>
      %dma_start3A_304 = arith.constant 0 : i32
      %dma_start3A_305 = tpu.memref_slice %arg4[%arg1, %dma_start3A_304] : memref<16x8xi32, #tpu.memory_space<hbm>> -> memref<1x8xi32, #tpu.memory_space<hbm>>
      %dma_start3A_306 = tpu.memref_squeeze %dma_start3A_305 : memref<1x8xi32, #tpu.memory_space<hbm>> -> memref<8xi32, #tpu.memory_space<hbm>>
      tpu.enqueue_dma source(%dma_start3A_306 : memref<8xi32, #tpu.memory_space<hbm>>) target(%arg7 : memref<8xi32, #tpu.memory_space<vmem>>) target_semaphore(%run_scoped3A_300 : memref<!tpu.dma_semaphore, #tpu.memory_space<semaphore_mem>>)
      %dma_wait3A_307 = arith.constant 0 : i32
      %dma_wait3A_308 = tpu.memref_slice %arg4[%arg1, %dma_wait3A_307] : memref<16x8xi32, #tpu.memory_space<hbm>> -> memref<1x8xi32, #tpu.memory_space<hbm>>
      %dma_wait3A_309 = tpu.memref_squeeze %dma_wait3A_308 : memref<1x8xi32, #tpu.memory_space<hbm>> -> memref<8xi32, #tpu.memory_space<hbm>>
      %dma_wait3A_310 = arith.constant 0 : i32
      %dma_wait3A_311 = tpu.memref_slice %arg4[%arg1, %dma_wait3A_310] : memref<16x8xi32, #tpu.memory_space<hbm>> -> memref<1x8xi32, #tpu.memory_space<hbm>>
      %dma_wait3A_312 = tpu.memref_squeeze %dma_wait3A_311 : memref<1x8xi32, #tpu.memory_space<hbm>> -> memref<8xi32, #tpu.memory_space<hbm>>
      tpu.wait_dma2 semaphore(%run_scoped3A_300 : memref<!tpu.dma_semaphore, #tpu.memory_space<semaphore_mem>>) src(%dma_wait3A_312 : memref<8xi32, #tpu.memory_space<hbm>>) dst(%arg7 : memref<8xi32, #tpu.memory_space<vmem>>)
      tpu.yield
    }) : () -> ()
    %barrier3A = arith.constant 0 : index
    tpu.barrier barrier_id(%barrier3A)
    %mul3A_16 = arith.constant 5000 : i32
    %mul3A_17 = arith.muli %arg1, %mul3A_16 : i32
    %mul3A_18 = arith.constant 128 : i32
    %mul3A_19 = arith.muli %arg0, %mul3A_18 : i32
    %add3A_20 = arith.constant 0 : i32
    %add3A_21 = arith.addi %mul3A_17, %add3A_20 : i32
    %dma_start3A = tpu.memref_slice %arg2[%add3A_21, %mul3A_19] : memref<80000x256xf32, #tpu.memory_space<hbm>> -> memref<128x128xf32, #tpu.memory_space<hbm>>
    %dma_start3A_22 = tpu.memref_slice %arg2[%add3A_21, %mul3A_19] : memref<80000x256xf32, #tpu.memory_space<hbm>> -> memref<128x128xf32, #tpu.memory_space<hbm>>
    tpu.enqueue_dma source(%dma_start3A_22 : memref<128x128xf32, #tpu.memory_space<hbm>>) target(%arg8 : memref<128x128xf32, #tpu.memory_space<vmem>>) target_semaphore(%arg11 : memref<!tpu.dma_semaphore, #tpu.memory_space<semaphore_mem>>)
    %add3A_23 = arith.constant 128 : i32
    %add3A_24 = arith.addi %mul3A_17, %add3A_23 : i32
    %dma_start3A_25 = tpu.memref_slice %arg2[%add3A_24, %mul3A_19] : memref<80000x256xf32, #tpu.memory_space<hbm>> -> memref<128x128xf32, #tpu.memory_space<hbm>>
    %dma_start3A_26 = tpu.memref_slice %arg2[%add3A_24, %mul3A_19] : memref<80000x256xf32, #tpu.memory_space<hbm>> -> memref<128x128xf32, #tpu.memory_space<hbm>>
    tpu.enqueue_dma source(%dma_start3A_26 : memref<128x128xf32, #tpu.memory_space<hbm>>) target(%arg9 : memref<128x128xf32, #tpu.memory_space<vmem>>) target_semaphore(%arg12 : memref<!tpu.dma_semaphore, #tpu.memory_space<semaphore_mem>>)
    %dma_wait3A = tpu.memref_slice %arg2[%add3A_21, %mul3A_19] : memref<80000x256xf32, #tpu.memory_space<hbm>> -> memref<128x128xf32, #tpu.memory_space<hbm>>
    %dma_wait3A_27 = tpu.memref_slice %arg2[%add3A_21, %mul3A_19] : memref<80000x256xf32, #tpu.memory_space<hbm>> -> memref<128x128xf32, #tpu.memory_space<hbm>>
    tpu.wait_dma2 semaphore(%arg11 : memref<!tpu.dma_semaphore, #tpu.memory_space<semaphore_mem>>) src(%dma_wait3A_27 : memref<128x128xf32, #tpu.memory_space<hbm>>) dst(%arg8 : memref<128x128xf32, #tpu.memory_space<vmem>>)
    %run_scoped3A = arith.constant 0 : i32
    "tpu.region"() ({
      %run_scoped3A_300 = tpu.sem_alloc : memref<!tpu.dma_semaphore, #tpu.memory_space<semaphore_mem>>
      %dma_start3A_301 = arith.constant 0 : i32
      %dma_start3A_302 = tpu.memref_slice %arg6[%run_scoped3A, %dma_start3A_301] : memref<39x128xi32, #tpu.memory_space<vmem>> -> memref<1x128xi32, #tpu.memory_space<vmem>>
      %dma_start3A_303 = tpu.memref_squeeze %dma_start3A_302 : memref<1x128xi32, #tpu.memory_space<vmem>> -> memref<128xi32, #tpu.memory_space<vmem>>
      %dma_start3A_304 = arith.constant 0 : i32
      %dma_start3A_305 = arith.constant 0 : i32
      %dma_start3A_306 = tpu.memref_slice %arg10[%dma_start3A_304, %dma_start3A_305] : memref<10000x128xf32, #tpu.memory_space<vmem_shared>> -> memref<10000x128xf32, #tpu.memory_space<vmem_shared>>
      tpu.enqueue_indirect_dma source(%arg8 : memref<128x128xf32, #tpu.memory_space<vmem>>) target(%dma_start3A_306 : memref<10000x128xf32, #tpu.memory_space<vmem_shared>>) offsets(%dma_start3A_303 : memref<128xi32, #tpu.memory_space<vmem>>) semaphore(%run_scoped3A_300 : memref<!tpu.dma_semaphore, #tpu.memory_space<semaphore_mem>>) {add = true}
      %dma_wait3A_307 = arith.constant 0 : i32
      %dma_wait3A_308 = tpu.memref_slice %arg6[%run_scoped3A, %dma_wait3A_307] : memref<39x128xi32, #tpu.memory_space<vmem>> -> memref<1x128xi32, #tpu.memory_space<vmem>>
      %dma_wait3A_309 = tpu.memref_squeeze %dma_wait3A_308 : memref<1x128xi32, #tpu.memory_space<vmem>> -> memref<128xi32, #tpu.memory_space<vmem>>
      %dma_wait3A_310 = arith.constant 0 : i32
      %dma_wait3A_311 = arith.constant 0 : i32
      %dma_wait3A_312 = tpu.memref_slice %arg10[%dma_wait3A_310, %dma_wait3A_311] : memref<10000x128xf32, #tpu.memory_space<vmem_shared>> -> memref<10000x128xf32, #tpu.memory_space<vmem_shared>>
      tpu.wait_indirect_dma semaphore(%run_scoped3A_300 : memref<!tpu.dma_semaphore, #tpu.memory_space<semaphore_mem>>) src(%arg8 : memref<128x128xf32, #tpu.memory_space<vmem>>) dst(%dma_wait3A_312 : memref<10000x128xf32, #tpu.memory_space<vmem_shared>>)
      tpu.yield
    }) : () -> ()
    %add3A_28 = arith.constant 256 : i32
    %add3A_29 = arith.addi %mul3A_17, %add3A_28 : i32
    %dma_start3A_30 = tpu.memref_slice %arg2[%add3A_29, %mul3A_19] : memref<80000x256xf32, #tpu.memory_space<hbm>> -> memref<128x128xf32, #tpu.memory_space<hbm>>
    %dma_start3A_31 = tpu.memref_slice %arg2[%add3A_29, %mul3A_19] : memref<80000x256xf32, #tpu.memory_space<hbm>> -> memref<128x128xf32, #tpu.memory_space<hbm>>
    tpu.enqueue_dma source(%dma_start3A_31 : memref<128x128xf32, #tpu.memory_space<hbm>>) target(%arg8 : memref<128x128xf32, #tpu.memory_space<vmem>>) target_semaphore(%arg11 : memref<!tpu.dma_semaphore, #tpu.memory_space<semaphore_mem>>)
    %dma_wait3A_32 = tpu.memref_slice %arg2[%add3A_24, %mul3A_19] : memref<80000x256xf32, #tpu.memory_space<hbm>> -> memref<128x128xf32, #tpu.memory_space<hbm>>
    %dma_wait3A_33 = tpu.memref_slice %arg2[%add3A_24, %mul3A_19] : memref<80000x256xf32, #tpu.memory_space<hbm>> -> memref<128x128xf32, #tpu.memory_space<hbm>>
    tpu.wait_dma2 semaphore(%arg12 : memref<!tpu.dma_semaphore, #tpu.memory_space<semaphore_mem>>) src(%dma_wait3A_33 : memref<128x128xf32, #tpu.memory_space<hbm>>) dst(%arg9 : memref<128x128xf32, #tpu.memory_space<vmem>>)
    %run_scoped3A_34 = arith.constant 1 : i32
    "tpu.region"() ({
      %run_scoped3A_300 = tpu.sem_alloc : memref<!tpu.dma_semaphore, #tpu.memory_space<semaphore_mem>>
      %dma_start3A_301 = arith.constant 0 : i32
      %dma_start3A_302 = tpu.memref_slice %arg6[%run_scoped3A_34, %dma_start3A_301] : memref<39x128xi32, #tpu.memory_space<vmem>> -> memref<1x128xi32, #tpu.memory_space<vmem>>
      %dma_start3A_303 = tpu.memref_squeeze %dma_start3A_302 : memref<1x128xi32, #tpu.memory_space<vmem>> -> memref<128xi32, #tpu.memory_space<vmem>>
      %dma_start3A_304 = arith.constant 0 : i32
      %dma_start3A_305 = arith.constant 0 : i32
      %dma_start3A_306 = tpu.memref_slice %arg10[%dma_start3A_304, %dma_start3A_305] : memref<10000x128xf32, #tpu.memory_space<vmem_shared>> -> memref<10000x128xf32, #tpu.memory_space<vmem_shared>>
      tpu.enqueue_indirect_dma source(%arg9 : memref<128x128xf32, #tpu.memory_space<vmem>>) target(%dma_start3A_306 : memref<10000x128xf32, #tpu.memory_space<vmem_shared>>) offsets(%dma_start3A_303 : memref<128xi32, #tpu.memory_space<vmem>>) semaphore(%run_scoped3A_300 : memref<!tpu.dma_semaphore, #tpu.memory_space<semaphore_mem>>) {add = true}
      %dma_wait3A_307 = arith.constant 0 : i32
      %dma_wait3A_308 = tpu.memref_slice %arg6[%run_scoped3A_34, %dma_wait3A_307] : memref<39x128xi32, #tpu.memory_space<vmem>> -> memref<1x128xi32, #tpu.memory_space<vmem>>
      %dma_wait3A_309 = tpu.memref_squeeze %dma_wait3A_308 : memref<1x128xi32, #tpu.memory_space<vmem>> -> memref<128xi32, #tpu.memory_space<vmem>>
      %dma_wait3A_310 = arith.constant 0 : i32
      %dma_wait3A_311 = arith.constant 0 : i32
      %dma_wait3A_312 = tpu.memref_slice %arg10[%dma_wait3A_310, %dma_wait3A_311] : memref<10000x128xf32, #tpu.memory_space<vmem_shared>> -> memref<10000x128xf32, #tpu.memory_space<vmem_shared>>
      tpu.wait_indirect_dma semaphore(%run_scoped3A_300 : memref<!tpu.dma_semaphore, #tpu.memory_space<semaphore_mem>>) src(%arg9 : memref<128x128xf32, #tpu.memory_space<vmem>>) dst(%dma_wait3A_312 : memref<10000x128xf32, #tpu.memory_space<vmem_shared>>)
      tpu.yield
    }) : () -> ()
    %add3A_35 = arith.constant 384 : i32
    %add3A_36 = arith.addi %mul3A_17, %add3A_35 : i32
    %dma_start3A_37 = tpu.memref_slice %arg2[%add3A_36, %mul3A_19] : memref<80000x256xf32, #tpu.memory_space<hbm>> -> memref<128x128xf32, #tpu.memory_space<hbm>>
    %dma_start3A_38 = tpu.memref_slice %arg2[%add3A_36, %mul3A_19] : memref<80000x256xf32, #tpu.memory_space<hbm>> -> memref<128x128xf32, #tpu.memory_space<hbm>>
    tpu.enqueue_dma source(%dma_start3A_38 : memref<128x128xf32, #tpu.memory_space<hbm>>) target(%arg9 : memref<128x128xf32, #tpu.memory_space<vmem>>) target_semaphore(%arg12 : memref<!tpu.dma_semaphore, #tpu.memory_space<semaphore_mem>>)
    %dma_wait3A_39 = tpu.memref_slice %arg2[%add3A_29, %mul3A_19] : memref<80000x256xf32, #tpu.memory_space<hbm>> -> memref<128x128xf32, #tpu.memory_space<hbm>>
    %dma_wait3A_40 = tpu.memref_slice %arg2[%add3A_29, %mul3A_19] : memref<80000x256xf32, #tpu.memory_space<hbm>> -> memref<128x128xf32, #tpu.memory_space<hbm>>
    tpu.wait_dma2 semaphore(%arg11 : memref<!tpu.dma_semaphore, #tpu.memory_space<semaphore_mem>>) src(%dma_wait3A_40 : memref<128x128xf32, #tpu.memory_space<hbm>>) dst(%arg8 : memref<128x128xf32, #tpu.memory_space<vmem>>)
    %run_scoped3A_41 = arith.constant 2 : i32
    "tpu.region"() ({
      %run_scoped3A_300 = tpu.sem_alloc : memref<!tpu.dma_semaphore, #tpu.memory_space<semaphore_mem>>
      %dma_start3A_301 = arith.constant 0 : i32
      %dma_start3A_302 = tpu.memref_slice %arg6[%run_scoped3A_41, %dma_start3A_301] : memref<39x128xi32, #tpu.memory_space<vmem>> -> memref<1x128xi32, #tpu.memory_space<vmem>>
      %dma_start3A_303 = tpu.memref_squeeze %dma_start3A_302 : memref<1x128xi32, #tpu.memory_space<vmem>> -> memref<128xi32, #tpu.memory_space<vmem>>
      %dma_start3A_304 = arith.constant 0 : i32
      %dma_start3A_305 = arith.constant 0 : i32
      %dma_start3A_306 = tpu.memref_slice %arg10[%dma_start3A_304, %dma_start3A_305] : memref<10000x128xf32, #tpu.memory_space<vmem_shared>> -> memref<10000x128xf32, #tpu.memory_space<vmem_shared>>
      tpu.enqueue_indirect_dma source(%arg8 : memref<128x128xf32, #tpu.memory_space<vmem>>) target(%dma_start3A_306 : memref<10000x128xf32, #tpu.memory_space<vmem_shared>>) offsets(%dma_start3A_303 : memref<128xi32, #tpu.memory_space<vmem>>) semaphore(%run_scoped3A_300 : memref<!tpu.dma_semaphore, #tpu.memory_space<semaphore_mem>>) {add = true}
      %dma_wait3A_307 = arith.constant 0 : i32
      %dma_wait3A_308 = tpu.memref_slice %arg6[%run_scoped3A_41, %dma_wait3A_307] : memref<39x128xi32, #tpu.memory_space<vmem>> -> memref<1x128xi32, #tpu.memory_space<vmem>>
      %dma_wait3A_309 = tpu.memref_squeeze %dma_wait3A_308 : memref<1x128xi32, #tpu.memory_space<vmem>> -> memref<128xi32, #tpu.memory_space<vmem>>
      %dma_wait3A_310 = arith.constant 0 : i32
      %dma_wait3A_311 = arith.constant 0 : i32
      %dma_wait3A_312 = tpu.memref_slice %arg10[%dma_wait3A_310, %dma_wait3A_311] : memref<10000x128xf32, #tpu.memory_space<vmem_shared>> -> memref<10000x128xf32, #tpu.memory_space<vmem_shared>>
      tpu.wait_indirect_dma semaphore(%run_scoped3A_300 : memref<!tpu.dma_semaphore, #tpu.memory_space<semaphore_mem>>) src(%arg8 : memref<128x128xf32, #tpu.memory_space<vmem>>) dst(%dma_wait3A_312 : memref<10000x128xf32, #tpu.memory_space<vmem_shared>>)
      tpu.yield
    }) : () -> ()
    %add3A_42 = arith.constant 512 : i32
    %add3A_43 = arith.addi %mul3A_17, %add3A_42 : i32
    %dma_start3A_44 = tpu.memref_slice %arg2[%add3A_43, %mul3A_19] : memref<80000x256xf32, #tpu.memory_space<hbm>> -> memref<128x128xf32, #tpu.memory_space<hbm>>
    %dma_start3A_45 = tpu.memref_slice %arg2[%add3A_43, %mul3A_19] : memref<80000x256xf32, #tpu.memory_space<hbm>> -> memref<128x128xf32, #tpu.memory_space<hbm>>
    tpu.enqueue_dma source(%dma_start3A_45 : memref<128x128xf32, #tpu.memory_space<hbm>>) target(%arg8 : memref<128x128xf32, #tpu.memory_space<vmem>>) target_semaphore(%arg11 : memref<!tpu.dma_semaphore, #tpu.memory_space<semaphore_mem>>)
    %dma_wait3A_46 = tpu.memref_slice %arg2[%add3A_36, %mul3A_19] : memref<80000x256xf32, #tpu.memory_space<hbm>> -> memref<128x128xf32, #tpu.memory_space<hbm>>
    %dma_wait3A_47 = tpu.memref_slice %arg2[%add3A_36, %mul3A_19] : memref<80000x256xf32, #tpu.memory_space<hbm>> -> memref<128x128xf32, #tpu.memory_space<hbm>>
    tpu.wait_dma2 semaphore(%arg12 : memref<!tpu.dma_semaphore, #tpu.memory_space<semaphore_mem>>) src(%dma_wait3A_47 : memref<128x128xf32, #tpu.memory_space<hbm>>) dst(%arg9 : memref<128x128xf32, #tpu.memory_space<vmem>>)
    %run_scoped3A_48 = arith.constant 3 : i32
    "tpu.region"() ({
      %run_scoped3A_300 = tpu.sem_alloc : memref<!tpu.dma_semaphore, #tpu.memory_space<semaphore_mem>>
      %dma_start3A_301 = arith.constant 0 : i32
      %dma_start3A_302 = tpu.memref_slice %arg6[%run_scoped3A_48, %dma_start3A_301] : memref<39x128xi32, #tpu.memory_space<vmem>> -> memref<1x128xi32, #tpu.memory_space<vmem>>
      %dma_start3A_303 = tpu.memref_squeeze %dma_start3A_302 : memref<1x128xi32, #tpu.memory_space<vmem>> -> memref<128xi32, #tpu.memory_space<vmem>>
      %dma_start3A_304 = arith.constant 0 : i32
      %dma_start3A_305 = arith.constant 0 : i32
      %dma_start3A_306 = tpu.memref_slice %arg10[%dma_start3A_304, %dma_start3A_305] : memref<10000x128xf32, #tpu.memory_space<vmem_shared>> -> memref<10000x128xf32, #tpu.memory_space<vmem_shared>>
      tpu.enqueue_indirect_dma source(%arg9 : memref<128x128xf32, #tpu.memory_space<vmem>>) target(%dma_start3A_306 : memref<10000x128xf32, #tpu.memory_space<vmem_shared>>) offsets(%dma_start3A_303 : memref<128xi32, #tpu.memory_space<vmem>>) semaphore(%run_scoped3A_300 : memref<!tpu.dma_semaphore, #tpu.memory_space<semaphore_mem>>) {add = true}
      %dma_wait3A_307 = arith.constant 0 : i32
      %dma_wait3A_308 = tpu.memref_slice %arg6[%run_scoped3A_48, %dma_wait3A_307] : memref<39x128xi32, #tpu.memory_space<vmem>> -> memref<1x128xi32, #tpu.memory_space<vmem>>
      %dma_wait3A_309 = tpu.memref_squeeze %dma_wait3A_308 : memref<1x128xi32, #tpu.memory_space<vmem>> -> memref<128xi32, #tpu.memory_space<vmem>>
      %dma_wait3A_310 = arith.constant 0 : i32
      %dma_wait3A_311 = arith.constant 0 : i32
      %dma_wait3A_312 = tpu.memref_slice %arg10[%dma_wait3A_310, %dma_wait3A_311] : memref<10000x128xf32, #tpu.memory_space<vmem_shared>> -> memref<10000x128xf32, #tpu.memory_space<vmem_shared>>
      tpu.wait_indirect_dma semaphore(%run_scoped3A_300 : memref<!tpu.dma_semaphore, #tpu.memory_space<semaphore_mem>>) src(%arg9 : memref<128x128xf32, #tpu.memory_space<vmem>>) dst(%dma_wait3A_312 : memref<10000x128xf32, #tpu.memory_space<vmem_shared>>)
      tpu.yield
    }) : () -> ()
    %add3A_49 = arith.constant 640 : i32
    %add3A_50 = arith.addi %mul3A_17, %add3A_49 : i32
    %dma_start3A_51 = tpu.memref_slice %arg2[%add3A_50, %mul3A_19] : memref<80000x256xf32, #tpu.memory_space<hbm>> -> memref<128x128xf32, #tpu.memory_space<hbm>>
    %dma_start3A_52 = tpu.memref_slice %arg2[%add3A_50, %mul3A_19] : memref<80000x256xf32, #tpu.memory_space<hbm>> -> memref<128x128xf32, #tpu.memory_space<hbm>>
    tpu.enqueue_dma source(%dma_start3A_52 : memref<128x128xf32, #tpu.memory_space<hbm>>) target(%arg9 : memref<128x128xf32, #tpu.memory_space<vmem>>) target_semaphore(%arg12 : memref<!tpu.dma_semaphore, #tpu.memory_space<semaphore_mem>>)
    %dma_wait3A_53 = tpu.memref_slice %arg2[%add3A_43, %mul3A_19] : memref<80000x256xf32, #tpu.memory_space<hbm>> -> memref<128x128xf32, #tpu.memory_space<hbm>>
    %dma_wait3A_54 = tpu.memref_slice %arg2[%add3A_43, %mul3A_19] : memref<80000x256xf32, #tpu.memory_space<hbm>> -> memref<128x128xf32, #tpu.memory_space<hbm>>
    tpu.wait_dma2 semaphore(%arg11 : memref<!tpu.dma_semaphore, #tpu.memory_space<semaphore_mem>>) src(%dma_wait3A_54 : memref<128x128xf32, #tpu.memory_space<hbm>>) dst(%arg8 : memref<128x128xf32, #tpu.memory_space<vmem>>)
    %run_scoped3A_55 = arith.constant 4 : i32
    "tpu.region"() ({
      %run_scoped3A_300 = tpu.sem_alloc : memref<!tpu.dma_semaphore, #tpu.memory_space<semaphore_mem>>
      %dma_start3A_301 = arith.constant 0 : i32
      %dma_start3A_302 = tpu.memref_slice %arg6[%run_scoped3A_55, %dma_start3A_301] : memref<39x128xi32, #tpu.memory_space<vmem>> -> memref<1x128xi32, #tpu.memory_space<vmem>>
      %dma_start3A_303 = tpu.memref_squeeze %dma_start3A_302 : memref<1x128xi32, #tpu.memory_space<vmem>> -> memref<128xi32, #tpu.memory_space<vmem>>
      %dma_start3A_304 = arith.constant 0 : i32
      %dma_start3A_305 = arith.constant 0 : i32
      %dma_start3A_306 = tpu.memref_slice %arg10[%dma_start3A_304, %dma_start3A_305] : memref<10000x128xf32, #tpu.memory_space<vmem_shared>> -> memref<10000x128xf32, #tpu.memory_space<vmem_shared>>
      tpu.enqueue_indirect_dma source(%arg8 : memref<128x128xf32, #tpu.memory_space<vmem>>) target(%dma_start3A_306 : memref<10000x128xf32, #tpu.memory_space<vmem_shared>>) offsets(%dma_start3A_303 : memref<128xi32, #tpu.memory_space<vmem>>) semaphore(%run_scoped3A_300 : memref<!tpu.dma_semaphore, #tpu.memory_space<semaphore_mem>>) {add = true}
      %dma_wait3A_307 = arith.constant 0 : i32
      %dma_wait3A_308 = tpu.memref_slice %arg6[%run_scoped3A_55, %dma_wait3A_307] : memref<39x128xi32, #tpu.memory_space<vmem>> -> memref<1x128xi32, #tpu.memory_space<vmem>>
      %dma_wait3A_309 = tpu.memref_squeeze %dma_wait3A_308 : memref<1x128xi32, #tpu.memory_space<vmem>> -> memref<128xi32, #tpu.memory_space<vmem>>
      %dma_wait3A_310 = arith.constant 0 : i32
      %dma_wait3A_311 = arith.constant 0 : i32
      %dma_wait3A_312 = tpu.memref_slice %arg10[%dma_wait3A_310, %dma_wait3A_311] : memref<10000x128xf32, #tpu.memory_space<vmem_shared>> -> memref<10000x128xf32, #tpu.memory_space<vmem_shared>>
      tpu.wait_indirect_dma semaphore(%run_scoped3A_300 : memref<!tpu.dma_semaphore, #tpu.memory_space<semaphore_mem>>) src(%arg8 : memref<128x128xf32, #tpu.memory_space<vmem>>) dst(%dma_wait3A_312 : memref<10000x128xf32, #tpu.memory_space<vmem_shared>>)
      tpu.yield
    }) : () -> ()
    %add3A_56 = arith.constant 768 : i32
    %add3A_57 = arith.addi %mul3A_17, %add3A_56 : i32
    %dma_start3A_58 = tpu.memref_slice %arg2[%add3A_57, %mul3A_19] : memref<80000x256xf32, #tpu.memory_space<hbm>> -> memref<128x128xf32, #tpu.memory_space<hbm>>
    %dma_start3A_59 = tpu.memref_slice %arg2[%add3A_57, %mul3A_19] : memref<80000x256xf32, #tpu.memory_space<hbm>> -> memref<128x128xf32, #tpu.memory_space<hbm>>
    tpu.enqueue_dma source(%dma_start3A_59 : memref<128x128xf32, #tpu.memory_space<hbm>>) target(%arg8 : memref<128x128xf32, #tpu.memory_space<vmem>>) target_semaphore(%arg11 : memref<!tpu.dma_semaphore, #tpu.memory_space<semaphore_mem>>)
    %dma_wait3A_60 = tpu.memref_slice %arg2[%add3A_50, %mul3A_19] : memref<80000x256xf32, #tpu.memory_space<hbm>> -> memref<128x128xf32, #tpu.memory_space<hbm>>
    %dma_wait3A_61 = tpu.memref_slice %arg2[%add3A_50, %mul3A_19] : memref<80000x256xf32, #tpu.memory_space<hbm>> -> memref<128x128xf32, #tpu.memory_space<hbm>>
    tpu.wait_dma2 semaphore(%arg12 : memref<!tpu.dma_semaphore, #tpu.memory_space<semaphore_mem>>) src(%dma_wait3A_61 : memref<128x128xf32, #tpu.memory_space<hbm>>) dst(%arg9 : memref<128x128xf32, #tpu.memory_space<vmem>>)
    %run_scoped3A_62 = arith.constant 5 : i32
    "tpu.region"() ({
      %run_scoped3A_300 = tpu.sem_alloc : memref<!tpu.dma_semaphore, #tpu.memory_space<semaphore_mem>>
      %dma_start3A_301 = arith.constant 0 : i32
      %dma_start3A_302 = tpu.memref_slice %arg6[%run_scoped3A_62, %dma_start3A_301] : memref<39x128xi32, #tpu.memory_space<vmem>> -> memref<1x128xi32, #tpu.memory_space<vmem>>
      %dma_start3A_303 = tpu.memref_squeeze %dma_start3A_302 : memref<1x128xi32, #tpu.memory_space<vmem>> -> memref<128xi32, #tpu.memory_space<vmem>>
      %dma_start3A_304 = arith.constant 0 : i32
      %dma_start3A_305 = arith.constant 0 : i32
      %dma_start3A_306 = tpu.memref_slice %arg10[%dma_start3A_304, %dma_start3A_305] : memref<10000x128xf32, #tpu.memory_space<vmem_shared>> -> memref<10000x128xf32, #tpu.memory_space<vmem_shared>>
      tpu.enqueue_indirect_dma source(%arg9 : memref<128x128xf32, #tpu.memory_space<vmem>>) target(%dma_start3A_306 : memref<10000x128xf32, #tpu.memory_space<vmem_shared>>) offsets(%dma_start3A_303 : memref<128xi32, #tpu.memory_space<vmem>>) semaphore(%run_scoped3A_300 : memref<!tpu.dma_semaphore, #tpu.memory_space<semaphore_mem>>) {add = true}
      %dma_wait3A_307 = arith.constant 0 : i32
      %dma_wait3A_308 = tpu.memref_slice %arg6[%run_scoped3A_62, %dma_wait3A_307] : memref<39x128xi32, #tpu.memory_space<vmem>> -> memref<1x128xi32, #tpu.memory_space<vmem>>
      %dma_wait3A_309 = tpu.memref_squeeze %dma_wait3A_308 : memref<1x128xi32, #tpu.memory_space<vmem>> -> memref<128xi32, #tpu.memory_space<vmem>>
      %dma_wait3A_310 = arith.constant 0 : i32
      %dma_wait3A_311 = arith.constant 0 : i32
      %dma_wait3A_312 = tpu.memref_slice %arg10[%dma_wait3A_310, %dma_wait3A_311] : memref<10000x128xf32, #tpu.memory_space<vmem_shared>> -> memref<10000x128xf32, #tpu.memory_space<vmem_shared>>
      tpu.wait_indirect_dma semaphore(%run_scoped3A_300 : memref<!tpu.dma_semaphore, #tpu.memory_space<semaphore_mem>>) src(%arg9 : memref<128x128xf32, #tpu.memory_space<vmem>>) dst(%dma_wait3A_312 : memref<10000x128xf32, #tpu.memory_space<vmem_shared>>)
      tpu.yield
    }) : () -> ()
    %add3A_63 = arith.constant 896 : i32
    %add3A_64 = arith.addi %mul3A_17, %add3A_63 : i32
    %dma_start3A_65 = tpu.memref_slice %arg2[%add3A_64, %mul3A_19] : memref<80000x256xf32, #tpu.memory_space<hbm>> -> memref<128x128xf32, #tpu.memory_space<hbm>>
    %dma_start3A_66 = tpu.memref_slice %arg2[%add3A_64, %mul3A_19] : memref<80000x256xf32, #tpu.memory_space<hbm>> -> memref<128x128xf32, #tpu.memory_space<hbm>>
    tpu.enqueue_dma source(%dma_start3A_66 : memref<128x128xf32, #tpu.memory_space<hbm>>) target(%arg9 : memref<128x128xf32, #tpu.memory_space<vmem>>) target_semaphore(%arg12 : memref<!tpu.dma_semaphore, #tpu.memory_space<semaphore_mem>>)
    %dma_wait3A_67 = tpu.memref_slice %arg2[%add3A_57, %mul3A_19] : memref<80000x256xf32, #tpu.memory_space<hbm>> -> memref<128x128xf32, #tpu.memory_space<hbm>>
    %dma_wait3A_68 = tpu.memref_slice %arg2[%add3A_57, %mul3A_19] : memref<80000x256xf32, #tpu.memory_space<hbm>> -> memref<128x128xf32, #tpu.memory_space<hbm>>
    tpu.wait_dma2 semaphore(%arg11 : memref<!tpu.dma_semaphore, #tpu.memory_space<semaphore_mem>>) src(%dma_wait3A_68 : memref<128x128xf32, #tpu.memory_space<hbm>>) dst(%arg8 : memref<128x128xf32, #tpu.memory_space<vmem>>)
    %run_scoped3A_69 = arith.constant 6 : i32
    "tpu.region"() ({
      %run_scoped3A_300 = tpu.sem_alloc : memref<!tpu.dma_semaphore, #tpu.memory_space<semaphore_mem>>
      %dma_start3A_301 = arith.constant 0 : i32
      %dma_start3A_302 = tpu.memref_slice %arg6[%run_scoped3A_69, %dma_start3A_301] : memref<39x128xi32, #tpu.memory_space<vmem>> -> memref<1x128xi32, #tpu.memory_space<vmem>>
      %dma_start3A_303 = tpu.memref_squeeze %dma_start3A_302 : memref<1x128xi32, #tpu.memory_space<vmem>> -> memref<128xi32, #tpu.memory_space<vmem>>
      %dma_start3A_304 = arith.constant 0 : i32
      %dma_start3A_305 = arith.constant 0 : i32
      %dma_start3A_306 = tpu.memref_slice %arg10[%dma_start3A_304, %dma_start3A_305] : memref<10000x128xf32, #tpu.memory_space<vmem_shared>> -> memref<10000x128xf32, #tpu.memory_space<vmem_shared>>
      tpu.enqueue_indirect_dma source(%arg8 : memref<128x128xf32, #tpu.memory_space<vmem>>) target(%dma_start3A_306 : memref<10000x128xf32, #tpu.memory_space<vmem_shared>>) offsets(%dma_start3A_303 : memref<128xi32, #tpu.memory_space<vmem>>) semaphore(%run_scoped3A_300 : memref<!tpu.dma_semaphore, #tpu.memory_space<semaphore_mem>>) {add = true}
      %dma_wait3A_307 = arith.constant 0 : i32
      %dma_wait3A_308 = tpu.memref_slice %arg6[%run_scoped3A_69, %dma_wait3A_307] : memref<39x128xi32, #tpu.memory_space<vmem>> -> memref<1x128xi32, #tpu.memory_space<vmem>>
      %dma_wait3A_309 = tpu.memref_squeeze %dma_wait3A_308 : memref<1x128xi32, #tpu.memory_space<vmem>> -> memref<128xi32, #tpu.memory_space<vmem>>
      %dma_wait3A_310 = arith.constant 0 : i32
      %dma_wait3A_311 = arith.constant 0 : i32
      %dma_wait3A_312 = tpu.memref_slice %arg10[%dma_wait3A_310, %dma_wait3A_311] : memref<10000x128xf32, #tpu.memory_space<vmem_shared>> -> memref<10000x128xf32, #tpu.memory_space<vmem_shared>>
      tpu.wait_indirect_dma semaphore(%run_scoped3A_300 : memref<!tpu.dma_semaphore, #tpu.memory_space<semaphore_mem>>) src(%arg8 : memref<128x128xf32, #tpu.memory_space<vmem>>) dst(%dma_wait3A_312 : memref<10000x128xf32, #tpu.memory_space<vmem_shared>>)
      tpu.yield
    }) : () -> ()
    %add3A_70 = arith.constant 1024 : i32
    %add3A_71 = arith.addi %mul3A_17, %add3A_70 : i32
    %dma_start3A_72 = tpu.memref_slice %arg2[%add3A_71, %mul3A_19] : memref<80000x256xf32, #tpu.memory_space<hbm>> -> memref<128x128xf32, #tpu.memory_space<hbm>>
    %dma_start3A_73 = tpu.memref_slice %arg2[%add3A_71, %mul3A_19] : memref<80000x256xf32, #tpu.memory_space<hbm>> -> memref<128x128xf32, #tpu.memory_space<hbm>>
    tpu.enqueue_dma source(%dma_start3A_73 : memref<128x128xf32, #tpu.memory_space<hbm>>) target(%arg8 : memref<128x128xf32, #tpu.memory_space<vmem>>) target_semaphore(%arg11 : memref<!tpu.dma_semaphore, #tpu.memory_space<semaphore_mem>>)
    %dma_wait3A_74 = tpu.memref_slice %arg2[%add3A_64, %mul3A_19] : memref<80000x256xf32, #tpu.memory_space<hbm>> -> memref<128x128xf32, #tpu.memory_space<hbm>>
    %dma_wait3A_75 = tpu.memref_slice %arg2[%add3A_64, %mul3A_19] : memref<80000x256xf32, #tpu.memory_space<hbm>> -> memref<128x128xf32, #tpu.memory_space<hbm>>
    tpu.wait_dma2 semaphore(%arg12 : memref<!tpu.dma_semaphore, #tpu.memory_space<semaphore_mem>>) src(%dma_wait3A_75 : memref<128x128xf32, #tpu.memory_space<hbm>>) dst(%arg9 : memref<128x128xf32, #tpu.memory_space<vmem>>)
    %run_scoped3A_76 = arith.constant 7 : i32
    "tpu.region"() ({
      %run_scoped3A_300 = tpu.sem_alloc : memref<!tpu.dma_semaphore, #tpu.memory_space<semaphore_mem>>
      %dma_start3A_301 = arith.constant 0 : i32
      %dma_start3A_302 = tpu.memref_slice %arg6[%run_scoped3A_76, %dma_start3A_301] : memref<39x128xi32, #tpu.memory_space<vmem>> -> memref<1x128xi32, #tpu.memory_space<vmem>>
      %dma_start3A_303 = tpu.memref_squeeze %dma_start3A_302 : memref<1x128xi32, #tpu.memory_space<vmem>> -> memref<128xi32, #tpu.memory_space<vmem>>
      %dma_start3A_304 = arith.constant 0 : i32
      %dma_start3A_305 = arith.constant 0 : i32
      %dma_start3A_306 = tpu.memref_slice %arg10[%dma_start3A_304, %dma_start3A_305] : memref<10000x128xf32, #tpu.memory_space<vmem_shared>> -> memref<10000x128xf32, #tpu.memory_space<vmem_shared>>
      tpu.enqueue_indirect_dma source(%arg9 : memref<128x128xf32, #tpu.memory_space<vmem>>) target(%dma_start3A_306 : memref<10000x128xf32, #tpu.memory_space<vmem_shared>>) offsets(%dma_start3A_303 : memref<128xi32, #tpu.memory_space<vmem>>) semaphore(%run_scoped3A_300 : memref<!tpu.dma_semaphore, #tpu.memory_space<semaphore_mem>>) {add = true}
      %dma_wait3A_307 = arith.constant 0 : i32
      %dma_wait3A_308 = tpu.memref_slice %arg6[%run_scoped3A_76, %dma_wait3A_307] : memref<39x128xi32, #tpu.memory_space<vmem>> -> memref<1x128xi32, #tpu.memory_space<vmem>>
      %dma_wait3A_309 = tpu.memref_squeeze %dma_wait3A_308 : memref<1x128xi32, #tpu.memory_space<vmem>> -> memref<128xi32, #tpu.memory_space<vmem>>
      %dma_wait3A_310 = arith.constant 0 : i32
      %dma_wait3A_311 = arith.constant 0 : i32
      %dma_wait3A_312 = tpu.memref_slice %arg10[%dma_wait3A_310, %dma_wait3A_311] : memref<10000x128xf32, #tpu.memory_space<vmem_shared>> -> memref<10000x128xf32, #tpu.memory_space<vmem_shared>>
      tpu.wait_indirect_dma semaphore(%run_scoped3A_300 : memref<!tpu.dma_semaphore, #tpu.memory_space<semaphore_mem>>) src(%arg9 : memref<128x128xf32, #tpu.memory_space<vmem>>) dst(%dma_wait3A_312 : memref<10000x128xf32, #tpu.memory_space<vmem_shared>>)
      tpu.yield
    }) : () -> ()
    %add3A_77 = arith.constant 1152 : i32
    %add3A_78 = arith.addi %mul3A_17, %add3A_77 : i32
    %dma_start3A_79 = tpu.memref_slice %arg2[%add3A_78, %mul3A_19] : memref<80000x256xf32, #tpu.memory_space<hbm>> -> memref<128x128xf32, #tpu.memory_space<hbm>>
    %dma_start3A_80 = tpu.memref_slice %arg2[%add3A_78, %mul3A_19] : memref<80000x256xf32, #tpu.memory_space<hbm>> -> memref<128x128xf32, #tpu.memory_space<hbm>>
    tpu.enqueue_dma source(%dma_start3A_80 : memref<128x128xf32, #tpu.memory_space<hbm>>) target(%arg9 : memref<128x128xf32, #tpu.memory_space<vmem>>) target_semaphore(%arg12 : memref<!tpu.dma_semaphore, #tpu.memory_space<semaphore_mem>>)
    %dma_wait3A_81 = tpu.memref_slice %arg2[%add3A_71, %mul3A_19] : memref<80000x256xf32, #tpu.memory_space<hbm>> -> memref<128x128xf32, #tpu.memory_space<hbm>>
    %dma_wait3A_82 = tpu.memref_slice %arg2[%add3A_71, %mul3A_19] : memref<80000x256xf32, #tpu.memory_space<hbm>> -> memref<128x128xf32, #tpu.memory_space<hbm>>
    tpu.wait_dma2 semaphore(%arg11 : memref<!tpu.dma_semaphore, #tpu.memory_space<semaphore_mem>>) src(%dma_wait3A_82 : memref<128x128xf32, #tpu.memory_space<hbm>>) dst(%arg8 : memref<128x128xf32, #tpu.memory_space<vmem>>)
    %run_scoped3A_83 = arith.constant 8 : i32
    "tpu.region"() ({
      %run_scoped3A_300 = tpu.sem_alloc : memref<!tpu.dma_semaphore, #tpu.memory_space<semaphore_mem>>
      %dma_start3A_301 = arith.constant 0 : i32
      %dma_start3A_302 = tpu.memref_slice %arg6[%run_scoped3A_83, %dma_start3A_301] : memref<39x128xi32, #tpu.memory_space<vmem>> -> memref<1x128xi32, #tpu.memory_space<vmem>>
      %dma_start3A_303 = tpu.memref_squeeze %dma_start3A_302 : memref<1x128xi32, #tpu.memory_space<vmem>> -> memref<128xi32, #tpu.memory_space<vmem>>
      %dma_start3A_304 = arith.constant 0 : i32
      %dma_start3A_305 = arith.constant 0 : i32
      %dma_start3A_306 = tpu.memref_slice %arg10[%dma_start3A_304, %dma_start3A_305] : memref<10000x128xf32, #tpu.memory_space<vmem_shared>> -> memref<10000x128xf32, #tpu.memory_space<vmem_shared>>
      tpu.enqueue_indirect_dma source(%arg8 : memref<128x128xf32, #tpu.memory_space<vmem>>) target(%dma_start3A_306 : memref<10000x128xf32, #tpu.memory_space<vmem_shared>>) offsets(%dma_start3A_303 : memref<128xi32, #tpu.memory_space<vmem>>) semaphore(%run_scoped3A_300 : memref<!tpu.dma_semaphore, #tpu.memory_space<semaphore_mem>>) {add = true}
      %dma_wait3A_307 = arith.constant 0 : i32
      %dma_wait3A_308 = tpu.memref_slice %arg6[%run_scoped3A_83, %dma_wait3A_307] : memref<39x128xi32, #tpu.memory_space<vmem>> -> memref<1x128xi32, #tpu.memory_space<vmem>>
      %dma_wait3A_309 = tpu.memref_squeeze %dma_wait3A_308 : memref<1x128xi32, #tpu.memory_space<vmem>> -> memref<128xi32, #tpu.memory_space<vmem>>
      %dma_wait3A_310 = arith.constant 0 : i32
      %dma_wait3A_311 = arith.constant 0 : i32
      %dma_wait3A_312 = tpu.memref_slice %arg10[%dma_wait3A_310, %dma_wait3A_311] : memref<10000x128xf32, #tpu.memory_space<vmem_shared>> -> memref<10000x128xf32, #tpu.memory_space<vmem_shared>>
      tpu.wait_indirect_dma semaphore(%run_scoped3A_300 : memref<!tpu.dma_semaphore, #tpu.memory_space<semaphore_mem>>) src(%arg8 : memref<128x128xf32, #tpu.memory_space<vmem>>) dst(%dma_wait3A_312 : memref<10000x128xf32, #tpu.memory_space<vmem_shared>>)
      tpu.yield
    }) : () -> ()
    %add3A_84 = arith.constant 1280 : i32
    %add3A_85 = arith.addi %mul3A_17, %add3A_84 : i32
    %dma_start3A_86 = tpu.memref_slice %arg2[%add3A_85, %mul3A_19] : memref<80000x256xf32, #tpu.memory_space<hbm>> -> memref<128x128xf32, #tpu.memory_space<hbm>>
    %dma_start3A_87 = tpu.memref_slice %arg2[%add3A_85, %mul3A_19] : memref<80000x256xf32, #tpu.memory_space<hbm>> -> memref<128x128xf32, #tpu.memory_space<hbm>>
    tpu.enqueue_dma source(%dma_start3A_87 : memref<128x128xf32, #tpu.memory_space<hbm>>) target(%arg8 : memref<128x128xf32, #tpu.memory_space<vmem>>) target_semaphore(%arg11 : memref<!tpu.dma_semaphore, #tpu.memory_space<semaphore_mem>>)
    %dma_wait3A_88 = tpu.memref_slice %arg2[%add3A_78, %mul3A_19] : memref<80000x256xf32, #tpu.memory_space<hbm>> -> memref<128x128xf32, #tpu.memory_space<hbm>>
    %dma_wait3A_89 = tpu.memref_slice %arg2[%add3A_78, %mul3A_19] : memref<80000x256xf32, #tpu.memory_space<hbm>> -> memref<128x128xf32, #tpu.memory_space<hbm>>
    tpu.wait_dma2 semaphore(%arg12 : memref<!tpu.dma_semaphore, #tpu.memory_space<semaphore_mem>>) src(%dma_wait3A_89 : memref<128x128xf32, #tpu.memory_space<hbm>>) dst(%arg9 : memref<128x128xf32, #tpu.memory_space<vmem>>)
    %run_scoped3A_90 = arith.constant 9 : i32
    "tpu.region"() ({
      %run_scoped3A_300 = tpu.sem_alloc : memref<!tpu.dma_semaphore, #tpu.memory_space<semaphore_mem>>
      %dma_start3A_301 = arith.constant 0 : i32
      %dma_start3A_302 = tpu.memref_slice %arg6[%run_scoped3A_90, %dma_start3A_301] : memref<39x128xi32, #tpu.memory_space<vmem>> -> memref<1x128xi32, #tpu.memory_space<vmem>>
      %dma_start3A_303 = tpu.memref_squeeze %dma_start3A_302 : memref<1x128xi32, #tpu.memory_space<vmem>> -> memref<128xi32, #tpu.memory_space<vmem>>
      %dma_start3A_304 = arith.constant 0 : i32
      %dma_start3A_305 = arith.constant 0 : i32
      %dma_start3A_306 = tpu.memref_slice %arg10[%dma_start3A_304, %dma_start3A_305] : memref<10000x128xf32, #tpu.memory_space<vmem_shared>> -> memref<10000x128xf32, #tpu.memory_space<vmem_shared>>
      tpu.enqueue_indirect_dma source(%arg9 : memref<128x128xf32, #tpu.memory_space<vmem>>) target(%dma_start3A_306 : memref<10000x128xf32, #tpu.memory_space<vmem_shared>>) offsets(%dma_start3A_303 : memref<128xi32, #tpu.memory_space<vmem>>) semaphore(%run_scoped3A_300 : memref<!tpu.dma_semaphore, #tpu.memory_space<semaphore_mem>>) {add = true}
      %dma_wait3A_307 = arith.constant 0 : i32
      %dma_wait3A_308 = tpu.memref_slice %arg6[%run_scoped3A_90, %dma_wait3A_307] : memref<39x128xi32, #tpu.memory_space<vmem>> -> memref<1x128xi32, #tpu.memory_space<vmem>>
      %dma_wait3A_309 = tpu.memref_squeeze %dma_wait3A_308 : memref<1x128xi32, #tpu.memory_space<vmem>> -> memref<128xi32, #tpu.memory_space<vmem>>
      %dma_wait3A_310 = arith.constant 0 : i32
      %dma_wait3A_311 = arith.constant 0 : i32
      %dma_wait3A_312 = tpu.memref_slice %arg10[%dma_wait3A_310, %dma_wait3A_311] : memref<10000x128xf32, #tpu.memory_space<vmem_shared>> -> memref<10000x128xf32, #tpu.memory_space<vmem_shared>>
      tpu.wait_indirect_dma semaphore(%run_scoped3A_300 : memref<!tpu.dma_semaphore, #tpu.memory_space<semaphore_mem>>) src(%arg9 : memref<128x128xf32, #tpu.memory_space<vmem>>) dst(%dma_wait3A_312 : memref<10000x128xf32, #tpu.memory_space<vmem_shared>>)
      tpu.yield
    }) : () -> ()
    %add3A_91 = arith.constant 1408 : i32
    %add3A_92 = arith.addi %mul3A_17, %add3A_91 : i32
    %dma_start3A_93 = tpu.memref_slice %arg2[%add3A_92, %mul3A_19] : memref<80000x256xf32, #tpu.memory_space<hbm>> -> memref<128x128xf32, #tpu.memory_space<hbm>>
    %dma_start3A_94 = tpu.memref_slice %arg2[%add3A_92, %mul3A_19] : memref<80000x256xf32, #tpu.memory_space<hbm>> -> memref<128x128xf32, #tpu.memory_space<hbm>>
    tpu.enqueue_dma source(%dma_start3A_94 : memref<128x128xf32, #tpu.memory_space<hbm>>) target(%arg9 : memref<128x128xf32, #tpu.memory_space<vmem>>) target_semaphore(%arg12 : memref<!tpu.dma_semaphore, #tpu.memory_space<semaphore_mem>>)
    %dma_wait3A_95 = tpu.memref_slice %arg2[%add3A_85, %mul3A_19] : memref<80000x256xf32, #tpu.memory_space<hbm>> -> memref<128x128xf32, #tpu.memory_space<hbm>>
    %dma_wait3A_96 = tpu.memref_slice %arg2[%add3A_85, %mul3A_19] : memref<80000x256xf32, #tpu.memory_space<hbm>> -> memref<128x128xf32, #tpu.memory_space<hbm>>
    tpu.wait_dma2 semaphore(%arg11 : memref<!tpu.dma_semaphore, #tpu.memory_space<semaphore_mem>>) src(%dma_wait3A_96 : memref<128x128xf32, #tpu.memory_space<hbm>>) dst(%arg8 : memref<128x128xf32, #tpu.memory_space<vmem>>)
    %run_scoped3A_97 = arith.constant 10 : i32
    "tpu.region"() ({
      %run_scoped3A_300 = tpu.sem_alloc : memref<!tpu.dma_semaphore, #tpu.memory_space<semaphore_mem>>
      %dma_start3A_301 = arith.constant 0 : i32
      %dma_start3A_302 = tpu.memref_slice %arg6[%run_scoped3A_97, %dma_start3A_301] : memref<39x128xi32, #tpu.memory_space<vmem>> -> memref<1x128xi32, #tpu.memory_space<vmem>>
      %dma_start3A_303 = tpu.memref_squeeze %dma_start3A_302 : memref<1x128xi32, #tpu.memory_space<vmem>> -> memref<128xi32, #tpu.memory_space<vmem>>
      %dma_start3A_304 = arith.constant 0 : i32
      %dma_start3A_305 = arith.constant 0 : i32
      %dma_start3A_306 = tpu.memref_slice %arg10[%dma_start3A_304, %dma_start3A_305] : memref<10000x128xf32, #tpu.memory_space<vmem_shared>> -> memref<10000x128xf32, #tpu.memory_space<vmem_shared>>
      tpu.enqueue_indirect_dma source(%arg8 : memref<128x128xf32, #tpu.memory_space<vmem>>) target(%dma_start3A_306 : memref<10000x128xf32, #tpu.memory_space<vmem_shared>>) offsets(%dma_start3A_303 : memref<128xi32, #tpu.memory_space<vmem>>) semaphore(%run_scoped3A_300 : memref<!tpu.dma_semaphore, #tpu.memory_space<semaphore_mem>>) {add = true}
      %dma_wait3A_307 = arith.constant 0 : i32
      %dma_wait3A_308 = tpu.memref_slice %arg6[%run_scoped3A_97, %dma_wait3A_307] : memref<39x128xi32, #tpu.memory_space<vmem>> -> memref<1x128xi32, #tpu.memory_space<vmem>>
      %dma_wait3A_309 = tpu.memref_squeeze %dma_wait3A_308 : memref<1x128xi32, #tpu.memory_space<vmem>> -> memref<128xi32, #tpu.memory_space<vmem>>
      %dma_wait3A_310 = arith.constant 0 : i32
      %dma_wait3A_311 = arith.constant 0 : i32
      %dma_wait3A_312 = tpu.memref_slice %arg10[%dma_wait3A_310, %dma_wait3A_311] : memref<10000x128xf32, #tpu.memory_space<vmem_shared>> -> memref<10000x128xf32, #tpu.memory_space<vmem_shared>>
      tpu.wait_indirect_dma semaphore(%run_scoped3A_300 : memref<!tpu.dma_semaphore, #tpu.memory_space<semaphore_mem>>) src(%arg8 : memref<128x128xf32, #tpu.memory_space<vmem>>) dst(%dma_wait3A_312 : memref<10000x128xf32, #tpu.memory_space<vmem_shared>>)
      tpu.yield
    }) : () -> ()
    %add3A_98 = arith.constant 1536 : i32
    %add3A_99 = arith.addi %mul3A_17, %add3A_98 : i32
    %dma_start3A_100 = tpu.memref_slice %arg2[%add3A_99, %mul3A_19] : memref<80000x256xf32, #tpu.memory_space<hbm>> -> memref<128x128xf32, #tpu.memory_space<hbm>>
    %dma_start3A_101 = tpu.memref_slice %arg2[%add3A_99, %mul3A_19] : memref<80000x256xf32, #tpu.memory_space<hbm>> -> memref<128x128xf32, #tpu.memory_space<hbm>>
    tpu.enqueue_dma source(%dma_start3A_101 : memref<128x128xf32, #tpu.memory_space<hbm>>) target(%arg8 : memref<128x128xf32, #tpu.memory_space<vmem>>) target_semaphore(%arg11 : memref<!tpu.dma_semaphore, #tpu.memory_space<semaphore_mem>>)
    %dma_wait3A_102 = tpu.memref_slice %arg2[%add3A_92, %mul3A_19] : memref<80000x256xf32, #tpu.memory_space<hbm>> -> memref<128x128xf32, #tpu.memory_space<hbm>>
    %dma_wait3A_103 = tpu.memref_slice %arg2[%add3A_92, %mul3A_19] : memref<80000x256xf32, #tpu.memory_space<hbm>> -> memref<128x128xf32, #tpu.memory_space<hbm>>
    tpu.wait_dma2 semaphore(%arg12 : memref<!tpu.dma_semaphore, #tpu.memory_space<semaphore_mem>>) src(%dma_wait3A_103 : memref<128x128xf32, #tpu.memory_space<hbm>>) dst(%arg9 : memref<128x128xf32, #tpu.memory_space<vmem>>)
    %run_scoped3A_104 = arith.constant 11 : i32
    "tpu.region"() ({
      %run_scoped3A_300 = tpu.sem_alloc : memref<!tpu.dma_semaphore, #tpu.memory_space<semaphore_mem>>
      %dma_start3A_301 = arith.constant 0 : i32
      %dma_start3A_302 = tpu.memref_slice %arg6[%run_scoped3A_104, %dma_start3A_301] : memref<39x128xi32, #tpu.memory_space<vmem>> -> memref<1x128xi32, #tpu.memory_space<vmem>>
      %dma_start3A_303 = tpu.memref_squeeze %dma_start3A_302 : memref<1x128xi32, #tpu.memory_space<vmem>> -> memref<128xi32, #tpu.memory_space<vmem>>
      %dma_start3A_304 = arith.constant 0 : i32
      %dma_start3A_305 = arith.constant 0 : i32
      %dma_start3A_306 = tpu.memref_slice %arg10[%dma_start3A_304, %dma_start3A_305] : memref<10000x128xf32, #tpu.memory_space<vmem_shared>> -> memref<10000x128xf32, #tpu.memory_space<vmem_shared>>
      tpu.enqueue_indirect_dma source(%arg9 : memref<128x128xf32, #tpu.memory_space<vmem>>) target(%dma_start3A_306 : memref<10000x128xf32, #tpu.memory_space<vmem_shared>>) offsets(%dma_start3A_303 : memref<128xi32, #tpu.memory_space<vmem>>) semaphore(%run_scoped3A_300 : memref<!tpu.dma_semaphore, #tpu.memory_space<semaphore_mem>>) {add = true}
      %dma_wait3A_307 = arith.constant 0 : i32
      %dma_wait3A_308 = tpu.memref_slice %arg6[%run_scoped3A_104, %dma_wait3A_307] : memref<39x128xi32, #tpu.memory_space<vmem>> -> memref<1x128xi32, #tpu.memory_space<vmem>>
      %dma_wait3A_309 = tpu.memref_squeeze %dma_wait3A_308 : memref<1x128xi32, #tpu.memory_space<vmem>> -> memref<128xi32, #tpu.memory_space<vmem>>
      %dma_wait3A_310 = arith.constant 0 : i32
      %dma_wait3A_311 = arith.constant 0 : i32
      %dma_wait3A_312 = tpu.memref_slice %arg10[%dma_wait3A_310, %dma_wait3A_311] : memref<10000x128xf32, #tpu.memory_space<vmem_shared>> -> memref<10000x128xf32, #tpu.memory_space<vmem_shared>>
      tpu.wait_indirect_dma semaphore(%run_scoped3A_300 : memref<!tpu.dma_semaphore, #tpu.memory_space<semaphore_mem>>) src(%arg9 : memref<128x128xf32, #tpu.memory_space<vmem>>) dst(%dma_wait3A_312 : memref<10000x128xf32, #tpu.memory_space<vmem_shared>>)
      tpu.yield
    }) : () -> ()
    %add3A_105 = arith.constant 1664 : i32
    %add3A_106 = arith.addi %mul3A_17, %add3A_105 : i32
    %dma_start3A_107 = tpu.memref_slice %arg2[%add3A_106, %mul3A_19] : memref<80000x256xf32, #tpu.memory_space<hbm>> -> memref<128x128xf32, #tpu.memory_space<hbm>>
    %dma_start3A_108 = tpu.memref_slice %arg2[%add3A_106, %mul3A_19] : memref<80000x256xf32, #tpu.memory_space<hbm>> -> memref<128x128xf32, #tpu.memory_space<hbm>>
    tpu.enqueue_dma source(%dma_start3A_108 : memref<128x128xf32, #tpu.memory_space<hbm>>) target(%arg9 : memref<128x128xf32, #tpu.memory_space<vmem>>) target_semaphore(%arg12 : memref<!tpu.dma_semaphore, #tpu.memory_space<semaphore_mem>>)
    %dma_wait3A_109 = tpu.memref_slice %arg2[%add3A_99, %mul3A_19] : memref<80000x256xf32, #tpu.memory_space<hbm>> -> memref<128x128xf32, #tpu.memory_space<hbm>>
    %dma_wait3A_110 = tpu.memref_slice %arg2[%add3A_99, %mul3A_19] : memref<80000x256xf32, #tpu.memory_space<hbm>> -> memref<128x128xf32, #tpu.memory_space<hbm>>
    tpu.wait_dma2 semaphore(%arg11 : memref<!tpu.dma_semaphore, #tpu.memory_space<semaphore_mem>>) src(%dma_wait3A_110 : memref<128x128xf32, #tpu.memory_space<hbm>>) dst(%arg8 : memref<128x128xf32, #tpu.memory_space<vmem>>)
    %run_scoped3A_111 = arith.constant 12 : i32
    "tpu.region"() ({
      %run_scoped3A_300 = tpu.sem_alloc : memref<!tpu.dma_semaphore, #tpu.memory_space<semaphore_mem>>
      %dma_start3A_301 = arith.constant 0 : i32
      %dma_start3A_302 = tpu.memref_slice %arg6[%run_scoped3A_111, %dma_start3A_301] : memref<39x128xi32, #tpu.memory_space<vmem>> -> memref<1x128xi32, #tpu.memory_space<vmem>>
      %dma_start3A_303 = tpu.memref_squeeze %dma_start3A_302 : memref<1x128xi32, #tpu.memory_space<vmem>> -> memref<128xi32, #tpu.memory_space<vmem>>
      %dma_start3A_304 = arith.constant 0 : i32
      %dma_start3A_305 = arith.constant 0 : i32
      %dma_start3A_306 = tpu.memref_slice %arg10[%dma_start3A_304, %dma_start3A_305] : memref<10000x128xf32, #tpu.memory_space<vmem_shared>> -> memref<10000x128xf32, #tpu.memory_space<vmem_shared>>
      tpu.enqueue_indirect_dma source(%arg8 : memref<128x128xf32, #tpu.memory_space<vmem>>) target(%dma_start3A_306 : memref<10000x128xf32, #tpu.memory_space<vmem_shared>>) offsets(%dma_start3A_303 : memref<128xi32, #tpu.memory_space<vmem>>) semaphore(%run_scoped3A_300 : memref<!tpu.dma_semaphore, #tpu.memory_space<semaphore_mem>>) {add = true}
      %dma_wait3A_307 = arith.constant 0 : i32
      %dma_wait3A_308 = tpu.memref_slice %arg6[%run_scoped3A_111, %dma_wait3A_307] : memref<39x128xi32, #tpu.memory_space<vmem>> -> memref<1x128xi32, #tpu.memory_space<vmem>>
      %dma_wait3A_309 = tpu.memref_squeeze %dma_wait3A_308 : memref<1x128xi32, #tpu.memory_space<vmem>> -> memref<128xi32, #tpu.memory_space<vmem>>
      %dma_wait3A_310 = arith.constant 0 : i32
      %dma_wait3A_311 = arith.constant 0 : i32
      %dma_wait3A_312 = tpu.memref_slice %arg10[%dma_wait3A_310, %dma_wait3A_311] : memref<10000x128xf32, #tpu.memory_space<vmem_shared>> -> memref<10000x128xf32, #tpu.memory_space<vmem_shared>>
      tpu.wait_indirect_dma semaphore(%run_scoped3A_300 : memref<!tpu.dma_semaphore, #tpu.memory_space<semaphore_mem>>) src(%arg8 : memref<128x128xf32, #tpu.memory_space<vmem>>) dst(%dma_wait3A_312 : memref<10000x128xf32, #tpu.memory_space<vmem_shared>>)
      tpu.yield
    }) : () -> ()
    %add3A_112 = arith.constant 1792 : i32
    %add3A_113 = arith.addi %mul3A_17, %add3A_112 : i32
    %dma_start3A_114 = tpu.memref_slice %arg2[%add3A_113, %mul3A_19] : memref<80000x256xf32, #tpu.memory_space<hbm>> -> memref<128x128xf32, #tpu.memory_space<hbm>>
    %dma_start3A_115 = tpu.memref_slice %arg2[%add3A_113, %mul3A_19] : memref<80000x256xf32, #tpu.memory_space<hbm>> -> memref<128x128xf32, #tpu.memory_space<hbm>>
    tpu.enqueue_dma source(%dma_start3A_115 : memref<128x128xf32, #tpu.memory_space<hbm>>) target(%arg8 : memref<128x128xf32, #tpu.memory_space<vmem>>) target_semaphore(%arg11 : memref<!tpu.dma_semaphore, #tpu.memory_space<semaphore_mem>>)
    %dma_wait3A_116 = tpu.memref_slice %arg2[%add3A_106, %mul3A_19] : memref<80000x256xf32, #tpu.memory_space<hbm>> -> memref<128x128xf32, #tpu.memory_space<hbm>>
    %dma_wait3A_117 = tpu.memref_slice %arg2[%add3A_106, %mul3A_19] : memref<80000x256xf32, #tpu.memory_space<hbm>> -> memref<128x128xf32, #tpu.memory_space<hbm>>
    tpu.wait_dma2 semaphore(%arg12 : memref<!tpu.dma_semaphore, #tpu.memory_space<semaphore_mem>>) src(%dma_wait3A_117 : memref<128x128xf32, #tpu.memory_space<hbm>>) dst(%arg9 : memref<128x128xf32, #tpu.memory_space<vmem>>)
    %run_scoped3A_118 = arith.constant 13 : i32
    "tpu.region"() ({
      %run_scoped3A_300 = tpu.sem_alloc : memref<!tpu.dma_semaphore, #tpu.memory_space<semaphore_mem>>
      %dma_start3A_301 = arith.constant 0 : i32
      %dma_start3A_302 = tpu.memref_slice %arg6[%run_scoped3A_118, %dma_start3A_301] : memref<39x128xi32, #tpu.memory_space<vmem>> -> memref<1x128xi32, #tpu.memory_space<vmem>>
      %dma_start3A_303 = tpu.memref_squeeze %dma_start3A_302 : memref<1x128xi32, #tpu.memory_space<vmem>> -> memref<128xi32, #tpu.memory_space<vmem>>
      %dma_start3A_304 = arith.constant 0 : i32
      %dma_start3A_305 = arith.constant 0 : i32
      %dma_start3A_306 = tpu.memref_slice %arg10[%dma_start3A_304, %dma_start3A_305] : memref<10000x128xf32, #tpu.memory_space<vmem_shared>> -> memref<10000x128xf32, #tpu.memory_space<vmem_shared>>
      tpu.enqueue_indirect_dma source(%arg9 : memref<128x128xf32, #tpu.memory_space<vmem>>) target(%dma_start3A_306 : memref<10000x128xf32, #tpu.memory_space<vmem_shared>>) offsets(%dma_start3A_303 : memref<128xi32, #tpu.memory_space<vmem>>) semaphore(%run_scoped3A_300 : memref<!tpu.dma_semaphore, #tpu.memory_space<semaphore_mem>>) {add = true}
      %dma_wait3A_307 = arith.constant 0 : i32
      %dma_wait3A_308 = tpu.memref_slice %arg6[%run_scoped3A_118, %dma_wait3A_307] : memref<39x128xi32, #tpu.memory_space<vmem>> -> memref<1x128xi32, #tpu.memory_space<vmem>>
      %dma_wait3A_309 = tpu.memref_squeeze %dma_wait3A_308 : memref<1x128xi32, #tpu.memory_space<vmem>> -> memref<128xi32, #tpu.memory_space<vmem>>
      %dma_wait3A_310 = arith.constant 0 : i32
      %dma_wait3A_311 = arith.constant 0 : i32
      %dma_wait3A_312 = tpu.memref_slice %arg10[%dma_wait3A_310, %dma_wait3A_311] : memref<10000x128xf32, #tpu.memory_space<vmem_shared>> -> memref<10000x128xf32, #tpu.memory_space<vmem_shared>>
      tpu.wait_indirect_dma semaphore(%run_scoped3A_300 : memref<!tpu.dma_semaphore, #tpu.memory_space<semaphore_mem>>) src(%arg9 : memref<128x128xf32, #tpu.memory_space<vmem>>) dst(%dma_wait3A_312 : memref<10000x128xf32, #tpu.memory_space<vmem_shared>>)
      tpu.yield
    }) : () -> ()
    %add3A_119 = arith.constant 1920 : i32
    %add3A_120 = arith.addi %mul3A_17, %add3A_119 : i32
    %dma_start3A_121 = tpu.memref_slice %arg2[%add3A_120, %mul3A_19] : memref<80000x256xf32, #tpu.memory_space<hbm>> -> memref<128x128xf32, #tpu.memory_space<hbm>>
    %dma_start3A_122 = tpu.memref_slice %arg2[%add3A_120, %mul3A_19] : memref<80000x256xf32, #tpu.memory_space<hbm>> -> memref<128x128xf32, #tpu.memory_space<hbm>>
    tpu.enqueue_dma source(%dma_start3A_122 : memref<128x128xf32, #tpu.memory_space<hbm>>) target(%arg9 : memref<128x128xf32, #tpu.memory_space<vmem>>) target_semaphore(%arg12 : memref<!tpu.dma_semaphore, #tpu.memory_space<semaphore_mem>>)
    %dma_wait3A_123 = tpu.memref_slice %arg2[%add3A_113, %mul3A_19] : memref<80000x256xf32, #tpu.memory_space<hbm>> -> memref<128x128xf32, #tpu.memory_space<hbm>>
    %dma_wait3A_124 = tpu.memref_slice %arg2[%add3A_113, %mul3A_19] : memref<80000x256xf32, #tpu.memory_space<hbm>> -> memref<128x128xf32, #tpu.memory_space<hbm>>
    tpu.wait_dma2 semaphore(%arg11 : memref<!tpu.dma_semaphore, #tpu.memory_space<semaphore_mem>>) src(%dma_wait3A_124 : memref<128x128xf32, #tpu.memory_space<hbm>>) dst(%arg8 : memref<128x128xf32, #tpu.memory_space<vmem>>)
    %run_scoped3A_125 = arith.constant 14 : i32
    "tpu.region"() ({
      %run_scoped3A_300 = tpu.sem_alloc : memref<!tpu.dma_semaphore, #tpu.memory_space<semaphore_mem>>
      %dma_start3A_301 = arith.constant 0 : i32
      %dma_start3A_302 = tpu.memref_slice %arg6[%run_scoped3A_125, %dma_start3A_301] : memref<39x128xi32, #tpu.memory_space<vmem>> -> memref<1x128xi32, #tpu.memory_space<vmem>>
      %dma_start3A_303 = tpu.memref_squeeze %dma_start3A_302 : memref<1x128xi32, #tpu.memory_space<vmem>> -> memref<128xi32, #tpu.memory_space<vmem>>
      %dma_start3A_304 = arith.constant 0 : i32
      %dma_start3A_305 = arith.constant 0 : i32
      %dma_start3A_306 = tpu.memref_slice %arg10[%dma_start3A_304, %dma_start3A_305] : memref<10000x128xf32, #tpu.memory_space<vmem_shared>> -> memref<10000x128xf32, #tpu.memory_space<vmem_shared>>
      tpu.enqueue_indirect_dma source(%arg8 : memref<128x128xf32, #tpu.memory_space<vmem>>) target(%dma_start3A_306 : memref<10000x128xf32, #tpu.memory_space<vmem_shared>>) offsets(%dma_start3A_303 : memref<128xi32, #tpu.memory_space<vmem>>) semaphore(%run_scoped3A_300 : memref<!tpu.dma_semaphore, #tpu.memory_space<semaphore_mem>>) {add = true}
      %dma_wait3A_307 = arith.constant 0 : i32
      %dma_wait3A_308 = tpu.memref_slice %arg6[%run_scoped3A_125, %dma_wait3A_307] : memref<39x128xi32, #tpu.memory_space<vmem>> -> memref<1x128xi32, #tpu.memory_space<vmem>>
      %dma_wait3A_309 = tpu.memref_squeeze %dma_wait3A_308 : memref<1x128xi32, #tpu.memory_space<vmem>> -> memref<128xi32, #tpu.memory_space<vmem>>
      %dma_wait3A_310 = arith.constant 0 : i32
      %dma_wait3A_311 = arith.constant 0 : i32
      %dma_wait3A_312 = tpu.memref_slice %arg10[%dma_wait3A_310, %dma_wait3A_311] : memref<10000x128xf32, #tpu.memory_space<vmem_shared>> -> memref<10000x128xf32, #tpu.memory_space<vmem_shared>>
      tpu.wait_indirect_dma semaphore(%run_scoped3A_300 : memref<!tpu.dma_semaphore, #tpu.memory_space<semaphore_mem>>) src(%arg8 : memref<128x128xf32, #tpu.memory_space<vmem>>) dst(%dma_wait3A_312 : memref<10000x128xf32, #tpu.memory_space<vmem_shared>>)
      tpu.yield
    }) : () -> ()
    %add3A_126 = arith.constant 2048 : i32
    %add3A_127 = arith.addi %mul3A_17, %add3A_126 : i32
    %dma_start3A_128 = tpu.memref_slice %arg2[%add3A_127, %mul3A_19] : memref<80000x256xf32, #tpu.memory_space<hbm>> -> memref<128x128xf32, #tpu.memory_space<hbm>>
    %dma_start3A_129 = tpu.memref_slice %arg2[%add3A_127, %mul3A_19] : memref<80000x256xf32, #tpu.memory_space<hbm>> -> memref<128x128xf32, #tpu.memory_space<hbm>>
    tpu.enqueue_dma source(%dma_start3A_129 : memref<128x128xf32, #tpu.memory_space<hbm>>) target(%arg8 : memref<128x128xf32, #tpu.memory_space<vmem>>) target_semaphore(%arg11 : memref<!tpu.dma_semaphore, #tpu.memory_space<semaphore_mem>>)
    %dma_wait3A_130 = tpu.memref_slice %arg2[%add3A_120, %mul3A_19] : memref<80000x256xf32, #tpu.memory_space<hbm>> -> memref<128x128xf32, #tpu.memory_space<hbm>>
    %dma_wait3A_131 = tpu.memref_slice %arg2[%add3A_120, %mul3A_19] : memref<80000x256xf32, #tpu.memory_space<hbm>> -> memref<128x128xf32, #tpu.memory_space<hbm>>
    tpu.wait_dma2 semaphore(%arg12 : memref<!tpu.dma_semaphore, #tpu.memory_space<semaphore_mem>>) src(%dma_wait3A_131 : memref<128x128xf32, #tpu.memory_space<hbm>>) dst(%arg9 : memref<128x128xf32, #tpu.memory_space<vmem>>)
    %run_scoped3A_132 = arith.constant 15 : i32
    "tpu.region"() ({
      %run_scoped3A_300 = tpu.sem_alloc : memref<!tpu.dma_semaphore, #tpu.memory_space<semaphore_mem>>
      %dma_start3A_301 = arith.constant 0 : i32
      %dma_start3A_302 = tpu.memref_slice %arg6[%run_scoped3A_132, %dma_start3A_301] : memref<39x128xi32, #tpu.memory_space<vmem>> -> memref<1x128xi32, #tpu.memory_space<vmem>>
      %dma_start3A_303 = tpu.memref_squeeze %dma_start3A_302 : memref<1x128xi32, #tpu.memory_space<vmem>> -> memref<128xi32, #tpu.memory_space<vmem>>
      %dma_start3A_304 = arith.constant 0 : i32
      %dma_start3A_305 = arith.constant 0 : i32
      %dma_start3A_306 = tpu.memref_slice %arg10[%dma_start3A_304, %dma_start3A_305] : memref<10000x128xf32, #tpu.memory_space<vmem_shared>> -> memref<10000x128xf32, #tpu.memory_space<vmem_shared>>
      tpu.enqueue_indirect_dma source(%arg9 : memref<128x128xf32, #tpu.memory_space<vmem>>) target(%dma_start3A_306 : memref<10000x128xf32, #tpu.memory_space<vmem_shared>>) offsets(%dma_start3A_303 : memref<128xi32, #tpu.memory_space<vmem>>) semaphore(%run_scoped3A_300 : memref<!tpu.dma_semaphore, #tpu.memory_space<semaphore_mem>>) {add = true}
      %dma_wait3A_307 = arith.constant 0 : i32
      %dma_wait3A_308 = tpu.memref_slice %arg6[%run_scoped3A_132, %dma_wait3A_307] : memref<39x128xi32, #tpu.memory_space<vmem>> -> memref<1x128xi32, #tpu.memory_space<vmem>>
      %dma_wait3A_309 = tpu.memref_squeeze %dma_wait3A_308 : memref<1x128xi32, #tpu.memory_space<vmem>> -> memref<128xi32, #tpu.memory_space<vmem>>
      %dma_wait3A_310 = arith.constant 0 : i32
      %dma_wait3A_311 = arith.constant 0 : i32
      %dma_wait3A_312 = tpu.memref_slice %arg10[%dma_wait3A_310, %dma_wait3A_311] : memref<10000x128xf32, #tpu.memory_space<vmem_shared>> -> memref<10000x128xf32, #tpu.memory_space<vmem_shared>>
      tpu.wait_indirect_dma semaphore(%run_scoped3A_300 : memref<!tpu.dma_semaphore, #tpu.memory_space<semaphore_mem>>) src(%arg9 : memref<128x128xf32, #tpu.memory_space<vmem>>) dst(%dma_wait3A_312 : memref<10000x128xf32, #tpu.memory_space<vmem_shared>>)
      tpu.yield
    }) : () -> ()
    %add3A_133 = arith.constant 2176 : i32
    %add3A_134 = arith.addi %mul3A_17, %add3A_133 : i32
    %dma_start3A_135 = tpu.memref_slice %arg2[%add3A_134, %mul3A_19] : memref<80000x256xf32, #tpu.memory_space<hbm>> -> memref<128x128xf32, #tpu.memory_space<hbm>>
    %dma_start3A_136 = tpu.memref_slice %arg2[%add3A_134, %mul3A_19] : memref<80000x256xf32, #tpu.memory_space<hbm>> -> memref<128x128xf32, #tpu.memory_space<hbm>>
    tpu.enqueue_dma source(%dma_start3A_136 : memref<128x128xf32, #tpu.memory_space<hbm>>) target(%arg9 : memref<128x128xf32, #tpu.memory_space<vmem>>) target_semaphore(%arg12 : memref<!tpu.dma_semaphore, #tpu.memory_space<semaphore_mem>>)
    %dma_wait3A_137 = tpu.memref_slice %arg2[%add3A_127, %mul3A_19] : memref<80000x256xf32, #tpu.memory_space<hbm>> -> memref<128x128xf32, #tpu.memory_space<hbm>>
    %dma_wait3A_138 = tpu.memref_slice %arg2[%add3A_127, %mul3A_19] : memref<80000x256xf32, #tpu.memory_space<hbm>> -> memref<128x128xf32, #tpu.memory_space<hbm>>
    tpu.wait_dma2 semaphore(%arg11 : memref<!tpu.dma_semaphore, #tpu.memory_space<semaphore_mem>>) src(%dma_wait3A_138 : memref<128x128xf32, #tpu.memory_space<hbm>>) dst(%arg8 : memref<128x128xf32, #tpu.memory_space<vmem>>)
    %run_scoped3A_139 = arith.constant 16 : i32
    "tpu.region"() ({
      %run_scoped3A_300 = tpu.sem_alloc : memref<!tpu.dma_semaphore, #tpu.memory_space<semaphore_mem>>
      %dma_start3A_301 = arith.constant 0 : i32
      %dma_start3A_302 = tpu.memref_slice %arg6[%run_scoped3A_139, %dma_start3A_301] : memref<39x128xi32, #tpu.memory_space<vmem>> -> memref<1x128xi32, #tpu.memory_space<vmem>>
      %dma_start3A_303 = tpu.memref_squeeze %dma_start3A_302 : memref<1x128xi32, #tpu.memory_space<vmem>> -> memref<128xi32, #tpu.memory_space<vmem>>
      %dma_start3A_304 = arith.constant 0 : i32
      %dma_start3A_305 = arith.constant 0 : i32
      %dma_start3A_306 = tpu.memref_slice %arg10[%dma_start3A_304, %dma_start3A_305] : memref<10000x128xf32, #tpu.memory_space<vmem_shared>> -> memref<10000x128xf32, #tpu.memory_space<vmem_shared>>
      tpu.enqueue_indirect_dma source(%arg8 : memref<128x128xf32, #tpu.memory_space<vmem>>) target(%dma_start3A_306 : memref<10000x128xf32, #tpu.memory_space<vmem_shared>>) offsets(%dma_start3A_303 : memref<128xi32, #tpu.memory_space<vmem>>) semaphore(%run_scoped3A_300 : memref<!tpu.dma_semaphore, #tpu.memory_space<semaphore_mem>>) {add = true}
      %dma_wait3A_307 = arith.constant 0 : i32
      %dma_wait3A_308 = tpu.memref_slice %arg6[%run_scoped3A_139, %dma_wait3A_307] : memref<39x128xi32, #tpu.memory_space<vmem>> -> memref<1x128xi32, #tpu.memory_space<vmem>>
      %dma_wait3A_309 = tpu.memref_squeeze %dma_wait3A_308 : memref<1x128xi32, #tpu.memory_space<vmem>> -> memref<128xi32, #tpu.memory_space<vmem>>
      %dma_wait3A_310 = arith.constant 0 : i32
      %dma_wait3A_311 = arith.constant 0 : i32
      %dma_wait3A_312 = tpu.memref_slice %arg10[%dma_wait3A_310, %dma_wait3A_311] : memref<10000x128xf32, #tpu.memory_space<vmem_shared>> -> memref<10000x128xf32, #tpu.memory_space<vmem_shared>>
      tpu.wait_indirect_dma semaphore(%run_scoped3A_300 : memref<!tpu.dma_semaphore, #tpu.memory_space<semaphore_mem>>) src(%arg8 : memref<128x128xf32, #tpu.memory_space<vmem>>) dst(%dma_wait3A_312 : memref<10000x128xf32, #tpu.memory_space<vmem_shared>>)
      tpu.yield
    }) : () -> ()
    %add3A_140 = arith.constant 2304 : i32
    %add3A_141 = arith.addi %mul3A_17, %add3A_140 : i32
    %dma_start3A_142 = tpu.memref_slice %arg2[%add3A_141, %mul3A_19] : memref<80000x256xf32, #tpu.memory_space<hbm>> -> memref<128x128xf32, #tpu.memory_space<hbm>>
    %dma_start3A_143 = tpu.memref_slice %arg2[%add3A_141, %mul3A_19] : memref<80000x256xf32, #tpu.memory_space<hbm>> -> memref<128x128xf32, #tpu.memory_space<hbm>>
    tpu.enqueue_dma source(%dma_start3A_143 : memref<128x128xf32, #tpu.memory_space<hbm>>) target(%arg8 : memref<128x128xf32, #tpu.memory_space<vmem>>) target_semaphore(%arg11 : memref<!tpu.dma_semaphore, #tpu.memory_space<semaphore_mem>>)
    %dma_wait3A_144 = tpu.memref_slice %arg2[%add3A_134, %mul3A_19] : memref<80000x256xf32, #tpu.memory_space<hbm>> -> memref<128x128xf32, #tpu.memory_space<hbm>>
    %dma_wait3A_145 = tpu.memref_slice %arg2[%add3A_134, %mul3A_19] : memref<80000x256xf32, #tpu.memory_space<hbm>> -> memref<128x128xf32, #tpu.memory_space<hbm>>
    tpu.wait_dma2 semaphore(%arg12 : memref<!tpu.dma_semaphore, #tpu.memory_space<semaphore_mem>>) src(%dma_wait3A_145 : memref<128x128xf32, #tpu.memory_space<hbm>>) dst(%arg9 : memref<128x128xf32, #tpu.memory_space<vmem>>)
    %run_scoped3A_146 = arith.constant 17 : i32
    "tpu.region"() ({
      %run_scoped3A_300 = tpu.sem_alloc : memref<!tpu.dma_semaphore, #tpu.memory_space<semaphore_mem>>
      %dma_start3A_301 = arith.constant 0 : i32
      %dma_start3A_302 = tpu.memref_slice %arg6[%run_scoped3A_146, %dma_start3A_301] : memref<39x128xi32, #tpu.memory_space<vmem>> -> memref<1x128xi32, #tpu.memory_space<vmem>>
      %dma_start3A_303 = tpu.memref_squeeze %dma_start3A_302 : memref<1x128xi32, #tpu.memory_space<vmem>> -> memref<128xi32, #tpu.memory_space<vmem>>
      %dma_start3A_304 = arith.constant 0 : i32
      %dma_start3A_305 = arith.constant 0 : i32
      %dma_start3A_306 = tpu.memref_slice %arg10[%dma_start3A_304, %dma_start3A_305] : memref<10000x128xf32, #tpu.memory_space<vmem_shared>> -> memref<10000x128xf32, #tpu.memory_space<vmem_shared>>
      tpu.enqueue_indirect_dma source(%arg9 : memref<128x128xf32, #tpu.memory_space<vmem>>) target(%dma_start3A_306 : memref<10000x128xf32, #tpu.memory_space<vmem_shared>>) offsets(%dma_start3A_303 : memref<128xi32, #tpu.memory_space<vmem>>) semaphore(%run_scoped3A_300 : memref<!tpu.dma_semaphore, #tpu.memory_space<semaphore_mem>>) {add = true}
      %dma_wait3A_307 = arith.constant 0 : i32
      %dma_wait3A_308 = tpu.memref_slice %arg6[%run_scoped3A_146, %dma_wait3A_307] : memref<39x128xi32, #tpu.memory_space<vmem>> -> memref<1x128xi32, #tpu.memory_space<vmem>>
      %dma_wait3A_309 = tpu.memref_squeeze %dma_wait3A_308 : memref<1x128xi32, #tpu.memory_space<vmem>> -> memref<128xi32, #tpu.memory_space<vmem>>
      %dma_wait3A_310 = arith.constant 0 : i32
      %dma_wait3A_311 = arith.constant 0 : i32
      %dma_wait3A_312 = tpu.memref_slice %arg10[%dma_wait3A_310, %dma_wait3A_311] : memref<10000x128xf32, #tpu.memory_space<vmem_shared>> -> memref<10000x128xf32, #tpu.memory_space<vmem_shared>>
      tpu.wait_indirect_dma semaphore(%run_scoped3A_300 : memref<!tpu.dma_semaphore, #tpu.memory_space<semaphore_mem>>) src(%arg9 : memref<128x128xf32, #tpu.memory_space<vmem>>) dst(%dma_wait3A_312 : memref<10000x128xf32, #tpu.memory_space<vmem_shared>>)
      tpu.yield
    }) : () -> ()
    %add3A_147 = arith.constant 2432 : i32
    %add3A_148 = arith.addi %mul3A_17, %add3A_147 : i32
    %dma_start3A_149 = tpu.memref_slice %arg2[%add3A_148, %mul3A_19] : memref<80000x256xf32, #tpu.memory_space<hbm>> -> memref<128x128xf32, #tpu.memory_space<hbm>>
    %dma_start3A_150 = tpu.memref_slice %arg2[%add3A_148, %mul3A_19] : memref<80000x256xf32, #tpu.memory_space<hbm>> -> memref<128x128xf32, #tpu.memory_space<hbm>>
    tpu.enqueue_dma source(%dma_start3A_150 : memref<128x128xf32, #tpu.memory_space<hbm>>) target(%arg9 : memref<128x128xf32, #tpu.memory_space<vmem>>) target_semaphore(%arg12 : memref<!tpu.dma_semaphore, #tpu.memory_space<semaphore_mem>>)
    %dma_wait3A_151 = tpu.memref_slice %arg2[%add3A_141, %mul3A_19] : memref<80000x256xf32, #tpu.memory_space<hbm>> -> memref<128x128xf32, #tpu.memory_space<hbm>>
    %dma_wait3A_152 = tpu.memref_slice %arg2[%add3A_141, %mul3A_19] : memref<80000x256xf32, #tpu.memory_space<hbm>> -> memref<128x128xf32, #tpu.memory_space<hbm>>
    tpu.wait_dma2 semaphore(%arg11 : memref<!tpu.dma_semaphore, #tpu.memory_space<semaphore_mem>>) src(%dma_wait3A_152 : memref<128x128xf32, #tpu.memory_space<hbm>>) dst(%arg8 : memref<128x128xf32, #tpu.memory_space<vmem>>)
    %run_scoped3A_153 = arith.constant 18 : i32
    "tpu.region"() ({
      %run_scoped3A_300 = tpu.sem_alloc : memref<!tpu.dma_semaphore, #tpu.memory_space<semaphore_mem>>
      %dma_start3A_301 = arith.constant 0 : i32
      %dma_start3A_302 = tpu.memref_slice %arg6[%run_scoped3A_153, %dma_start3A_301] : memref<39x128xi32, #tpu.memory_space<vmem>> -> memref<1x128xi32, #tpu.memory_space<vmem>>
      %dma_start3A_303 = tpu.memref_squeeze %dma_start3A_302 : memref<1x128xi32, #tpu.memory_space<vmem>> -> memref<128xi32, #tpu.memory_space<vmem>>
      %dma_start3A_304 = arith.constant 0 : i32
      %dma_start3A_305 = arith.constant 0 : i32
      %dma_start3A_306 = tpu.memref_slice %arg10[%dma_start3A_304, %dma_start3A_305] : memref<10000x128xf32, #tpu.memory_space<vmem_shared>> -> memref<10000x128xf32, #tpu.memory_space<vmem_shared>>
      tpu.enqueue_indirect_dma source(%arg8 : memref<128x128xf32, #tpu.memory_space<vmem>>) target(%dma_start3A_306 : memref<10000x128xf32, #tpu.memory_space<vmem_shared>>) offsets(%dma_start3A_303 : memref<128xi32, #tpu.memory_space<vmem>>) semaphore(%run_scoped3A_300 : memref<!tpu.dma_semaphore, #tpu.memory_space<semaphore_mem>>) {add = true}
      %dma_wait3A_307 = arith.constant 0 : i32
      %dma_wait3A_308 = tpu.memref_slice %arg6[%run_scoped3A_153, %dma_wait3A_307] : memref<39x128xi32, #tpu.memory_space<vmem>> -> memref<1x128xi32, #tpu.memory_space<vmem>>
      %dma_wait3A_309 = tpu.memref_squeeze %dma_wait3A_308 : memref<1x128xi32, #tpu.memory_space<vmem>> -> memref<128xi32, #tpu.memory_space<vmem>>
      %dma_wait3A_310 = arith.constant 0 : i32
      %dma_wait3A_311 = arith.constant 0 : i32
      %dma_wait3A_312 = tpu.memref_slice %arg10[%dma_wait3A_310, %dma_wait3A_311] : memref<10000x128xf32, #tpu.memory_space<vmem_shared>> -> memref<10000x128xf32, #tpu.memory_space<vmem_shared>>
      tpu.wait_indirect_dma semaphore(%run_scoped3A_300 : memref<!tpu.dma_semaphore, #tpu.memory_space<semaphore_mem>>) src(%arg8 : memref<128x128xf32, #tpu.memory_space<vmem>>) dst(%dma_wait3A_312 : memref<10000x128xf32, #tpu.memory_space<vmem_shared>>)
      tpu.yield
    }) : () -> ()
    %add3A_154 = arith.constant 2560 : i32
    %add3A_155 = arith.addi %mul3A_17, %add3A_154 : i32
    %dma_start3A_156 = tpu.memref_slice %arg2[%add3A_155, %mul3A_19] : memref<80000x256xf32, #tpu.memory_space<hbm>> -> memref<128x128xf32, #tpu.memory_space<hbm>>
    %dma_start3A_157 = tpu.memref_slice %arg2[%add3A_155, %mul3A_19] : memref<80000x256xf32, #tpu.memory_space<hbm>> -> memref<128x128xf32, #tpu.memory_space<hbm>>
    tpu.enqueue_dma source(%dma_start3A_157 : memref<128x128xf32, #tpu.memory_space<hbm>>) target(%arg8 : memref<128x128xf32, #tpu.memory_space<vmem>>) target_semaphore(%arg11 : memref<!tpu.dma_semaphore, #tpu.memory_space<semaphore_mem>>)
    %dma_wait3A_158 = tpu.memref_slice %arg2[%add3A_148, %mul3A_19] : memref<80000x256xf32, #tpu.memory_space<hbm>> -> memref<128x128xf32, #tpu.memory_space<hbm>>
    %dma_wait3A_159 = tpu.memref_slice %arg2[%add3A_148, %mul3A_19] : memref<80000x256xf32, #tpu.memory_space<hbm>> -> memref<128x128xf32, #tpu.memory_space<hbm>>
    tpu.wait_dma2 semaphore(%arg12 : memref<!tpu.dma_semaphore, #tpu.memory_space<semaphore_mem>>) src(%dma_wait3A_159 : memref<128x128xf32, #tpu.memory_space<hbm>>) dst(%arg9 : memref<128x128xf32, #tpu.memory_space<vmem>>)
    %run_scoped3A_160 = arith.constant 19 : i32
    "tpu.region"() ({
      %run_scoped3A_300 = tpu.sem_alloc : memref<!tpu.dma_semaphore, #tpu.memory_space<semaphore_mem>>
      %dma_start3A_301 = arith.constant 0 : i32
      %dma_start3A_302 = tpu.memref_slice %arg6[%run_scoped3A_160, %dma_start3A_301] : memref<39x128xi32, #tpu.memory_space<vmem>> -> memref<1x128xi32, #tpu.memory_space<vmem>>
      %dma_start3A_303 = tpu.memref_squeeze %dma_start3A_302 : memref<1x128xi32, #tpu.memory_space<vmem>> -> memref<128xi32, #tpu.memory_space<vmem>>
      %dma_start3A_304 = arith.constant 0 : i32
      %dma_start3A_305 = arith.constant 0 : i32
      %dma_start3A_306 = tpu.memref_slice %arg10[%dma_start3A_304, %dma_start3A_305] : memref<10000x128xf32, #tpu.memory_space<vmem_shared>> -> memref<10000x128xf32, #tpu.memory_space<vmem_shared>>
      tpu.enqueue_indirect_dma source(%arg9 : memref<128x128xf32, #tpu.memory_space<vmem>>) target(%dma_start3A_306 : memref<10000x128xf32, #tpu.memory_space<vmem_shared>>) offsets(%dma_start3A_303 : memref<128xi32, #tpu.memory_space<vmem>>) semaphore(%run_scoped3A_300 : memref<!tpu.dma_semaphore, #tpu.memory_space<semaphore_mem>>) {add = true}
      %dma_wait3A_307 = arith.constant 0 : i32
      %dma_wait3A_308 = tpu.memref_slice %arg6[%run_scoped3A_160, %dma_wait3A_307] : memref<39x128xi32, #tpu.memory_space<vmem>> -> memref<1x128xi32, #tpu.memory_space<vmem>>
      %dma_wait3A_309 = tpu.memref_squeeze %dma_wait3A_308 : memref<1x128xi32, #tpu.memory_space<vmem>> -> memref<128xi32, #tpu.memory_space<vmem>>
      %dma_wait3A_310 = arith.constant 0 : i32
      %dma_wait3A_311 = arith.constant 0 : i32
      %dma_wait3A_312 = tpu.memref_slice %arg10[%dma_wait3A_310, %dma_wait3A_311] : memref<10000x128xf32, #tpu.memory_space<vmem_shared>> -> memref<10000x128xf32, #tpu.memory_space<vmem_shared>>
      tpu.wait_indirect_dma semaphore(%run_scoped3A_300 : memref<!tpu.dma_semaphore, #tpu.memory_space<semaphore_mem>>) src(%arg9 : memref<128x128xf32, #tpu.memory_space<vmem>>) dst(%dma_wait3A_312 : memref<10000x128xf32, #tpu.memory_space<vmem_shared>>)
      tpu.yield
    }) : () -> ()
    %add3A_161 = arith.constant 2688 : i32
    %add3A_162 = arith.addi %mul3A_17, %add3A_161 : i32
    %dma_start3A_163 = tpu.memref_slice %arg2[%add3A_162, %mul3A_19] : memref<80000x256xf32, #tpu.memory_space<hbm>> -> memref<128x128xf32, #tpu.memory_space<hbm>>
    %dma_start3A_164 = tpu.memref_slice %arg2[%add3A_162, %mul3A_19] : memref<80000x256xf32, #tpu.memory_space<hbm>> -> memref<128x128xf32, #tpu.memory_space<hbm>>
    tpu.enqueue_dma source(%dma_start3A_164 : memref<128x128xf32, #tpu.memory_space<hbm>>) target(%arg9 : memref<128x128xf32, #tpu.memory_space<vmem>>) target_semaphore(%arg12 : memref<!tpu.dma_semaphore, #tpu.memory_space<semaphore_mem>>)
    %dma_wait3A_165 = tpu.memref_slice %arg2[%add3A_155, %mul3A_19] : memref<80000x256xf32, #tpu.memory_space<hbm>> -> memref<128x128xf32, #tpu.memory_space<hbm>>
    %dma_wait3A_166 = tpu.memref_slice %arg2[%add3A_155, %mul3A_19] : memref<80000x256xf32, #tpu.memory_space<hbm>> -> memref<128x128xf32, #tpu.memory_space<hbm>>
    tpu.wait_dma2 semaphore(%arg11 : memref<!tpu.dma_semaphore, #tpu.memory_space<semaphore_mem>>) src(%dma_wait3A_166 : memref<128x128xf32, #tpu.memory_space<hbm>>) dst(%arg8 : memref<128x128xf32, #tpu.memory_space<vmem>>)
    %run_scoped3A_167 = arith.constant 20 : i32
    "tpu.region"() ({
      %run_scoped3A_300 = tpu.sem_alloc : memref<!tpu.dma_semaphore, #tpu.memory_space<semaphore_mem>>
      %dma_start3A_301 = arith.constant 0 : i32
      %dma_start3A_302 = tpu.memref_slice %arg6[%run_scoped3A_167, %dma_start3A_301] : memref<39x128xi32, #tpu.memory_space<vmem>> -> memref<1x128xi32, #tpu.memory_space<vmem>>
      %dma_start3A_303 = tpu.memref_squeeze %dma_start3A_302 : memref<1x128xi32, #tpu.memory_space<vmem>> -> memref<128xi32, #tpu.memory_space<vmem>>
      %dma_start3A_304 = arith.constant 0 : i32
      %dma_start3A_305 = arith.constant 0 : i32
      %dma_start3A_306 = tpu.memref_slice %arg10[%dma_start3A_304, %dma_start3A_305] : memref<10000x128xf32, #tpu.memory_space<vmem_shared>> -> memref<10000x128xf32, #tpu.memory_space<vmem_shared>>
      tpu.enqueue_indirect_dma source(%arg8 : memref<128x128xf32, #tpu.memory_space<vmem>>) target(%dma_start3A_306 : memref<10000x128xf32, #tpu.memory_space<vmem_shared>>) offsets(%dma_start3A_303 : memref<128xi32, #tpu.memory_space<vmem>>) semaphore(%run_scoped3A_300 : memref<!tpu.dma_semaphore, #tpu.memory_space<semaphore_mem>>) {add = true}
      %dma_wait3A_307 = arith.constant 0 : i32
      %dma_wait3A_308 = tpu.memref_slice %arg6[%run_scoped3A_167, %dma_wait3A_307] : memref<39x128xi32, #tpu.memory_space<vmem>> -> memref<1x128xi32, #tpu.memory_space<vmem>>
      %dma_wait3A_309 = tpu.memref_squeeze %dma_wait3A_308 : memref<1x128xi32, #tpu.memory_space<vmem>> -> memref<128xi32, #tpu.memory_space<vmem>>
      %dma_wait3A_310 = arith.constant 0 : i32
      %dma_wait3A_311 = arith.constant 0 : i32
      %dma_wait3A_312 = tpu.memref_slice %arg10[%dma_wait3A_310, %dma_wait3A_311] : memref<10000x128xf32, #tpu.memory_space<vmem_shared>> -> memref<10000x128xf32, #tpu.memory_space<vmem_shared>>
      tpu.wait_indirect_dma semaphore(%run_scoped3A_300 : memref<!tpu.dma_semaphore, #tpu.memory_space<semaphore_mem>>) src(%arg8 : memref<128x128xf32, #tpu.memory_space<vmem>>) dst(%dma_wait3A_312 : memref<10000x128xf32, #tpu.memory_space<vmem_shared>>)
      tpu.yield
    }) : () -> ()
    %add3A_168 = arith.constant 2816 : i32
    %add3A_169 = arith.addi %mul3A_17, %add3A_168 : i32
    %dma_start3A_170 = tpu.memref_slice %arg2[%add3A_169, %mul3A_19] : memref<80000x256xf32, #tpu.memory_space<hbm>> -> memref<128x128xf32, #tpu.memory_space<hbm>>
    %dma_start3A_171 = tpu.memref_slice %arg2[%add3A_169, %mul3A_19] : memref<80000x256xf32, #tpu.memory_space<hbm>> -> memref<128x128xf32, #tpu.memory_space<hbm>>
    tpu.enqueue_dma source(%dma_start3A_171 : memref<128x128xf32, #tpu.memory_space<hbm>>) target(%arg8 : memref<128x128xf32, #tpu.memory_space<vmem>>) target_semaphore(%arg11 : memref<!tpu.dma_semaphore, #tpu.memory_space<semaphore_mem>>)
    %dma_wait3A_172 = tpu.memref_slice %arg2[%add3A_162, %mul3A_19] : memref<80000x256xf32, #tpu.memory_space<hbm>> -> memref<128x128xf32, #tpu.memory_space<hbm>>
    %dma_wait3A_173 = tpu.memref_slice %arg2[%add3A_162, %mul3A_19] : memref<80000x256xf32, #tpu.memory_space<hbm>> -> memref<128x128xf32, #tpu.memory_space<hbm>>
    tpu.wait_dma2 semaphore(%arg12 : memref<!tpu.dma_semaphore, #tpu.memory_space<semaphore_mem>>) src(%dma_wait3A_173 : memref<128x128xf32, #tpu.memory_space<hbm>>) dst(%arg9 : memref<128x128xf32, #tpu.memory_space<vmem>>)
    %run_scoped3A_174 = arith.constant 21 : i32
    "tpu.region"() ({
      %run_scoped3A_300 = tpu.sem_alloc : memref<!tpu.dma_semaphore, #tpu.memory_space<semaphore_mem>>
      %dma_start3A_301 = arith.constant 0 : i32
      %dma_start3A_302 = tpu.memref_slice %arg6[%run_scoped3A_174, %dma_start3A_301] : memref<39x128xi32, #tpu.memory_space<vmem>> -> memref<1x128xi32, #tpu.memory_space<vmem>>
      %dma_start3A_303 = tpu.memref_squeeze %dma_start3A_302 : memref<1x128xi32, #tpu.memory_space<vmem>> -> memref<128xi32, #tpu.memory_space<vmem>>
      %dma_start3A_304 = arith.constant 0 : i32
      %dma_start3A_305 = arith.constant 0 : i32
      %dma_start3A_306 = tpu.memref_slice %arg10[%dma_start3A_304, %dma_start3A_305] : memref<10000x128xf32, #tpu.memory_space<vmem_shared>> -> memref<10000x128xf32, #tpu.memory_space<vmem_shared>>
      tpu.enqueue_indirect_dma source(%arg9 : memref<128x128xf32, #tpu.memory_space<vmem>>) target(%dma_start3A_306 : memref<10000x128xf32, #tpu.memory_space<vmem_shared>>) offsets(%dma_start3A_303 : memref<128xi32, #tpu.memory_space<vmem>>) semaphore(%run_scoped3A_300 : memref<!tpu.dma_semaphore, #tpu.memory_space<semaphore_mem>>) {add = true}
      %dma_wait3A_307 = arith.constant 0 : i32
      %dma_wait3A_308 = tpu.memref_slice %arg6[%run_scoped3A_174, %dma_wait3A_307] : memref<39x128xi32, #tpu.memory_space<vmem>> -> memref<1x128xi32, #tpu.memory_space<vmem>>
      %dma_wait3A_309 = tpu.memref_squeeze %dma_wait3A_308 : memref<1x128xi32, #tpu.memory_space<vmem>> -> memref<128xi32, #tpu.memory_space<vmem>>
      %dma_wait3A_310 = arith.constant 0 : i32
      %dma_wait3A_311 = arith.constant 0 : i32
      %dma_wait3A_312 = tpu.memref_slice %arg10[%dma_wait3A_310, %dma_wait3A_311] : memref<10000x128xf32, #tpu.memory_space<vmem_shared>> -> memref<10000x128xf32, #tpu.memory_space<vmem_shared>>
      tpu.wait_indirect_dma semaphore(%run_scoped3A_300 : memref<!tpu.dma_semaphore, #tpu.memory_space<semaphore_mem>>) src(%arg9 : memref<128x128xf32, #tpu.memory_space<vmem>>) dst(%dma_wait3A_312 : memref<10000x128xf32, #tpu.memory_space<vmem_shared>>)
      tpu.yield
    }) : () -> ()
    %add3A_175 = arith.constant 2944 : i32
    %add3A_176 = arith.addi %mul3A_17, %add3A_175 : i32
    %dma_start3A_177 = tpu.memref_slice %arg2[%add3A_176, %mul3A_19] : memref<80000x256xf32, #tpu.memory_space<hbm>> -> memref<128x128xf32, #tpu.memory_space<hbm>>
    %dma_start3A_178 = tpu.memref_slice %arg2[%add3A_176, %mul3A_19] : memref<80000x256xf32, #tpu.memory_space<hbm>> -> memref<128x128xf32, #tpu.memory_space<hbm>>
    tpu.enqueue_dma source(%dma_start3A_178 : memref<128x128xf32, #tpu.memory_space<hbm>>) target(%arg9 : memref<128x128xf32, #tpu.memory_space<vmem>>) target_semaphore(%arg12 : memref<!tpu.dma_semaphore, #tpu.memory_space<semaphore_mem>>)
    %dma_wait3A_179 = tpu.memref_slice %arg2[%add3A_169, %mul3A_19] : memref<80000x256xf32, #tpu.memory_space<hbm>> -> memref<128x128xf32, #tpu.memory_space<hbm>>
    %dma_wait3A_180 = tpu.memref_slice %arg2[%add3A_169, %mul3A_19] : memref<80000x256xf32, #tpu.memory_space<hbm>> -> memref<128x128xf32, #tpu.memory_space<hbm>>
    tpu.wait_dma2 semaphore(%arg11 : memref<!tpu.dma_semaphore, #tpu.memory_space<semaphore_mem>>) src(%dma_wait3A_180 : memref<128x128xf32, #tpu.memory_space<hbm>>) dst(%arg8 : memref<128x128xf32, #tpu.memory_space<vmem>>)
    %run_scoped3A_181 = arith.constant 22 : i32
    "tpu.region"() ({
      %run_scoped3A_300 = tpu.sem_alloc : memref<!tpu.dma_semaphore, #tpu.memory_space<semaphore_mem>>
      %dma_start3A_301 = arith.constant 0 : i32
      %dma_start3A_302 = tpu.memref_slice %arg6[%run_scoped3A_181, %dma_start3A_301] : memref<39x128xi32, #tpu.memory_space<vmem>> -> memref<1x128xi32, #tpu.memory_space<vmem>>
      %dma_start3A_303 = tpu.memref_squeeze %dma_start3A_302 : memref<1x128xi32, #tpu.memory_space<vmem>> -> memref<128xi32, #tpu.memory_space<vmem>>
      %dma_start3A_304 = arith.constant 0 : i32
      %dma_start3A_305 = arith.constant 0 : i32
      %dma_start3A_306 = tpu.memref_slice %arg10[%dma_start3A_304, %dma_start3A_305] : memref<10000x128xf32, #tpu.memory_space<vmem_shared>> -> memref<10000x128xf32, #tpu.memory_space<vmem_shared>>
      tpu.enqueue_indirect_dma source(%arg8 : memref<128x128xf32, #tpu.memory_space<vmem>>) target(%dma_start3A_306 : memref<10000x128xf32, #tpu.memory_space<vmem_shared>>) offsets(%dma_start3A_303 : memref<128xi32, #tpu.memory_space<vmem>>) semaphore(%run_scoped3A_300 : memref<!tpu.dma_semaphore, #tpu.memory_space<semaphore_mem>>) {add = true}
      %dma_wait3A_307 = arith.constant 0 : i32
      %dma_wait3A_308 = tpu.memref_slice %arg6[%run_scoped3A_181, %dma_wait3A_307] : memref<39x128xi32, #tpu.memory_space<vmem>> -> memref<1x128xi32, #tpu.memory_space<vmem>>
      %dma_wait3A_309 = tpu.memref_squeeze %dma_wait3A_308 : memref<1x128xi32, #tpu.memory_space<vmem>> -> memref<128xi32, #tpu.memory_space<vmem>>
      %dma_wait3A_310 = arith.constant 0 : i32
      %dma_wait3A_311 = arith.constant 0 : i32
      %dma_wait3A_312 = tpu.memref_slice %arg10[%dma_wait3A_310, %dma_wait3A_311] : memref<10000x128xf32, #tpu.memory_space<vmem_shared>> -> memref<10000x128xf32, #tpu.memory_space<vmem_shared>>
      tpu.wait_indirect_dma semaphore(%run_scoped3A_300 : memref<!tpu.dma_semaphore, #tpu.memory_space<semaphore_mem>>) src(%arg8 : memref<128x128xf32, #tpu.memory_space<vmem>>) dst(%dma_wait3A_312 : memref<10000x128xf32, #tpu.memory_space<vmem_shared>>)
      tpu.yield
    }) : () -> ()
    %add3A_182 = arith.constant 3072 : i32
    %add3A_183 = arith.addi %mul3A_17, %add3A_182 : i32
    %dma_start3A_184 = tpu.memref_slice %arg2[%add3A_183, %mul3A_19] : memref<80000x256xf32, #tpu.memory_space<hbm>> -> memref<128x128xf32, #tpu.memory_space<hbm>>
    %dma_start3A_185 = tpu.memref_slice %arg2[%add3A_183, %mul3A_19] : memref<80000x256xf32, #tpu.memory_space<hbm>> -> memref<128x128xf32, #tpu.memory_space<hbm>>
    tpu.enqueue_dma source(%dma_start3A_185 : memref<128x128xf32, #tpu.memory_space<hbm>>) target(%arg8 : memref<128x128xf32, #tpu.memory_space<vmem>>) target_semaphore(%arg11 : memref<!tpu.dma_semaphore, #tpu.memory_space<semaphore_mem>>)
    %dma_wait3A_186 = tpu.memref_slice %arg2[%add3A_176, %mul3A_19] : memref<80000x256xf32, #tpu.memory_space<hbm>> -> memref<128x128xf32, #tpu.memory_space<hbm>>
    %dma_wait3A_187 = tpu.memref_slice %arg2[%add3A_176, %mul3A_19] : memref<80000x256xf32, #tpu.memory_space<hbm>> -> memref<128x128xf32, #tpu.memory_space<hbm>>
    tpu.wait_dma2 semaphore(%arg12 : memref<!tpu.dma_semaphore, #tpu.memory_space<semaphore_mem>>) src(%dma_wait3A_187 : memref<128x128xf32, #tpu.memory_space<hbm>>) dst(%arg9 : memref<128x128xf32, #tpu.memory_space<vmem>>)
    %run_scoped3A_188 = arith.constant 23 : i32
    "tpu.region"() ({
      %run_scoped3A_300 = tpu.sem_alloc : memref<!tpu.dma_semaphore, #tpu.memory_space<semaphore_mem>>
      %dma_start3A_301 = arith.constant 0 : i32
      %dma_start3A_302 = tpu.memref_slice %arg6[%run_scoped3A_188, %dma_start3A_301] : memref<39x128xi32, #tpu.memory_space<vmem>> -> memref<1x128xi32, #tpu.memory_space<vmem>>
      %dma_start3A_303 = tpu.memref_squeeze %dma_start3A_302 : memref<1x128xi32, #tpu.memory_space<vmem>> -> memref<128xi32, #tpu.memory_space<vmem>>
      %dma_start3A_304 = arith.constant 0 : i32
      %dma_start3A_305 = arith.constant 0 : i32
      %dma_start3A_306 = tpu.memref_slice %arg10[%dma_start3A_304, %dma_start3A_305] : memref<10000x128xf32, #tpu.memory_space<vmem_shared>> -> memref<10000x128xf32, #tpu.memory_space<vmem_shared>>
      tpu.enqueue_indirect_dma source(%arg9 : memref<128x128xf32, #tpu.memory_space<vmem>>) target(%dma_start3A_306 : memref<10000x128xf32, #tpu.memory_space<vmem_shared>>) offsets(%dma_start3A_303 : memref<128xi32, #tpu.memory_space<vmem>>) semaphore(%run_scoped3A_300 : memref<!tpu.dma_semaphore, #tpu.memory_space<semaphore_mem>>) {add = true}
      %dma_wait3A_307 = arith.constant 0 : i32
      %dma_wait3A_308 = tpu.memref_slice %arg6[%run_scoped3A_188, %dma_wait3A_307] : memref<39x128xi32, #tpu.memory_space<vmem>> -> memref<1x128xi32, #tpu.memory_space<vmem>>
      %dma_wait3A_309 = tpu.memref_squeeze %dma_wait3A_308 : memref<1x128xi32, #tpu.memory_space<vmem>> -> memref<128xi32, #tpu.memory_space<vmem>>
      %dma_wait3A_310 = arith.constant 0 : i32
      %dma_wait3A_311 = arith.constant 0 : i32
      %dma_wait3A_312 = tpu.memref_slice %arg10[%dma_wait3A_310, %dma_wait3A_311] : memref<10000x128xf32, #tpu.memory_space<vmem_shared>> -> memref<10000x128xf32, #tpu.memory_space<vmem_shared>>
      tpu.wait_indirect_dma semaphore(%run_scoped3A_300 : memref<!tpu.dma_semaphore, #tpu.memory_space<semaphore_mem>>) src(%arg9 : memref<128x128xf32, #tpu.memory_space<vmem>>) dst(%dma_wait3A_312 : memref<10000x128xf32, #tpu.memory_space<vmem_shared>>)
      tpu.yield
    }) : () -> ()
    %add3A_189 = arith.constant 3200 : i32
    %add3A_190 = arith.addi %mul3A_17, %add3A_189 : i32
    %dma_start3A_191 = tpu.memref_slice %arg2[%add3A_190, %mul3A_19] : memref<80000x256xf32, #tpu.memory_space<hbm>> -> memref<128x128xf32, #tpu.memory_space<hbm>>
    %dma_start3A_192 = tpu.memref_slice %arg2[%add3A_190, %mul3A_19] : memref<80000x256xf32, #tpu.memory_space<hbm>> -> memref<128x128xf32, #tpu.memory_space<hbm>>
    tpu.enqueue_dma source(%dma_start3A_192 : memref<128x128xf32, #tpu.memory_space<hbm>>) target(%arg9 : memref<128x128xf32, #tpu.memory_space<vmem>>) target_semaphore(%arg12 : memref<!tpu.dma_semaphore, #tpu.memory_space<semaphore_mem>>)
    %dma_wait3A_193 = tpu.memref_slice %arg2[%add3A_183, %mul3A_19] : memref<80000x256xf32, #tpu.memory_space<hbm>> -> memref<128x128xf32, #tpu.memory_space<hbm>>
    %dma_wait3A_194 = tpu.memref_slice %arg2[%add3A_183, %mul3A_19] : memref<80000x256xf32, #tpu.memory_space<hbm>> -> memref<128x128xf32, #tpu.memory_space<hbm>>
    tpu.wait_dma2 semaphore(%arg11 : memref<!tpu.dma_semaphore, #tpu.memory_space<semaphore_mem>>) src(%dma_wait3A_194 : memref<128x128xf32, #tpu.memory_space<hbm>>) dst(%arg8 : memref<128x128xf32, #tpu.memory_space<vmem>>)
    %run_scoped3A_195 = arith.constant 24 : i32
    "tpu.region"() ({
      %run_scoped3A_300 = tpu.sem_alloc : memref<!tpu.dma_semaphore, #tpu.memory_space<semaphore_mem>>
      %dma_start3A_301 = arith.constant 0 : i32
      %dma_start3A_302 = tpu.memref_slice %arg6[%run_scoped3A_195, %dma_start3A_301] : memref<39x128xi32, #tpu.memory_space<vmem>> -> memref<1x128xi32, #tpu.memory_space<vmem>>
      %dma_start3A_303 = tpu.memref_squeeze %dma_start3A_302 : memref<1x128xi32, #tpu.memory_space<vmem>> -> memref<128xi32, #tpu.memory_space<vmem>>
      %dma_start3A_304 = arith.constant 0 : i32
      %dma_start3A_305 = arith.constant 0 : i32
      %dma_start3A_306 = tpu.memref_slice %arg10[%dma_start3A_304, %dma_start3A_305] : memref<10000x128xf32, #tpu.memory_space<vmem_shared>> -> memref<10000x128xf32, #tpu.memory_space<vmem_shared>>
      tpu.enqueue_indirect_dma source(%arg8 : memref<128x128xf32, #tpu.memory_space<vmem>>) target(%dma_start3A_306 : memref<10000x128xf32, #tpu.memory_space<vmem_shared>>) offsets(%dma_start3A_303 : memref<128xi32, #tpu.memory_space<vmem>>) semaphore(%run_scoped3A_300 : memref<!tpu.dma_semaphore, #tpu.memory_space<semaphore_mem>>) {add = true}
      %dma_wait3A_307 = arith.constant 0 : i32
      %dma_wait3A_308 = tpu.memref_slice %arg6[%run_scoped3A_195, %dma_wait3A_307] : memref<39x128xi32, #tpu.memory_space<vmem>> -> memref<1x128xi32, #tpu.memory_space<vmem>>
      %dma_wait3A_309 = tpu.memref_squeeze %dma_wait3A_308 : memref<1x128xi32, #tpu.memory_space<vmem>> -> memref<128xi32, #tpu.memory_space<vmem>>
      %dma_wait3A_310 = arith.constant 0 : i32
      %dma_wait3A_311 = arith.constant 0 : i32
      %dma_wait3A_312 = tpu.memref_slice %arg10[%dma_wait3A_310, %dma_wait3A_311] : memref<10000x128xf32, #tpu.memory_space<vmem_shared>> -> memref<10000x128xf32, #tpu.memory_space<vmem_shared>>
      tpu.wait_indirect_dma semaphore(%run_scoped3A_300 : memref<!tpu.dma_semaphore, #tpu.memory_space<semaphore_mem>>) src(%arg8 : memref<128x128xf32, #tpu.memory_space<vmem>>) dst(%dma_wait3A_312 : memref<10000x128xf32, #tpu.memory_space<vmem_shared>>)
      tpu.yield
    }) : () -> ()
    %add3A_196 = arith.constant 3328 : i32
    %add3A_197 = arith.addi %mul3A_17, %add3A_196 : i32
    %dma_start3A_198 = tpu.memref_slice %arg2[%add3A_197, %mul3A_19] : memref<80000x256xf32, #tpu.memory_space<hbm>> -> memref<128x128xf32, #tpu.memory_space<hbm>>
    %dma_start3A_199 = tpu.memref_slice %arg2[%add3A_197, %mul3A_19] : memref<80000x256xf32, #tpu.memory_space<hbm>> -> memref<128x128xf32, #tpu.memory_space<hbm>>
    tpu.enqueue_dma source(%dma_start3A_199 : memref<128x128xf32, #tpu.memory_space<hbm>>) target(%arg8 : memref<128x128xf32, #tpu.memory_space<vmem>>) target_semaphore(%arg11 : memref<!tpu.dma_semaphore, #tpu.memory_space<semaphore_mem>>)
    %dma_wait3A_200 = tpu.memref_slice %arg2[%add3A_190, %mul3A_19] : memref<80000x256xf32, #tpu.memory_space<hbm>> -> memref<128x128xf32, #tpu.memory_space<hbm>>
    %dma_wait3A_201 = tpu.memref_slice %arg2[%add3A_190, %mul3A_19] : memref<80000x256xf32, #tpu.memory_space<hbm>> -> memref<128x128xf32, #tpu.memory_space<hbm>>
    tpu.wait_dma2 semaphore(%arg12 : memref<!tpu.dma_semaphore, #tpu.memory_space<semaphore_mem>>) src(%dma_wait3A_201 : memref<128x128xf32, #tpu.memory_space<hbm>>) dst(%arg9 : memref<128x128xf32, #tpu.memory_space<vmem>>)
    %run_scoped3A_202 = arith.constant 25 : i32
    "tpu.region"() ({
      %run_scoped3A_300 = tpu.sem_alloc : memref<!tpu.dma_semaphore, #tpu.memory_space<semaphore_mem>>
      %dma_start3A_301 = arith.constant 0 : i32
      %dma_start3A_302 = tpu.memref_slice %arg6[%run_scoped3A_202, %dma_start3A_301] : memref<39x128xi32, #tpu.memory_space<vmem>> -> memref<1x128xi32, #tpu.memory_space<vmem>>
      %dma_start3A_303 = tpu.memref_squeeze %dma_start3A_302 : memref<1x128xi32, #tpu.memory_space<vmem>> -> memref<128xi32, #tpu.memory_space<vmem>>
      %dma_start3A_304 = arith.constant 0 : i32
      %dma_start3A_305 = arith.constant 0 : i32
      %dma_start3A_306 = tpu.memref_slice %arg10[%dma_start3A_304, %dma_start3A_305] : memref<10000x128xf32, #tpu.memory_space<vmem_shared>> -> memref<10000x128xf32, #tpu.memory_space<vmem_shared>>
      tpu.enqueue_indirect_dma source(%arg9 : memref<128x128xf32, #tpu.memory_space<vmem>>) target(%dma_start3A_306 : memref<10000x128xf32, #tpu.memory_space<vmem_shared>>) offsets(%dma_start3A_303 : memref<128xi32, #tpu.memory_space<vmem>>) semaphore(%run_scoped3A_300 : memref<!tpu.dma_semaphore, #tpu.memory_space<semaphore_mem>>) {add = true}
      %dma_wait3A_307 = arith.constant 0 : i32
      %dma_wait3A_308 = tpu.memref_slice %arg6[%run_scoped3A_202, %dma_wait3A_307] : memref<39x128xi32, #tpu.memory_space<vmem>> -> memref<1x128xi32, #tpu.memory_space<vmem>>
      %dma_wait3A_309 = tpu.memref_squeeze %dma_wait3A_308 : memref<1x128xi32, #tpu.memory_space<vmem>> -> memref<128xi32, #tpu.memory_space<vmem>>
      %dma_wait3A_310 = arith.constant 0 : i32
      %dma_wait3A_311 = arith.constant 0 : i32
      %dma_wait3A_312 = tpu.memref_slice %arg10[%dma_wait3A_310, %dma_wait3A_311] : memref<10000x128xf32, #tpu.memory_space<vmem_shared>> -> memref<10000x128xf32, #tpu.memory_space<vmem_shared>>
      tpu.wait_indirect_dma semaphore(%run_scoped3A_300 : memref<!tpu.dma_semaphore, #tpu.memory_space<semaphore_mem>>) src(%arg9 : memref<128x128xf32, #tpu.memory_space<vmem>>) dst(%dma_wait3A_312 : memref<10000x128xf32, #tpu.memory_space<vmem_shared>>)
      tpu.yield
    }) : () -> ()
    %add3A_203 = arith.constant 3456 : i32
    %add3A_204 = arith.addi %mul3A_17, %add3A_203 : i32
    %dma_start3A_205 = tpu.memref_slice %arg2[%add3A_204, %mul3A_19] : memref<80000x256xf32, #tpu.memory_space<hbm>> -> memref<128x128xf32, #tpu.memory_space<hbm>>
    %dma_start3A_206 = tpu.memref_slice %arg2[%add3A_204, %mul3A_19] : memref<80000x256xf32, #tpu.memory_space<hbm>> -> memref<128x128xf32, #tpu.memory_space<hbm>>
    tpu.enqueue_dma source(%dma_start3A_206 : memref<128x128xf32, #tpu.memory_space<hbm>>) target(%arg9 : memref<128x128xf32, #tpu.memory_space<vmem>>) target_semaphore(%arg12 : memref<!tpu.dma_semaphore, #tpu.memory_space<semaphore_mem>>)
    %dma_wait3A_207 = tpu.memref_slice %arg2[%add3A_197, %mul3A_19] : memref<80000x256xf32, #tpu.memory_space<hbm>> -> memref<128x128xf32, #tpu.memory_space<hbm>>
    %dma_wait3A_208 = tpu.memref_slice %arg2[%add3A_197, %mul3A_19] : memref<80000x256xf32, #tpu.memory_space<hbm>> -> memref<128x128xf32, #tpu.memory_space<hbm>>
    tpu.wait_dma2 semaphore(%arg11 : memref<!tpu.dma_semaphore, #tpu.memory_space<semaphore_mem>>) src(%dma_wait3A_208 : memref<128x128xf32, #tpu.memory_space<hbm>>) dst(%arg8 : memref<128x128xf32, #tpu.memory_space<vmem>>)
    %run_scoped3A_209 = arith.constant 26 : i32
    "tpu.region"() ({
      %run_scoped3A_300 = tpu.sem_alloc : memref<!tpu.dma_semaphore, #tpu.memory_space<semaphore_mem>>
      %dma_start3A_301 = arith.constant 0 : i32
      %dma_start3A_302 = tpu.memref_slice %arg6[%run_scoped3A_209, %dma_start3A_301] : memref<39x128xi32, #tpu.memory_space<vmem>> -> memref<1x128xi32, #tpu.memory_space<vmem>>
      %dma_start3A_303 = tpu.memref_squeeze %dma_start3A_302 : memref<1x128xi32, #tpu.memory_space<vmem>> -> memref<128xi32, #tpu.memory_space<vmem>>
      %dma_start3A_304 = arith.constant 0 : i32
      %dma_start3A_305 = arith.constant 0 : i32
      %dma_start3A_306 = tpu.memref_slice %arg10[%dma_start3A_304, %dma_start3A_305] : memref<10000x128xf32, #tpu.memory_space<vmem_shared>> -> memref<10000x128xf32, #tpu.memory_space<vmem_shared>>
      tpu.enqueue_indirect_dma source(%arg8 : memref<128x128xf32, #tpu.memory_space<vmem>>) target(%dma_start3A_306 : memref<10000x128xf32, #tpu.memory_space<vmem_shared>>) offsets(%dma_start3A_303 : memref<128xi32, #tpu.memory_space<vmem>>) semaphore(%run_scoped3A_300 : memref<!tpu.dma_semaphore, #tpu.memory_space<semaphore_mem>>) {add = true}
      %dma_wait3A_307 = arith.constant 0 : i32
      %dma_wait3A_308 = tpu.memref_slice %arg6[%run_scoped3A_209, %dma_wait3A_307] : memref<39x128xi32, #tpu.memory_space<vmem>> -> memref<1x128xi32, #tpu.memory_space<vmem>>
      %dma_wait3A_309 = tpu.memref_squeeze %dma_wait3A_308 : memref<1x128xi32, #tpu.memory_space<vmem>> -> memref<128xi32, #tpu.memory_space<vmem>>
      %dma_wait3A_310 = arith.constant 0 : i32
      %dma_wait3A_311 = arith.constant 0 : i32
      %dma_wait3A_312 = tpu.memref_slice %arg10[%dma_wait3A_310, %dma_wait3A_311] : memref<10000x128xf32, #tpu.memory_space<vmem_shared>> -> memref<10000x128xf32, #tpu.memory_space<vmem_shared>>
      tpu.wait_indirect_dma semaphore(%run_scoped3A_300 : memref<!tpu.dma_semaphore, #tpu.memory_space<semaphore_mem>>) src(%arg8 : memref<128x128xf32, #tpu.memory_space<vmem>>) dst(%dma_wait3A_312 : memref<10000x128xf32, #tpu.memory_space<vmem_shared>>)
      tpu.yield
    }) : () -> ()
    %add3A_210 = arith.constant 3584 : i32
    %add3A_211 = arith.addi %mul3A_17, %add3A_210 : i32
    %dma_start3A_212 = tpu.memref_slice %arg2[%add3A_211, %mul3A_19] : memref<80000x256xf32, #tpu.memory_space<hbm>> -> memref<128x128xf32, #tpu.memory_space<hbm>>
    %dma_start3A_213 = tpu.memref_slice %arg2[%add3A_211, %mul3A_19] : memref<80000x256xf32, #tpu.memory_space<hbm>> -> memref<128x128xf32, #tpu.memory_space<hbm>>
    tpu.enqueue_dma source(%dma_start3A_213 : memref<128x128xf32, #tpu.memory_space<hbm>>) target(%arg8 : memref<128x128xf32, #tpu.memory_space<vmem>>) target_semaphore(%arg11 : memref<!tpu.dma_semaphore, #tpu.memory_space<semaphore_mem>>)
    %dma_wait3A_214 = tpu.memref_slice %arg2[%add3A_204, %mul3A_19] : memref<80000x256xf32, #tpu.memory_space<hbm>> -> memref<128x128xf32, #tpu.memory_space<hbm>>
    %dma_wait3A_215 = tpu.memref_slice %arg2[%add3A_204, %mul3A_19] : memref<80000x256xf32, #tpu.memory_space<hbm>> -> memref<128x128xf32, #tpu.memory_space<hbm>>
    tpu.wait_dma2 semaphore(%arg12 : memref<!tpu.dma_semaphore, #tpu.memory_space<semaphore_mem>>) src(%dma_wait3A_215 : memref<128x128xf32, #tpu.memory_space<hbm>>) dst(%arg9 : memref<128x128xf32, #tpu.memory_space<vmem>>)
    %run_scoped3A_216 = arith.constant 27 : i32
    "tpu.region"() ({
      %run_scoped3A_300 = tpu.sem_alloc : memref<!tpu.dma_semaphore, #tpu.memory_space<semaphore_mem>>
      %dma_start3A_301 = arith.constant 0 : i32
      %dma_start3A_302 = tpu.memref_slice %arg6[%run_scoped3A_216, %dma_start3A_301] : memref<39x128xi32, #tpu.memory_space<vmem>> -> memref<1x128xi32, #tpu.memory_space<vmem>>
      %dma_start3A_303 = tpu.memref_squeeze %dma_start3A_302 : memref<1x128xi32, #tpu.memory_space<vmem>> -> memref<128xi32, #tpu.memory_space<vmem>>
      %dma_start3A_304 = arith.constant 0 : i32
      %dma_start3A_305 = arith.constant 0 : i32
      %dma_start3A_306 = tpu.memref_slice %arg10[%dma_start3A_304, %dma_start3A_305] : memref<10000x128xf32, #tpu.memory_space<vmem_shared>> -> memref<10000x128xf32, #tpu.memory_space<vmem_shared>>
      tpu.enqueue_indirect_dma source(%arg9 : memref<128x128xf32, #tpu.memory_space<vmem>>) target(%dma_start3A_306 : memref<10000x128xf32, #tpu.memory_space<vmem_shared>>) offsets(%dma_start3A_303 : memref<128xi32, #tpu.memory_space<vmem>>) semaphore(%run_scoped3A_300 : memref<!tpu.dma_semaphore, #tpu.memory_space<semaphore_mem>>) {add = true}
      %dma_wait3A_307 = arith.constant 0 : i32
      %dma_wait3A_308 = tpu.memref_slice %arg6[%run_scoped3A_216, %dma_wait3A_307] : memref<39x128xi32, #tpu.memory_space<vmem>> -> memref<1x128xi32, #tpu.memory_space<vmem>>
      %dma_wait3A_309 = tpu.memref_squeeze %dma_wait3A_308 : memref<1x128xi32, #tpu.memory_space<vmem>> -> memref<128xi32, #tpu.memory_space<vmem>>
      %dma_wait3A_310 = arith.constant 0 : i32
      %dma_wait3A_311 = arith.constant 0 : i32
      %dma_wait3A_312 = tpu.memref_slice %arg10[%dma_wait3A_310, %dma_wait3A_311] : memref<10000x128xf32, #tpu.memory_space<vmem_shared>> -> memref<10000x128xf32, #tpu.memory_space<vmem_shared>>
      tpu.wait_indirect_dma semaphore(%run_scoped3A_300 : memref<!tpu.dma_semaphore, #tpu.memory_space<semaphore_mem>>) src(%arg9 : memref<128x128xf32, #tpu.memory_space<vmem>>) dst(%dma_wait3A_312 : memref<10000x128xf32, #tpu.memory_space<vmem_shared>>)
      tpu.yield
    }) : () -> ()
    %add3A_217 = arith.constant 3712 : i32
    %add3A_218 = arith.addi %mul3A_17, %add3A_217 : i32
    %dma_start3A_219 = tpu.memref_slice %arg2[%add3A_218, %mul3A_19] : memref<80000x256xf32, #tpu.memory_space<hbm>> -> memref<128x128xf32, #tpu.memory_space<hbm>>
    %dma_start3A_220 = tpu.memref_slice %arg2[%add3A_218, %mul3A_19] : memref<80000x256xf32, #tpu.memory_space<hbm>> -> memref<128x128xf32, #tpu.memory_space<hbm>>
    tpu.enqueue_dma source(%dma_start3A_220 : memref<128x128xf32, #tpu.memory_space<hbm>>) target(%arg9 : memref<128x128xf32, #tpu.memory_space<vmem>>) target_semaphore(%arg12 : memref<!tpu.dma_semaphore, #tpu.memory_space<semaphore_mem>>)
    %dma_wait3A_221 = tpu.memref_slice %arg2[%add3A_211, %mul3A_19] : memref<80000x256xf32, #tpu.memory_space<hbm>> -> memref<128x128xf32, #tpu.memory_space<hbm>>
    %dma_wait3A_222 = tpu.memref_slice %arg2[%add3A_211, %mul3A_19] : memref<80000x256xf32, #tpu.memory_space<hbm>> -> memref<128x128xf32, #tpu.memory_space<hbm>>
    tpu.wait_dma2 semaphore(%arg11 : memref<!tpu.dma_semaphore, #tpu.memory_space<semaphore_mem>>) src(%dma_wait3A_222 : memref<128x128xf32, #tpu.memory_space<hbm>>) dst(%arg8 : memref<128x128xf32, #tpu.memory_space<vmem>>)
    %run_scoped3A_223 = arith.constant 28 : i32
    "tpu.region"() ({
      %run_scoped3A_300 = tpu.sem_alloc : memref<!tpu.dma_semaphore, #tpu.memory_space<semaphore_mem>>
      %dma_start3A_301 = arith.constant 0 : i32
      %dma_start3A_302 = tpu.memref_slice %arg6[%run_scoped3A_223, %dma_start3A_301] : memref<39x128xi32, #tpu.memory_space<vmem>> -> memref<1x128xi32, #tpu.memory_space<vmem>>
      %dma_start3A_303 = tpu.memref_squeeze %dma_start3A_302 : memref<1x128xi32, #tpu.memory_space<vmem>> -> memref<128xi32, #tpu.memory_space<vmem>>
      %dma_start3A_304 = arith.constant 0 : i32
      %dma_start3A_305 = arith.constant 0 : i32
      %dma_start3A_306 = tpu.memref_slice %arg10[%dma_start3A_304, %dma_start3A_305] : memref<10000x128xf32, #tpu.memory_space<vmem_shared>> -> memref<10000x128xf32, #tpu.memory_space<vmem_shared>>
      tpu.enqueue_indirect_dma source(%arg8 : memref<128x128xf32, #tpu.memory_space<vmem>>) target(%dma_start3A_306 : memref<10000x128xf32, #tpu.memory_space<vmem_shared>>) offsets(%dma_start3A_303 : memref<128xi32, #tpu.memory_space<vmem>>) semaphore(%run_scoped3A_300 : memref<!tpu.dma_semaphore, #tpu.memory_space<semaphore_mem>>) {add = true}
      %dma_wait3A_307 = arith.constant 0 : i32
      %dma_wait3A_308 = tpu.memref_slice %arg6[%run_scoped3A_223, %dma_wait3A_307] : memref<39x128xi32, #tpu.memory_space<vmem>> -> memref<1x128xi32, #tpu.memory_space<vmem>>
      %dma_wait3A_309 = tpu.memref_squeeze %dma_wait3A_308 : memref<1x128xi32, #tpu.memory_space<vmem>> -> memref<128xi32, #tpu.memory_space<vmem>>
      %dma_wait3A_310 = arith.constant 0 : i32
      %dma_wait3A_311 = arith.constant 0 : i32
      %dma_wait3A_312 = tpu.memref_slice %arg10[%dma_wait3A_310, %dma_wait3A_311] : memref<10000x128xf32, #tpu.memory_space<vmem_shared>> -> memref<10000x128xf32, #tpu.memory_space<vmem_shared>>
      tpu.wait_indirect_dma semaphore(%run_scoped3A_300 : memref<!tpu.dma_semaphore, #tpu.memory_space<semaphore_mem>>) src(%arg8 : memref<128x128xf32, #tpu.memory_space<vmem>>) dst(%dma_wait3A_312 : memref<10000x128xf32, #tpu.memory_space<vmem_shared>>)
      tpu.yield
    }) : () -> ()
    %add3A_224 = arith.constant 3840 : i32
    %add3A_225 = arith.addi %mul3A_17, %add3A_224 : i32
    %dma_start3A_226 = tpu.memref_slice %arg2[%add3A_225, %mul3A_19] : memref<80000x256xf32, #tpu.memory_space<hbm>> -> memref<128x128xf32, #tpu.memory_space<hbm>>
    %dma_start3A_227 = tpu.memref_slice %arg2[%add3A_225, %mul3A_19] : memref<80000x256xf32, #tpu.memory_space<hbm>> -> memref<128x128xf32, #tpu.memory_space<hbm>>
    tpu.enqueue_dma source(%dma_start3A_227 : memref<128x128xf32, #tpu.memory_space<hbm>>) target(%arg8 : memref<128x128xf32, #tpu.memory_space<vmem>>) target_semaphore(%arg11 : memref<!tpu.dma_semaphore, #tpu.memory_space<semaphore_mem>>)
    %dma_wait3A_228 = tpu.memref_slice %arg2[%add3A_218, %mul3A_19] : memref<80000x256xf32, #tpu.memory_space<hbm>> -> memref<128x128xf32, #tpu.memory_space<hbm>>
    %dma_wait3A_229 = tpu.memref_slice %arg2[%add3A_218, %mul3A_19] : memref<80000x256xf32, #tpu.memory_space<hbm>> -> memref<128x128xf32, #tpu.memory_space<hbm>>
    tpu.wait_dma2 semaphore(%arg12 : memref<!tpu.dma_semaphore, #tpu.memory_space<semaphore_mem>>) src(%dma_wait3A_229 : memref<128x128xf32, #tpu.memory_space<hbm>>) dst(%arg9 : memref<128x128xf32, #tpu.memory_space<vmem>>)
    %run_scoped3A_230 = arith.constant 29 : i32
    "tpu.region"() ({
      %run_scoped3A_300 = tpu.sem_alloc : memref<!tpu.dma_semaphore, #tpu.memory_space<semaphore_mem>>
      %dma_start3A_301 = arith.constant 0 : i32
      %dma_start3A_302 = tpu.memref_slice %arg6[%run_scoped3A_230, %dma_start3A_301] : memref<39x128xi32, #tpu.memory_space<vmem>> -> memref<1x128xi32, #tpu.memory_space<vmem>>
      %dma_start3A_303 = tpu.memref_squeeze %dma_start3A_302 : memref<1x128xi32, #tpu.memory_space<vmem>> -> memref<128xi32, #tpu.memory_space<vmem>>
      %dma_start3A_304 = arith.constant 0 : i32
      %dma_start3A_305 = arith.constant 0 : i32
      %dma_start3A_306 = tpu.memref_slice %arg10[%dma_start3A_304, %dma_start3A_305] : memref<10000x128xf32, #tpu.memory_space<vmem_shared>> -> memref<10000x128xf32, #tpu.memory_space<vmem_shared>>
      tpu.enqueue_indirect_dma source(%arg9 : memref<128x128xf32, #tpu.memory_space<vmem>>) target(%dma_start3A_306 : memref<10000x128xf32, #tpu.memory_space<vmem_shared>>) offsets(%dma_start3A_303 : memref<128xi32, #tpu.memory_space<vmem>>) semaphore(%run_scoped3A_300 : memref<!tpu.dma_semaphore, #tpu.memory_space<semaphore_mem>>) {add = true}
      %dma_wait3A_307 = arith.constant 0 : i32
      %dma_wait3A_308 = tpu.memref_slice %arg6[%run_scoped3A_230, %dma_wait3A_307] : memref<39x128xi32, #tpu.memory_space<vmem>> -> memref<1x128xi32, #tpu.memory_space<vmem>>
      %dma_wait3A_309 = tpu.memref_squeeze %dma_wait3A_308 : memref<1x128xi32, #tpu.memory_space<vmem>> -> memref<128xi32, #tpu.memory_space<vmem>>
      %dma_wait3A_310 = arith.constant 0 : i32
      %dma_wait3A_311 = arith.constant 0 : i32
      %dma_wait3A_312 = tpu.memref_slice %arg10[%dma_wait3A_310, %dma_wait3A_311] : memref<10000x128xf32, #tpu.memory_space<vmem_shared>> -> memref<10000x128xf32, #tpu.memory_space<vmem_shared>>
      tpu.wait_indirect_dma semaphore(%run_scoped3A_300 : memref<!tpu.dma_semaphore, #tpu.memory_space<semaphore_mem>>) src(%arg9 : memref<128x128xf32, #tpu.memory_space<vmem>>) dst(%dma_wait3A_312 : memref<10000x128xf32, #tpu.memory_space<vmem_shared>>)
      tpu.yield
    }) : () -> ()
    %add3A_231 = arith.constant 3968 : i32
    %add3A_232 = arith.addi %mul3A_17, %add3A_231 : i32
    %dma_start3A_233 = tpu.memref_slice %arg2[%add3A_232, %mul3A_19] : memref<80000x256xf32, #tpu.memory_space<hbm>> -> memref<128x128xf32, #tpu.memory_space<hbm>>
    %dma_start3A_234 = tpu.memref_slice %arg2[%add3A_232, %mul3A_19] : memref<80000x256xf32, #tpu.memory_space<hbm>> -> memref<128x128xf32, #tpu.memory_space<hbm>>
    tpu.enqueue_dma source(%dma_start3A_234 : memref<128x128xf32, #tpu.memory_space<hbm>>) target(%arg9 : memref<128x128xf32, #tpu.memory_space<vmem>>) target_semaphore(%arg12 : memref<!tpu.dma_semaphore, #tpu.memory_space<semaphore_mem>>)
    %dma_wait3A_235 = tpu.memref_slice %arg2[%add3A_225, %mul3A_19] : memref<80000x256xf32, #tpu.memory_space<hbm>> -> memref<128x128xf32, #tpu.memory_space<hbm>>
    %dma_wait3A_236 = tpu.memref_slice %arg2[%add3A_225, %mul3A_19] : memref<80000x256xf32, #tpu.memory_space<hbm>> -> memref<128x128xf32, #tpu.memory_space<hbm>>
    tpu.wait_dma2 semaphore(%arg11 : memref<!tpu.dma_semaphore, #tpu.memory_space<semaphore_mem>>) src(%dma_wait3A_236 : memref<128x128xf32, #tpu.memory_space<hbm>>) dst(%arg8 : memref<128x128xf32, #tpu.memory_space<vmem>>)
    %run_scoped3A_237 = arith.constant 30 : i32
    "tpu.region"() ({
      %run_scoped3A_300 = tpu.sem_alloc : memref<!tpu.dma_semaphore, #tpu.memory_space<semaphore_mem>>
      %dma_start3A_301 = arith.constant 0 : i32
      %dma_start3A_302 = tpu.memref_slice %arg6[%run_scoped3A_237, %dma_start3A_301] : memref<39x128xi32, #tpu.memory_space<vmem>> -> memref<1x128xi32, #tpu.memory_space<vmem>>
      %dma_start3A_303 = tpu.memref_squeeze %dma_start3A_302 : memref<1x128xi32, #tpu.memory_space<vmem>> -> memref<128xi32, #tpu.memory_space<vmem>>
      %dma_start3A_304 = arith.constant 0 : i32
      %dma_start3A_305 = arith.constant 0 : i32
      %dma_start3A_306 = tpu.memref_slice %arg10[%dma_start3A_304, %dma_start3A_305] : memref<10000x128xf32, #tpu.memory_space<vmem_shared>> -> memref<10000x128xf32, #tpu.memory_space<vmem_shared>>
      tpu.enqueue_indirect_dma source(%arg8 : memref<128x128xf32, #tpu.memory_space<vmem>>) target(%dma_start3A_306 : memref<10000x128xf32, #tpu.memory_space<vmem_shared>>) offsets(%dma_start3A_303 : memref<128xi32, #tpu.memory_space<vmem>>) semaphore(%run_scoped3A_300 : memref<!tpu.dma_semaphore, #tpu.memory_space<semaphore_mem>>) {add = true}
      %dma_wait3A_307 = arith.constant 0 : i32
      %dma_wait3A_308 = tpu.memref_slice %arg6[%run_scoped3A_237, %dma_wait3A_307] : memref<39x128xi32, #tpu.memory_space<vmem>> -> memref<1x128xi32, #tpu.memory_space<vmem>>
      %dma_wait3A_309 = tpu.memref_squeeze %dma_wait3A_308 : memref<1x128xi32, #tpu.memory_space<vmem>> -> memref<128xi32, #tpu.memory_space<vmem>>
      %dma_wait3A_310 = arith.constant 0 : i32
      %dma_wait3A_311 = arith.constant 0 : i32
      %dma_wait3A_312 = tpu.memref_slice %arg10[%dma_wait3A_310, %dma_wait3A_311] : memref<10000x128xf32, #tpu.memory_space<vmem_shared>> -> memref<10000x128xf32, #tpu.memory_space<vmem_shared>>
      tpu.wait_indirect_dma semaphore(%run_scoped3A_300 : memref<!tpu.dma_semaphore, #tpu.memory_space<semaphore_mem>>) src(%arg8 : memref<128x128xf32, #tpu.memory_space<vmem>>) dst(%dma_wait3A_312 : memref<10000x128xf32, #tpu.memory_space<vmem_shared>>)
      tpu.yield
    }) : () -> ()
    %add3A_238 = arith.constant 4096 : i32
    %add3A_239 = arith.addi %mul3A_17, %add3A_238 : i32
    %dma_start3A_240 = tpu.memref_slice %arg2[%add3A_239, %mul3A_19] : memref<80000x256xf32, #tpu.memory_space<hbm>> -> memref<128x128xf32, #tpu.memory_space<hbm>>
    %dma_start3A_241 = tpu.memref_slice %arg2[%add3A_239, %mul3A_19] : memref<80000x256xf32, #tpu.memory_space<hbm>> -> memref<128x128xf32, #tpu.memory_space<hbm>>
    tpu.enqueue_dma source(%dma_start3A_241 : memref<128x128xf32, #tpu.memory_space<hbm>>) target(%arg8 : memref<128x128xf32, #tpu.memory_space<vmem>>) target_semaphore(%arg11 : memref<!tpu.dma_semaphore, #tpu.memory_space<semaphore_mem>>)
    %dma_wait3A_242 = tpu.memref_slice %arg2[%add3A_232, %mul3A_19] : memref<80000x256xf32, #tpu.memory_space<hbm>> -> memref<128x128xf32, #tpu.memory_space<hbm>>
    %dma_wait3A_243 = tpu.memref_slice %arg2[%add3A_232, %mul3A_19] : memref<80000x256xf32, #tpu.memory_space<hbm>> -> memref<128x128xf32, #tpu.memory_space<hbm>>
    tpu.wait_dma2 semaphore(%arg12 : memref<!tpu.dma_semaphore, #tpu.memory_space<semaphore_mem>>) src(%dma_wait3A_243 : memref<128x128xf32, #tpu.memory_space<hbm>>) dst(%arg9 : memref<128x128xf32, #tpu.memory_space<vmem>>)
    %run_scoped3A_244 = arith.constant 31 : i32
    "tpu.region"() ({
      %run_scoped3A_300 = tpu.sem_alloc : memref<!tpu.dma_semaphore, #tpu.memory_space<semaphore_mem>>
      %dma_start3A_301 = arith.constant 0 : i32
      %dma_start3A_302 = tpu.memref_slice %arg6[%run_scoped3A_244, %dma_start3A_301] : memref<39x128xi32, #tpu.memory_space<vmem>> -> memref<1x128xi32, #tpu.memory_space<vmem>>
      %dma_start3A_303 = tpu.memref_squeeze %dma_start3A_302 : memref<1x128xi32, #tpu.memory_space<vmem>> -> memref<128xi32, #tpu.memory_space<vmem>>
      %dma_start3A_304 = arith.constant 0 : i32
      %dma_start3A_305 = arith.constant 0 : i32
      %dma_start3A_306 = tpu.memref_slice %arg10[%dma_start3A_304, %dma_start3A_305] : memref<10000x128xf32, #tpu.memory_space<vmem_shared>> -> memref<10000x128xf32, #tpu.memory_space<vmem_shared>>
      tpu.enqueue_indirect_dma source(%arg9 : memref<128x128xf32, #tpu.memory_space<vmem>>) target(%dma_start3A_306 : memref<10000x128xf32, #tpu.memory_space<vmem_shared>>) offsets(%dma_start3A_303 : memref<128xi32, #tpu.memory_space<vmem>>) semaphore(%run_scoped3A_300 : memref<!tpu.dma_semaphore, #tpu.memory_space<semaphore_mem>>) {add = true}
      %dma_wait3A_307 = arith.constant 0 : i32
      %dma_wait3A_308 = tpu.memref_slice %arg6[%run_scoped3A_244, %dma_wait3A_307] : memref<39x128xi32, #tpu.memory_space<vmem>> -> memref<1x128xi32, #tpu.memory_space<vmem>>
      %dma_wait3A_309 = tpu.memref_squeeze %dma_wait3A_308 : memref<1x128xi32, #tpu.memory_space<vmem>> -> memref<128xi32, #tpu.memory_space<vmem>>
      %dma_wait3A_310 = arith.constant 0 : i32
      %dma_wait3A_311 = arith.constant 0 : i32
      %dma_wait3A_312 = tpu.memref_slice %arg10[%dma_wait3A_310, %dma_wait3A_311] : memref<10000x128xf32, #tpu.memory_space<vmem_shared>> -> memref<10000x128xf32, #tpu.memory_space<vmem_shared>>
      tpu.wait_indirect_dma semaphore(%run_scoped3A_300 : memref<!tpu.dma_semaphore, #tpu.memory_space<semaphore_mem>>) src(%arg9 : memref<128x128xf32, #tpu.memory_space<vmem>>) dst(%dma_wait3A_312 : memref<10000x128xf32, #tpu.memory_space<vmem_shared>>)
      tpu.yield
    }) : () -> ()
    %add3A_245 = arith.constant 4224 : i32
    %add3A_246 = arith.addi %mul3A_17, %add3A_245 : i32
    %dma_start3A_247 = tpu.memref_slice %arg2[%add3A_246, %mul3A_19] : memref<80000x256xf32, #tpu.memory_space<hbm>> -> memref<128x128xf32, #tpu.memory_space<hbm>>
    %dma_start3A_248 = tpu.memref_slice %arg2[%add3A_246, %mul3A_19] : memref<80000x256xf32, #tpu.memory_space<hbm>> -> memref<128x128xf32, #tpu.memory_space<hbm>>
    tpu.enqueue_dma source(%dma_start3A_248 : memref<128x128xf32, #tpu.memory_space<hbm>>) target(%arg9 : memref<128x128xf32, #tpu.memory_space<vmem>>) target_semaphore(%arg12 : memref<!tpu.dma_semaphore, #tpu.memory_space<semaphore_mem>>)
    %dma_wait3A_249 = tpu.memref_slice %arg2[%add3A_239, %mul3A_19] : memref<80000x256xf32, #tpu.memory_space<hbm>> -> memref<128x128xf32, #tpu.memory_space<hbm>>
    %dma_wait3A_250 = tpu.memref_slice %arg2[%add3A_239, %mul3A_19] : memref<80000x256xf32, #tpu.memory_space<hbm>> -> memref<128x128xf32, #tpu.memory_space<hbm>>
    tpu.wait_dma2 semaphore(%arg11 : memref<!tpu.dma_semaphore, #tpu.memory_space<semaphore_mem>>) src(%dma_wait3A_250 : memref<128x128xf32, #tpu.memory_space<hbm>>) dst(%arg8 : memref<128x128xf32, #tpu.memory_space<vmem>>)
    %run_scoped3A_251 = arith.constant 32 : i32
    "tpu.region"() ({
      %run_scoped3A_300 = tpu.sem_alloc : memref<!tpu.dma_semaphore, #tpu.memory_space<semaphore_mem>>
      %dma_start3A_301 = arith.constant 0 : i32
      %dma_start3A_302 = tpu.memref_slice %arg6[%run_scoped3A_251, %dma_start3A_301] : memref<39x128xi32, #tpu.memory_space<vmem>> -> memref<1x128xi32, #tpu.memory_space<vmem>>
      %dma_start3A_303 = tpu.memref_squeeze %dma_start3A_302 : memref<1x128xi32, #tpu.memory_space<vmem>> -> memref<128xi32, #tpu.memory_space<vmem>>
      %dma_start3A_304 = arith.constant 0 : i32
      %dma_start3A_305 = arith.constant 0 : i32
      %dma_start3A_306 = tpu.memref_slice %arg10[%dma_start3A_304, %dma_start3A_305] : memref<10000x128xf32, #tpu.memory_space<vmem_shared>> -> memref<10000x128xf32, #tpu.memory_space<vmem_shared>>
      tpu.enqueue_indirect_dma source(%arg8 : memref<128x128xf32, #tpu.memory_space<vmem>>) target(%dma_start3A_306 : memref<10000x128xf32, #tpu.memory_space<vmem_shared>>) offsets(%dma_start3A_303 : memref<128xi32, #tpu.memory_space<vmem>>) semaphore(%run_scoped3A_300 : memref<!tpu.dma_semaphore, #tpu.memory_space<semaphore_mem>>) {add = true}
      %dma_wait3A_307 = arith.constant 0 : i32
      %dma_wait3A_308 = tpu.memref_slice %arg6[%run_scoped3A_251, %dma_wait3A_307] : memref<39x128xi32, #tpu.memory_space<vmem>> -> memref<1x128xi32, #tpu.memory_space<vmem>>
      %dma_wait3A_309 = tpu.memref_squeeze %dma_wait3A_308 : memref<1x128xi32, #tpu.memory_space<vmem>> -> memref<128xi32, #tpu.memory_space<vmem>>
      %dma_wait3A_310 = arith.constant 0 : i32
      %dma_wait3A_311 = arith.constant 0 : i32
      %dma_wait3A_312 = tpu.memref_slice %arg10[%dma_wait3A_310, %dma_wait3A_311] : memref<10000x128xf32, #tpu.memory_space<vmem_shared>> -> memref<10000x128xf32, #tpu.memory_space<vmem_shared>>
      tpu.wait_indirect_dma semaphore(%run_scoped3A_300 : memref<!tpu.dma_semaphore, #tpu.memory_space<semaphore_mem>>) src(%arg8 : memref<128x128xf32, #tpu.memory_space<vmem>>) dst(%dma_wait3A_312 : memref<10000x128xf32, #tpu.memory_space<vmem_shared>>)
      tpu.yield
    }) : () -> ()
    %add3A_252 = arith.constant 4352 : i32
    %add3A_253 = arith.addi %mul3A_17, %add3A_252 : i32
    %dma_start3A_254 = tpu.memref_slice %arg2[%add3A_253, %mul3A_19] : memref<80000x256xf32, #tpu.memory_space<hbm>> -> memref<128x128xf32, #tpu.memory_space<hbm>>
    %dma_start3A_255 = tpu.memref_slice %arg2[%add3A_253, %mul3A_19] : memref<80000x256xf32, #tpu.memory_space<hbm>> -> memref<128x128xf32, #tpu.memory_space<hbm>>
    tpu.enqueue_dma source(%dma_start3A_255 : memref<128x128xf32, #tpu.memory_space<hbm>>) target(%arg8 : memref<128x128xf32, #tpu.memory_space<vmem>>) target_semaphore(%arg11 : memref<!tpu.dma_semaphore, #tpu.memory_space<semaphore_mem>>)
    %dma_wait3A_256 = tpu.memref_slice %arg2[%add3A_246, %mul3A_19] : memref<80000x256xf32, #tpu.memory_space<hbm>> -> memref<128x128xf32, #tpu.memory_space<hbm>>
    %dma_wait3A_257 = tpu.memref_slice %arg2[%add3A_246, %mul3A_19] : memref<80000x256xf32, #tpu.memory_space<hbm>> -> memref<128x128xf32, #tpu.memory_space<hbm>>
    tpu.wait_dma2 semaphore(%arg12 : memref<!tpu.dma_semaphore, #tpu.memory_space<semaphore_mem>>) src(%dma_wait3A_257 : memref<128x128xf32, #tpu.memory_space<hbm>>) dst(%arg9 : memref<128x128xf32, #tpu.memory_space<vmem>>)
    %run_scoped3A_258 = arith.constant 33 : i32
    "tpu.region"() ({
      %run_scoped3A_300 = tpu.sem_alloc : memref<!tpu.dma_semaphore, #tpu.memory_space<semaphore_mem>>
      %dma_start3A_301 = arith.constant 0 : i32
      %dma_start3A_302 = tpu.memref_slice %arg6[%run_scoped3A_258, %dma_start3A_301] : memref<39x128xi32, #tpu.memory_space<vmem>> -> memref<1x128xi32, #tpu.memory_space<vmem>>
      %dma_start3A_303 = tpu.memref_squeeze %dma_start3A_302 : memref<1x128xi32, #tpu.memory_space<vmem>> -> memref<128xi32, #tpu.memory_space<vmem>>
      %dma_start3A_304 = arith.constant 0 : i32
      %dma_start3A_305 = arith.constant 0 : i32
      %dma_start3A_306 = tpu.memref_slice %arg10[%dma_start3A_304, %dma_start3A_305] : memref<10000x128xf32, #tpu.memory_space<vmem_shared>> -> memref<10000x128xf32, #tpu.memory_space<vmem_shared>>
      tpu.enqueue_indirect_dma source(%arg9 : memref<128x128xf32, #tpu.memory_space<vmem>>) target(%dma_start3A_306 : memref<10000x128xf32, #tpu.memory_space<vmem_shared>>) offsets(%dma_start3A_303 : memref<128xi32, #tpu.memory_space<vmem>>) semaphore(%run_scoped3A_300 : memref<!tpu.dma_semaphore, #tpu.memory_space<semaphore_mem>>) {add = true}
      %dma_wait3A_307 = arith.constant 0 : i32
      %dma_wait3A_308 = tpu.memref_slice %arg6[%run_scoped3A_258, %dma_wait3A_307] : memref<39x128xi32, #tpu.memory_space<vmem>> -> memref<1x128xi32, #tpu.memory_space<vmem>>
      %dma_wait3A_309 = tpu.memref_squeeze %dma_wait3A_308 : memref<1x128xi32, #tpu.memory_space<vmem>> -> memref<128xi32, #tpu.memory_space<vmem>>
      %dma_wait3A_310 = arith.constant 0 : i32
      %dma_wait3A_311 = arith.constant 0 : i32
      %dma_wait3A_312 = tpu.memref_slice %arg10[%dma_wait3A_310, %dma_wait3A_311] : memref<10000x128xf32, #tpu.memory_space<vmem_shared>> -> memref<10000x128xf32, #tpu.memory_space<vmem_shared>>
      tpu.wait_indirect_dma semaphore(%run_scoped3A_300 : memref<!tpu.dma_semaphore, #tpu.memory_space<semaphore_mem>>) src(%arg9 : memref<128x128xf32, #tpu.memory_space<vmem>>) dst(%dma_wait3A_312 : memref<10000x128xf32, #tpu.memory_space<vmem_shared>>)
      tpu.yield
    }) : () -> ()
    %add3A_259 = arith.constant 4480 : i32
    %add3A_260 = arith.addi %mul3A_17, %add3A_259 : i32
    %dma_start3A_261 = tpu.memref_slice %arg2[%add3A_260, %mul3A_19] : memref<80000x256xf32, #tpu.memory_space<hbm>> -> memref<128x128xf32, #tpu.memory_space<hbm>>
    %dma_start3A_262 = tpu.memref_slice %arg2[%add3A_260, %mul3A_19] : memref<80000x256xf32, #tpu.memory_space<hbm>> -> memref<128x128xf32, #tpu.memory_space<hbm>>
    tpu.enqueue_dma source(%dma_start3A_262 : memref<128x128xf32, #tpu.memory_space<hbm>>) target(%arg9 : memref<128x128xf32, #tpu.memory_space<vmem>>) target_semaphore(%arg12 : memref<!tpu.dma_semaphore, #tpu.memory_space<semaphore_mem>>)
    %dma_wait3A_263 = tpu.memref_slice %arg2[%add3A_253, %mul3A_19] : memref<80000x256xf32, #tpu.memory_space<hbm>> -> memref<128x128xf32, #tpu.memory_space<hbm>>
    %dma_wait3A_264 = tpu.memref_slice %arg2[%add3A_253, %mul3A_19] : memref<80000x256xf32, #tpu.memory_space<hbm>> -> memref<128x128xf32, #tpu.memory_space<hbm>>
    tpu.wait_dma2 semaphore(%arg11 : memref<!tpu.dma_semaphore, #tpu.memory_space<semaphore_mem>>) src(%dma_wait3A_264 : memref<128x128xf32, #tpu.memory_space<hbm>>) dst(%arg8 : memref<128x128xf32, #tpu.memory_space<vmem>>)
    %run_scoped3A_265 = arith.constant 34 : i32
    "tpu.region"() ({
      %run_scoped3A_300 = tpu.sem_alloc : memref<!tpu.dma_semaphore, #tpu.memory_space<semaphore_mem>>
      %dma_start3A_301 = arith.constant 0 : i32
      %dma_start3A_302 = tpu.memref_slice %arg6[%run_scoped3A_265, %dma_start3A_301] : memref<39x128xi32, #tpu.memory_space<vmem>> -> memref<1x128xi32, #tpu.memory_space<vmem>>
      %dma_start3A_303 = tpu.memref_squeeze %dma_start3A_302 : memref<1x128xi32, #tpu.memory_space<vmem>> -> memref<128xi32, #tpu.memory_space<vmem>>
      %dma_start3A_304 = arith.constant 0 : i32
      %dma_start3A_305 = arith.constant 0 : i32
      %dma_start3A_306 = tpu.memref_slice %arg10[%dma_start3A_304, %dma_start3A_305] : memref<10000x128xf32, #tpu.memory_space<vmem_shared>> -> memref<10000x128xf32, #tpu.memory_space<vmem_shared>>
      tpu.enqueue_indirect_dma source(%arg8 : memref<128x128xf32, #tpu.memory_space<vmem>>) target(%dma_start3A_306 : memref<10000x128xf32, #tpu.memory_space<vmem_shared>>) offsets(%dma_start3A_303 : memref<128xi32, #tpu.memory_space<vmem>>) semaphore(%run_scoped3A_300 : memref<!tpu.dma_semaphore, #tpu.memory_space<semaphore_mem>>) {add = true}
      %dma_wait3A_307 = arith.constant 0 : i32
      %dma_wait3A_308 = tpu.memref_slice %arg6[%run_scoped3A_265, %dma_wait3A_307] : memref<39x128xi32, #tpu.memory_space<vmem>> -> memref<1x128xi32, #tpu.memory_space<vmem>>
      %dma_wait3A_309 = tpu.memref_squeeze %dma_wait3A_308 : memref<1x128xi32, #tpu.memory_space<vmem>> -> memref<128xi32, #tpu.memory_space<vmem>>
      %dma_wait3A_310 = arith.constant 0 : i32
      %dma_wait3A_311 = arith.constant 0 : i32
      %dma_wait3A_312 = tpu.memref_slice %arg10[%dma_wait3A_310, %dma_wait3A_311] : memref<10000x128xf32, #tpu.memory_space<vmem_shared>> -> memref<10000x128xf32, #tpu.memory_space<vmem_shared>>
      tpu.wait_indirect_dma semaphore(%run_scoped3A_300 : memref<!tpu.dma_semaphore, #tpu.memory_space<semaphore_mem>>) src(%arg8 : memref<128x128xf32, #tpu.memory_space<vmem>>) dst(%dma_wait3A_312 : memref<10000x128xf32, #tpu.memory_space<vmem_shared>>)
      tpu.yield
    }) : () -> ()
    %add3A_266 = arith.constant 4608 : i32
    %add3A_267 = arith.addi %mul3A_17, %add3A_266 : i32
    %dma_start3A_268 = tpu.memref_slice %arg2[%add3A_267, %mul3A_19] : memref<80000x256xf32, #tpu.memory_space<hbm>> -> memref<128x128xf32, #tpu.memory_space<hbm>>
    %dma_start3A_269 = tpu.memref_slice %arg2[%add3A_267, %mul3A_19] : memref<80000x256xf32, #tpu.memory_space<hbm>> -> memref<128x128xf32, #tpu.memory_space<hbm>>
    tpu.enqueue_dma source(%dma_start3A_269 : memref<128x128xf32, #tpu.memory_space<hbm>>) target(%arg8 : memref<128x128xf32, #tpu.memory_space<vmem>>) target_semaphore(%arg11 : memref<!tpu.dma_semaphore, #tpu.memory_space<semaphore_mem>>)
    %dma_wait3A_270 = tpu.memref_slice %arg2[%add3A_260, %mul3A_19] : memref<80000x256xf32, #tpu.memory_space<hbm>> -> memref<128x128xf32, #tpu.memory_space<hbm>>
    %dma_wait3A_271 = tpu.memref_slice %arg2[%add3A_260, %mul3A_19] : memref<80000x256xf32, #tpu.memory_space<hbm>> -> memref<128x128xf32, #tpu.memory_space<hbm>>
    tpu.wait_dma2 semaphore(%arg12 : memref<!tpu.dma_semaphore, #tpu.memory_space<semaphore_mem>>) src(%dma_wait3A_271 : memref<128x128xf32, #tpu.memory_space<hbm>>) dst(%arg9 : memref<128x128xf32, #tpu.memory_space<vmem>>)
    %run_scoped3A_272 = arith.constant 35 : i32
    "tpu.region"() ({
      %run_scoped3A_300 = tpu.sem_alloc : memref<!tpu.dma_semaphore, #tpu.memory_space<semaphore_mem>>
      %dma_start3A_301 = arith.constant 0 : i32
      %dma_start3A_302 = tpu.memref_slice %arg6[%run_scoped3A_272, %dma_start3A_301] : memref<39x128xi32, #tpu.memory_space<vmem>> -> memref<1x128xi32, #tpu.memory_space<vmem>>
      %dma_start3A_303 = tpu.memref_squeeze %dma_start3A_302 : memref<1x128xi32, #tpu.memory_space<vmem>> -> memref<128xi32, #tpu.memory_space<vmem>>
      %dma_start3A_304 = arith.constant 0 : i32
      %dma_start3A_305 = arith.constant 0 : i32
      %dma_start3A_306 = tpu.memref_slice %arg10[%dma_start3A_304, %dma_start3A_305] : memref<10000x128xf32, #tpu.memory_space<vmem_shared>> -> memref<10000x128xf32, #tpu.memory_space<vmem_shared>>
      tpu.enqueue_indirect_dma source(%arg9 : memref<128x128xf32, #tpu.memory_space<vmem>>) target(%dma_start3A_306 : memref<10000x128xf32, #tpu.memory_space<vmem_shared>>) offsets(%dma_start3A_303 : memref<128xi32, #tpu.memory_space<vmem>>) semaphore(%run_scoped3A_300 : memref<!tpu.dma_semaphore, #tpu.memory_space<semaphore_mem>>) {add = true}
      %dma_wait3A_307 = arith.constant 0 : i32
      %dma_wait3A_308 = tpu.memref_slice %arg6[%run_scoped3A_272, %dma_wait3A_307] : memref<39x128xi32, #tpu.memory_space<vmem>> -> memref<1x128xi32, #tpu.memory_space<vmem>>
      %dma_wait3A_309 = tpu.memref_squeeze %dma_wait3A_308 : memref<1x128xi32, #tpu.memory_space<vmem>> -> memref<128xi32, #tpu.memory_space<vmem>>
      %dma_wait3A_310 = arith.constant 0 : i32
      %dma_wait3A_311 = arith.constant 0 : i32
      %dma_wait3A_312 = tpu.memref_slice %arg10[%dma_wait3A_310, %dma_wait3A_311] : memref<10000x128xf32, #tpu.memory_space<vmem_shared>> -> memref<10000x128xf32, #tpu.memory_space<vmem_shared>>
      tpu.wait_indirect_dma semaphore(%run_scoped3A_300 : memref<!tpu.dma_semaphore, #tpu.memory_space<semaphore_mem>>) src(%arg9 : memref<128x128xf32, #tpu.memory_space<vmem>>) dst(%dma_wait3A_312 : memref<10000x128xf32, #tpu.memory_space<vmem_shared>>)
      tpu.yield
    }) : () -> ()
    %add3A_273 = arith.constant 4736 : i32
    %add3A_274 = arith.addi %mul3A_17, %add3A_273 : i32
    %dma_start3A_275 = tpu.memref_slice %arg2[%add3A_274, %mul3A_19] : memref<80000x256xf32, #tpu.memory_space<hbm>> -> memref<128x128xf32, #tpu.memory_space<hbm>>
    %dma_start3A_276 = tpu.memref_slice %arg2[%add3A_274, %mul3A_19] : memref<80000x256xf32, #tpu.memory_space<hbm>> -> memref<128x128xf32, #tpu.memory_space<hbm>>
    tpu.enqueue_dma source(%dma_start3A_276 : memref<128x128xf32, #tpu.memory_space<hbm>>) target(%arg9 : memref<128x128xf32, #tpu.memory_space<vmem>>) target_semaphore(%arg12 : memref<!tpu.dma_semaphore, #tpu.memory_space<semaphore_mem>>)
    %dma_wait3A_277 = tpu.memref_slice %arg2[%add3A_267, %mul3A_19] : memref<80000x256xf32, #tpu.memory_space<hbm>> -> memref<128x128xf32, #tpu.memory_space<hbm>>
    %dma_wait3A_278 = tpu.memref_slice %arg2[%add3A_267, %mul3A_19] : memref<80000x256xf32, #tpu.memory_space<hbm>> -> memref<128x128xf32, #tpu.memory_space<hbm>>
    tpu.wait_dma2 semaphore(%arg11 : memref<!tpu.dma_semaphore, #tpu.memory_space<semaphore_mem>>) src(%dma_wait3A_278 : memref<128x128xf32, #tpu.memory_space<hbm>>) dst(%arg8 : memref<128x128xf32, #tpu.memory_space<vmem>>)
    %run_scoped3A_279 = arith.constant 36 : i32
    "tpu.region"() ({
      %run_scoped3A_300 = tpu.sem_alloc : memref<!tpu.dma_semaphore, #tpu.memory_space<semaphore_mem>>
      %dma_start3A_301 = arith.constant 0 : i32
      %dma_start3A_302 = tpu.memref_slice %arg6[%run_scoped3A_279, %dma_start3A_301] : memref<39x128xi32, #tpu.memory_space<vmem>> -> memref<1x128xi32, #tpu.memory_space<vmem>>
      %dma_start3A_303 = tpu.memref_squeeze %dma_start3A_302 : memref<1x128xi32, #tpu.memory_space<vmem>> -> memref<128xi32, #tpu.memory_space<vmem>>
      %dma_start3A_304 = arith.constant 0 : i32
      %dma_start3A_305 = arith.constant 0 : i32
      %dma_start3A_306 = tpu.memref_slice %arg10[%dma_start3A_304, %dma_start3A_305] : memref<10000x128xf32, #tpu.memory_space<vmem_shared>> -> memref<10000x128xf32, #tpu.memory_space<vmem_shared>>
      tpu.enqueue_indirect_dma source(%arg8 : memref<128x128xf32, #tpu.memory_space<vmem>>) target(%dma_start3A_306 : memref<10000x128xf32, #tpu.memory_space<vmem_shared>>) offsets(%dma_start3A_303 : memref<128xi32, #tpu.memory_space<vmem>>) semaphore(%run_scoped3A_300 : memref<!tpu.dma_semaphore, #tpu.memory_space<semaphore_mem>>) {add = true}
      %dma_wait3A_307 = arith.constant 0 : i32
      %dma_wait3A_308 = tpu.memref_slice %arg6[%run_scoped3A_279, %dma_wait3A_307] : memref<39x128xi32, #tpu.memory_space<vmem>> -> memref<1x128xi32, #tpu.memory_space<vmem>>
      %dma_wait3A_309 = tpu.memref_squeeze %dma_wait3A_308 : memref<1x128xi32, #tpu.memory_space<vmem>> -> memref<128xi32, #tpu.memory_space<vmem>>
      %dma_wait3A_310 = arith.constant 0 : i32
      %dma_wait3A_311 = arith.constant 0 : i32
      %dma_wait3A_312 = tpu.memref_slice %arg10[%dma_wait3A_310, %dma_wait3A_311] : memref<10000x128xf32, #tpu.memory_space<vmem_shared>> -> memref<10000x128xf32, #tpu.memory_space<vmem_shared>>
      tpu.wait_indirect_dma semaphore(%run_scoped3A_300 : memref<!tpu.dma_semaphore, #tpu.memory_space<semaphore_mem>>) src(%arg8 : memref<128x128xf32, #tpu.memory_space<vmem>>) dst(%dma_wait3A_312 : memref<10000x128xf32, #tpu.memory_space<vmem_shared>>)
      tpu.yield
    }) : () -> ()
    %add3A_280 = arith.constant 4864 : i32
    %add3A_281 = arith.addi %mul3A_17, %add3A_280 : i32
    %dma_start3A_282 = tpu.memref_slice %arg2[%add3A_281, %mul3A_19] : memref<80000x256xf32, #tpu.memory_space<hbm>> -> memref<128x128xf32, #tpu.memory_space<hbm>>
    %dma_start3A_283 = tpu.memref_slice %arg2[%add3A_281, %mul3A_19] : memref<80000x256xf32, #tpu.memory_space<hbm>> -> memref<128x128xf32, #tpu.memory_space<hbm>>
    tpu.enqueue_dma source(%dma_start3A_283 : memref<128x128xf32, #tpu.memory_space<hbm>>) target(%arg8 : memref<128x128xf32, #tpu.memory_space<vmem>>) target_semaphore(%arg11 : memref<!tpu.dma_semaphore, #tpu.memory_space<semaphore_mem>>)
    %dma_wait3A_284 = tpu.memref_slice %arg2[%add3A_274, %mul3A_19] : memref<80000x256xf32, #tpu.memory_space<hbm>> -> memref<128x128xf32, #tpu.memory_space<hbm>>
    %dma_wait3A_285 = tpu.memref_slice %arg2[%add3A_274, %mul3A_19] : memref<80000x256xf32, #tpu.memory_space<hbm>> -> memref<128x128xf32, #tpu.memory_space<hbm>>
    tpu.wait_dma2 semaphore(%arg12 : memref<!tpu.dma_semaphore, #tpu.memory_space<semaphore_mem>>) src(%dma_wait3A_285 : memref<128x128xf32, #tpu.memory_space<hbm>>) dst(%arg9 : memref<128x128xf32, #tpu.memory_space<vmem>>)
    %run_scoped3A_286 = arith.constant 37 : i32
    "tpu.region"() ({
      %run_scoped3A_300 = tpu.sem_alloc : memref<!tpu.dma_semaphore, #tpu.memory_space<semaphore_mem>>
      %dma_start3A_301 = arith.constant 0 : i32
      %dma_start3A_302 = tpu.memref_slice %arg6[%run_scoped3A_286, %dma_start3A_301] : memref<39x128xi32, #tpu.memory_space<vmem>> -> memref<1x128xi32, #tpu.memory_space<vmem>>
      %dma_start3A_303 = tpu.memref_squeeze %dma_start3A_302 : memref<1x128xi32, #tpu.memory_space<vmem>> -> memref<128xi32, #tpu.memory_space<vmem>>
      %dma_start3A_304 = arith.constant 0 : i32
      %dma_start3A_305 = arith.constant 0 : i32
      %dma_start3A_306 = tpu.memref_slice %arg10[%dma_start3A_304, %dma_start3A_305] : memref<10000x128xf32, #tpu.memory_space<vmem_shared>> -> memref<10000x128xf32, #tpu.memory_space<vmem_shared>>
      tpu.enqueue_indirect_dma source(%arg9 : memref<128x128xf32, #tpu.memory_space<vmem>>) target(%dma_start3A_306 : memref<10000x128xf32, #tpu.memory_space<vmem_shared>>) offsets(%dma_start3A_303 : memref<128xi32, #tpu.memory_space<vmem>>) semaphore(%run_scoped3A_300 : memref<!tpu.dma_semaphore, #tpu.memory_space<semaphore_mem>>) {add = true}
      %dma_wait3A_307 = arith.constant 0 : i32
      %dma_wait3A_308 = tpu.memref_slice %arg6[%run_scoped3A_286, %dma_wait3A_307] : memref<39x128xi32, #tpu.memory_space<vmem>> -> memref<1x128xi32, #tpu.memory_space<vmem>>
      %dma_wait3A_309 = tpu.memref_squeeze %dma_wait3A_308 : memref<1x128xi32, #tpu.memory_space<vmem>> -> memref<128xi32, #tpu.memory_space<vmem>>
      %dma_wait3A_310 = arith.constant 0 : i32
      %dma_wait3A_311 = arith.constant 0 : i32
      %dma_wait3A_312 = tpu.memref_slice %arg10[%dma_wait3A_310, %dma_wait3A_311] : memref<10000x128xf32, #tpu.memory_space<vmem_shared>> -> memref<10000x128xf32, #tpu.memory_space<vmem_shared>>
      tpu.wait_indirect_dma semaphore(%run_scoped3A_300 : memref<!tpu.dma_semaphore, #tpu.memory_space<semaphore_mem>>) src(%arg9 : memref<128x128xf32, #tpu.memory_space<vmem>>) dst(%dma_wait3A_312 : memref<10000x128xf32, #tpu.memory_space<vmem_shared>>)
      tpu.yield
    }) : () -> ()
    %dma_wait3A_287 = tpu.memref_slice %arg2[%add3A_281, %mul3A_19] : memref<80000x256xf32, #tpu.memory_space<hbm>> -> memref<128x128xf32, #tpu.memory_space<hbm>>
    %dma_wait3A_288 = tpu.memref_slice %arg2[%add3A_281, %mul3A_19] : memref<80000x256xf32, #tpu.memory_space<hbm>> -> memref<128x128xf32, #tpu.memory_space<hbm>>
    tpu.wait_dma2 semaphore(%arg11 : memref<!tpu.dma_semaphore, #tpu.memory_space<semaphore_mem>>) src(%dma_wait3A_288 : memref<128x128xf32, #tpu.memory_space<hbm>>) dst(%arg8 : memref<128x128xf32, #tpu.memory_space<vmem>>)
    %run_scoped3A_289 = arith.constant 38 : i32
    "tpu.region"() ({
      %run_scoped3A_300 = tpu.sem_alloc : memref<!tpu.dma_semaphore, #tpu.memory_space<semaphore_mem>>
      %dma_start3A_301 = arith.constant 0 : i32
      %dma_start3A_302 = tpu.memref_slice %arg6[%run_scoped3A_289, %dma_start3A_301] : memref<39x128xi32, #tpu.memory_space<vmem>> -> memref<1x128xi32, #tpu.memory_space<vmem>>
      %dma_start3A_303 = tpu.memref_squeeze %dma_start3A_302 : memref<1x128xi32, #tpu.memory_space<vmem>> -> memref<128xi32, #tpu.memory_space<vmem>>
      %dma_start3A_304 = arith.constant 0 : i32
      %dma_start3A_305 = arith.constant 0 : i32
      %dma_start3A_306 = tpu.memref_slice %arg10[%dma_start3A_304, %dma_start3A_305] : memref<10000x128xf32, #tpu.memory_space<vmem_shared>> -> memref<10000x128xf32, #tpu.memory_space<vmem_shared>>
      tpu.enqueue_indirect_dma source(%arg8 : memref<128x128xf32, #tpu.memory_space<vmem>>) target(%dma_start3A_306 : memref<10000x128xf32, #tpu.memory_space<vmem_shared>>) offsets(%dma_start3A_303 : memref<128xi32, #tpu.memory_space<vmem>>) semaphore(%run_scoped3A_300 : memref<!tpu.dma_semaphore, #tpu.memory_space<semaphore_mem>>) {add = true}
      %dma_wait3A_307 = arith.constant 0 : i32
      %dma_wait3A_308 = tpu.memref_slice %arg6[%run_scoped3A_289, %dma_wait3A_307] : memref<39x128xi32, #tpu.memory_space<vmem>> -> memref<1x128xi32, #tpu.memory_space<vmem>>
      %dma_wait3A_309 = tpu.memref_squeeze %dma_wait3A_308 : memref<1x128xi32, #tpu.memory_space<vmem>> -> memref<128xi32, #tpu.memory_space<vmem>>
      %dma_wait3A_310 = arith.constant 0 : i32
      %dma_wait3A_311 = arith.constant 0 : i32
      %dma_wait3A_312 = tpu.memref_slice %arg10[%dma_wait3A_310, %dma_wait3A_311] : memref<10000x128xf32, #tpu.memory_space<vmem_shared>> -> memref<10000x128xf32, #tpu.memory_space<vmem_shared>>
      tpu.wait_indirect_dma semaphore(%run_scoped3A_300 : memref<!tpu.dma_semaphore, #tpu.memory_space<semaphore_mem>>) src(%arg8 : memref<128x128xf32, #tpu.memory_space<vmem>>) dst(%dma_wait3A_312 : memref<10000x128xf32, #tpu.memory_space<vmem_shared>>)
      tpu.yield
    }) : () -> ()
    %add3A_290 = arith.constant 4992 : i32
    %add3A_291 = arith.addi %mul3A_17, %add3A_290 : i32
    "tpu.region"() ({
      %run_scoped3A_300 = tpu.sem_alloc : memref<!tpu.dma_semaphore, #tpu.memory_space<semaphore_mem>>
      %dma_start3A_301 = arith.constant 0 : i32
      %dma_start3A_302 = arith.constant 0 : i32
      %dma_start3A_303 = tpu.memref_slice %arg8[%dma_start3A_301, %dma_start3A_302] : memref<128x128xf32, #tpu.memory_space<vmem>> -> memref<8x128xf32, #tpu.memory_space<vmem>>
      %dma_start3A_304 = tpu.memref_slice %arg2[%add3A_291, %mul3A_19] : memref<80000x256xf32, #tpu.memory_space<hbm>> -> memref<8x128xf32, #tpu.memory_space<hbm>>
      %dma_start3A_305 = arith.constant 0 : i32
      %dma_start3A_306 = arith.constant 0 : i32
      %dma_start3A_307 = tpu.memref_slice %arg8[%dma_start3A_305, %dma_start3A_306] : memref<128x128xf32, #tpu.memory_space<vmem>> -> memref<8x128xf32, #tpu.memory_space<vmem>>
      %dma_start3A_308 = tpu.memref_slice %arg2[%add3A_291, %mul3A_19] : memref<80000x256xf32, #tpu.memory_space<hbm>> -> memref<8x128xf32, #tpu.memory_space<hbm>>
      tpu.enqueue_dma source(%dma_start3A_308 : memref<8x128xf32, #tpu.memory_space<hbm>>) target(%dma_start3A_307 : memref<8x128xf32, #tpu.memory_space<vmem>>) target_semaphore(%run_scoped3A_300 : memref<!tpu.dma_semaphore, #tpu.memory_space<semaphore_mem>>)
      %dma_wait3A_309 = arith.constant 0 : i32
      %dma_wait3A_310 = arith.constant 0 : i32
      %dma_wait3A_311 = tpu.memref_slice %arg8[%dma_wait3A_309, %dma_wait3A_310] : memref<128x128xf32, #tpu.memory_space<vmem>> -> memref<8x128xf32, #tpu.memory_space<vmem>>
      %dma_wait3A_312 = tpu.memref_slice %arg2[%add3A_291, %mul3A_19] : memref<80000x256xf32, #tpu.memory_space<hbm>> -> memref<8x128xf32, #tpu.memory_space<hbm>>
      %dma_wait3A_313 = arith.constant 0 : i32
      %dma_wait3A_314 = arith.constant 0 : i32
      %dma_wait3A_315 = tpu.memref_slice %arg8[%dma_wait3A_313, %dma_wait3A_314] : memref<128x128xf32, #tpu.memory_space<vmem>> -> memref<8x128xf32, #tpu.memory_space<vmem>>
      %dma_wait3A_316 = tpu.memref_slice %arg2[%add3A_291, %mul3A_19] : memref<80000x256xf32, #tpu.memory_space<hbm>> -> memref<8x128xf32, #tpu.memory_space<hbm>>
      tpu.wait_dma2 semaphore(%run_scoped3A_300 : memref<!tpu.dma_semaphore, #tpu.memory_space<semaphore_mem>>) src(%dma_wait3A_316 : memref<8x128xf32, #tpu.memory_space<hbm>>) dst(%dma_wait3A_315 : memref<8x128xf32, #tpu.memory_space<vmem>>)
      tpu.yield
    }) : () -> ()
    "tpu.region"() ({
      %run_scoped3A_300 = tpu.sem_alloc : memref<!tpu.dma_semaphore, #tpu.memory_space<semaphore_mem>>
      %dma_start3A_301 = arith.constant 0 : i32
      %dma_start3A_302 = arith.constant 0 : i32
      %dma_start3A_303 = tpu.memref_slice %arg8[%dma_start3A_301, %dma_start3A_302] : memref<128x128xf32, #tpu.memory_space<vmem>> -> memref<8x128xf32, #tpu.memory_space<vmem>>
      %dma_start3A_304 = arith.constant 0 : i32
      %dma_start3A_305 = arith.constant 0 : i32
      %dma_start3A_306 = tpu.memref_slice %arg10[%dma_start3A_304, %dma_start3A_305] : memref<10000x128xf32, #tpu.memory_space<vmem_shared>> -> memref<10000x128xf32, #tpu.memory_space<vmem_shared>>
      tpu.enqueue_indirect_dma source(%dma_start3A_303 : memref<8x128xf32, #tpu.memory_space<vmem>>) target(%dma_start3A_306 : memref<10000x128xf32, #tpu.memory_space<vmem_shared>>) offsets(%arg7 : memref<8xi32, #tpu.memory_space<vmem>>) semaphore(%run_scoped3A_300 : memref<!tpu.dma_semaphore, #tpu.memory_space<semaphore_mem>>) {add = true}
      %dma_wait3A_307 = arith.constant 0 : i32
      %dma_wait3A_308 = arith.constant 0 : i32
      %dma_wait3A_309 = tpu.memref_slice %arg8[%dma_wait3A_307, %dma_wait3A_308] : memref<128x128xf32, #tpu.memory_space<vmem>> -> memref<8x128xf32, #tpu.memory_space<vmem>>
      %dma_wait3A_310 = arith.constant 0 : i32
      %dma_wait3A_311 = arith.constant 0 : i32
      %dma_wait3A_312 = tpu.memref_slice %arg10[%dma_wait3A_310, %dma_wait3A_311] : memref<10000x128xf32, #tpu.memory_space<vmem_shared>> -> memref<10000x128xf32, #tpu.memory_space<vmem_shared>>
      tpu.wait_indirect_dma semaphore(%run_scoped3A_300 : memref<!tpu.dma_semaphore, #tpu.memory_space<semaphore_mem>>) src(%dma_wait3A_309 : memref<8x128xf32, #tpu.memory_space<vmem>>) dst(%dma_wait3A_312 : memref<10000x128xf32, #tpu.memory_space<vmem_shared>>)
      tpu.yield
    }) : () -> ()
    %barrier3A_292 = arith.constant 0 : index
    tpu.barrier barrier_id(%barrier3A_292)
    %mul3A_293 = arith.constant 128 : i32
    %mul3A_294 = arith.muli %arg0, %mul3A_293 : i32
    "tpu.region"() ({
      %run_scoped3A_300 = tpu.sem_alloc : memref<!tpu.dma_semaphore, #tpu.memory_space<semaphore_mem>>
      %dma_start3A_301 = tpu.memref_slice %arg5[%mul3A_4, %mul3A_294] : memref<10000x256xf32, #tpu.memory_space<hbm>> -> memref<624x128xf32, #tpu.memory_space<hbm>>
      %dma_start3A_302 = arith.constant 0 : i32
      %dma_start3A_303 = tpu.memref_slice %arg10[%mul3A_4, %dma_start3A_302] : memref<10000x128xf32, #tpu.memory_space<vmem_shared>> -> memref<624x128xf32, #tpu.memory_space<vmem_shared>>
      tpu.enqueue_dma source(%dma_start3A_303 : memref<624x128xf32, #tpu.memory_space<vmem_shared>>) target(%dma_start3A_301 : memref<624x128xf32, #tpu.memory_space<hbm>>) target_semaphore(%run_scoped3A_300 : memref<!tpu.dma_semaphore, #tpu.memory_space<semaphore_mem>>)
      %dma_wait3A_304 = tpu.memref_slice %arg5[%mul3A_4, %mul3A_294] : memref<10000x256xf32, #tpu.memory_space<hbm>> -> memref<624x128xf32, #tpu.memory_space<hbm>>
      %dma_wait3A_305 = arith.constant 0 : i32
      %dma_wait3A_306 = tpu.memref_slice %arg10[%mul3A_4, %dma_wait3A_305] : memref<10000x128xf32, #tpu.memory_space<vmem_shared>> -> memref<624x128xf32, #tpu.memory_space<vmem_shared>>
      tpu.wait_dma2 semaphore(%run_scoped3A_300 : memref<!tpu.dma_semaphore, #tpu.memory_space<semaphore_mem>>) src(%dma_wait3A_306 : memref<624x128xf32, #tpu.memory_space<vmem_shared>>) dst(%dma_wait3A_304 : memref<624x128xf32, #tpu.memory_space<hbm>>)
      tpu.yield
    }) : () -> ()
    %eq3A_295 = arith.constant 15 : i32
    %eq3A_296 = arith.cmpi eq, %arg1, %eq3A_295 : i32
    %convert_element_type3A_297 = arith.extui %eq3A_296 : i1 to i32
    %cond3A_298 = arith.constant 0 : i32
    %cond3A_299 = arith.cmpi ne, %convert_element_type3A_297, %cond3A_298 : i32
    scf.if %cond3A_299 {
      %mul3A_300 = arith.constant 128 : i32
      %mul3A_301 = arith.muli %arg0, %mul3A_300 : i32
      "tpu.region"() ({
        %run_scoped3A_302 = tpu.sem_alloc : memref<!tpu.dma_semaphore, #tpu.memory_space<semaphore_mem>>
        %dma_start3A_303 = arith.constant 9984 : i32
        %dma_start3A_304 = tpu.memref_slice %arg5[%dma_start3A_303, %mul3A_301] : memref<10000x256xf32, #tpu.memory_space<hbm>> -> memref<16x128xf32, #tpu.memory_space<hbm>>
        %dma_start3A_305 = arith.constant 9984 : i32
        %dma_start3A_306 = arith.constant 0 : i32
        %dma_start3A_307 = tpu.memref_slice %arg10[%dma_start3A_305, %dma_start3A_306] : memref<10000x128xf32, #tpu.memory_space<vmem_shared>> -> memref<16x128xf32, #tpu.memory_space<vmem_shared>>
        tpu.enqueue_dma source(%dma_start3A_307 : memref<16x128xf32, #tpu.memory_space<vmem_shared>>) target(%dma_start3A_304 : memref<16x128xf32, #tpu.memory_space<hbm>>) target_semaphore(%run_scoped3A_302 : memref<!tpu.dma_semaphore, #tpu.memory_space<semaphore_mem>>)
        %dma_wait3A_308 = arith.constant 9984 : i32
        %dma_wait3A_309 = tpu.memref_slice %arg5[%dma_wait3A_308, %mul3A_301] : memref<10000x256xf32, #tpu.memory_space<hbm>> -> memref<16x128xf32, #tpu.memory_space<hbm>>
        %dma_wait3A_310 = arith.constant 9984 : i32
        %dma_wait3A_311 = arith.constant 0 : i32
        %dma_wait3A_312 = tpu.memref_slice %arg10[%dma_wait3A_310, %dma_wait3A_311] : memref<10000x128xf32, #tpu.memory_space<vmem_shared>> -> memref<16x128xf32, #tpu.memory_space<vmem_shared>>
        tpu.wait_dma2 semaphore(%run_scoped3A_302 : memref<!tpu.dma_semaphore, #tpu.memory_space<semaphore_mem>>) src(%dma_wait3A_312 : memref<16x128xf32, #tpu.memory_space<vmem_shared>>) dst(%dma_wait3A_309 : memref<16x128xf32, #tpu.memory_space<hbm>>)
        tpu.yield
      }) : () -> ()
    } else {
    }
    return
  }
}

#map = affine_map<(d0, d1) -> (0, 0)>
#map1 = affine_map<(d0, d1) -> (0, 0, 0)>
module attributes {stable_mosaic.version = 14 : i64} {
  func.func @k(%arg0: i32, %arg1: i32, %arg2: memref<80000x256xf32, #tpu.memory_space<hbm>>, %arg3: memref<16x39x128xi32, #tpu.memory_space<hbm>>, %arg4: memref<16x8xi32, #tpu.memory_space<hbm>>, %arg5: memref<10000x256xf32, #tpu.memory_space<hbm>>, %arg6: memref<39x128xi32, #tpu.memory_space<vmem>>, %arg7: memref<8xi32, #tpu.memory_space<vmem>>, %arg8: memref<128x128xf32, #tpu.memory_space<vmem>>, %arg9: memref<128x128xf32, #tpu.memory_space<vmem>>, %arg10: memref<10000x128xf32, #tpu.memory_space<vmem_shared>>, %arg11: memref<!tpu.dma_semaphore, #tpu.memory_space<semaphore_mem>>, %arg12: memref<!tpu.dma_semaphore, #tpu.memory_space<semaphore_mem>>) attributes {dimension_semantics = [#tpu.dimension_semantics<core_parallel>, #tpu.dimension_semantics<subcore_parallel>], iteration_bounds = array<i64: 2, 16>, scalar_prefetch = 0 : i64, scratch_operands = 7 : i64, tpu.core_type = #tpu.core_type<sc_vector_subcore>, window_params = [{transform_indices = #map}, {transform_indices = #map1}, {transform_indices = #map}, {transform_indices = #map}]} {
    %scan3A = arith.constant 0 : i32
    %scan3A_0 = arith.constant 128 : i32
    %scan3A_1 = arith.addi %scan3A, %scan3A_0 : i32
    %scan3A_2 = arith.constant 1 : i32
    scf.for %scan3A_300 = %scan3A to %scan3A_1 step %scan3A_2  : i32 {
      %mul3A_301 = arith.constant 1 : i32
      %mul3A_302 = arith.muli %scan3A_300, %mul3A_301 : i32
      %add3A_303 = arith.constant 0 : i32
      %add3A_304 = arith.addi %add3A_303, %mul3A_302 : i32
      %scan3A_305 = arith.constant 0 : i32
      %scan3A_306 = arith.constant 8 : i32
      %scan3A_307 = arith.addi %scan3A_305, %scan3A_306 : i32
      %scan3A_308 = arith.constant 1 : i32
      scf.for %scan3A_310 = %scan3A_305 to %scan3A_307 step %scan3A_308  : i32 {
        %mul3A_311 = arith.constant 16 : i32
        %mul3A_312 = arith.muli %scan3A_310, %mul3A_311 : i32
        %add3A_313 = arith.constant 0 : i32
        %add3A_314 = arith.addi %add3A_313, %mul3A_312 : i32
        %broadcast_in_dim3A = arith.constant 0.000000e+00 : f32
        %broadcast_in_dim3A_315 = vector.broadcast %broadcast_in_dim3A : f32 to vector<16xf32>
        %swap3A = arith.index_cast %add3A_304 : i32 to index
        %swap3A_316 = arith.index_cast %add3A_314 : i32 to index
        %swap3A_317 = tpu.vector_load %arg8[%swap3A, %swap3A_316] {strides = array<i32>} : memref<128x128xf32, #tpu.memory_space<vmem>>, vector<1x16xf32>,
        %swap3A_318 = vector.shape_cast %swap3A_317 : vector<1x16xf32> to vector<16xf32>
        %swap3A_319 = vector.shape_cast %broadcast_in_dim3A_315 : vector<16xf32> to vector<1x16xf32>
        tpu.vector_store %arg8[%swap3A, %swap3A_316], %swap3A_319 {strides = array<i32>} : memref<128x128xf32, #tpu.memory_space<vmem>>, vector<1x16xf32>,
      }
      %scan3A_309 = arith.constant 8 : i32
    }
    %scan3A_3 = arith.constant 128 : i32
    %mul3A = arith.constant 624 : i32
    %mul3A_4 = arith.muli %arg1, %mul3A : i32
    %add3A = arith.constant 0 : i32
    %add3A_5 = arith.addi %mul3A_4, %add3A : i32
    "tpu.region"() ({
      %run_scoped3A_300 = tpu.sem_alloc : memref<!tpu.dma_semaphore, #tpu.memory_space<semaphore_mem>>
      %dma_start3A_301 = arith.constant 0 : i32
      %dma_start3A_302 = tpu.memref_slice %arg10[%add3A_5, %dma_start3A_301] : memref<10000x128xf32, #tpu.memory_space<vmem_shared>> -> memref<128x128xf32, #tpu.memory_space<vmem_shared>>
      %dma_start3A_303 = arith.constant 0 : i32
      %dma_start3A_304 = tpu.memref_slice %arg10[%add3A_5, %dma_start3A_303] : memref<10000x128xf32, #tpu.memory_space<vmem_shared>> -> memref<128x128xf32, #tpu.memory_space<vmem_shared>>
      tpu.enqueue_dma source(%arg8 : memref<128x128xf32, #tpu.memory_space<vmem>>) target(%dma_start3A_304 : memref<128x128xf32, #tpu.memory_space<vmem_shared>>) target_semaphore(%run_scoped3A_300 : memref<!tpu.dma_semaphore, #tpu.memory_space<semaphore_mem>>)
      %dma_wait3A_305 = arith.constant 0 : i32
      %dma_wait3A_306 = tpu.memref_slice %arg10[%add3A_5, %dma_wait3A_305] : memref<10000x128xf32, #tpu.memory_space<vmem_shared>> -> memref<128x128xf32, #tpu.memory_space<vmem_shared>>
      %dma_wait3A_307 = arith.constant 0 : i32
      %dma_wait3A_308 = tpu.memref_slice %arg10[%add3A_5, %dma_wait3A_307] : memref<10000x128xf32, #tpu.memory_space<vmem_shared>> -> memref<128x128xf32, #tpu.memory_space<vmem_shared>>
      tpu.wait_dma2 semaphore(%run_scoped3A_300 : memref<!tpu.dma_semaphore, #tpu.memory_space<semaphore_mem>>) src(%arg8 : memref<128x128xf32, #tpu.memory_space<vmem>>) dst(%dma_wait3A_308 : memref<128x128xf32, #tpu.memory_space<vmem_shared>>)
      tpu.yield
    }) : () -> ()
    %add3A_6 = arith.constant 128 : i32
    %add3A_7 = arith.addi %mul3A_4, %add3A_6 : i32
    "tpu.region"() ({
      %run_scoped3A_300 = tpu.sem_alloc : memref<!tpu.dma_semaphore, #tpu.memory_space<semaphore_mem>>
      %dma_start3A_301 = arith.constant 0 : i32
      %dma_start3A_302 = tpu.memref_slice %arg10[%add3A_7, %dma_start3A_301] : memref<10000x128xf32, #tpu.memory_space<vmem_shared>> -> memref<128x128xf32, #tpu.memory_space<vmem_shared>>
      %dma_start3A_303 = arith.constant 0 : i32
      %dma_start3A_304 = tpu.memref_slice %arg10[%add3A_7, %dma_start3A_303] : memref<10000x128xf32, #tpu.memory_space<vmem_shared>> -> memref<128x128xf32, #tpu.memory_space<vmem_shared>>
      tpu.enqueue_dma source(%arg8 : memref<128x128xf32, #tpu.memory_space<vmem>>) target(%dma_start3A_304 : memref<128x128xf32, #tpu.memory_space<vmem_shared>>) target_semaphore(%run_scoped3A_300 : memref<!tpu.dma_semaphore, #tpu.memory_space<semaphore_mem>>)
      %dma_wait3A_305 = arith.constant 0 : i32
      %dma_wait3A_306 = tpu.memref_slice %arg10[%add3A_7, %dma_wait3A_305] : memref<10000x128xf32, #tpu.memory_space<vmem_shared>> -> memref<128x128xf32, #tpu.memory_space<vmem_shared>>
      %dma_wait3A_307 = arith.constant 0 : i32
      %dma_wait3A_308 = tpu.memref_slice %arg10[%add3A_7, %dma_wait3A_307] : memref<10000x128xf32, #tpu.memory_space<vmem_shared>> -> memref<128x128xf32, #tpu.memory_space<vmem_shared>>
      tpu.wait_dma2 semaphore(%run_scoped3A_300 : memref<!tpu.dma_semaphore, #tpu.memory_space<semaphore_mem>>) src(%arg8 : memref<128x128xf32, #tpu.memory_space<vmem>>) dst(%dma_wait3A_308 : memref<128x128xf32, #tpu.memory_space<vmem_shared>>)
      tpu.yield
    }) : () -> ()
    %add3A_8 = arith.constant 256 : i32
    %add3A_9 = arith.addi %mul3A_4, %add3A_8 : i32
    "tpu.region"() ({
      %run_scoped3A_300 = tpu.sem_alloc : memref<!tpu.dma_semaphore, #tpu.memory_space<semaphore_mem>>
      %dma_start3A_301 = arith.constant 0 : i32
      %dma_start3A_302 = tpu.memref_slice %arg10[%add3A_9, %dma_start3A_301] : memref<10000x128xf32, #tpu.memory_space<vmem_shared>> -> memref<128x128xf32, #tpu.memory_space<vmem_shared>>
      %dma_start3A_303 = arith.constant 0 : i32
      %dma_start3A_304 = tpu.memref_slice %arg10[%add3A_9, %dma_start3A_303] : memref<10000x128xf32, #tpu.memory_space<vmem_shared>> -> memref<128x128xf32, #tpu.memory_space<vmem_shared>>
      tpu.enqueue_dma source(%arg8 : memref<128x128xf32, #tpu.memory_space<vmem>>) target(%dma_start3A_304 : memref<128x128xf32, #tpu.memory_space<vmem_shared>>) target_semaphore(%run_scoped3A_300 : memref<!tpu.dma_semaphore, #tpu.memory_space<semaphore_mem>>)
      %dma_wait3A_305 = arith.constant 0 : i32
      %dma_wait3A_306 = tpu.memref_slice %arg10[%add3A_9, %dma_wait3A_305] : memref<10000x128xf32, #tpu.memory_space<vmem_shared>> -> memref<128x128xf32, #tpu.memory_space<vmem_shared>>
      %dma_wait3A_307 = arith.constant 0 : i32
      %dma_wait3A_308 = tpu.memref_slice %arg10[%add3A_9, %dma_wait3A_307] : memref<10000x128xf32, #tpu.memory_space<vmem_shared>> -> memref<128x128xf32, #tpu.memory_space<vmem_shared>>
      tpu.wait_dma2 semaphore(%run_scoped3A_300 : memref<!tpu.dma_semaphore, #tpu.memory_space<semaphore_mem>>) src(%arg8 : memref<128x128xf32, #tpu.memory_space<vmem>>) dst(%dma_wait3A_308 : memref<128x128xf32, #tpu.memory_space<vmem_shared>>)
      tpu.yield
    }) : () -> ()
    %add3A_10 = arith.constant 384 : i32
    %add3A_11 = arith.addi %mul3A_4, %add3A_10 : i32
    "tpu.region"() ({
      %run_scoped3A_300 = tpu.sem_alloc : memref<!tpu.dma_semaphore, #tpu.memory_space<semaphore_mem>>
      %dma_start3A_301 = arith.constant 0 : i32
      %dma_start3A_302 = tpu.memref_slice %arg10[%add3A_11, %dma_start3A_301] : memref<10000x128xf32, #tpu.memory_space<vmem_shared>> -> memref<128x128xf32, #tpu.memory_space<vmem_shared>>
      %dma_start3A_303 = arith.constant 0 : i32
      %dma_start3A_304 = tpu.memref_slice %arg10[%add3A_11, %dma_start3A_303] : memref<10000x128xf32, #tpu.memory_space<vmem_shared>> -> memref<128x128xf32, #tpu.memory_space<vmem_shared>>
      tpu.enqueue_dma source(%arg8 : memref<128x128xf32, #tpu.memory_space<vmem>>) target(%dma_start3A_304 : memref<128x128xf32, #tpu.memory_space<vmem_shared>>) target_semaphore(%run_scoped3A_300 : memref<!tpu.dma_semaphore, #tpu.memory_space<semaphore_mem>>)
      %dma_wait3A_305 = arith.constant 0 : i32
      %dma_wait3A_306 = tpu.memref_slice %arg10[%add3A_11, %dma_wait3A_305] : memref<10000x128xf32, #tpu.memory_space<vmem_shared>> -> memref<128x128xf32, #tpu.memory_space<vmem_shared>>
      %dma_wait3A_307 = arith.constant 0 : i32
      %dma_wait3A_308 = tpu.memref_slice %arg10[%add3A_11, %dma_wait3A_307] : memref<10000x128xf32, #tpu.memory_space<vmem_shared>> -> memref<128x128xf32, #tpu.memory_space<vmem_shared>>
      tpu.wait_dma2 semaphore(%run_scoped3A_300 : memref<!tpu.dma_semaphore, #tpu.memory_space<semaphore_mem>>) src(%arg8 : memref<128x128xf32, #tpu.memory_space<vmem>>) dst(%dma_wait3A_308 : memref<128x128xf32, #tpu.memory_space<vmem_shared>>)
      tpu.yield
    }) : () -> ()
    %add3A_12 = arith.constant 512 : i32
    %add3A_13 = arith.addi %mul3A_4, %add3A_12 : i32
    "tpu.region"() ({
      %run_scoped3A_300 = tpu.sem_alloc : memref<!tpu.dma_semaphore, #tpu.memory_space<semaphore_mem>>
      %dma_start3A_301 = arith.constant 0 : i32
      %dma_start3A_302 = arith.constant 0 : i32
      %dma_start3A_303 = tpu.memref_slice %arg8[%dma_start3A_301, %dma_start3A_302] : memref<128x128xf32, #tpu.memory_space<vmem>> -> memref<112x128xf32, #tpu.memory_space<vmem>>
      %dma_start3A_304 = arith.constant 0 : i32
      %dma_start3A_305 = tpu.memref_slice %arg10[%add3A_13, %dma_start3A_304] : memref<10000x128xf32, #tpu.memory_space<vmem_shared>> -> memref<112x128xf32, #tpu.memory_space<vmem_shared>>
      %dma_start3A_306 = arith.constant 0 : i32
      %dma_start3A_307 = tpu.memref_slice %arg10[%add3A_13, %dma_start3A_306] : memref<10000x128xf32, #tpu.memory_space<vmem_shared>> -> memref<112x128xf32, #tpu.memory_space<vmem_shared>>
      %dma_start3A_308 = arith.constant 0 : i32
      %dma_start3A_309 = arith.constant 0 : i32
      %dma_start3A_310 = tpu.memref_slice %arg8[%dma_start3A_308, %dma_start3A_309] : memref<128x128xf32, #tpu.memory_space<vmem>> -> memref<112x128xf32, #tpu.memory_space<vmem>>
      tpu.enqueue_dma source(%dma_start3A_310 : memref<112x128xf32, #tpu.memory_space<vmem>>) target(%dma_start3A_307 : memref<112x128xf32, #tpu.memory_space<vmem_shared>>) target_semaphore(%run_scoped3A_300 : memref<!tpu.dma_semaphore, #tpu.memory_space<semaphore_mem>>)
      %dma_wait3A_311 = arith.constant 0 : i32
      %dma_wait3A_312 = arith.constant 0 : i32
      %dma_wait3A_313 = tpu.memref_slice %arg8[%dma_wait3A_311, %dma_wait3A_312] : memref<128x128xf32, #tpu.memory_space<vmem>> -> memref<112x128xf32, #tpu.memory_space<vmem>>
      %dma_wait3A_314 = arith.constant 0 : i32
      %dma_wait3A_315 = tpu.memref_slice %arg10[%add3A_13, %dma_wait3A_314] : memref<10000x128xf32, #tpu.memory_space<vmem_shared>> -> memref<112x128xf32, #tpu.memory_space<vmem_shared>>
      %dma_wait3A_316 = arith.constant 0 : i32
      %dma_wait3A_317 = tpu.memref_slice %arg10[%add3A_13, %dma_wait3A_316] : memref<10000x128xf32, #tpu.memory_space<vmem_shared>> -> memref<112x128xf32, #tpu.memory_space<vmem_shared>>
      %dma_wait3A_318 = arith.constant 0 : i32
      %dma_wait3A_319 = arith.constant 0 : i32
      %dma_wait3A_320 = tpu.memref_slice %arg8[%dma_wait3A_318, %dma_wait3A_319] : memref<128x128xf32, #tpu.memory_space<vmem>> -> memref<112x128xf32, #tpu.memory_space<vmem>>
      tpu.wait_dma2 semaphore(%run_scoped3A_300 : memref<!tpu.dma_semaphore, #tpu.memory_space<semaphore_mem>>) src(%dma_wait3A_320 : memref<112x128xf32, #tpu.memory_space<vmem>>) dst(%dma_wait3A_317 : memref<112x128xf32, #tpu.memory_space<vmem_shared>>)
      tpu.yield
    }) : () -> ()
    %eq3A = arith.constant 15 : i32
    %eq3A_14 = arith.cmpi eq, %arg1, %eq3A : i32
    %convert_element_type3A = arith.extui %eq3A_14 : i1 to i32
    %cond3A = arith.constant 0 : i32
    %cond3A_15 = arith.cmpi ne, %convert_element_type3A, %cond3A : i32
    scf.if %cond3A_15 {
      "tpu.region"() ({
        %run_scoped3A_300 = tpu.sem_alloc : memref<!tpu.dma_semaphore, #tpu.memory_space<semaphore_mem>>
        %dma_start3A_301 = arith.constant 0 : i32
        %dma_start3A_302 = arith.constant 0 : i32
        %dma_start3A_303 = tpu.memref_slice %arg8[%dma_start3A_301, %dma_start3A_302] : memref<128x128xf32, #tpu.memory_space<vmem>> -> memref<16x128xf32, #tpu.memory_space<vmem>>
        %dma_start3A_304 = arith.constant 9984 : i32
        %dma_start3A_305 = arith.constant 0 : i32
        %dma_start3A_306 = tpu.memref_slice %arg10[%dma_start3A_304, %dma_start3A_305] : memref<10000x128xf32, #tpu.memory_space<vmem_shared>> -> memref<16x128xf32, #tpu.memory_space<vmem_shared>>
        %dma_start3A_307 = arith.constant 9984 : i32
        %dma_start3A_308 = arith.constant 0 : i32
        %dma_start3A_309 = tpu.memref_slice %arg10[%dma_start3A_307, %dma_start3A_308] : memref<10000x128xf32, #tpu.memory_space<vmem_shared>> -> memref<16x128xf32, #tpu.memory_space<vmem_shared>>
        %dma_start3A_310 = arith.constant 0 : i32
        %dma_start3A_311 = arith.constant 0 : i32
        %dma_start3A_312 = tpu.memref_slice %arg8[%dma_start3A_310, %dma_start3A_311] : memref<128x128xf32, #tpu.memory_space<vmem>> -> memref<16x128xf32, #tpu.memory_space<vmem>>
        tpu.enqueue_dma source(%dma_start3A_312 : memref<16x128xf32, #tpu.memory_space<vmem>>) target(%dma_start3A_309 : memref<16x128xf32, #tpu.memory_space<vmem_shared>>) target_semaphore(%run_scoped3A_300 : memref<!tpu.dma_semaphore, #tpu.memory_space<semaphore_mem>>)
        %dma_wait3A_313 = arith.constant 0 : i32
        %dma_wait3A_314 = arith.constant 0 : i32
        %dma_wait3A_315 = tpu.memref_slice %arg8[%dma_wait3A_313, %dma_wait3A_314] : memref<128x128xf32, #tpu.memory_space<vmem>> -> memref<16x128xf32, #tpu.memory_space<vmem>>
        %dma_wait3A_316 = arith.constant 9984 : i32
        %dma_wait3A_317 = arith.constant 0 : i32
        %dma_wait3A_318 = tpu.memref_slice %arg10[%dma_wait3A_316, %dma_wait3A_317] : memref<10000x128xf32, #tpu.memory_space<vmem_shared>> -> memref<16x128xf32, #tpu.memory_space<vmem_shared>>
        %dma_wait3A_319 = arith.constant 9984 : i32
        %dma_wait3A_320 = arith.constant 0 : i32
        %dma_wait3A_321 = tpu.memref_slice %arg10[%dma_wait3A_319, %dma_wait3A_320] : memref<10000x128xf32, #tpu.memory_space<vmem_shared>> -> memref<16x128xf32, #tpu.memory_space<vmem_shared>>
        %dma_wait3A_322 = arith.constant 0 : i32
        %dma_wait3A_323 = arith.constant 0 : i32
        %dma_wait3A_324 = tpu.memref_slice %arg8[%dma_wait3A_322, %dma_wait3A_323] : memref<128x128xf32, #tpu.memory_space<vmem>> -> memref<16x128xf32, #tpu.memory_space<vmem>>
        tpu.wait_dma2 semaphore(%run_scoped3A_300 : memref<!tpu.dma_semaphore, #tpu.memory_space<semaphore_mem>>) src(%dma_wait3A_324 : memref<16x128xf32, #tpu.memory_space<vmem>>) dst(%dma_wait3A_321 : memref<16x128xf32, #tpu.memory_space<vmem_shared>>)
        tpu.yield
      }) : () -> ()
    } else {
    }
    "tpu.region"() ({
      %run_scoped3A_300 = tpu.sem_alloc : memref<!tpu.dma_semaphore, #tpu.memory_space<semaphore_mem>>
      %dma_start3A_301 = arith.constant 0 : i32
      %dma_start3A_302 = arith.constant 0 : i32
      %dma_start3A_303 = tpu.memref_slice %arg3[%arg1, %dma_start3A_301, %dma_start3A_302] : memref<16x39x128xi32, #tpu.memory_space<hbm>> -> memref<1x39x128xi32, #tpu.memory_space<hbm>>
      %dma_start3A_304 = tpu.memref_squeeze %dma_start3A_303 : memref<1x39x128xi32, #tpu.memory_space<hbm>> -> memref<39x128xi32, #tpu.memory_space<hbm>>
      %dma_start3A_305 = arith.constant 0 : i32
      %dma_start3A_306 = arith.constant 0 : i32
      %dma_start3A_307 = tpu.memref_slice %arg3[%arg1, %dma_start3A_305, %dma_start3A_306] : memref<16x39x128xi32, #tpu.memory_space<hbm>> -> memref<1x39x128xi32, #tpu.memory_space<hbm>>
      %dma_start3A_308 = tpu.memref_squeeze %dma_start3A_307 : memref<1x39x128xi32, #tpu.memory_space<hbm>> -> memref<39x128xi32, #tpu.memory_space<hbm>>
      tpu.enqueue_dma source(%dma_start3A_308 : memref<39x128xi32, #tpu.memory_space<hbm>>) target(%arg6 : memref<39x128xi32, #tpu.memory_space<vmem>>) target_semaphore(%run_scoped3A_300 : memref<!tpu.dma_semaphore, #tpu.memory_space<semaphore_mem>>)
      %dma_wait3A_309 = arith.constant 0 : i32
      %dma_wait3A_310 = arith.constant 0 : i32
      %dma_wait3A_311 = tpu.memref_slice %arg3[%arg1, %dma_wait3A_309, %dma_wait3A_310] : memref<16x39x128xi32, #tpu.memory_space<hbm>> -> memref<1x39x128xi32, #tpu.memory_space<hbm>>
      %dma_wait3A_312 = tpu.memref_squeeze %dma_wait3A_311 : memref<1x39x128xi32, #tpu.memory_space<hbm>> -> memref<39x128xi32, #tpu.memory_space<hbm>>
      %dma_wait3A_313 = arith.constant 0 : i32
      %dma_wait3A_314 = arith.constant 0 : i32
      %dma_wait3A_315 = tpu.memref_slice %arg3[%arg1, %dma_wait3A_313, %dma_wait3A_314] : memref<16x39x128xi32, #tpu.memory_space<hbm>> -> memref<1x39x128xi32, #tpu.memory_space<hbm>>
      %dma_wait3A_316 = tpu.memref_squeeze %dma_wait3A_315 : memref<1x39x128xi32, #tpu.memory_space<hbm>> -> memref<39x128xi32, #tpu.memory_space<hbm>>
      tpu.wait_dma2 semaphore(%run_scoped3A_300 : memref<!tpu.dma_semaphore, #tpu.memory_space<semaphore_mem>>) src(%dma_wait3A_316 : memref<39x128xi32, #tpu.memory_space<hbm>>) dst(%arg6 : memref<39x128xi32, #tpu.memory_space<vmem>>)
      tpu.yield
    }) : () -> ()
    "tpu.region"() ({
      %run_scoped3A_300 = tpu.sem_alloc : memref<!tpu.dma_semaphore, #tpu.memory_space<semaphore_mem>>
      %dma_start3A_301 = arith.constant 0 : i32
      %dma_start3A_302 = tpu.memref_slice %arg4[%arg1, %dma_start3A_301] : memref<16x8xi32, #tpu.memory_space<hbm>> -> memref<1x8xi32, #tpu.memory_space<hbm>>
      %dma_start3A_303 = tpu.memref_squeeze %dma_start3A_302 : memref<1x8xi32, #tpu.memory_space<hbm>> -> memref<8xi32, #tpu.memory_space<hbm>>
      %dma_start3A_304 = arith.constant 0 : i32
      %dma_start3A_305 = tpu.memref_slice %arg4[%arg1, %dma_start3A_304] : memref<16x8xi32, #tpu.memory_space<hbm>> -> memref<1x8xi32, #tpu.memory_space<hbm>>
      %dma_start3A_306 = tpu.memref_squeeze %dma_start3A_305 : memref<1x8xi32, #tpu.memory_space<hbm>> -> memref<8xi32, #tpu.memory_space<hbm>>
      tpu.enqueue_dma source(%dma_start3A_306 : memref<8xi32, #tpu.memory_space<hbm>>) target(%arg7 : memref<8xi32, #tpu.memory_space<vmem>>) target_semaphore(%run_scoped3A_300 : memref<!tpu.dma_semaphore, #tpu.memory_space<semaphore_mem>>)
      %dma_wait3A_307 = arith.constant 0 : i32
      %dma_wait3A_308 = tpu.memref_slice %arg4[%arg1, %dma_wait3A_307] : memref<16x8xi32, #tpu.memory_space<hbm>> -> memref<1x8xi32, #tpu.memory_space<hbm>>
      %dma_wait3A_309 = tpu.memref_squeeze %dma_wait3A_308 : memref<1x8xi32, #tpu.memory_space<hbm>> -> memref<8xi32, #tpu.memory_space<hbm>>
      %dma_wait3A_310 = arith.constant 0 : i32
      %dma_wait3A_311 = tpu.memref_slice %arg4[%arg1, %dma_wait3A_310] : memref<16x8xi32, #tpu.memory_space<hbm>> -> memref<1x8xi32, #tpu.memory_space<hbm>>
      %dma_wait3A_312 = tpu.memref_squeeze %dma_wait3A_311 : memref<1x8xi32, #tpu.memory_space<hbm>> -> memref<8xi32, #tpu.memory_space<hbm>>
      tpu.wait_dma2 semaphore(%run_scoped3A_300 : memref<!tpu.dma_semaphore, #tpu.memory_space<semaphore_mem>>) src(%dma_wait3A_312 : memref<8xi32, #tpu.memory_space<hbm>>) dst(%arg7 : memref<8xi32, #tpu.memory_space<vmem>>)
      tpu.yield
    }) : () -> ()
    %barrier3A = arith.constant 0 : index
    tpu.barrier barrier_id(%barrier3A)
    %mul3A_16 = arith.constant 5000 : i32
    %mul3A_17 = arith.muli %arg1, %mul3A_16 : i32
    %mul3A_18 = arith.constant 128 : i32
    %mul3A_19 = arith.muli %arg0, %mul3A_18 : i32
    %add3A_20 = arith.constant 0 : i32
    %add3A_21 = arith.addi %mul3A_17, %add3A_20 : i32
    %dma_start3A = tpu.memref_slice %arg2[%add3A_21, %mul3A_19] : memref<80000x256xf32, #tpu.memory_space<hbm>> -> memref<128x128xf32, #tpu.memory_space<hbm>>
    %dma_start3A_22 = tpu.memref_slice %arg2[%add3A_21, %mul3A_19] : memref<80000x256xf32, #tpu.memory_space<hbm>> -> memref<128x128xf32, #tpu.memory_space<hbm>>
    tpu.enqueue_dma source(%dma_start3A_22 : memref<128x128xf32, #tpu.memory_space<hbm>>) target(%arg8 : memref<128x128xf32, #tpu.memory_space<vmem>>) target_semaphore(%arg11 : memref<!tpu.dma_semaphore, #tpu.memory_space<semaphore_mem>>)
    %add3A_23 = arith.constant 128 : i32
    %add3A_24 = arith.addi %mul3A_17, %add3A_23 : i32
    %dma_start3A_25 = tpu.memref_slice %arg2[%add3A_24, %mul3A_19] : memref<80000x256xf32, #tpu.memory_space<hbm>> -> memref<128x128xf32, #tpu.memory_space<hbm>>
    %dma_start3A_26 = tpu.memref_slice %arg2[%add3A_24, %mul3A_19] : memref<80000x256xf32, #tpu.memory_space<hbm>> -> memref<128x128xf32, #tpu.memory_space<hbm>>
    tpu.enqueue_dma source(%dma_start3A_26 : memref<128x128xf32, #tpu.memory_space<hbm>>) target(%arg9 : memref<128x128xf32, #tpu.memory_space<vmem>>) target_semaphore(%arg12 : memref<!tpu.dma_semaphore, #tpu.memory_space<semaphore_mem>>)
    %dma_wait3A = tpu.memref_slice %arg2[%add3A_21, %mul3A_19] : memref<80000x256xf32, #tpu.memory_space<hbm>> -> memref<128x128xf32, #tpu.memory_space<hbm>>
    %dma_wait3A_27 = tpu.memref_slice %arg2[%add3A_21, %mul3A_19] : memref<80000x256xf32, #tpu.memory_space<hbm>> -> memref<128x128xf32, #tpu.memory_space<hbm>>
    tpu.wait_dma2 semaphore(%arg11 : memref<!tpu.dma_semaphore, #tpu.memory_space<semaphore_mem>>) src(%dma_wait3A_27 : memref<128x128xf32, #tpu.memory_space<hbm>>) dst(%arg8 : memref<128x128xf32, #tpu.memory_space<vmem>>)
    %run_scoped3A = arith.constant 0 : i32
    "tpu.region"() ({
      %run_scoped3A_300 = tpu.sem_alloc : memref<!tpu.dma_semaphore, #tpu.memory_space<semaphore_mem>>
      %dma_start3A_301 = arith.constant 0 : i32
      %dma_start3A_302 = tpu.memref_slice %arg6[%run_scoped3A, %dma_start3A_301] : memref<39x128xi32, #tpu.memory_space<vmem>> -> memref<1x128xi32, #tpu.memory_space<vmem>>
      %dma_start3A_303 = tpu.memref_squeeze %dma_start3A_302 : memref<1x128xi32, #tpu.memory_space<vmem>> -> memref<128xi32, #tpu.memory_space<vmem>>
      %dma_start3A_304 = arith.constant 0 : i32
      %dma_start3A_305 = arith.constant 0 : i32
      %dma_start3A_306 = tpu.memref_slice %arg10[%dma_start3A_304, %dma_start3A_305] : memref<10000x128xf32, #tpu.memory_space<vmem_shared>> -> memref<10000x128xf32, #tpu.memory_space<vmem_shared>>
      tpu.enqueue_indirect_dma source(%arg8 : memref<128x128xf32, #tpu.memory_space<vmem>>) target(%dma_start3A_306 : memref<10000x128xf32, #tpu.memory_space<vmem_shared>>) offsets(%dma_start3A_303 : memref<128xi32, #tpu.memory_space<vmem>>) semaphore(%run_scoped3A_300 : memref<!tpu.dma_semaphore, #tpu.memory_space<semaphore_mem>>) {add = true}
      %dma_wait3A_307 = arith.constant 0 : i32
      %dma_wait3A_308 = tpu.memref_slice %arg6[%run_scoped3A, %dma_wait3A_307] : memref<39x128xi32, #tpu.memory_space<vmem>> -> memref<1x128xi32, #tpu.memory_space<vmem>>
      %dma_wait3A_309 = tpu.memref_squeeze %dma_wait3A_308 : memref<1x128xi32, #tpu.memory_space<vmem>> -> memref<128xi32, #tpu.memory_space<vmem>>
      %dma_wait3A_310 = arith.constant 0 : i32
      %dma_wait3A_311 = arith.constant 0 : i32
      %dma_wait3A_312 = tpu.memref_slice %arg10[%dma_wait3A_310, %dma_wait3A_311] : memref<10000x128xf32, #tpu.memory_space<vmem_shared>> -> memref<10000x128xf32, #tpu.memory_space<vmem_shared>>
      tpu.wait_indirect_dma semaphore(%run_scoped3A_300 : memref<!tpu.dma_semaphore, #tpu.memory_space<semaphore_mem>>) src(%arg8 : memref<128x128xf32, #tpu.memory_space<vmem>>) dst(%dma_wait3A_312 : memref<10000x128xf32, #tpu.memory_space<vmem_shared>>)
      tpu.yield
    }) : () -> ()
    %add3A_28 = arith.constant 256 : i32
    %add3A_29 = arith.addi %mul3A_17, %add3A_28 : i32
    %dma_start3A_30 = tpu.memref_slice %arg2[%add3A_29, %mul3A_19] : memref<80000x256xf32, #tpu.memory_space<hbm>> -> memref<128x128xf32, #tpu.memory_space<hbm>>
    %dma_start3A_31 = tpu.memref_slice %arg2[%add3A_29, %mul3A_19] : memref<80000x256xf32, #tpu.memory_space<hbm>> -> memref<128x128xf32, #tpu.memory_space<hbm>>
    tpu.enqueue_dma source(%dma_start3A_31 : memref<128x128xf32, #tpu.memory_space<hbm>>) target(%arg8 : memref<128x128xf32, #tpu.memory_space<vmem>>) target_semaphore(%arg11 : memref<!tpu.dma_semaphore, #tpu.memory_space<semaphore_mem>>)
    %dma_wait3A_32 = tpu.memref_slice %arg2[%add3A_24, %mul3A_19] : memref<80000x256xf32, #tpu.memory_space<hbm>> -> memref<128x128xf32, #tpu.memory_space<hbm>>
    %dma_wait3A_33 = tpu.memref_slice %arg2[%add3A_24, %mul3A_19] : memref<80000x256xf32, #tpu.memory_space<hbm>> -> memref<128x128xf32, #tpu.memory_space<hbm>>
    tpu.wait_dma2 semaphore(%arg12 : memref<!tpu.dma_semaphore, #tpu.memory_space<semaphore_mem>>) src(%dma_wait3A_33 : memref<128x128xf32, #tpu.memory_space<hbm>>) dst(%arg9 : memref<128x128xf32, #tpu.memory_space<vmem>>)
    %run_scoped3A_34 = arith.constant 1 : i32
    "tpu.region"() ({
      %run_scoped3A_300 = tpu.sem_alloc : memref<!tpu.dma_semaphore, #tpu.memory_space<semaphore_mem>>
      %dma_start3A_301 = arith.constant 0 : i32
      %dma_start3A_302 = tpu.memref_slice %arg6[%run_scoped3A_34, %dma_start3A_301] : memref<39x128xi32, #tpu.memory_space<vmem>> -> memref<1x128xi32, #tpu.memory_space<vmem>>
      %dma_start3A_303 = tpu.memref_squeeze %dma_start3A_302 : memref<1x128xi32, #tpu.memory_space<vmem>> -> memref<128xi32, #tpu.memory_space<vmem>>
      %dma_start3A_304 = arith.constant 0 : i32
      %dma_start3A_305 = arith.constant 0 : i32
      %dma_start3A_306 = tpu.memref_slice %arg10[%dma_start3A_304, %dma_start3A_305] : memref<10000x128xf32, #tpu.memory_space<vmem_shared>> -> memref<10000x128xf32, #tpu.memory_space<vmem_shared>>
      tpu.enqueue_indirect_dma source(%arg9 : memref<128x128xf32, #tpu.memory_space<vmem>>) target(%dma_start3A_306 : memref<10000x128xf32, #tpu.memory_space<vmem_shared>>) offsets(%dma_start3A_303 : memref<128xi32, #tpu.memory_space<vmem>>) semaphore(%run_scoped3A_300 : memref<!tpu.dma_semaphore, #tpu.memory_space<semaphore_mem>>) {add = true}
      %dma_wait3A_307 = arith.constant 0 : i32
      %dma_wait3A_308 = tpu.memref_slice %arg6[%run_scoped3A_34, %dma_wait3A_307] : memref<39x128xi32, #tpu.memory_space<vmem>> -> memref<1x128xi32, #tpu.memory_space<vmem>>
      %dma_wait3A_309 = tpu.memref_squeeze %dma_wait3A_308 : memref<1x128xi32, #tpu.memory_space<vmem>> -> memref<128xi32, #tpu.memory_space<vmem>>
      %dma_wait3A_310 = arith.constant 0 : i32
      %dma_wait3A_311 = arith.constant 0 : i32
      %dma_wait3A_312 = tpu.memref_slice %arg10[%dma_wait3A_310, %dma_wait3A_311] : memref<10000x128xf32, #tpu.memory_space<vmem_shared>> -> memref<10000x128xf32, #tpu.memory_space<vmem_shared>>
      tpu.wait_indirect_dma semaphore(%run_scoped3A_300 : memref<!tpu.dma_semaphore, #tpu.memory_space<semaphore_mem>>) src(%arg9 : memref<128x128xf32, #tpu.memory_space<vmem>>) dst(%dma_wait3A_312 : memref<10000x128xf32, #tpu.memory_space<vmem_shared>>)
      tpu.yield
    }) : () -> ()
    %add3A_35 = arith.constant 384 : i32
    %add3A_36 = arith.addi %mul3A_17, %add3A_35 : i32
    %dma_start3A_37 = tpu.memref_slice %arg2[%add3A_36, %mul3A_19] : memref<80000x256xf32, #tpu.memory_space<hbm>> -> memref<128x128xf32, #tpu.memory_space<hbm>>
    %dma_start3A_38 = tpu.memref_slice %arg2[%add3A_36, %mul3A_19] : memref<80000x256xf32, #tpu.memory_space<hbm>> -> memref<128x128xf32, #tpu.memory_space<hbm>>
    tpu.enqueue_dma source(%dma_start3A_38 : memref<128x128xf32, #tpu.memory_space<hbm>>) target(%arg9 : memref<128x128xf32, #tpu.memory_space<vmem>>) target_semaphore(%arg12 : memref<!tpu.dma_semaphore, #tpu.memory_space<semaphore_mem>>)
    %dma_wait3A_39 = tpu.memref_slice %arg2[%add3A_29, %mul3A_19] : memref<80000x256xf32, #tpu.memory_space<hbm>> -> memref<128x128xf32, #tpu.memory_space<hbm>>
    %dma_wait3A_40 = tpu.memref_slice %arg2[%add3A_29, %mul3A_19] : memref<80000x256xf32, #tpu.memory_space<hbm>> -> memref<128x128xf32, #tpu.memory_space<hbm>>
    tpu.wait_dma2 semaphore(%arg11 : memref<!tpu.dma_semaphore, #tpu.memory_space<semaphore_mem>>) src(%dma_wait3A_40 : memref<128x128xf32, #tpu.memory_space<hbm>>) dst(%arg8 : memref<128x128xf32, #tpu.memory_space<vmem>>)
    %run_scoped3A_41 = arith.constant 2 : i32
    "tpu.region"() ({
      %run_scoped3A_300 = tpu.sem_alloc : memref<!tpu.dma_semaphore, #tpu.memory_space<semaphore_mem>>
      %dma_start3A_301 = arith.constant 0 : i32
      %dma_start3A_302 = tpu.memref_slice %arg6[%run_scoped3A_41, %dma_start3A_301] : memref<39x128xi32, #tpu.memory_space<vmem>> -> memref<1x128xi32, #tpu.memory_space<vmem>>
      %dma_start3A_303 = tpu.memref_squeeze %dma_start3A_302 : memref<1x128xi32, #tpu.memory_space<vmem>> -> memref<128xi32, #tpu.memory_space<vmem>>
      %dma_start3A_304 = arith.constant 0 : i32
      %dma_start3A_305 = arith.constant 0 : i32
      %dma_start3A_306 = tpu.memref_slice %arg10[%dma_start3A_304, %dma_start3A_305] : memref<10000x128xf32, #tpu.memory_space<vmem_shared>> -> memref<10000x128xf32, #tpu.memory_space<vmem_shared>>
      tpu.enqueue_indirect_dma source(%arg8 : memref<128x128xf32, #tpu.memory_space<vmem>>) target(%dma_start3A_306 : memref<10000x128xf32, #tpu.memory_space<vmem_shared>>) offsets(%dma_start3A_303 : memref<128xi32, #tpu.memory_space<vmem>>) semaphore(%run_scoped3A_300 : memref<!tpu.dma_semaphore, #tpu.memory_space<semaphore_mem>>) {add = true}
      %dma_wait3A_307 = arith.constant 0 : i32
      %dma_wait3A_308 = tpu.memref_slice %arg6[%run_scoped3A_41, %dma_wait3A_307] : memref<39x128xi32, #tpu.memory_space<vmem>> -> memref<1x128xi32, #tpu.memory_space<vmem>>
      %dma_wait3A_309 = tpu.memref_squeeze %dma_wait3A_308 : memref<1x128xi32, #tpu.memory_space<vmem>> -> memref<128xi32, #tpu.memory_space<vmem>>
      %dma_wait3A_310 = arith.constant 0 : i32
      %dma_wait3A_311 = arith.constant 0 : i32
      %dma_wait3A_312 = tpu.memref_slice %arg10[%dma_wait3A_310, %dma_wait3A_311] : memref<10000x128xf32, #tpu.memory_space<vmem_shared>> -> memref<10000x128xf32, #tpu.memory_space<vmem_shared>>
      tpu.wait_indirect_dma semaphore(%run_scoped3A_300 : memref<!tpu.dma_semaphore, #tpu.memory_space<semaphore_mem>>) src(%arg8 : memref<128x128xf32, #tpu.memory_space<vmem>>) dst(%dma_wait3A_312 : memref<10000x128xf32, #tpu.memory_space<vmem_shared>>)
      tpu.yield
    }) : () -> ()
    %add3A_42 = arith.constant 512 : i32
    %add3A_43 = arith.addi %mul3A_17, %add3A_42 : i32
    %dma_start3A_44 = tpu.memref_slice %arg2[%add3A_43, %mul3A_19] : memref<80000x256xf32, #tpu.memory_space<hbm>> -> memref<128x128xf32, #tpu.memory_space<hbm>>
    %dma_start3A_45 = tpu.memref_slice %arg2[%add3A_43, %mul3A_19] : memref<80000x256xf32, #tpu.memory_space<hbm>> -> memref<128x128xf32, #tpu.memory_space<hbm>>
    tpu.enqueue_dma source(%dma_start3A_45 : memref<128x128xf32, #tpu.memory_space<hbm>>) target(%arg8 : memref<128x128xf32, #tpu.memory_space<vmem>>) target_semaphore(%arg11 : memref<!tpu.dma_semaphore, #tpu.memory_space<semaphore_mem>>)
    %dma_wait3A_46 = tpu.memref_slice %arg2[%add3A_36, %mul3A_19] : memref<80000x256xf32, #tpu.memory_space<hbm>> -> memref<128x128xf32, #tpu.memory_space<hbm>>
    %dma_wait3A_47 = tpu.memref_slice %arg2[%add3A_36, %mul3A_19] : memref<80000x256xf32, #tpu.memory_space<hbm>> -> memref<128x128xf32, #tpu.memory_space<hbm>>
    tpu.wait_dma2 semaphore(%arg12 : memref<!tpu.dma_semaphore, #tpu.memory_space<semaphore_mem>>) src(%dma_wait3A_47 : memref<128x128xf32, #tpu.memory_space<hbm>>) dst(%arg9 : memref<128x128xf32, #tpu.memory_space<vmem>>)
    %run_scoped3A_48 = arith.constant 3 : i32
    "tpu.region"() ({
      %run_scoped3A_300 = tpu.sem_alloc : memref<!tpu.dma_semaphore, #tpu.memory_space<semaphore_mem>>
      %dma_start3A_301 = arith.constant 0 : i32
      %dma_start3A_302 = tpu.memref_slice %arg6[%run_scoped3A_48, %dma_start3A_301] : memref<39x128xi32, #tpu.memory_space<vmem>> -> memref<1x128xi32, #tpu.memory_space<vmem>>
      %dma_start3A_303 = tpu.memref_squeeze %dma_start3A_302 : memref<1x128xi32, #tpu.memory_space<vmem>> -> memref<128xi32, #tpu.memory_space<vmem>>
      %dma_start3A_304 = arith.constant 0 : i32
      %dma_start3A_305 = arith.constant 0 : i32
      %dma_start3A_306 = tpu.memref_slice %arg10[%dma_start3A_304, %dma_start3A_305] : memref<10000x128xf32, #tpu.memory_space<vmem_shared>> -> memref<10000x128xf32, #tpu.memory_space<vmem_shared>>
      tpu.enqueue_indirect_dma source(%arg9 : memref<128x128xf32, #tpu.memory_space<vmem>>) target(%dma_start3A_306 : memref<10000x128xf32, #tpu.memory_space<vmem_shared>>) offsets(%dma_start3A_303 : memref<128xi32, #tpu.memory_space<vmem>>) semaphore(%run_scoped3A_300 : memref<!tpu.dma_semaphore, #tpu.memory_space<semaphore_mem>>) {add = true}
      %dma_wait3A_307 = arith.constant 0 : i32
      %dma_wait3A_308 = tpu.memref_slice %arg6[%run_scoped3A_48, %dma_wait3A_307] : memref<39x128xi32, #tpu.memory_space<vmem>> -> memref<1x128xi32, #tpu.memory_space<vmem>>
      %dma_wait3A_309 = tpu.memref_squeeze %dma_wait3A_308 : memref<1x128xi32, #tpu.memory_space<vmem>> -> memref<128xi32, #tpu.memory_space<vmem>>
      %dma_wait3A_310 = arith.constant 0 : i32
      %dma_wait3A_311 = arith.constant 0 : i32
      %dma_wait3A_312 = tpu.memref_slice %arg10[%dma_wait3A_310, %dma_wait3A_311] : memref<10000x128xf32, #tpu.memory_space<vmem_shared>> -> memref<10000x128xf32, #tpu.memory_space<vmem_shared>>
      tpu.wait_indirect_dma semaphore(%run_scoped3A_300 : memref<!tpu.dma_semaphore, #tpu.memory_space<semaphore_mem>>) src(%arg9 : memref<128x128xf32, #tpu.memory_space<vmem>>) dst(%dma_wait3A_312 : memref<10000x128xf32, #tpu.memory_space<vmem_shared>>)
      tpu.yield
    }) : () -> ()
    %add3A_49 = arith.constant 640 : i32
    %add3A_50 = arith.addi %mul3A_17, %add3A_49 : i32
    %dma_start3A_51 = tpu.memref_slice %arg2[%add3A_50, %mul3A_19] : memref<80000x256xf32, #tpu.memory_space<hbm>> -> memref<128x128xf32, #tpu.memory_space<hbm>>
    %dma_start3A_52 = tpu.memref_slice %arg2[%add3A_50, %mul3A_19] : memref<80000x256xf32, #tpu.memory_space<hbm>> -> memref<128x128xf32, #tpu.memory_space<hbm>>
    tpu.enqueue_dma source(%dma_start3A_52 : memref<128x128xf32, #tpu.memory_space<hbm>>) target(%arg9 : memref<128x128xf32, #tpu.memory_space<vmem>>) target_semaphore(%arg12 : memref<!tpu.dma_semaphore, #tpu.memory_space<semaphore_mem>>)
    %dma_wait3A_53 = tpu.memref_slice %arg2[%add3A_43, %mul3A_19] : memref<80000x256xf32, #tpu.memory_space<hbm>> -> memref<128x128xf32, #tpu.memory_space<hbm>>
    %dma_wait3A_54 = tpu.memref_slice %arg2[%add3A_43, %mul3A_19] : memref<80000x256xf32, #tpu.memory_space<hbm>> -> memref<128x128xf32, #tpu.memory_space<hbm>>
    tpu.wait_dma2 semaphore(%arg11 : memref<!tpu.dma_semaphore, #tpu.memory_space<semaphore_mem>>) src(%dma_wait3A_54 : memref<128x128xf32, #tpu.memory_space<hbm>>) dst(%arg8 : memref<128x128xf32, #tpu.memory_space<vmem>>)
    %run_scoped3A_55 = arith.constant 4 : i32
    "tpu.region"() ({
      %run_scoped3A_300 = tpu.sem_alloc : memref<!tpu.dma_semaphore, #tpu.memory_space<semaphore_mem>>
      %dma_start3A_301 = arith.constant 0 : i32
      %dma_start3A_302 = tpu.memref_slice %arg6[%run_scoped3A_55, %dma_start3A_301] : memref<39x128xi32, #tpu.memory_space<vmem>> -> memref<1x128xi32, #tpu.memory_space<vmem>>
      %dma_start3A_303 = tpu.memref_squeeze %dma_start3A_302 : memref<1x128xi32, #tpu.memory_space<vmem>> -> memref<128xi32, #tpu.memory_space<vmem>>
      %dma_start3A_304 = arith.constant 0 : i32
      %dma_start3A_305 = arith.constant 0 : i32
      %dma_start3A_306 = tpu.memref_slice %arg10[%dma_start3A_304, %dma_start3A_305] : memref<10000x128xf32, #tpu.memory_space<vmem_shared>> -> memref<10000x128xf32, #tpu.memory_space<vmem_shared>>
      tpu.enqueue_indirect_dma source(%arg8 : memref<128x128xf32, #tpu.memory_space<vmem>>) target(%dma_start3A_306 : memref<10000x128xf32, #tpu.memory_space<vmem_shared>>) offsets(%dma_start3A_303 : memref<128xi32, #tpu.memory_space<vmem>>) semaphore(%run_scoped3A_300 : memref<!tpu.dma_semaphore, #tpu.memory_space<semaphore_mem>>) {add = true}
      %dma_wait3A_307 = arith.constant 0 : i32
      %dma_wait3A_308 = tpu.memref_slice %arg6[%run_scoped3A_55, %dma_wait3A_307] : memref<39x128xi32, #tpu.memory_space<vmem>> -> memref<1x128xi32, #tpu.memory_space<vmem>>
      %dma_wait3A_309 = tpu.memref_squeeze %dma_wait3A_308 : memref<1x128xi32, #tpu.memory_space<vmem>> -> memref<128xi32, #tpu.memory_space<vmem>>
      %dma_wait3A_310 = arith.constant 0 : i32
      %dma_wait3A_311 = arith.constant 0 : i32
      %dma_wait3A_312 = tpu.memref_slice %arg10[%dma_wait3A_310, %dma_wait3A_311] : memref<10000x128xf32, #tpu.memory_space<vmem_shared>> -> memref<10000x128xf32, #tpu.memory_space<vmem_shared>>
      tpu.wait_indirect_dma semaphore(%run_scoped3A_300 : memref<!tpu.dma_semaphore, #tpu.memory_space<semaphore_mem>>) src(%arg8 : memref<128x128xf32, #tpu.memory_space<vmem>>) dst(%dma_wait3A_312 : memref<10000x128xf32, #tpu.memory_space<vmem_shared>>)
      tpu.yield
    }) : () -> ()
    %add3A_56 = arith.constant 768 : i32
    %add3A_57 = arith.addi %mul3A_17, %add3A_56 : i32
    %dma_start3A_58 = tpu.memref_slice %arg2[%add3A_57, %mul3A_19] : memref<80000x256xf32, #tpu.memory_space<hbm>> -> memref<128x128xf32, #tpu.memory_space<hbm>>
    %dma_start3A_59 = tpu.memref_slice %arg2[%add3A_57, %mul3A_19] : memref<80000x256xf32, #tpu.memory_space<hbm>> -> memref<128x128xf32, #tpu.memory_space<hbm>>
    tpu.enqueue_dma source(%dma_start3A_59 : memref<128x128xf32, #tpu.memory_space<hbm>>) target(%arg8 : memref<128x128xf32, #tpu.memory_space<vmem>>) target_semaphore(%arg11 : memref<!tpu.dma_semaphore, #tpu.memory_space<semaphore_mem>>)
    %dma_wait3A_60 = tpu.memref_slice %arg2[%add3A_50, %mul3A_19] : memref<80000x256xf32, #tpu.memory_space<hbm>> -> memref<128x128xf32, #tpu.memory_space<hbm>>
    %dma_wait3A_61 = tpu.memref_slice %arg2[%add3A_50, %mul3A_19] : memref<80000x256xf32, #tpu.memory_space<hbm>> -> memref<128x128xf32, #tpu.memory_space<hbm>>
    tpu.wait_dma2 semaphore(%arg12 : memref<!tpu.dma_semaphore, #tpu.memory_space<semaphore_mem>>) src(%dma_wait3A_61 : memref<128x128xf32, #tpu.memory_space<hbm>>) dst(%arg9 : memref<128x128xf32, #tpu.memory_space<vmem>>)
    %run_scoped3A_62 = arith.constant 5 : i32
    "tpu.region"() ({
      %run_scoped3A_300 = tpu.sem_alloc : memref<!tpu.dma_semaphore, #tpu.memory_space<semaphore_mem>>
      %dma_start3A_301 = arith.constant 0 : i32
      %dma_start3A_302 = tpu.memref_slice %arg6[%run_scoped3A_62, %dma_start3A_301] : memref<39x128xi32, #tpu.memory_space<vmem>> -> memref<1x128xi32, #tpu.memory_space<vmem>>
      %dma_start3A_303 = tpu.memref_squeeze %dma_start3A_302 : memref<1x128xi32, #tpu.memory_space<vmem>> -> memref<128xi32, #tpu.memory_space<vmem>>
      %dma_start3A_304 = arith.constant 0 : i32
      %dma_start3A_305 = arith.constant 0 : i32
      %dma_start3A_306 = tpu.memref_slice %arg10[%dma_start3A_304, %dma_start3A_305] : memref<10000x128xf32, #tpu.memory_space<vmem_shared>> -> memref<10000x128xf32, #tpu.memory_space<vmem_shared>>
      tpu.enqueue_indirect_dma source(%arg9 : memref<128x128xf32, #tpu.memory_space<vmem>>) target(%dma_start3A_306 : memref<10000x128xf32, #tpu.memory_space<vmem_shared>>) offsets(%dma_start3A_303 : memref<128xi32, #tpu.memory_space<vmem>>) semaphore(%run_scoped3A_300 : memref<!tpu.dma_semaphore, #tpu.memory_space<semaphore_mem>>) {add = true}
      %dma_wait3A_307 = arith.constant 0 : i32
      %dma_wait3A_308 = tpu.memref_slice %arg6[%run_scoped3A_62, %dma_wait3A_307] : memref<39x128xi32, #tpu.memory_space<vmem>> -> memref<1x128xi32, #tpu.memory_space<vmem>>
      %dma_wait3A_309 = tpu.memref_squeeze %dma_wait3A_308 : memref<1x128xi32, #tpu.memory_space<vmem>> -> memref<128xi32, #tpu.memory_space<vmem>>
      %dma_wait3A_310 = arith.constant 0 : i32
      %dma_wait3A_311 = arith.constant 0 : i32
      %dma_wait3A_312 = tpu.memref_slice %arg10[%dma_wait3A_310, %dma_wait3A_311] : memref<10000x128xf32, #tpu.memory_space<vmem_shared>> -> memref<10000x128xf32, #tpu.memory_space<vmem_shared>>
      tpu.wait_indirect_dma semaphore(%run_scoped3A_300 : memref<!tpu.dma_semaphore, #tpu.memory_space<semaphore_mem>>) src(%arg9 : memref<128x128xf32, #tpu.memory_space<vmem>>) dst(%dma_wait3A_312 : memref<10000x128xf32, #tpu.memory_space<vmem_shared>>)
      tpu.yield
    }) : () -> ()
    %add3A_63 = arith.constant 896 : i32
    %add3A_64 = arith.addi %mul3A_17, %add3A_63 : i32
    %dma_start3A_65 = tpu.memref_slice %arg2[%add3A_64, %mul3A_19] : memref<80000x256xf32, #tpu.memory_space<hbm>> -> memref<128x128xf32, #tpu.memory_space<hbm>>
    %dma_start3A_66 = tpu.memref_slice %arg2[%add3A_64, %mul3A_19] : memref<80000x256xf32, #tpu.memory_space<hbm>> -> memref<128x128xf32, #tpu.memory_space<hbm>>
    tpu.enqueue_dma source(%dma_start3A_66 : memref<128x128xf32, #tpu.memory_space<hbm>>) target(%arg9 : memref<128x128xf32, #tpu.memory_space<vmem>>) target_semaphore(%arg12 : memref<!tpu.dma_semaphore, #tpu.memory_space<semaphore_mem>>)
    %dma_wait3A_67 = tpu.memref_slice %arg2[%add3A_57, %mul3A_19] : memref<80000x256xf32, #tpu.memory_space<hbm>> -> memref<128x128xf32, #tpu.memory_space<hbm>>
    %dma_wait3A_68 = tpu.memref_slice %arg2[%add3A_57, %mul3A_19] : memref<80000x256xf32, #tpu.memory_space<hbm>> -> memref<128x128xf32, #tpu.memory_space<hbm>>
    tpu.wait_dma2 semaphore(%arg11 : memref<!tpu.dma_semaphore, #tpu.memory_space<semaphore_mem>>) src(%dma_wait3A_68 : memref<128x128xf32, #tpu.memory_space<hbm>>) dst(%arg8 : memref<128x128xf32, #tpu.memory_space<vmem>>)
    %run_scoped3A_69 = arith.constant 6 : i32
    "tpu.region"() ({
      %run_scoped3A_300 = tpu.sem_alloc : memref<!tpu.dma_semaphore, #tpu.memory_space<semaphore_mem>>
      %dma_start3A_301 = arith.constant 0 : i32
      %dma_start3A_302 = tpu.memref_slice %arg6[%run_scoped3A_69, %dma_start3A_301] : memref<39x128xi32, #tpu.memory_space<vmem>> -> memref<1x128xi32, #tpu.memory_space<vmem>>
      %dma_start3A_303 = tpu.memref_squeeze %dma_start3A_302 : memref<1x128xi32, #tpu.memory_space<vmem>> -> memref<128xi32, #tpu.memory_space<vmem>>
      %dma_start3A_304 = arith.constant 0 : i32
      %dma_start3A_305 = arith.constant 0 : i32
      %dma_start3A_306 = tpu.memref_slice %arg10[%dma_start3A_304, %dma_start3A_305] : memref<10000x128xf32, #tpu.memory_space<vmem_shared>> -> memref<10000x128xf32, #tpu.memory_space<vmem_shared>>
      tpu.enqueue_indirect_dma source(%arg8 : memref<128x128xf32, #tpu.memory_space<vmem>>) target(%dma_start3A_306 : memref<10000x128xf32, #tpu.memory_space<vmem_shared>>) offsets(%dma_start3A_303 : memref<128xi32, #tpu.memory_space<vmem>>) semaphore(%run_scoped3A_300 : memref<!tpu.dma_semaphore, #tpu.memory_space<semaphore_mem>>) {add = true}
      %dma_wait3A_307 = arith.constant 0 : i32
      %dma_wait3A_308 = tpu.memref_slice %arg6[%run_scoped3A_69, %dma_wait3A_307] : memref<39x128xi32, #tpu.memory_space<vmem>> -> memref<1x128xi32, #tpu.memory_space<vmem>>
      %dma_wait3A_309 = tpu.memref_squeeze %dma_wait3A_308 : memref<1x128xi32, #tpu.memory_space<vmem>> -> memref<128xi32, #tpu.memory_space<vmem>>
      %dma_wait3A_310 = arith.constant 0 : i32
      %dma_wait3A_311 = arith.constant 0 : i32
      %dma_wait3A_312 = tpu.memref_slice %arg10[%dma_wait3A_310, %dma_wait3A_311] : memref<10000x128xf32, #tpu.memory_space<vmem_shared>> -> memref<10000x128xf32, #tpu.memory_space<vmem_shared>>
      tpu.wait_indirect_dma semaphore(%run_scoped3A_300 : memref<!tpu.dma_semaphore, #tpu.memory_space<semaphore_mem>>) src(%arg8 : memref<128x128xf32, #tpu.memory_space<vmem>>) dst(%dma_wait3A_312 : memref<10000x128xf32, #tpu.memory_space<vmem_shared>>)
      tpu.yield
    }) : () -> ()
    %add3A_70 = arith.constant 1024 : i32
    %add3A_71 = arith.addi %mul3A_17, %add3A_70 : i32
    %dma_start3A_72 = tpu.memref_slice %arg2[%add3A_71, %mul3A_19] : memref<80000x256xf32, #tpu.memory_space<hbm>> -> memref<128x128xf32, #tpu.memory_space<hbm>>
    %dma_start3A_73 = tpu.memref_slice %arg2[%add3A_71, %mul3A_19] : memref<80000x256xf32, #tpu.memory_space<hbm>> -> memref<128x128xf32, #tpu.memory_space<hbm>>
    tpu.enqueue_dma source(%dma_start3A_73 : memref<128x128xf32, #tpu.memory_space<hbm>>) target(%arg8 : memref<128x128xf32, #tpu.memory_space<vmem>>) target_semaphore(%arg11 : memref<!tpu.dma_semaphore, #tpu.memory_space<semaphore_mem>>)
    %dma_wait3A_74 = tpu.memref_slice %arg2[%add3A_64, %mul3A_19] : memref<80000x256xf32, #tpu.memory_space<hbm>> -> memref<128x128xf32, #tpu.memory_space<hbm>>
    %dma_wait3A_75 = tpu.memref_slice %arg2[%add3A_64, %mul3A_19] : memref<80000x256xf32, #tpu.memory_space<hbm>> -> memref<128x128xf32, #tpu.memory_space<hbm>>
    tpu.wait_dma2 semaphore(%arg12 : memref<!tpu.dma_semaphore, #tpu.memory_space<semaphore_mem>>) src(%dma_wait3A_75 : memref<128x128xf32, #tpu.memory_space<hbm>>) dst(%arg9 : memref<128x128xf32, #tpu.memory_space<vmem>>)
    %run_scoped3A_76 = arith.constant 7 : i32
    "tpu.region"() ({
      %run_scoped3A_300 = tpu.sem_alloc : memref<!tpu.dma_semaphore, #tpu.memory_space<semaphore_mem>>
      %dma_start3A_301 = arith.constant 0 : i32
      %dma_start3A_302 = tpu.memref_slice %arg6[%run_scoped3A_76, %dma_start3A_301] : memref<39x128xi32, #tpu.memory_space<vmem>> -> memref<1x128xi32, #tpu.memory_space<vmem>>
      %dma_start3A_303 = tpu.memref_squeeze %dma_start3A_302 : memref<1x128xi32, #tpu.memory_space<vmem>> -> memref<128xi32, #tpu.memory_space<vmem>>
      %dma_start3A_304 = arith.constant 0 : i32
      %dma_start3A_305 = arith.constant 0 : i32
      %dma_start3A_306 = tpu.memref_slice %arg10[%dma_start3A_304, %dma_start3A_305] : memref<10000x128xf32, #tpu.memory_space<vmem_shared>> -> memref<10000x128xf32, #tpu.memory_space<vmem_shared>>
      tpu.enqueue_indirect_dma source(%arg9 : memref<128x128xf32, #tpu.memory_space<vmem>>) target(%dma_start3A_306 : memref<10000x128xf32, #tpu.memory_space<vmem_shared>>) offsets(%dma_start3A_303 : memref<128xi32, #tpu.memory_space<vmem>>) semaphore(%run_scoped3A_300 : memref<!tpu.dma_semaphore, #tpu.memory_space<semaphore_mem>>) {add = true}
      %dma_wait3A_307 = arith.constant 0 : i32
      %dma_wait3A_308 = tpu.memref_slice %arg6[%run_scoped3A_76, %dma_wait3A_307] : memref<39x128xi32, #tpu.memory_space<vmem>> -> memref<1x128xi32, #tpu.memory_space<vmem>>
      %dma_wait3A_309 = tpu.memref_squeeze %dma_wait3A_308 : memref<1x128xi32, #tpu.memory_space<vmem>> -> memref<128xi32, #tpu.memory_space<vmem>>
      %dma_wait3A_310 = arith.constant 0 : i32
      %dma_wait3A_311 = arith.constant 0 : i32
      %dma_wait3A_312 = tpu.memref_slice %arg10[%dma_wait3A_310, %dma_wait3A_311] : memref<10000x128xf32, #tpu.memory_space<vmem_shared>> -> memref<10000x128xf32, #tpu.memory_space<vmem_shared>>
      tpu.wait_indirect_dma semaphore(%run_scoped3A_300 : memref<!tpu.dma_semaphore, #tpu.memory_space<semaphore_mem>>) src(%arg9 : memref<128x128xf32, #tpu.memory_space<vmem>>) dst(%dma_wait3A_312 : memref<10000x128xf32, #tpu.memory_space<vmem_shared>>)
      tpu.yield
    }) : () -> ()
    %add3A_77 = arith.constant 1152 : i32
    %add3A_78 = arith.addi %mul3A_17, %add3A_77 : i32
    %dma_start3A_79 = tpu.memref_slice %arg2[%add3A_78, %mul3A_19] : memref<80000x256xf32, #tpu.memory_space<hbm>> -> memref<128x128xf32, #tpu.memory_space<hbm>>
    %dma_start3A_80 = tpu.memref_slice %arg2[%add3A_78, %mul3A_19] : memref<80000x256xf32, #tpu.memory_space<hbm>> -> memref<128x128xf32, #tpu.memory_space<hbm>>
    tpu.enqueue_dma source(%dma_start3A_80 : memref<128x128xf32, #tpu.memory_space<hbm>>) target(%arg9 : memref<128x128xf32, #tpu.memory_space<vmem>>) target_semaphore(%arg12 : memref<!tpu.dma_semaphore, #tpu.memory_space<semaphore_mem>>)
    %dma_wait3A_81 = tpu.memref_slice %arg2[%add3A_71, %mul3A_19] : memref<80000x256xf32, #tpu.memory_space<hbm>> -> memref<128x128xf32, #tpu.memory_space<hbm>>
    %dma_wait3A_82 = tpu.memref_slice %arg2[%add3A_71, %mul3A_19] : memref<80000x256xf32, #tpu.memory_space<hbm>> -> memref<128x128xf32, #tpu.memory_space<hbm>>
    tpu.wait_dma2 semaphore(%arg11 : memref<!tpu.dma_semaphore, #tpu.memory_space<semaphore_mem>>) src(%dma_wait3A_82 : memref<128x128xf32, #tpu.memory_space<hbm>>) dst(%arg8 : memref<128x128xf32, #tpu.memory_space<vmem>>)
    %run_scoped3A_83 = arith.constant 8 : i32
    "tpu.region"() ({
      %run_scoped3A_300 = tpu.sem_alloc : memref<!tpu.dma_semaphore, #tpu.memory_space<semaphore_mem>>
      %dma_start3A_301 = arith.constant 0 : i32
      %dma_start3A_302 = tpu.memref_slice %arg6[%run_scoped3A_83, %dma_start3A_301] : memref<39x128xi32, #tpu.memory_space<vmem>> -> memref<1x128xi32, #tpu.memory_space<vmem>>
      %dma_start3A_303 = tpu.memref_squeeze %dma_start3A_302 : memref<1x128xi32, #tpu.memory_space<vmem>> -> memref<128xi32, #tpu.memory_space<vmem>>
      %dma_start3A_304 = arith.constant 0 : i32
      %dma_start3A_305 = arith.constant 0 : i32
      %dma_start3A_306 = tpu.memref_slice %arg10[%dma_start3A_304, %dma_start3A_305] : memref<10000x128xf32, #tpu.memory_space<vmem_shared>> -> memref<10000x128xf32, #tpu.memory_space<vmem_shared>>
      tpu.enqueue_indirect_dma source(%arg8 : memref<128x128xf32, #tpu.memory_space<vmem>>) target(%dma_start3A_306 : memref<10000x128xf32, #tpu.memory_space<vmem_shared>>) offsets(%dma_start3A_303 : memref<128xi32, #tpu.memory_space<vmem>>) semaphore(%run_scoped3A_300 : memref<!tpu.dma_semaphore, #tpu.memory_space<semaphore_mem>>) {add = true}
      %dma_wait3A_307 = arith.constant 0 : i32
      %dma_wait3A_308 = tpu.memref_slice %arg6[%run_scoped3A_83, %dma_wait3A_307] : memref<39x128xi32, #tpu.memory_space<vmem>> -> memref<1x128xi32, #tpu.memory_space<vmem>>
      %dma_wait3A_309 = tpu.memref_squeeze %dma_wait3A_308 : memref<1x128xi32, #tpu.memory_space<vmem>> -> memref<128xi32, #tpu.memory_space<vmem>>
      %dma_wait3A_310 = arith.constant 0 : i32
      %dma_wait3A_311 = arith.constant 0 : i32
      %dma_wait3A_312 = tpu.memref_slice %arg10[%dma_wait3A_310, %dma_wait3A_311] : memref<10000x128xf32, #tpu.memory_space<vmem_shared>> -> memref<10000x128xf32, #tpu.memory_space<vmem_shared>>
      tpu.wait_indirect_dma semaphore(%run_scoped3A_300 : memref<!tpu.dma_semaphore, #tpu.memory_space<semaphore_mem>>) src(%arg8 : memref<128x128xf32, #tpu.memory_space<vmem>>) dst(%dma_wait3A_312 : memref<10000x128xf32, #tpu.memory_space<vmem_shared>>)
      tpu.yield
    }) : () -> ()
    %add3A_84 = arith.constant 1280 : i32
    %add3A_85 = arith.addi %mul3A_17, %add3A_84 : i32
    %dma_start3A_86 = tpu.memref_slice %arg2[%add3A_85, %mul3A_19] : memref<80000x256xf32, #tpu.memory_space<hbm>> -> memref<128x128xf32, #tpu.memory_space<hbm>>
    %dma_start3A_87 = tpu.memref_slice %arg2[%add3A_85, %mul3A_19] : memref<80000x256xf32, #tpu.memory_space<hbm>> -> memref<128x128xf32, #tpu.memory_space<hbm>>
    tpu.enqueue_dma source(%dma_start3A_87 : memref<128x128xf32, #tpu.memory_space<hbm>>) target(%arg8 : memref<128x128xf32, #tpu.memory_space<vmem>>) target_semaphore(%arg11 : memref<!tpu.dma_semaphore, #tpu.memory_space<semaphore_mem>>)
    %dma_wait3A_88 = tpu.memref_slice %arg2[%add3A_78, %mul3A_19] : memref<80000x256xf32, #tpu.memory_space<hbm>> -> memref<128x128xf32, #tpu.memory_space<hbm>>
    %dma_wait3A_89 = tpu.memref_slice %arg2[%add3A_78, %mul3A_19] : memref<80000x256xf32, #tpu.memory_space<hbm>> -> memref<128x128xf32, #tpu.memory_space<hbm>>
    tpu.wait_dma2 semaphore(%arg12 : memref<!tpu.dma_semaphore, #tpu.memory_space<semaphore_mem>>) src(%dma_wait3A_89 : memref<128x128xf32, #tpu.memory_space<hbm>>) dst(%arg9 : memref<128x128xf32, #tpu.memory_space<vmem>>)
    %run_scoped3A_90 = arith.constant 9 : i32
    "tpu.region"() ({
      %run_scoped3A_300 = tpu.sem_alloc : memref<!tpu.dma_semaphore, #tpu.memory_space<semaphore_mem>>
      %dma_start3A_301 = arith.constant 0 : i32
      %dma_start3A_302 = tpu.memref_slice %arg6[%run_scoped3A_90, %dma_start3A_301] : memref<39x128xi32, #tpu.memory_space<vmem>> -> memref<1x128xi32, #tpu.memory_space<vmem>>
      %dma_start3A_303 = tpu.memref_squeeze %dma_start3A_302 : memref<1x128xi32, #tpu.memory_space<vmem>> -> memref<128xi32, #tpu.memory_space<vmem>>
      %dma_start3A_304 = arith.constant 0 : i32
      %dma_start3A_305 = arith.constant 0 : i32
      %dma_start3A_306 = tpu.memref_slice %arg10[%dma_start3A_304, %dma_start3A_305] : memref<10000x128xf32, #tpu.memory_space<vmem_shared>> -> memref<10000x128xf32, #tpu.memory_space<vmem_shared>>
      tpu.enqueue_indirect_dma source(%arg9 : memref<128x128xf32, #tpu.memory_space<vmem>>) target(%dma_start3A_306 : memref<10000x128xf32, #tpu.memory_space<vmem_shared>>) offsets(%dma_start3A_303 : memref<128xi32, #tpu.memory_space<vmem>>) semaphore(%run_scoped3A_300 : memref<!tpu.dma_semaphore, #tpu.memory_space<semaphore_mem>>) {add = true}
      %dma_wait3A_307 = arith.constant 0 : i32
      %dma_wait3A_308 = tpu.memref_slice %arg6[%run_scoped3A_90, %dma_wait3A_307] : memref<39x128xi32, #tpu.memory_space<vmem>> -> memref<1x128xi32, #tpu.memory_space<vmem>>
      %dma_wait3A_309 = tpu.memref_squeeze %dma_wait3A_308 : memref<1x128xi32, #tpu.memory_space<vmem>> -> memref<128xi32, #tpu.memory_space<vmem>>
      %dma_wait3A_310 = arith.constant 0 : i32
      %dma_wait3A_311 = arith.constant 0 : i32
      %dma_wait3A_312 = tpu.memref_slice %arg10[%dma_wait3A_310, %dma_wait3A_311] : memref<10000x128xf32, #tpu.memory_space<vmem_shared>> -> memref<10000x128xf32, #tpu.memory_space<vmem_shared>>
      tpu.wait_indirect_dma semaphore(%run_scoped3A_300 : memref<!tpu.dma_semaphore, #tpu.memory_space<semaphore_mem>>) src(%arg9 : memref<128x128xf32, #tpu.memory_space<vmem>>) dst(%dma_wait3A_312 : memref<10000x128xf32, #tpu.memory_space<vmem_shared>>)
      tpu.yield
    }) : () -> ()
    %add3A_91 = arith.constant 1408 : i32
    %add3A_92 = arith.addi %mul3A_17, %add3A_91 : i32
    %dma_start3A_93 = tpu.memref_slice %arg2[%add3A_92, %mul3A_19] : memref<80000x256xf32, #tpu.memory_space<hbm>> -> memref<128x128xf32, #tpu.memory_space<hbm>>
    %dma_start3A_94 = tpu.memref_slice %arg2[%add3A_92, %mul3A_19] : memref<80000x256xf32, #tpu.memory_space<hbm>> -> memref<128x128xf32, #tpu.memory_space<hbm>>
    tpu.enqueue_dma source(%dma_start3A_94 : memref<128x128xf32, #tpu.memory_space<hbm>>) target(%arg9 : memref<128x128xf32, #tpu.memory_space<vmem>>) target_semaphore(%arg12 : memref<!tpu.dma_semaphore, #tpu.memory_space<semaphore_mem>>)
    %dma_wait3A_95 = tpu.memref_slice %arg2[%add3A_85, %mul3A_19] : memref<80000x256xf32, #tpu.memory_space<hbm>> -> memref<128x128xf32, #tpu.memory_space<hbm>>
    %dma_wait3A_96 = tpu.memref_slice %arg2[%add3A_85, %mul3A_19] : memref<80000x256xf32, #tpu.memory_space<hbm>> -> memref<128x128xf32, #tpu.memory_space<hbm>>
    tpu.wait_dma2 semaphore(%arg11 : memref<!tpu.dma_semaphore, #tpu.memory_space<semaphore_mem>>) src(%dma_wait3A_96 : memref<128x128xf32, #tpu.memory_space<hbm>>) dst(%arg8 : memref<128x128xf32, #tpu.memory_space<vmem>>)
    %run_scoped3A_97 = arith.constant 10 : i32
    "tpu.region"() ({
      %run_scoped3A_300 = tpu.sem_alloc : memref<!tpu.dma_semaphore, #tpu.memory_space<semaphore_mem>>
      %dma_start3A_301 = arith.constant 0 : i32
      %dma_start3A_302 = tpu.memref_slice %arg6[%run_scoped3A_97, %dma_start3A_301] : memref<39x128xi32, #tpu.memory_space<vmem>> -> memref<1x128xi32, #tpu.memory_space<vmem>>
      %dma_start3A_303 = tpu.memref_squeeze %dma_start3A_302 : memref<1x128xi32, #tpu.memory_space<vmem>> -> memref<128xi32, #tpu.memory_space<vmem>>
      %dma_start3A_304 = arith.constant 0 : i32
      %dma_start3A_305 = arith.constant 0 : i32
      %dma_start3A_306 = tpu.memref_slice %arg10[%dma_start3A_304, %dma_start3A_305] : memref<10000x128xf32, #tpu.memory_space<vmem_shared>> -> memref<10000x128xf32, #tpu.memory_space<vmem_shared>>
      tpu.enqueue_indirect_dma source(%arg8 : memref<128x128xf32, #tpu.memory_space<vmem>>) target(%dma_start3A_306 : memref<10000x128xf32, #tpu.memory_space<vmem_shared>>) offsets(%dma_start3A_303 : memref<128xi32, #tpu.memory_space<vmem>>) semaphore(%run_scoped3A_300 : memref<!tpu.dma_semaphore, #tpu.memory_space<semaphore_mem>>) {add = true}
      %dma_wait3A_307 = arith.constant 0 : i32
      %dma_wait3A_308 = tpu.memref_slice %arg6[%run_scoped3A_97, %dma_wait3A_307] : memref<39x128xi32, #tpu.memory_space<vmem>> -> memref<1x128xi32, #tpu.memory_space<vmem>>
      %dma_wait3A_309 = tpu.memref_squeeze %dma_wait3A_308 : memref<1x128xi32, #tpu.memory_space<vmem>> -> memref<128xi32, #tpu.memory_space<vmem>>
      %dma_wait3A_310 = arith.constant 0 : i32
      %dma_wait3A_311 = arith.constant 0 : i32
      %dma_wait3A_312 = tpu.memref_slice %arg10[%dma_wait3A_310, %dma_wait3A_311] : memref<10000x128xf32, #tpu.memory_space<vmem_shared>> -> memref<10000x128xf32, #tpu.memory_space<vmem_shared>>
      tpu.wait_indirect_dma semaphore(%run_scoped3A_300 : memref<!tpu.dma_semaphore, #tpu.memory_space<semaphore_mem>>) src(%arg8 : memref<128x128xf32, #tpu.memory_space<vmem>>) dst(%dma_wait3A_312 : memref<10000x128xf32, #tpu.memory_space<vmem_shared>>)
      tpu.yield
    }) : () -> ()
    %add3A_98 = arith.constant 1536 : i32
    %add3A_99 = arith.addi %mul3A_17, %add3A_98 : i32
    %dma_start3A_100 = tpu.memref_slice %arg2[%add3A_99, %mul3A_19] : memref<80000x256xf32, #tpu.memory_space<hbm>> -> memref<128x128xf32, #tpu.memory_space<hbm>>
    %dma_start3A_101 = tpu.memref_slice %arg2[%add3A_99, %mul3A_19] : memref<80000x256xf32, #tpu.memory_space<hbm>> -> memref<128x128xf32, #tpu.memory_space<hbm>>
    tpu.enqueue_dma source(%dma_start3A_101 : memref<128x128xf32, #tpu.memory_space<hbm>>) target(%arg8 : memref<128x128xf32, #tpu.memory_space<vmem>>) target_semaphore(%arg11 : memref<!tpu.dma_semaphore, #tpu.memory_space<semaphore_mem>>)
    %dma_wait3A_102 = tpu.memref_slice %arg2[%add3A_92, %mul3A_19] : memref<80000x256xf32, #tpu.memory_space<hbm>> -> memref<128x128xf32, #tpu.memory_space<hbm>>
    %dma_wait3A_103 = tpu.memref_slice %arg2[%add3A_92, %mul3A_19] : memref<80000x256xf32, #tpu.memory_space<hbm>> -> memref<128x128xf32, #tpu.memory_space<hbm>>
    tpu.wait_dma2 semaphore(%arg12 : memref<!tpu.dma_semaphore, #tpu.memory_space<semaphore_mem>>) src(%dma_wait3A_103 : memref<128x128xf32, #tpu.memory_space<hbm>>) dst(%arg9 : memref<128x128xf32, #tpu.memory_space<vmem>>)
    %run_scoped3A_104 = arith.constant 11 : i32
    "tpu.region"() ({
      %run_scoped3A_300 = tpu.sem_alloc : memref<!tpu.dma_semaphore, #tpu.memory_space<semaphore_mem>>
      %dma_start3A_301 = arith.constant 0 : i32
      %dma_start3A_302 = tpu.memref_slice %arg6[%run_scoped3A_104, %dma_start3A_301] : memref<39x128xi32, #tpu.memory_space<vmem>> -> memref<1x128xi32, #tpu.memory_space<vmem>>
      %dma_start3A_303 = tpu.memref_squeeze %dma_start3A_302 : memref<1x128xi32, #tpu.memory_space<vmem>> -> memref<128xi32, #tpu.memory_space<vmem>>
      %dma_start3A_304 = arith.constant 0 : i32
      %dma_start3A_305 = arith.constant 0 : i32
      %dma_start3A_306 = tpu.memref_slice %arg10[%dma_start3A_304, %dma_start3A_305] : memref<10000x128xf32, #tpu.memory_space<vmem_shared>> -> memref<10000x128xf32, #tpu.memory_space<vmem_shared>>
      tpu.enqueue_indirect_dma source(%arg9 : memref<128x128xf32, #tpu.memory_space<vmem>>) target(%dma_start3A_306 : memref<10000x128xf32, #tpu.memory_space<vmem_shared>>) offsets(%dma_start3A_303 : memref<128xi32, #tpu.memory_space<vmem>>) semaphore(%run_scoped3A_300 : memref<!tpu.dma_semaphore, #tpu.memory_space<semaphore_mem>>) {add = true}
      %dma_wait3A_307 = arith.constant 0 : i32
      %dma_wait3A_308 = tpu.memref_slice %arg6[%run_scoped3A_104, %dma_wait3A_307] : memref<39x128xi32, #tpu.memory_space<vmem>> -> memref<1x128xi32, #tpu.memory_space<vmem>>
      %dma_wait3A_309 = tpu.memref_squeeze %dma_wait3A_308 : memref<1x128xi32, #tpu.memory_space<vmem>> -> memref<128xi32, #tpu.memory_space<vmem>>
      %dma_wait3A_310 = arith.constant 0 : i32
      %dma_wait3A_311 = arith.constant 0 : i32
      %dma_wait3A_312 = tpu.memref_slice %arg10[%dma_wait3A_310, %dma_wait3A_311] : memref<10000x128xf32, #tpu.memory_space<vmem_shared>> -> memref<10000x128xf32, #tpu.memory_space<vmem_shared>>
      tpu.wait_indirect_dma semaphore(%run_scoped3A_300 : memref<!tpu.dma_semaphore, #tpu.memory_space<semaphore_mem>>) src(%arg9 : memref<128x128xf32, #tpu.memory_space<vmem>>) dst(%dma_wait3A_312 : memref<10000x128xf32, #tpu.memory_space<vmem_shared>>)
      tpu.yield
    }) : () -> ()
    %add3A_105 = arith.constant 1664 : i32
    %add3A_106 = arith.addi %mul3A_17, %add3A_105 : i32
    %dma_start3A_107 = tpu.memref_slice %arg2[%add3A_106, %mul3A_19] : memref<80000x256xf32, #tpu.memory_space<hbm>> -> memref<128x128xf32, #tpu.memory_space<hbm>>
    %dma_start3A_108 = tpu.memref_slice %arg2[%add3A_106, %mul3A_19] : memref<80000x256xf32, #tpu.memory_space<hbm>> -> memref<128x128xf32, #tpu.memory_space<hbm>>
    tpu.enqueue_dma source(%dma_start3A_108 : memref<128x128xf32, #tpu.memory_space<hbm>>) target(%arg9 : memref<128x128xf32, #tpu.memory_space<vmem>>) target_semaphore(%arg12 : memref<!tpu.dma_semaphore, #tpu.memory_space<semaphore_mem>>)
    %dma_wait3A_109 = tpu.memref_slice %arg2[%add3A_99, %mul3A_19] : memref<80000x256xf32, #tpu.memory_space<hbm>> -> memref<128x128xf32, #tpu.memory_space<hbm>>
    %dma_wait3A_110 = tpu.memref_slice %arg2[%add3A_99, %mul3A_19] : memref<80000x256xf32, #tpu.memory_space<hbm>> -> memref<128x128xf32, #tpu.memory_space<hbm>>
    tpu.wait_dma2 semaphore(%arg11 : memref<!tpu.dma_semaphore, #tpu.memory_space<semaphore_mem>>) src(%dma_wait3A_110 : memref<128x128xf32, #tpu.memory_space<hbm>>) dst(%arg8 : memref<128x128xf32, #tpu.memory_space<vmem>>)
    %run_scoped3A_111 = arith.constant 12 : i32
    "tpu.region"() ({
      %run_scoped3A_300 = tpu.sem_alloc : memref<!tpu.dma_semaphore, #tpu.memory_space<semaphore_mem>>
      %dma_start3A_301 = arith.constant 0 : i32
      %dma_start3A_302 = tpu.memref_slice %arg6[%run_scoped3A_111, %dma_start3A_301] : memref<39x128xi32, #tpu.memory_space<vmem>> -> memref<1x128xi32, #tpu.memory_space<vmem>>
      %dma_start3A_303 = tpu.memref_squeeze %dma_start3A_302 : memref<1x128xi32, #tpu.memory_space<vmem>> -> memref<128xi32, #tpu.memory_space<vmem>>
      %dma_start3A_304 = arith.constant 0 : i32
      %dma_start3A_305 = arith.constant 0 : i32
      %dma_start3A_306 = tpu.memref_slice %arg10[%dma_start3A_304, %dma_start3A_305] : memref<10000x128xf32, #tpu.memory_space<vmem_shared>> -> memref<10000x128xf32, #tpu.memory_space<vmem_shared>>
      tpu.enqueue_indirect_dma source(%arg8 : memref<128x128xf32, #tpu.memory_space<vmem>>) target(%dma_start3A_306 : memref<10000x128xf32, #tpu.memory_space<vmem_shared>>) offsets(%dma_start3A_303 : memref<128xi32, #tpu.memory_space<vmem>>) semaphore(%run_scoped3A_300 : memref<!tpu.dma_semaphore, #tpu.memory_space<semaphore_mem>>) {add = true}
      %dma_wait3A_307 = arith.constant 0 : i32
      %dma_wait3A_308 = tpu.memref_slice %arg6[%run_scoped3A_111, %dma_wait3A_307] : memref<39x128xi32, #tpu.memory_space<vmem>> -> memref<1x128xi32, #tpu.memory_space<vmem>>
      %dma_wait3A_309 = tpu.memref_squeeze %dma_wait3A_308 : memref<1x128xi32, #tpu.memory_space<vmem>> -> memref<128xi32, #tpu.memory_space<vmem>>
      %dma_wait3A_310 = arith.constant 0 : i32
      %dma_wait3A_311 = arith.constant 0 : i32
      %dma_wait3A_312 = tpu.memref_slice %arg10[%dma_wait3A_310, %dma_wait3A_311] : memref<10000x128xf32, #tpu.memory_space<vmem_shared>> -> memref<10000x128xf32, #tpu.memory_space<vmem_shared>>
      tpu.wait_indirect_dma semaphore(%run_scoped3A_300 : memref<!tpu.dma_semaphore, #tpu.memory_space<semaphore_mem>>) src(%arg8 : memref<128x128xf32, #tpu.memory_space<vmem>>) dst(%dma_wait3A_312 : memref<10000x128xf32, #tpu.memory_space<vmem_shared>>)
      tpu.yield
    }) : () -> ()
    %add3A_112 = arith.constant 1792 : i32
    %add3A_113 = arith.addi %mul3A_17, %add3A_112 : i32
    %dma_start3A_114 = tpu.memref_slice %arg2[%add3A_113, %mul3A_19] : memref<80000x256xf32, #tpu.memory_space<hbm>> -> memref<128x128xf32, #tpu.memory_space<hbm>>
    %dma_start3A_115 = tpu.memref_slice %arg2[%add3A_113, %mul3A_19] : memref<80000x256xf32, #tpu.memory_space<hbm>> -> memref<128x128xf32, #tpu.memory_space<hbm>>
    tpu.enqueue_dma source(%dma_start3A_115 : memref<128x128xf32, #tpu.memory_space<hbm>>) target(%arg8 : memref<128x128xf32, #tpu.memory_space<vmem>>) target_semaphore(%arg11 : memref<!tpu.dma_semaphore, #tpu.memory_space<semaphore_mem>>)
    %dma_wait3A_116 = tpu.memref_slice %arg2[%add3A_106, %mul3A_19] : memref<80000x256xf32, #tpu.memory_space<hbm>> -> memref<128x128xf32, #tpu.memory_space<hbm>>
    %dma_wait3A_117 = tpu.memref_slice %arg2[%add3A_106, %mul3A_19] : memref<80000x256xf32, #tpu.memory_space<hbm>> -> memref<128x128xf32, #tpu.memory_space<hbm>>
    tpu.wait_dma2 semaphore(%arg12 : memref<!tpu.dma_semaphore, #tpu.memory_space<semaphore_mem>>) src(%dma_wait3A_117 : memref<128x128xf32, #tpu.memory_space<hbm>>) dst(%arg9 : memref<128x128xf32, #tpu.memory_space<vmem>>)
    %run_scoped3A_118 = arith.constant 13 : i32
    "tpu.region"() ({
      %run_scoped3A_300 = tpu.sem_alloc : memref<!tpu.dma_semaphore, #tpu.memory_space<semaphore_mem>>
      %dma_start3A_301 = arith.constant 0 : i32
      %dma_start3A_302 = tpu.memref_slice %arg6[%run_scoped3A_118, %dma_start3A_301] : memref<39x128xi32, #tpu.memory_space<vmem>> -> memref<1x128xi32, #tpu.memory_space<vmem>>
      %dma_start3A_303 = tpu.memref_squeeze %dma_start3A_302 : memref<1x128xi32, #tpu.memory_space<vmem>> -> memref<128xi32, #tpu.memory_space<vmem>>
      %dma_start3A_304 = arith.constant 0 : i32
      %dma_start3A_305 = arith.constant 0 : i32
      %dma_start3A_306 = tpu.memref_slice %arg10[%dma_start3A_304, %dma_start3A_305] : memref<10000x128xf32, #tpu.memory_space<vmem_shared>> -> memref<10000x128xf32, #tpu.memory_space<vmem_shared>>
      tpu.enqueue_indirect_dma source(%arg9 : memref<128x128xf32, #tpu.memory_space<vmem>>) target(%dma_start3A_306 : memref<10000x128xf32, #tpu.memory_space<vmem_shared>>) offsets(%dma_start3A_303 : memref<128xi32, #tpu.memory_space<vmem>>) semaphore(%run_scoped3A_300 : memref<!tpu.dma_semaphore, #tpu.memory_space<semaphore_mem>>) {add = true}
      %dma_wait3A_307 = arith.constant 0 : i32
      %dma_wait3A_308 = tpu.memref_slice %arg6[%run_scoped3A_118, %dma_wait3A_307] : memref<39x128xi32, #tpu.memory_space<vmem>> -> memref<1x128xi32, #tpu.memory_space<vmem>>
      %dma_wait3A_309 = tpu.memref_squeeze %dma_wait3A_308 : memref<1x128xi32, #tpu.memory_space<vmem>> -> memref<128xi32, #tpu.memory_space<vmem>>
      %dma_wait3A_310 = arith.constant 0 : i32
      %dma_wait3A_311 = arith.constant 0 : i32
      %dma_wait3A_312 = tpu.memref_slice %arg10[%dma_wait3A_310, %dma_wait3A_311] : memref<10000x128xf32, #tpu.memory_space<vmem_shared>> -> memref<10000x128xf32, #tpu.memory_space<vmem_shared>>
      tpu.wait_indirect_dma semaphore(%run_scoped3A_300 : memref<!tpu.dma_semaphore, #tpu.memory_space<semaphore_mem>>) src(%arg9 : memref<128x128xf32, #tpu.memory_space<vmem>>) dst(%dma_wait3A_312 : memref<10000x128xf32, #tpu.memory_space<vmem_shared>>)
      tpu.yield
    }) : () -> ()
    %add3A_119 = arith.constant 1920 : i32
    %add3A_120 = arith.addi %mul3A_17, %add3A_119 : i32
    %dma_start3A_121 = tpu.memref_slice %arg2[%add3A_120, %mul3A_19] : memref<80000x256xf32, #tpu.memory_space<hbm>> -> memref<128x128xf32, #tpu.memory_space<hbm>>
    %dma_start3A_122 = tpu.memref_slice %arg2[%add3A_120, %mul3A_19] : memref<80000x256xf32, #tpu.memory_space<hbm>> -> memref<128x128xf32, #tpu.memory_space<hbm>>
    tpu.enqueue_dma source(%dma_start3A_122 : memref<128x128xf32, #tpu.memory_space<hbm>>) target(%arg9 : memref<128x128xf32, #tpu.memory_space<vmem>>) target_semaphore(%arg12 : memref<!tpu.dma_semaphore, #tpu.memory_space<semaphore_mem>>)
    %dma_wait3A_123 = tpu.memref_slice %arg2[%add3A_113, %mul3A_19] : memref<80000x256xf32, #tpu.memory_space<hbm>> -> memref<128x128xf32, #tpu.memory_space<hbm>>
    %dma_wait3A_124 = tpu.memref_slice %arg2[%add3A_113, %mul3A_19] : memref<80000x256xf32, #tpu.memory_space<hbm>> -> memref<128x128xf32, #tpu.memory_space<hbm>>
    tpu.wait_dma2 semaphore(%arg11 : memref<!tpu.dma_semaphore, #tpu.memory_space<semaphore_mem>>) src(%dma_wait3A_124 : memref<128x128xf32, #tpu.memory_space<hbm>>) dst(%arg8 : memref<128x128xf32, #tpu.memory_space<vmem>>)
    %run_scoped3A_125 = arith.constant 14 : i32
    "tpu.region"() ({
      %run_scoped3A_300 = tpu.sem_alloc : memref<!tpu.dma_semaphore, #tpu.memory_space<semaphore_mem>>
      %dma_start3A_301 = arith.constant 0 : i32
      %dma_start3A_302 = tpu.memref_slice %arg6[%run_scoped3A_125, %dma_start3A_301] : memref<39x128xi32, #tpu.memory_space<vmem>> -> memref<1x128xi32, #tpu.memory_space<vmem>>
      %dma_start3A_303 = tpu.memref_squeeze %dma_start3A_302 : memref<1x128xi32, #tpu.memory_space<vmem>> -> memref<128xi32, #tpu.memory_space<vmem>>
      %dma_start3A_304 = arith.constant 0 : i32
      %dma_start3A_305 = arith.constant 0 : i32
      %dma_start3A_306 = tpu.memref_slice %arg10[%dma_start3A_304, %dma_start3A_305] : memref<10000x128xf32, #tpu.memory_space<vmem_shared>> -> memref<10000x128xf32, #tpu.memory_space<vmem_shared>>
      tpu.enqueue_indirect_dma source(%arg8 : memref<128x128xf32, #tpu.memory_space<vmem>>) target(%dma_start3A_306 : memref<10000x128xf32, #tpu.memory_space<vmem_shared>>) offsets(%dma_start3A_303 : memref<128xi32, #tpu.memory_space<vmem>>) semaphore(%run_scoped3A_300 : memref<!tpu.dma_semaphore, #tpu.memory_space<semaphore_mem>>) {add = true}
      %dma_wait3A_307 = arith.constant 0 : i32
      %dma_wait3A_308 = tpu.memref_slice %arg6[%run_scoped3A_125, %dma_wait3A_307] : memref<39x128xi32, #tpu.memory_space<vmem>> -> memref<1x128xi32, #tpu.memory_space<vmem>>
      %dma_wait3A_309 = tpu.memref_squeeze %dma_wait3A_308 : memref<1x128xi32, #tpu.memory_space<vmem>> -> memref<128xi32, #tpu.memory_space<vmem>>
      %dma_wait3A_310 = arith.constant 0 : i32
      %dma_wait3A_311 = arith.constant 0 : i32
      %dma_wait3A_312 = tpu.memref_slice %arg10[%dma_wait3A_310, %dma_wait3A_311] : memref<10000x128xf32, #tpu.memory_space<vmem_shared>> -> memref<10000x128xf32, #tpu.memory_space<vmem_shared>>
      tpu.wait_indirect_dma semaphore(%run_scoped3A_300 : memref<!tpu.dma_semaphore, #tpu.memory_space<semaphore_mem>>) src(%arg8 : memref<128x128xf32, #tpu.memory_space<vmem>>) dst(%dma_wait3A_312 : memref<10000x128xf32, #tpu.memory_space<vmem_shared>>)
      tpu.yield
    }) : () -> ()
    %add3A_126 = arith.constant 2048 : i32
    %add3A_127 = arith.addi %mul3A_17, %add3A_126 : i32
    %dma_start3A_128 = tpu.memref_slice %arg2[%add3A_127, %mul3A_19] : memref<80000x256xf32, #tpu.memory_space<hbm>> -> memref<128x128xf32, #tpu.memory_space<hbm>>
    %dma_start3A_129 = tpu.memref_slice %arg2[%add3A_127, %mul3A_19] : memref<80000x256xf32, #tpu.memory_space<hbm>> -> memref<128x128xf32, #tpu.memory_space<hbm>>
    tpu.enqueue_dma source(%dma_start3A_129 : memref<128x128xf32, #tpu.memory_space<hbm>>) target(%arg8 : memref<128x128xf32, #tpu.memory_space<vmem>>) target_semaphore(%arg11 : memref<!tpu.dma_semaphore, #tpu.memory_space<semaphore_mem>>)
    %dma_wait3A_130 = tpu.memref_slice %arg2[%add3A_120, %mul3A_19] : memref<80000x256xf32, #tpu.memory_space<hbm>> -> memref<128x128xf32, #tpu.memory_space<hbm>>
    %dma_wait3A_131 = tpu.memref_slice %arg2[%add3A_120, %mul3A_19] : memref<80000x256xf32, #tpu.memory_space<hbm>> -> memref<128x128xf32, #tpu.memory_space<hbm>>
    tpu.wait_dma2 semaphore(%arg12 : memref<!tpu.dma_semaphore, #tpu.memory_space<semaphore_mem>>) src(%dma_wait3A_131 : memref<128x128xf32, #tpu.memory_space<hbm>>) dst(%arg9 : memref<128x128xf32, #tpu.memory_space<vmem>>)
    %run_scoped3A_132 = arith.constant 15 : i32
    "tpu.region"() ({
      %run_scoped3A_300 = tpu.sem_alloc : memref<!tpu.dma_semaphore, #tpu.memory_space<semaphore_mem>>
      %dma_start3A_301 = arith.constant 0 : i32
      %dma_start3A_302 = tpu.memref_slice %arg6[%run_scoped3A_132, %dma_start3A_301] : memref<39x128xi32, #tpu.memory_space<vmem>> -> memref<1x128xi32, #tpu.memory_space<vmem>>
      %dma_start3A_303 = tpu.memref_squeeze %dma_start3A_302 : memref<1x128xi32, #tpu.memory_space<vmem>> -> memref<128xi32, #tpu.memory_space<vmem>>
      %dma_start3A_304 = arith.constant 0 : i32
      %dma_start3A_305 = arith.constant 0 : i32
      %dma_start3A_306 = tpu.memref_slice %arg10[%dma_start3A_304, %dma_start3A_305] : memref<10000x128xf32, #tpu.memory_space<vmem_shared>> -> memref<10000x128xf32, #tpu.memory_space<vmem_shared>>
      tpu.enqueue_indirect_dma source(%arg9 : memref<128x128xf32, #tpu.memory_space<vmem>>) target(%dma_start3A_306 : memref<10000x128xf32, #tpu.memory_space<vmem_shared>>) offsets(%dma_start3A_303 : memref<128xi32, #tpu.memory_space<vmem>>) semaphore(%run_scoped3A_300 : memref<!tpu.dma_semaphore, #tpu.memory_space<semaphore_mem>>) {add = true}
      %dma_wait3A_307 = arith.constant 0 : i32
      %dma_wait3A_308 = tpu.memref_slice %arg6[%run_scoped3A_132, %dma_wait3A_307] : memref<39x128xi32, #tpu.memory_space<vmem>> -> memref<1x128xi32, #tpu.memory_space<vmem>>
      %dma_wait3A_309 = tpu.memref_squeeze %dma_wait3A_308 : memref<1x128xi32, #tpu.memory_space<vmem>> -> memref<128xi32, #tpu.memory_space<vmem>>
      %dma_wait3A_310 = arith.constant 0 : i32
      %dma_wait3A_311 = arith.constant 0 : i32
      %dma_wait3A_312 = tpu.memref_slice %arg10[%dma_wait3A_310, %dma_wait3A_311] : memref<10000x128xf32, #tpu.memory_space<vmem_shared>> -> memref<10000x128xf32, #tpu.memory_space<vmem_shared>>
      tpu.wait_indirect_dma semaphore(%run_scoped3A_300 : memref<!tpu.dma_semaphore, #tpu.memory_space<semaphore_mem>>) src(%arg9 : memref<128x128xf32, #tpu.memory_space<vmem>>) dst(%dma_wait3A_312 : memref<10000x128xf32, #tpu.memory_space<vmem_shared>>)
      tpu.yield
    }) : () -> ()
    %add3A_133 = arith.constant 2176 : i32
    %add3A_134 = arith.addi %mul3A_17, %add3A_133 : i32
    %dma_start3A_135 = tpu.memref_slice %arg2[%add3A_134, %mul3A_19] : memref<80000x256xf32, #tpu.memory_space<hbm>> -> memref<128x128xf32, #tpu.memory_space<hbm>>
    %dma_start3A_136 = tpu.memref_slice %arg2[%add3A_134, %mul3A_19] : memref<80000x256xf32, #tpu.memory_space<hbm>> -> memref<128x128xf32, #tpu.memory_space<hbm>>
    tpu.enqueue_dma source(%dma_start3A_136 : memref<128x128xf32, #tpu.memory_space<hbm>>) target(%arg9 : memref<128x128xf32, #tpu.memory_space<vmem>>) target_semaphore(%arg12 : memref<!tpu.dma_semaphore, #tpu.memory_space<semaphore_mem>>)
    %dma_wait3A_137 = tpu.memref_slice %arg2[%add3A_127, %mul3A_19] : memref<80000x256xf32, #tpu.memory_space<hbm>> -> memref<128x128xf32, #tpu.memory_space<hbm>>
    %dma_wait3A_138 = tpu.memref_slice %arg2[%add3A_127, %mul3A_19] : memref<80000x256xf32, #tpu.memory_space<hbm>> -> memref<128x128xf32, #tpu.memory_space<hbm>>
    tpu.wait_dma2 semaphore(%arg11 : memref<!tpu.dma_semaphore, #tpu.memory_space<semaphore_mem>>) src(%dma_wait3A_138 : memref<128x128xf32, #tpu.memory_space<hbm>>) dst(%arg8 : memref<128x128xf32, #tpu.memory_space<vmem>>)
    %run_scoped3A_139 = arith.constant 16 : i32
    "tpu.region"() ({
      %run_scoped3A_300 = tpu.sem_alloc : memref<!tpu.dma_semaphore, #tpu.memory_space<semaphore_mem>>
      %dma_start3A_301 = arith.constant 0 : i32
      %dma_start3A_302 = tpu.memref_slice %arg6[%run_scoped3A_139, %dma_start3A_301] : memref<39x128xi32, #tpu.memory_space<vmem>> -> memref<1x128xi32, #tpu.memory_space<vmem>>
      %dma_start3A_303 = tpu.memref_squeeze %dma_start3A_302 : memref<1x128xi32, #tpu.memory_space<vmem>> -> memref<128xi32, #tpu.memory_space<vmem>>
      %dma_start3A_304 = arith.constant 0 : i32
      %dma_start3A_305 = arith.constant 0 : i32
      %dma_start3A_306 = tpu.memref_slice %arg10[%dma_start3A_304, %dma_start3A_305] : memref<10000x128xf32, #tpu.memory_space<vmem_shared>> -> memref<10000x128xf32, #tpu.memory_space<vmem_shared>>
      tpu.enqueue_indirect_dma source(%arg8 : memref<128x128xf32, #tpu.memory_space<vmem>>) target(%dma_start3A_306 : memref<10000x128xf32, #tpu.memory_space<vmem_shared>>) offsets(%dma_start3A_303 : memref<128xi32, #tpu.memory_space<vmem>>) semaphore(%run_scoped3A_300 : memref<!tpu.dma_semaphore, #tpu.memory_space<semaphore_mem>>) {add = true}
      %dma_wait3A_307 = arith.constant 0 : i32
      %dma_wait3A_308 = tpu.memref_slice %arg6[%run_scoped3A_139, %dma_wait3A_307] : memref<39x128xi32, #tpu.memory_space<vmem>> -> memref<1x128xi32, #tpu.memory_space<vmem>>
      %dma_wait3A_309 = tpu.memref_squeeze %dma_wait3A_308 : memref<1x128xi32, #tpu.memory_space<vmem>> -> memref<128xi32, #tpu.memory_space<vmem>>
      %dma_wait3A_310 = arith.constant 0 : i32
      %dma_wait3A_311 = arith.constant 0 : i32
      %dma_wait3A_312 = tpu.memref_slice %arg10[%dma_wait3A_310, %dma_wait3A_311] : memref<10000x128xf32, #tpu.memory_space<vmem_shared>> -> memref<10000x128xf32, #tpu.memory_space<vmem_shared>>
      tpu.wait_indirect_dma semaphore(%run_scoped3A_300 : memref<!tpu.dma_semaphore, #tpu.memory_space<semaphore_mem>>) src(%arg8 : memref<128x128xf32, #tpu.memory_space<vmem>>) dst(%dma_wait3A_312 : memref<10000x128xf32, #tpu.memory_space<vmem_shared>>)
      tpu.yield
    }) : () -> ()
    %add3A_140 = arith.constant 2304 : i32
    %add3A_141 = arith.addi %mul3A_17, %add3A_140 : i32
    %dma_start3A_142 = tpu.memref_slice %arg2[%add3A_141, %mul3A_19] : memref<80000x256xf32, #tpu.memory_space<hbm>> -> memref<128x128xf32, #tpu.memory_space<hbm>>
    %dma_start3A_143 = tpu.memref_slice %arg2[%add3A_141, %mul3A_19] : memref<80000x256xf32, #tpu.memory_space<hbm>> -> memref<128x128xf32, #tpu.memory_space<hbm>>
    tpu.enqueue_dma source(%dma_start3A_143 : memref<128x128xf32, #tpu.memory_space<hbm>>) target(%arg8 : memref<128x128xf32, #tpu.memory_space<vmem>>) target_semaphore(%arg11 : memref<!tpu.dma_semaphore, #tpu.memory_space<semaphore_mem>>)
    %dma_wait3A_144 = tpu.memref_slice %arg2[%add3A_134, %mul3A_19] : memref<80000x256xf32, #tpu.memory_space<hbm>> -> memref<128x128xf32, #tpu.memory_space<hbm>>
    %dma_wait3A_145 = tpu.memref_slice %arg2[%add3A_134, %mul3A_19] : memref<80000x256xf32, #tpu.memory_space<hbm>> -> memref<128x128xf32, #tpu.memory_space<hbm>>
    tpu.wait_dma2 semaphore(%arg12 : memref<!tpu.dma_semaphore, #tpu.memory_space<semaphore_mem>>) src(%dma_wait3A_145 : memref<128x128xf32, #tpu.memory_space<hbm>>) dst(%arg9 : memref<128x128xf32, #tpu.memory_space<vmem>>)
    %run_scoped3A_146 = arith.constant 17 : i32
    "tpu.region"() ({
      %run_scoped3A_300 = tpu.sem_alloc : memref<!tpu.dma_semaphore, #tpu.memory_space<semaphore_mem>>
      %dma_start3A_301 = arith.constant 0 : i32
      %dma_start3A_302 = tpu.memref_slice %arg6[%run_scoped3A_146, %dma_start3A_301] : memref<39x128xi32, #tpu.memory_space<vmem>> -> memref<1x128xi32, #tpu.memory_space<vmem>>
      %dma_start3A_303 = tpu.memref_squeeze %dma_start3A_302 : memref<1x128xi32, #tpu.memory_space<vmem>> -> memref<128xi32, #tpu.memory_space<vmem>>
      %dma_start3A_304 = arith.constant 0 : i32
      %dma_start3A_305 = arith.constant 0 : i32
      %dma_start3A_306 = tpu.memref_slice %arg10[%dma_start3A_304, %dma_start3A_305] : memref<10000x128xf32, #tpu.memory_space<vmem_shared>> -> memref<10000x128xf32, #tpu.memory_space<vmem_shared>>
      tpu.enqueue_indirect_dma source(%arg9 : memref<128x128xf32, #tpu.memory_space<vmem>>) target(%dma_start3A_306 : memref<10000x128xf32, #tpu.memory_space<vmem_shared>>) offsets(%dma_start3A_303 : memref<128xi32, #tpu.memory_space<vmem>>) semaphore(%run_scoped3A_300 : memref<!tpu.dma_semaphore, #tpu.memory_space<semaphore_mem>>) {add = true}
      %dma_wait3A_307 = arith.constant 0 : i32
      %dma_wait3A_308 = tpu.memref_slice %arg6[%run_scoped3A_146, %dma_wait3A_307] : memref<39x128xi32, #tpu.memory_space<vmem>> -> memref<1x128xi32, #tpu.memory_space<vmem>>
      %dma_wait3A_309 = tpu.memref_squeeze %dma_wait3A_308 : memref<1x128xi32, #tpu.memory_space<vmem>> -> memref<128xi32, #tpu.memory_space<vmem>>
      %dma_wait3A_310 = arith.constant 0 : i32
      %dma_wait3A_311 = arith.constant 0 : i32
      %dma_wait3A_312 = tpu.memref_slice %arg10[%dma_wait3A_310, %dma_wait3A_311] : memref<10000x128xf32, #tpu.memory_space<vmem_shared>> -> memref<10000x128xf32, #tpu.memory_space<vmem_shared>>
      tpu.wait_indirect_dma semaphore(%run_scoped3A_300 : memref<!tpu.dma_semaphore, #tpu.memory_space<semaphore_mem>>) src(%arg9 : memref<128x128xf32, #tpu.memory_space<vmem>>) dst(%dma_wait3A_312 : memref<10000x128xf32, #tpu.memory_space<vmem_shared>>)
      tpu.yield
    }) : () -> ()
    %add3A_147 = arith.constant 2432 : i32
    %add3A_148 = arith.addi %mul3A_17, %add3A_147 : i32
    %dma_start3A_149 = tpu.memref_slice %arg2[%add3A_148, %mul3A_19] : memref<80000x256xf32, #tpu.memory_space<hbm>> -> memref<128x128xf32, #tpu.memory_space<hbm>>
    %dma_start3A_150 = tpu.memref_slice %arg2[%add3A_148, %mul3A_19] : memref<80000x256xf32, #tpu.memory_space<hbm>> -> memref<128x128xf32, #tpu.memory_space<hbm>>
    tpu.enqueue_dma source(%dma_start3A_150 : memref<128x128xf32, #tpu.memory_space<hbm>>) target(%arg9 : memref<128x128xf32, #tpu.memory_space<vmem>>) target_semaphore(%arg12 : memref<!tpu.dma_semaphore, #tpu.memory_space<semaphore_mem>>)
    %dma_wait3A_151 = tpu.memref_slice %arg2[%add3A_141, %mul3A_19] : memref<80000x256xf32, #tpu.memory_space<hbm>> -> memref<128x128xf32, #tpu.memory_space<hbm>>
    %dma_wait3A_152 = tpu.memref_slice %arg2[%add3A_141, %mul3A_19] : memref<80000x256xf32, #tpu.memory_space<hbm>> -> memref<128x128xf32, #tpu.memory_space<hbm>>
    tpu.wait_dma2 semaphore(%arg11 : memref<!tpu.dma_semaphore, #tpu.memory_space<semaphore_mem>>) src(%dma_wait3A_152 : memref<128x128xf32, #tpu.memory_space<hbm>>) dst(%arg8 : memref<128x128xf32, #tpu.memory_space<vmem>>)
    %run_scoped3A_153 = arith.constant 18 : i32
    "tpu.region"() ({
      %run_scoped3A_300 = tpu.sem_alloc : memref<!tpu.dma_semaphore, #tpu.memory_space<semaphore_mem>>
      %dma_start3A_301 = arith.constant 0 : i32
      %dma_start3A_302 = tpu.memref_slice %arg6[%run_scoped3A_153, %dma_start3A_301] : memref<39x128xi32, #tpu.memory_space<vmem>> -> memref<1x128xi32, #tpu.memory_space<vmem>>
      %dma_start3A_303 = tpu.memref_squeeze %dma_start3A_302 : memref<1x128xi32, #tpu.memory_space<vmem>> -> memref<128xi32, #tpu.memory_space<vmem>>
      %dma_start3A_304 = arith.constant 0 : i32
      %dma_start3A_305 = arith.constant 0 : i32
      %dma_start3A_306 = tpu.memref_slice %arg10[%dma_start3A_304, %dma_start3A_305] : memref<10000x128xf32, #tpu.memory_space<vmem_shared>> -> memref<10000x128xf32, #tpu.memory_space<vmem_shared>>
      tpu.enqueue_indirect_dma source(%arg8 : memref<128x128xf32, #tpu.memory_space<vmem>>) target(%dma_start3A_306 : memref<10000x128xf32, #tpu.memory_space<vmem_shared>>) offsets(%dma_start3A_303 : memref<128xi32, #tpu.memory_space<vmem>>) semaphore(%run_scoped3A_300 : memref<!tpu.dma_semaphore, #tpu.memory_space<semaphore_mem>>) {add = true}
      %dma_wait3A_307 = arith.constant 0 : i32
      %dma_wait3A_308 = tpu.memref_slice %arg6[%run_scoped3A_153, %dma_wait3A_307] : memref<39x128xi32, #tpu.memory_space<vmem>> -> memref<1x128xi32, #tpu.memory_space<vmem>>
      %dma_wait3A_309 = tpu.memref_squeeze %dma_wait3A_308 : memref<1x128xi32, #tpu.memory_space<vmem>> -> memref<128xi32, #tpu.memory_space<vmem>>
      %dma_wait3A_310 = arith.constant 0 : i32
      %dma_wait3A_311 = arith.constant 0 : i32
      %dma_wait3A_312 = tpu.memref_slice %arg10[%dma_wait3A_310, %dma_wait3A_311] : memref<10000x128xf32, #tpu.memory_space<vmem_shared>> -> memref<10000x128xf32, #tpu.memory_space<vmem_shared>>
      tpu.wait_indirect_dma semaphore(%run_scoped3A_300 : memref<!tpu.dma_semaphore, #tpu.memory_space<semaphore_mem>>) src(%arg8 : memref<128x128xf32, #tpu.memory_space<vmem>>) dst(%dma_wait3A_312 : memref<10000x128xf32, #tpu.memory_space<vmem_shared>>)
      tpu.yield
    }) : () -> ()
    %add3A_154 = arith.constant 2560 : i32
    %add3A_155 = arith.addi %mul3A_17, %add3A_154 : i32
    %dma_start3A_156 = tpu.memref_slice %arg2[%add3A_155, %mul3A_19] : memref<80000x256xf32, #tpu.memory_space<hbm>> -> memref<128x128xf32, #tpu.memory_space<hbm>>
    %dma_start3A_157 = tpu.memref_slice %arg2[%add3A_155, %mul3A_19] : memref<80000x256xf32, #tpu.memory_space<hbm>> -> memref<128x128xf32, #tpu.memory_space<hbm>>
    tpu.enqueue_dma source(%dma_start3A_157 : memref<128x128xf32, #tpu.memory_space<hbm>>) target(%arg8 : memref<128x128xf32, #tpu.memory_space<vmem>>) target_semaphore(%arg11 : memref<!tpu.dma_semaphore, #tpu.memory_space<semaphore_mem>>)
    %dma_wait3A_158 = tpu.memref_slice %arg2[%add3A_148, %mul3A_19] : memref<80000x256xf32, #tpu.memory_space<hbm>> -> memref<128x128xf32, #tpu.memory_space<hbm>>
    %dma_wait3A_159 = tpu.memref_slice %arg2[%add3A_148, %mul3A_19] : memref<80000x256xf32, #tpu.memory_space<hbm>> -> memref<128x128xf32, #tpu.memory_space<hbm>>
    tpu.wait_dma2 semaphore(%arg12 : memref<!tpu.dma_semaphore, #tpu.memory_space<semaphore_mem>>) src(%dma_wait3A_159 : memref<128x128xf32, #tpu.memory_space<hbm>>) dst(%arg9 : memref<128x128xf32, #tpu.memory_space<vmem>>)
    %run_scoped3A_160 = arith.constant 19 : i32
    "tpu.region"() ({
      %run_scoped3A_300 = tpu.sem_alloc : memref<!tpu.dma_semaphore, #tpu.memory_space<semaphore_mem>>
      %dma_start3A_301 = arith.constant 0 : i32
      %dma_start3A_302 = tpu.memref_slice %arg6[%run_scoped3A_160, %dma_start3A_301] : memref<39x128xi32, #tpu.memory_space<vmem>> -> memref<1x128xi32, #tpu.memory_space<vmem>>
      %dma_start3A_303 = tpu.memref_squeeze %dma_start3A_302 : memref<1x128xi32, #tpu.memory_space<vmem>> -> memref<128xi32, #tpu.memory_space<vmem>>
      %dma_start3A_304 = arith.constant 0 : i32
      %dma_start3A_305 = arith.constant 0 : i32
      %dma_start3A_306 = tpu.memref_slice %arg10[%dma_start3A_304, %dma_start3A_305] : memref<10000x128xf32, #tpu.memory_space<vmem_shared>> -> memref<10000x128xf32, #tpu.memory_space<vmem_shared>>
      tpu.enqueue_indirect_dma source(%arg9 : memref<128x128xf32, #tpu.memory_space<vmem>>) target(%dma_start3A_306 : memref<10000x128xf32, #tpu.memory_space<vmem_shared>>) offsets(%dma_start3A_303 : memref<128xi32, #tpu.memory_space<vmem>>) semaphore(%run_scoped3A_300 : memref<!tpu.dma_semaphore, #tpu.memory_space<semaphore_mem>>) {add = true}
      %dma_wait3A_307 = arith.constant 0 : i32
      %dma_wait3A_308 = tpu.memref_slice %arg6[%run_scoped3A_160, %dma_wait3A_307] : memref<39x128xi32, #tpu.memory_space<vmem>> -> memref<1x128xi32, #tpu.memory_space<vmem>>
      %dma_wait3A_309 = tpu.memref_squeeze %dma_wait3A_308 : memref<1x128xi32, #tpu.memory_space<vmem>> -> memref<128xi32, #tpu.memory_space<vmem>>
      %dma_wait3A_310 = arith.constant 0 : i32
      %dma_wait3A_311 = arith.constant 0 : i32
      %dma_wait3A_312 = tpu.memref_slice %arg10[%dma_wait3A_310, %dma_wait3A_311] : memref<10000x128xf32, #tpu.memory_space<vmem_shared>> -> memref<10000x128xf32, #tpu.memory_space<vmem_shared>>
      tpu.wait_indirect_dma semaphore(%run_scoped3A_300 : memref<!tpu.dma_semaphore, #tpu.memory_space<semaphore_mem>>) src(%arg9 : memref<128x128xf32, #tpu.memory_space<vmem>>) dst(%dma_wait3A_312 : memref<10000x128xf32, #tpu.memory_space<vmem_shared>>)
      tpu.yield
    }) : () -> ()
    %add3A_161 = arith.constant 2688 : i32
    %add3A_162 = arith.addi %mul3A_17, %add3A_161 : i32
    %dma_start3A_163 = tpu.memref_slice %arg2[%add3A_162, %mul3A_19] : memref<80000x256xf32, #tpu.memory_space<hbm>> -> memref<128x128xf32, #tpu.memory_space<hbm>>
    %dma_start3A_164 = tpu.memref_slice %arg2[%add3A_162, %mul3A_19] : memref<80000x256xf32, #tpu.memory_space<hbm>> -> memref<128x128xf32, #tpu.memory_space<hbm>>
    tpu.enqueue_dma source(%dma_start3A_164 : memref<128x128xf32, #tpu.memory_space<hbm>>) target(%arg9 : memref<128x128xf32, #tpu.memory_space<vmem>>) target_semaphore(%arg12 : memref<!tpu.dma_semaphore, #tpu.memory_space<semaphore_mem>>)
    %dma_wait3A_165 = tpu.memref_slice %arg2[%add3A_155, %mul3A_19] : memref<80000x256xf32, #tpu.memory_space<hbm>> -> memref<128x128xf32, #tpu.memory_space<hbm>>
    %dma_wait3A_166 = tpu.memref_slice %arg2[%add3A_155, %mul3A_19] : memref<80000x256xf32, #tpu.memory_space<hbm>> -> memref<128x128xf32, #tpu.memory_space<hbm>>
    tpu.wait_dma2 semaphore(%arg11 : memref<!tpu.dma_semaphore, #tpu.memory_space<semaphore_mem>>) src(%dma_wait3A_166 : memref<128x128xf32, #tpu.memory_space<hbm>>) dst(%arg8 : memref<128x128xf32, #tpu.memory_space<vmem>>)
    %run_scoped3A_167 = arith.constant 20 : i32
    "tpu.region"() ({
      %run_scoped3A_300 = tpu.sem_alloc : memref<!tpu.dma_semaphore, #tpu.memory_space<semaphore_mem>>
      %dma_start3A_301 = arith.constant 0 : i32
      %dma_start3A_302 = tpu.memref_slice %arg6[%run_scoped3A_167, %dma_start3A_301] : memref<39x128xi32, #tpu.memory_space<vmem>> -> memref<1x128xi32, #tpu.memory_space<vmem>>
      %dma_start3A_303 = tpu.memref_squeeze %dma_start3A_302 : memref<1x128xi32, #tpu.memory_space<vmem>> -> memref<128xi32, #tpu.memory_space<vmem>>
      %dma_start3A_304 = arith.constant 0 : i32
      %dma_start3A_305 = arith.constant 0 : i32
      %dma_start3A_306 = tpu.memref_slice %arg10[%dma_start3A_304, %dma_start3A_305] : memref<10000x128xf32, #tpu.memory_space<vmem_shared>> -> memref<10000x128xf32, #tpu.memory_space<vmem_shared>>
      tpu.enqueue_indirect_dma source(%arg8 : memref<128x128xf32, #tpu.memory_space<vmem>>) target(%dma_start3A_306 : memref<10000x128xf32, #tpu.memory_space<vmem_shared>>) offsets(%dma_start3A_303 : memref<128xi32, #tpu.memory_space<vmem>>) semaphore(%run_scoped3A_300 : memref<!tpu.dma_semaphore, #tpu.memory_space<semaphore_mem>>) {add = true}
      %dma_wait3A_307 = arith.constant 0 : i32
      %dma_wait3A_308 = tpu.memref_slice %arg6[%run_scoped3A_167, %dma_wait3A_307] : memref<39x128xi32, #tpu.memory_space<vmem>> -> memref<1x128xi32, #tpu.memory_space<vmem>>
      %dma_wait3A_309 = tpu.memref_squeeze %dma_wait3A_308 : memref<1x128xi32, #tpu.memory_space<vmem>> -> memref<128xi32, #tpu.memory_space<vmem>>
      %dma_wait3A_310 = arith.constant 0 : i32
      %dma_wait3A_311 = arith.constant 0 : i32
      %dma_wait3A_312 = tpu.memref_slice %arg10[%dma_wait3A_310, %dma_wait3A_311] : memref<10000x128xf32, #tpu.memory_space<vmem_shared>> -> memref<10000x128xf32, #tpu.memory_space<vmem_shared>>
      tpu.wait_indirect_dma semaphore(%run_scoped3A_300 : memref<!tpu.dma_semaphore, #tpu.memory_space<semaphore_mem>>) src(%arg8 : memref<128x128xf32, #tpu.memory_space<vmem>>) dst(%dma_wait3A_312 : memref<10000x128xf32, #tpu.memory_space<vmem_shared>>)
      tpu.yield
    }) : () -> ()
    %add3A_168 = arith.constant 2816 : i32
    %add3A_169 = arith.addi %mul3A_17, %add3A_168 : i32
    %dma_start3A_170 = tpu.memref_slice %arg2[%add3A_169, %mul3A_19] : memref<80000x256xf32, #tpu.memory_space<hbm>> -> memref<128x128xf32, #tpu.memory_space<hbm>>
    %dma_start3A_171 = tpu.memref_slice %arg2[%add3A_169, %mul3A_19] : memref<80000x256xf32, #tpu.memory_space<hbm>> -> memref<128x128xf32, #tpu.memory_space<hbm>>
    tpu.enqueue_dma source(%dma_start3A_171 : memref<128x128xf32, #tpu.memory_space<hbm>>) target(%arg8 : memref<128x128xf32, #tpu.memory_space<vmem>>) target_semaphore(%arg11 : memref<!tpu.dma_semaphore, #tpu.memory_space<semaphore_mem>>)
    %dma_wait3A_172 = tpu.memref_slice %arg2[%add3A_162, %mul3A_19] : memref<80000x256xf32, #tpu.memory_space<hbm>> -> memref<128x128xf32, #tpu.memory_space<hbm>>
    %dma_wait3A_173 = tpu.memref_slice %arg2[%add3A_162, %mul3A_19] : memref<80000x256xf32, #tpu.memory_space<hbm>> -> memref<128x128xf32, #tpu.memory_space<hbm>>
    tpu.wait_dma2 semaphore(%arg12 : memref<!tpu.dma_semaphore, #tpu.memory_space<semaphore_mem>>) src(%dma_wait3A_173 : memref<128x128xf32, #tpu.memory_space<hbm>>) dst(%arg9 : memref<128x128xf32, #tpu.memory_space<vmem>>)
    %run_scoped3A_174 = arith.constant 21 : i32
    "tpu.region"() ({
      %run_scoped3A_300 = tpu.sem_alloc : memref<!tpu.dma_semaphore, #tpu.memory_space<semaphore_mem>>
      %dma_start3A_301 = arith.constant 0 : i32
      %dma_start3A_302 = tpu.memref_slice %arg6[%run_scoped3A_174, %dma_start3A_301] : memref<39x128xi32, #tpu.memory_space<vmem>> -> memref<1x128xi32, #tpu.memory_space<vmem>>
      %dma_start3A_303 = tpu.memref_squeeze %dma_start3A_302 : memref<1x128xi32, #tpu.memory_space<vmem>> -> memref<128xi32, #tpu.memory_space<vmem>>
      %dma_start3A_304 = arith.constant 0 : i32
      %dma_start3A_305 = arith.constant 0 : i32
      %dma_start3A_306 = tpu.memref_slice %arg10[%dma_start3A_304, %dma_start3A_305] : memref<10000x128xf32, #tpu.memory_space<vmem_shared>> -> memref<10000x128xf32, #tpu.memory_space<vmem_shared>>
      tpu.enqueue_indirect_dma source(%arg9 : memref<128x128xf32, #tpu.memory_space<vmem>>) target(%dma_start3A_306 : memref<10000x128xf32, #tpu.memory_space<vmem_shared>>) offsets(%dma_start3A_303 : memref<128xi32, #tpu.memory_space<vmem>>) semaphore(%run_scoped3A_300 : memref<!tpu.dma_semaphore, #tpu.memory_space<semaphore_mem>>) {add = true}
      %dma_wait3A_307 = arith.constant 0 : i32
      %dma_wait3A_308 = tpu.memref_slice %arg6[%run_scoped3A_174, %dma_wait3A_307] : memref<39x128xi32, #tpu.memory_space<vmem>> -> memref<1x128xi32, #tpu.memory_space<vmem>>
      %dma_wait3A_309 = tpu.memref_squeeze %dma_wait3A_308 : memref<1x128xi32, #tpu.memory_space<vmem>> -> memref<128xi32, #tpu.memory_space<vmem>>
      %dma_wait3A_310 = arith.constant 0 : i32
      %dma_wait3A_311 = arith.constant 0 : i32
      %dma_wait3A_312 = tpu.memref_slice %arg10[%dma_wait3A_310, %dma_wait3A_311] : memref<10000x128xf32, #tpu.memory_space<vmem_shared>> -> memref<10000x128xf32, #tpu.memory_space<vmem_shared>>
      tpu.wait_indirect_dma semaphore(%run_scoped3A_300 : memref<!tpu.dma_semaphore, #tpu.memory_space<semaphore_mem>>) src(%arg9 : memref<128x128xf32, #tpu.memory_space<vmem>>) dst(%dma_wait3A_312 : memref<10000x128xf32, #tpu.memory_space<vmem_shared>>)
      tpu.yield
    }) : () -> ()
    %add3A_175 = arith.constant 2944 : i32
    %add3A_176 = arith.addi %mul3A_17, %add3A_175 : i32
    %dma_start3A_177 = tpu.memref_slice %arg2[%add3A_176, %mul3A_19] : memref<80000x256xf32, #tpu.memory_space<hbm>> -> memref<128x128xf32, #tpu.memory_space<hbm>>
    %dma_start3A_178 = tpu.memref_slice %arg2[%add3A_176, %mul3A_19] : memref<80000x256xf32, #tpu.memory_space<hbm>> -> memref<128x128xf32, #tpu.memory_space<hbm>>
    tpu.enqueue_dma source(%dma_start3A_178 : memref<128x128xf32, #tpu.memory_space<hbm>>) target(%arg9 : memref<128x128xf32, #tpu.memory_space<vmem>>) target_semaphore(%arg12 : memref<!tpu.dma_semaphore, #tpu.memory_space<semaphore_mem>>)
    %dma_wait3A_179 = tpu.memref_slice %arg2[%add3A_169, %mul3A_19] : memref<80000x256xf32, #tpu.memory_space<hbm>> -> memref<128x128xf32, #tpu.memory_space<hbm>>
    %dma_wait3A_180 = tpu.memref_slice %arg2[%add3A_169, %mul3A_19] : memref<80000x256xf32, #tpu.memory_space<hbm>> -> memref<128x128xf32, #tpu.memory_space<hbm>>
    tpu.wait_dma2 semaphore(%arg11 : memref<!tpu.dma_semaphore, #tpu.memory_space<semaphore_mem>>) src(%dma_wait3A_180 : memref<128x128xf32, #tpu.memory_space<hbm>>) dst(%arg8 : memref<128x128xf32, #tpu.memory_space<vmem>>)
    %run_scoped3A_181 = arith.constant 22 : i32
    "tpu.region"() ({
      %run_scoped3A_300 = tpu.sem_alloc : memref<!tpu.dma_semaphore, #tpu.memory_space<semaphore_mem>>
      %dma_start3A_301 = arith.constant 0 : i32
      %dma_start3A_302 = tpu.memref_slice %arg6[%run_scoped3A_181, %dma_start3A_301] : memref<39x128xi32, #tpu.memory_space<vmem>> -> memref<1x128xi32, #tpu.memory_space<vmem>>
      %dma_start3A_303 = tpu.memref_squeeze %dma_start3A_302 : memref<1x128xi32, #tpu.memory_space<vmem>> -> memref<128xi32, #tpu.memory_space<vmem>>
      %dma_start3A_304 = arith.constant 0 : i32
      %dma_start3A_305 = arith.constant 0 : i32
      %dma_start3A_306 = tpu.memref_slice %arg10[%dma_start3A_304, %dma_start3A_305] : memref<10000x128xf32, #tpu.memory_space<vmem_shared>> -> memref<10000x128xf32, #tpu.memory_space<vmem_shared>>
      tpu.enqueue_indirect_dma source(%arg8 : memref<128x128xf32, #tpu.memory_space<vmem>>) target(%dma_start3A_306 : memref<10000x128xf32, #tpu.memory_space<vmem_shared>>) offsets(%dma_start3A_303 : memref<128xi32, #tpu.memory_space<vmem>>) semaphore(%run_scoped3A_300 : memref<!tpu.dma_semaphore, #tpu.memory_space<semaphore_mem>>) {add = true}
      %dma_wait3A_307 = arith.constant 0 : i32
      %dma_wait3A_308 = tpu.memref_slice %arg6[%run_scoped3A_181, %dma_wait3A_307] : memref<39x128xi32, #tpu.memory_space<vmem>> -> memref<1x128xi32, #tpu.memory_space<vmem>>
      %dma_wait3A_309 = tpu.memref_squeeze %dma_wait3A_308 : memref<1x128xi32, #tpu.memory_space<vmem>> -> memref<128xi32, #tpu.memory_space<vmem>>
      %dma_wait3A_310 = arith.constant 0 : i32
      %dma_wait3A_311 = arith.constant 0 : i32
      %dma_wait3A_312 = tpu.memref_slice %arg10[%dma_wait3A_310, %dma_wait3A_311] : memref<10000x128xf32, #tpu.memory_space<vmem_shared>> -> memref<10000x128xf32, #tpu.memory_space<vmem_shared>>
      tpu.wait_indirect_dma semaphore(%run_scoped3A_300 : memref<!tpu.dma_semaphore, #tpu.memory_space<semaphore_mem>>) src(%arg8 : memref<128x128xf32, #tpu.memory_space<vmem>>) dst(%dma_wait3A_312 : memref<10000x128xf32, #tpu.memory_space<vmem_shared>>)
      tpu.yield
    }) : () -> ()
    %add3A_182 = arith.constant 3072 : i32
    %add3A_183 = arith.addi %mul3A_17, %add3A_182 : i32
    %dma_start3A_184 = tpu.memref_slice %arg2[%add3A_183, %mul3A_19] : memref<80000x256xf32, #tpu.memory_space<hbm>> -> memref<128x128xf32, #tpu.memory_space<hbm>>
    %dma_start3A_185 = tpu.memref_slice %arg2[%add3A_183, %mul3A_19] : memref<80000x256xf32, #tpu.memory_space<hbm>> -> memref<128x128xf32, #tpu.memory_space<hbm>>
    tpu.enqueue_dma source(%dma_start3A_185 : memref<128x128xf32, #tpu.memory_space<hbm>>) target(%arg8 : memref<128x128xf32, #tpu.memory_space<vmem>>) target_semaphore(%arg11 : memref<!tpu.dma_semaphore, #tpu.memory_space<semaphore_mem>>)
    %dma_wait3A_186 = tpu.memref_slice %arg2[%add3A_176, %mul3A_19] : memref<80000x256xf32, #tpu.memory_space<hbm>> -> memref<128x128xf32, #tpu.memory_space<hbm>>
    %dma_wait3A_187 = tpu.memref_slice %arg2[%add3A_176, %mul3A_19] : memref<80000x256xf32, #tpu.memory_space<hbm>> -> memref<128x128xf32, #tpu.memory_space<hbm>>
    tpu.wait_dma2 semaphore(%arg12 : memref<!tpu.dma_semaphore, #tpu.memory_space<semaphore_mem>>) src(%dma_wait3A_187 : memref<128x128xf32, #tpu.memory_space<hbm>>) dst(%arg9 : memref<128x128xf32, #tpu.memory_space<vmem>>)
    %run_scoped3A_188 = arith.constant 23 : i32
    "tpu.region"() ({
      %run_scoped3A_300 = tpu.sem_alloc : memref<!tpu.dma_semaphore, #tpu.memory_space<semaphore_mem>>
      %dma_start3A_301 = arith.constant 0 : i32
      %dma_start3A_302 = tpu.memref_slice %arg6[%run_scoped3A_188, %dma_start3A_301] : memref<39x128xi32, #tpu.memory_space<vmem>> -> memref<1x128xi32, #tpu.memory_space<vmem>>
      %dma_start3A_303 = tpu.memref_squeeze %dma_start3A_302 : memref<1x128xi32, #tpu.memory_space<vmem>> -> memref<128xi32, #tpu.memory_space<vmem>>
      %dma_start3A_304 = arith.constant 0 : i32
      %dma_start3A_305 = arith.constant 0 : i32
      %dma_start3A_306 = tpu.memref_slice %arg10[%dma_start3A_304, %dma_start3A_305] : memref<10000x128xf32, #tpu.memory_space<vmem_shared>> -> memref<10000x128xf32, #tpu.memory_space<vmem_shared>>
      tpu.enqueue_indirect_dma source(%arg9 : memref<128x128xf32, #tpu.memory_space<vmem>>) target(%dma_start3A_306 : memref<10000x128xf32, #tpu.memory_space<vmem_shared>>) offsets(%dma_start3A_303 : memref<128xi32, #tpu.memory_space<vmem>>) semaphore(%run_scoped3A_300 : memref<!tpu.dma_semaphore, #tpu.memory_space<semaphore_mem>>) {add = true}
      %dma_wait3A_307 = arith.constant 0 : i32
      %dma_wait3A_308 = tpu.memref_slice %arg6[%run_scoped3A_188, %dma_wait3A_307] : memref<39x128xi32, #tpu.memory_space<vmem>> -> memref<1x128xi32, #tpu.memory_space<vmem>>
      %dma_wait3A_309 = tpu.memref_squeeze %dma_wait3A_308 : memref<1x128xi32, #tpu.memory_space<vmem>> -> memref<128xi32, #tpu.memory_space<vmem>>
      %dma_wait3A_310 = arith.constant 0 : i32
      %dma_wait3A_311 = arith.constant 0 : i32
      %dma_wait3A_312 = tpu.memref_slice %arg10[%dma_wait3A_310, %dma_wait3A_311] : memref<10000x128xf32, #tpu.memory_space<vmem_shared>> -> memref<10000x128xf32, #tpu.memory_space<vmem_shared>>
      tpu.wait_indirect_dma semaphore(%run_scoped3A_300 : memref<!tpu.dma_semaphore, #tpu.memory_space<semaphore_mem>>) src(%arg9 : memref<128x128xf32, #tpu.memory_space<vmem>>) dst(%dma_wait3A_312 : memref<10000x128xf32, #tpu.memory_space<vmem_shared>>)
      tpu.yield
    }) : () -> ()
    %add3A_189 = arith.constant 3200 : i32
    %add3A_190 = arith.addi %mul3A_17, %add3A_189 : i32
    %dma_start3A_191 = tpu.memref_slice %arg2[%add3A_190, %mul3A_19] : memref<80000x256xf32, #tpu.memory_space<hbm>> -> memref<128x128xf32, #tpu.memory_space<hbm>>
    %dma_start3A_192 = tpu.memref_slice %arg2[%add3A_190, %mul3A_19] : memref<80000x256xf32, #tpu.memory_space<hbm>> -> memref<128x128xf32, #tpu.memory_space<hbm>>
    tpu.enqueue_dma source(%dma_start3A_192 : memref<128x128xf32, #tpu.memory_space<hbm>>) target(%arg9 : memref<128x128xf32, #tpu.memory_space<vmem>>) target_semaphore(%arg12 : memref<!tpu.dma_semaphore, #tpu.memory_space<semaphore_mem>>)
    %dma_wait3A_193 = tpu.memref_slice %arg2[%add3A_183, %mul3A_19] : memref<80000x256xf32, #tpu.memory_space<hbm>> -> memref<128x128xf32, #tpu.memory_space<hbm>>
    %dma_wait3A_194 = tpu.memref_slice %arg2[%add3A_183, %mul3A_19] : memref<80000x256xf32, #tpu.memory_space<hbm>> -> memref<128x128xf32, #tpu.memory_space<hbm>>
    tpu.wait_dma2 semaphore(%arg11 : memref<!tpu.dma_semaphore, #tpu.memory_space<semaphore_mem>>) src(%dma_wait3A_194 : memref<128x128xf32, #tpu.memory_space<hbm>>) dst(%arg8 : memref<128x128xf32, #tpu.memory_space<vmem>>)
    %run_scoped3A_195 = arith.constant 24 : i32
    "tpu.region"() ({
      %run_scoped3A_300 = tpu.sem_alloc : memref<!tpu.dma_semaphore, #tpu.memory_space<semaphore_mem>>
      %dma_start3A_301 = arith.constant 0 : i32
      %dma_start3A_302 = tpu.memref_slice %arg6[%run_scoped3A_195, %dma_start3A_301] : memref<39x128xi32, #tpu.memory_space<vmem>> -> memref<1x128xi32, #tpu.memory_space<vmem>>
      %dma_start3A_303 = tpu.memref_squeeze %dma_start3A_302 : memref<1x128xi32, #tpu.memory_space<vmem>> -> memref<128xi32, #tpu.memory_space<vmem>>
      %dma_start3A_304 = arith.constant 0 : i32
      %dma_start3A_305 = arith.constant 0 : i32
      %dma_start3A_306 = tpu.memref_slice %arg10[%dma_start3A_304, %dma_start3A_305] : memref<10000x128xf32, #tpu.memory_space<vmem_shared>> -> memref<10000x128xf32, #tpu.memory_space<vmem_shared>>
      tpu.enqueue_indirect_dma source(%arg8 : memref<128x128xf32, #tpu.memory_space<vmem>>) target(%dma_start3A_306 : memref<10000x128xf32, #tpu.memory_space<vmem_shared>>) offsets(%dma_start3A_303 : memref<128xi32, #tpu.memory_space<vmem>>) semaphore(%run_scoped3A_300 : memref<!tpu.dma_semaphore, #tpu.memory_space<semaphore_mem>>) {add = true}
      %dma_wait3A_307 = arith.constant 0 : i32
      %dma_wait3A_308 = tpu.memref_slice %arg6[%run_scoped3A_195, %dma_wait3A_307] : memref<39x128xi32, #tpu.memory_space<vmem>> -> memref<1x128xi32, #tpu.memory_space<vmem>>
      %dma_wait3A_309 = tpu.memref_squeeze %dma_wait3A_308 : memref<1x128xi32, #tpu.memory_space<vmem>> -> memref<128xi32, #tpu.memory_space<vmem>>
      %dma_wait3A_310 = arith.constant 0 : i32
      %dma_wait3A_311 = arith.constant 0 : i32
      %dma_wait3A_312 = tpu.memref_slice %arg10[%dma_wait3A_310, %dma_wait3A_311] : memref<10000x128xf32, #tpu.memory_space<vmem_shared>> -> memref<10000x128xf32, #tpu.memory_space<vmem_shared>>
      tpu.wait_indirect_dma semaphore(%run_scoped3A_300 : memref<!tpu.dma_semaphore, #tpu.memory_space<semaphore_mem>>) src(%arg8 : memref<128x128xf32, #tpu.memory_space<vmem>>) dst(%dma_wait3A_312 : memref<10000x128xf32, #tpu.memory_space<vmem_shared>>)
      tpu.yield
    }) : () -> ()
    %add3A_196 = arith.constant 3328 : i32
    %add3A_197 = arith.addi %mul3A_17, %add3A_196 : i32
    %dma_start3A_198 = tpu.memref_slice %arg2[%add3A_197, %mul3A_19] : memref<80000x256xf32, #tpu.memory_space<hbm>> -> memref<128x128xf32, #tpu.memory_space<hbm>>
    %dma_start3A_199 = tpu.memref_slice %arg2[%add3A_197, %mul3A_19] : memref<80000x256xf32, #tpu.memory_space<hbm>> -> memref<128x128xf32, #tpu.memory_space<hbm>>
    tpu.enqueue_dma source(%dma_start3A_199 : memref<128x128xf32, #tpu.memory_space<hbm>>) target(%arg8 : memref<128x128xf32, #tpu.memory_space<vmem>>) target_semaphore(%arg11 : memref<!tpu.dma_semaphore, #tpu.memory_space<semaphore_mem>>)
    %dma_wait3A_200 = tpu.memref_slice %arg2[%add3A_190, %mul3A_19] : memref<80000x256xf32, #tpu.memory_space<hbm>> -> memref<128x128xf32, #tpu.memory_space<hbm>>
    %dma_wait3A_201 = tpu.memref_slice %arg2[%add3A_190, %mul3A_19] : memref<80000x256xf32, #tpu.memory_space<hbm>> -> memref<128x128xf32, #tpu.memory_space<hbm>>
    tpu.wait_dma2 semaphore(%arg12 : memref<!tpu.dma_semaphore, #tpu.memory_space<semaphore_mem>>) src(%dma_wait3A_201 : memref<128x128xf32, #tpu.memory_space<hbm>>) dst(%arg9 : memref<128x128xf32, #tpu.memory_space<vmem>>)
    %run_scoped3A_202 = arith.constant 25 : i32
    "tpu.region"() ({
      %run_scoped3A_300 = tpu.sem_alloc : memref<!tpu.dma_semaphore, #tpu.memory_space<semaphore_mem>>
      %dma_start3A_301 = arith.constant 0 : i32
      %dma_start3A_302 = tpu.memref_slice %arg6[%run_scoped3A_202, %dma_start3A_301] : memref<39x128xi32, #tpu.memory_space<vmem>> -> memref<1x128xi32, #tpu.memory_space<vmem>>
      %dma_start3A_303 = tpu.memref_squeeze %dma_start3A_302 : memref<1x128xi32, #tpu.memory_space<vmem>> -> memref<128xi32, #tpu.memory_space<vmem>>
      %dma_start3A_304 = arith.constant 0 : i32
      %dma_start3A_305 = arith.constant 0 : i32
      %dma_start3A_306 = tpu.memref_slice %arg10[%dma_start3A_304, %dma_start3A_305] : memref<10000x128xf32, #tpu.memory_space<vmem_shared>> -> memref<10000x128xf32, #tpu.memory_space<vmem_shared>>
      tpu.enqueue_indirect_dma source(%arg9 : memref<128x128xf32, #tpu.memory_space<vmem>>) target(%dma_start3A_306 : memref<10000x128xf32, #tpu.memory_space<vmem_shared>>) offsets(%dma_start3A_303 : memref<128xi32, #tpu.memory_space<vmem>>) semaphore(%run_scoped3A_300 : memref<!tpu.dma_semaphore, #tpu.memory_space<semaphore_mem>>) {add = true}
      %dma_wait3A_307 = arith.constant 0 : i32
      %dma_wait3A_308 = tpu.memref_slice %arg6[%run_scoped3A_202, %dma_wait3A_307] : memref<39x128xi32, #tpu.memory_space<vmem>> -> memref<1x128xi32, #tpu.memory_space<vmem>>
      %dma_wait3A_309 = tpu.memref_squeeze %dma_wait3A_308 : memref<1x128xi32, #tpu.memory_space<vmem>> -> memref<128xi32, #tpu.memory_space<vmem>>
      %dma_wait3A_310 = arith.constant 0 : i32
      %dma_wait3A_311 = arith.constant 0 : i32
      %dma_wait3A_312 = tpu.memref_slice %arg10[%dma_wait3A_310, %dma_wait3A_311] : memref<10000x128xf32, #tpu.memory_space<vmem_shared>> -> memref<10000x128xf32, #tpu.memory_space<vmem_shared>>
      tpu.wait_indirect_dma semaphore(%run_scoped3A_300 : memref<!tpu.dma_semaphore, #tpu.memory_space<semaphore_mem>>) src(%arg9 : memref<128x128xf32, #tpu.memory_space<vmem>>) dst(%dma_wait3A_312 : memref<10000x128xf32, #tpu.memory_space<vmem_shared>>)
      tpu.yield
    }) : () -> ()
    %add3A_203 = arith.constant 3456 : i32
    %add3A_204 = arith.addi %mul3A_17, %add3A_203 : i32
    %dma_start3A_205 = tpu.memref_slice %arg2[%add3A_204, %mul3A_19] : memref<80000x256xf32, #tpu.memory_space<hbm>> -> memref<128x128xf32, #tpu.memory_space<hbm>>
    %dma_start3A_206 = tpu.memref_slice %arg2[%add3A_204, %mul3A_19] : memref<80000x256xf32, #tpu.memory_space<hbm>> -> memref<128x128xf32, #tpu.memory_space<hbm>>
    tpu.enqueue_dma source(%dma_start3A_206 : memref<128x128xf32, #tpu.memory_space<hbm>>) target(%arg9 : memref<128x128xf32, #tpu.memory_space<vmem>>) target_semaphore(%arg12 : memref<!tpu.dma_semaphore, #tpu.memory_space<semaphore_mem>>)
    %dma_wait3A_207 = tpu.memref_slice %arg2[%add3A_197, %mul3A_19] : memref<80000x256xf32, #tpu.memory_space<hbm>> -> memref<128x128xf32, #tpu.memory_space<hbm>>
    %dma_wait3A_208 = tpu.memref_slice %arg2[%add3A_197, %mul3A_19] : memref<80000x256xf32, #tpu.memory_space<hbm>> -> memref<128x128xf32, #tpu.memory_space<hbm>>
    tpu.wait_dma2 semaphore(%arg11 : memref<!tpu.dma_semaphore, #tpu.memory_space<semaphore_mem>>) src(%dma_wait3A_208 : memref<128x128xf32, #tpu.memory_space<hbm>>) dst(%arg8 : memref<128x128xf32, #tpu.memory_space<vmem>>)
    %run_scoped3A_209 = arith.constant 26 : i32
    "tpu.region"() ({
      %run_scoped3A_300 = tpu.sem_alloc : memref<!tpu.dma_semaphore, #tpu.memory_space<semaphore_mem>>
      %dma_start3A_301 = arith.constant 0 : i32
      %dma_start3A_302 = tpu.memref_slice %arg6[%run_scoped3A_209, %dma_start3A_301] : memref<39x128xi32, #tpu.memory_space<vmem>> -> memref<1x128xi32, #tpu.memory_space<vmem>>
      %dma_start3A_303 = tpu.memref_squeeze %dma_start3A_302 : memref<1x128xi32, #tpu.memory_space<vmem>> -> memref<128xi32, #tpu.memory_space<vmem>>
      %dma_start3A_304 = arith.constant 0 : i32
      %dma_start3A_305 = arith.constant 0 : i32
      %dma_start3A_306 = tpu.memref_slice %arg10[%dma_start3A_304, %dma_start3A_305] : memref<10000x128xf32, #tpu.memory_space<vmem_shared>> -> memref<10000x128xf32, #tpu.memory_space<vmem_shared>>
      tpu.enqueue_indirect_dma source(%arg8 : memref<128x128xf32, #tpu.memory_space<vmem>>) target(%dma_start3A_306 : memref<10000x128xf32, #tpu.memory_space<vmem_shared>>) offsets(%dma_start3A_303 : memref<128xi32, #tpu.memory_space<vmem>>) semaphore(%run_scoped3A_300 : memref<!tpu.dma_semaphore, #tpu.memory_space<semaphore_mem>>) {add = true}
      %dma_wait3A_307 = arith.constant 0 : i32
      %dma_wait3A_308 = tpu.memref_slice %arg6[%run_scoped3A_209, %dma_wait3A_307] : memref<39x128xi32, #tpu.memory_space<vmem>> -> memref<1x128xi32, #tpu.memory_space<vmem>>
      %dma_wait3A_309 = tpu.memref_squeeze %dma_wait3A_308 : memref<1x128xi32, #tpu.memory_space<vmem>> -> memref<128xi32, #tpu.memory_space<vmem>>
      %dma_wait3A_310 = arith.constant 0 : i32
      %dma_wait3A_311 = arith.constant 0 : i32
      %dma_wait3A_312 = tpu.memref_slice %arg10[%dma_wait3A_310, %dma_wait3A_311] : memref<10000x128xf32, #tpu.memory_space<vmem_shared>> -> memref<10000x128xf32, #tpu.memory_space<vmem_shared>>
      tpu.wait_indirect_dma semaphore(%run_scoped3A_300 : memref<!tpu.dma_semaphore, #tpu.memory_space<semaphore_mem>>) src(%arg8 : memref<128x128xf32, #tpu.memory_space<vmem>>) dst(%dma_wait3A_312 : memref<10000x128xf32, #tpu.memory_space<vmem_shared>>)
      tpu.yield
    }) : () -> ()
    %add3A_210 = arith.constant 3584 : i32
    %add3A_211 = arith.addi %mul3A_17, %add3A_210 : i32
    %dma_start3A_212 = tpu.memref_slice %arg2[%add3A_211, %mul3A_19] : memref<80000x256xf32, #tpu.memory_space<hbm>> -> memref<128x128xf32, #tpu.memory_space<hbm>>
    %dma_start3A_213 = tpu.memref_slice %arg2[%add3A_211, %mul3A_19] : memref<80000x256xf32, #tpu.memory_space<hbm>> -> memref<128x128xf32, #tpu.memory_space<hbm>>
    tpu.enqueue_dma source(%dma_start3A_213 : memref<128x128xf32, #tpu.memory_space<hbm>>) target(%arg8 : memref<128x128xf32, #tpu.memory_space<vmem>>) target_semaphore(%arg11 : memref<!tpu.dma_semaphore, #tpu.memory_space<semaphore_mem>>)
    %dma_wait3A_214 = tpu.memref_slice %arg2[%add3A_204, %mul3A_19] : memref<80000x256xf32, #tpu.memory_space<hbm>> -> memref<128x128xf32, #tpu.memory_space<hbm>>
    %dma_wait3A_215 = tpu.memref_slice %arg2[%add3A_204, %mul3A_19] : memref<80000x256xf32, #tpu.memory_space<hbm>> -> memref<128x128xf32, #tpu.memory_space<hbm>>
    tpu.wait_dma2 semaphore(%arg12 : memref<!tpu.dma_semaphore, #tpu.memory_space<semaphore_mem>>) src(%dma_wait3A_215 : memref<128x128xf32, #tpu.memory_space<hbm>>) dst(%arg9 : memref<128x128xf32, #tpu.memory_space<vmem>>)
    %run_scoped3A_216 = arith.constant 27 : i32
    "tpu.region"() ({
      %run_scoped3A_300 = tpu.sem_alloc : memref<!tpu.dma_semaphore, #tpu.memory_space<semaphore_mem>>
      %dma_start3A_301 = arith.constant 0 : i32
      %dma_start3A_302 = tpu.memref_slice %arg6[%run_scoped3A_216, %dma_start3A_301] : memref<39x128xi32, #tpu.memory_space<vmem>> -> memref<1x128xi32, #tpu.memory_space<vmem>>
      %dma_start3A_303 = tpu.memref_squeeze %dma_start3A_302 : memref<1x128xi32, #tpu.memory_space<vmem>> -> memref<128xi32, #tpu.memory_space<vmem>>
      %dma_start3A_304 = arith.constant 0 : i32
      %dma_start3A_305 = arith.constant 0 : i32
      %dma_start3A_306 = tpu.memref_slice %arg10[%dma_start3A_304, %dma_start3A_305] : memref<10000x128xf32, #tpu.memory_space<vmem_shared>> -> memref<10000x128xf32, #tpu.memory_space<vmem_shared>>
      tpu.enqueue_indirect_dma source(%arg9 : memref<128x128xf32, #tpu.memory_space<vmem>>) target(%dma_start3A_306 : memref<10000x128xf32, #tpu.memory_space<vmem_shared>>) offsets(%dma_start3A_303 : memref<128xi32, #tpu.memory_space<vmem>>) semaphore(%run_scoped3A_300 : memref<!tpu.dma_semaphore, #tpu.memory_space<semaphore_mem>>) {add = true}
      %dma_wait3A_307 = arith.constant 0 : i32
      %dma_wait3A_308 = tpu.memref_slice %arg6[%run_scoped3A_216, %dma_wait3A_307] : memref<39x128xi32, #tpu.memory_space<vmem>> -> memref<1x128xi32, #tpu.memory_space<vmem>>
      %dma_wait3A_309 = tpu.memref_squeeze %dma_wait3A_308 : memref<1x128xi32, #tpu.memory_space<vmem>> -> memref<128xi32, #tpu.memory_space<vmem>>
      %dma_wait3A_310 = arith.constant 0 : i32
      %dma_wait3A_311 = arith.constant 0 : i32
      %dma_wait3A_312 = tpu.memref_slice %arg10[%dma_wait3A_310, %dma_wait3A_311] : memref<10000x128xf32, #tpu.memory_space<vmem_shared>> -> memref<10000x128xf32, #tpu.memory_space<vmem_shared>>
      tpu.wait_indirect_dma semaphore(%run_scoped3A_300 : memref<!tpu.dma_semaphore, #tpu.memory_space<semaphore_mem>>) src(%arg9 : memref<128x128xf32, #tpu.memory_space<vmem>>) dst(%dma_wait3A_312 : memref<10000x128xf32, #tpu.memory_space<vmem_shared>>)
      tpu.yield
    }) : () -> ()
    %add3A_217 = arith.constant 3712 : i32
    %add3A_218 = arith.addi %mul3A_17, %add3A_217 : i32
    %dma_start3A_219 = tpu.memref_slice %arg2[%add3A_218, %mul3A_19] : memref<80000x256xf32, #tpu.memory_space<hbm>> -> memref<128x128xf32, #tpu.memory_space<hbm>>
    %dma_start3A_220 = tpu.memref_slice %arg2[%add3A_218, %mul3A_19] : memref<80000x256xf32, #tpu.memory_space<hbm>> -> memref<128x128xf32, #tpu.memory_space<hbm>>
    tpu.enqueue_dma source(%dma_start3A_220 : memref<128x128xf32, #tpu.memory_space<hbm>>) target(%arg9 : memref<128x128xf32, #tpu.memory_space<vmem>>) target_semaphore(%arg12 : memref<!tpu.dma_semaphore, #tpu.memory_space<semaphore_mem>>)
    %dma_wait3A_221 = tpu.memref_slice %arg2[%add3A_211, %mul3A_19] : memref<80000x256xf32, #tpu.memory_space<hbm>> -> memref<128x128xf32, #tpu.memory_space<hbm>>
    %dma_wait3A_222 = tpu.memref_slice %arg2[%add3A_211, %mul3A_19] : memref<80000x256xf32, #tpu.memory_space<hbm>> -> memref<128x128xf32, #tpu.memory_space<hbm>>
    tpu.wait_dma2 semaphore(%arg11 : memref<!tpu.dma_semaphore, #tpu.memory_space<semaphore_mem>>) src(%dma_wait3A_222 : memref<128x128xf32, #tpu.memory_space<hbm>>) dst(%arg8 : memref<128x128xf32, #tpu.memory_space<vmem>>)
    %run_scoped3A_223 = arith.constant 28 : i32
    "tpu.region"() ({
      %run_scoped3A_300 = tpu.sem_alloc : memref<!tpu.dma_semaphore, #tpu.memory_space<semaphore_mem>>
      %dma_start3A_301 = arith.constant 0 : i32
      %dma_start3A_302 = tpu.memref_slice %arg6[%run_scoped3A_223, %dma_start3A_301] : memref<39x128xi32, #tpu.memory_space<vmem>> -> memref<1x128xi32, #tpu.memory_space<vmem>>
      %dma_start3A_303 = tpu.memref_squeeze %dma_start3A_302 : memref<1x128xi32, #tpu.memory_space<vmem>> -> memref<128xi32, #tpu.memory_space<vmem>>
      %dma_start3A_304 = arith.constant 0 : i32
      %dma_start3A_305 = arith.constant 0 : i32
      %dma_start3A_306 = tpu.memref_slice %arg10[%dma_start3A_304, %dma_start3A_305] : memref<10000x128xf32, #tpu.memory_space<vmem_shared>> -> memref<10000x128xf32, #tpu.memory_space<vmem_shared>>
      tpu.enqueue_indirect_dma source(%arg8 : memref<128x128xf32, #tpu.memory_space<vmem>>) target(%dma_start3A_306 : memref<10000x128xf32, #tpu.memory_space<vmem_shared>>) offsets(%dma_start3A_303 : memref<128xi32, #tpu.memory_space<vmem>>) semaphore(%run_scoped3A_300 : memref<!tpu.dma_semaphore, #tpu.memory_space<semaphore_mem>>) {add = true}
      %dma_wait3A_307 = arith.constant 0 : i32
      %dma_wait3A_308 = tpu.memref_slice %arg6[%run_scoped3A_223, %dma_wait3A_307] : memref<39x128xi32, #tpu.memory_space<vmem>> -> memref<1x128xi32, #tpu.memory_space<vmem>>
      %dma_wait3A_309 = tpu.memref_squeeze %dma_wait3A_308 : memref<1x128xi32, #tpu.memory_space<vmem>> -> memref<128xi32, #tpu.memory_space<vmem>>
      %dma_wait3A_310 = arith.constant 0 : i32
      %dma_wait3A_311 = arith.constant 0 : i32
      %dma_wait3A_312 = tpu.memref_slice %arg10[%dma_wait3A_310, %dma_wait3A_311] : memref<10000x128xf32, #tpu.memory_space<vmem_shared>> -> memref<10000x128xf32, #tpu.memory_space<vmem_shared>>
      tpu.wait_indirect_dma semaphore(%run_scoped3A_300 : memref<!tpu.dma_semaphore, #tpu.memory_space<semaphore_mem>>) src(%arg8 : memref<128x128xf32, #tpu.memory_space<vmem>>) dst(%dma_wait3A_312 : memref<10000x128xf32, #tpu.memory_space<vmem_shared>>)
      tpu.yield
    }) : () -> ()
    %add3A_224 = arith.constant 3840 : i32
    %add3A_225 = arith.addi %mul3A_17, %add3A_224 : i32
    %dma_start3A_226 = tpu.memref_slice %arg2[%add3A_225, %mul3A_19] : memref<80000x256xf32, #tpu.memory_space<hbm>> -> memref<128x128xf32, #tpu.memory_space<hbm>>
    %dma_start3A_227 = tpu.memref_slice %arg2[%add3A_225, %mul3A_19] : memref<80000x256xf32, #tpu.memory_space<hbm>> -> memref<128x128xf32, #tpu.memory_space<hbm>>
    tpu.enqueue_dma source(%dma_start3A_227 : memref<128x128xf32, #tpu.memory_space<hbm>>) target(%arg8 : memref<128x128xf32, #tpu.memory_space<vmem>>) target_semaphore(%arg11 : memref<!tpu.dma_semaphore, #tpu.memory_space<semaphore_mem>>)
    %dma_wait3A_228 = tpu.memref_slice %arg2[%add3A_218, %mul3A_19] : memref<80000x256xf32, #tpu.memory_space<hbm>> -> memref<128x128xf32, #tpu.memory_space<hbm>>
    %dma_wait3A_229 = tpu.memref_slice %arg2[%add3A_218, %mul3A_19] : memref<80000x256xf32, #tpu.memory_space<hbm>> -> memref<128x128xf32, #tpu.memory_space<hbm>>
    tpu.wait_dma2 semaphore(%arg12 : memref<!tpu.dma_semaphore, #tpu.memory_space<semaphore_mem>>) src(%dma_wait3A_229 : memref<128x128xf32, #tpu.memory_space<hbm>>) dst(%arg9 : memref<128x128xf32, #tpu.memory_space<vmem>>)
    %run_scoped3A_230 = arith.constant 29 : i32
    "tpu.region"() ({
      %run_scoped3A_300 = tpu.sem_alloc : memref<!tpu.dma_semaphore, #tpu.memory_space<semaphore_mem>>
      %dma_start3A_301 = arith.constant 0 : i32
      %dma_start3A_302 = tpu.memref_slice %arg6[%run_scoped3A_230, %dma_start3A_301] : memref<39x128xi32, #tpu.memory_space<vmem>> -> memref<1x128xi32, #tpu.memory_space<vmem>>
      %dma_start3A_303 = tpu.memref_squeeze %dma_start3A_302 : memref<1x128xi32, #tpu.memory_space<vmem>> -> memref<128xi32, #tpu.memory_space<vmem>>
      %dma_start3A_304 = arith.constant 0 : i32
      %dma_start3A_305 = arith.constant 0 : i32
      %dma_start3A_306 = tpu.memref_slice %arg10[%dma_start3A_304, %dma_start3A_305] : memref<10000x128xf32, #tpu.memory_space<vmem_shared>> -> memref<10000x128xf32, #tpu.memory_space<vmem_shared>>
      tpu.enqueue_indirect_dma source(%arg9 : memref<128x128xf32, #tpu.memory_space<vmem>>) target(%dma_start3A_306 : memref<10000x128xf32, #tpu.memory_space<vmem_shared>>) offsets(%dma_start3A_303 : memref<128xi32, #tpu.memory_space<vmem>>) semaphore(%run_scoped3A_300 : memref<!tpu.dma_semaphore, #tpu.memory_space<semaphore_mem>>) {add = true}
      %dma_wait3A_307 = arith.constant 0 : i32
      %dma_wait3A_308 = tpu.memref_slice %arg6[%run_scoped3A_230, %dma_wait3A_307] : memref<39x128xi32, #tpu.memory_space<vmem>> -> memref<1x128xi32, #tpu.memory_space<vmem>>
      %dma_wait3A_309 = tpu.memref_squeeze %dma_wait3A_308 : memref<1x128xi32, #tpu.memory_space<vmem>> -> memref<128xi32, #tpu.memory_space<vmem>>
      %dma_wait3A_310 = arith.constant 0 : i32
      %dma_wait3A_311 = arith.constant 0 : i32
      %dma_wait3A_312 = tpu.memref_slice %arg10[%dma_wait3A_310, %dma_wait3A_311] : memref<10000x128xf32, #tpu.memory_space<vmem_shared>> -> memref<10000x128xf32, #tpu.memory_space<vmem_shared>>
      tpu.wait_indirect_dma semaphore(%run_scoped3A_300 : memref<!tpu.dma_semaphore, #tpu.memory_space<semaphore_mem>>) src(%arg9 : memref<128x128xf32, #tpu.memory_space<vmem>>) dst(%dma_wait3A_312 : memref<10000x128xf32, #tpu.memory_space<vmem_shared>>)
      tpu.yield
    }) : () -> ()
    %add3A_231 = arith.constant 3968 : i32
    %add3A_232 = arith.addi %mul3A_17, %add3A_231 : i32
    %dma_start3A_233 = tpu.memref_slice %arg2[%add3A_232, %mul3A_19] : memref<80000x256xf32, #tpu.memory_space<hbm>> -> memref<128x128xf32, #tpu.memory_space<hbm>>
    %dma_start3A_234 = tpu.memref_slice %arg2[%add3A_232, %mul3A_19] : memref<80000x256xf32, #tpu.memory_space<hbm>> -> memref<128x128xf32, #tpu.memory_space<hbm>>
    tpu.enqueue_dma source(%dma_start3A_234 : memref<128x128xf32, #tpu.memory_space<hbm>>) target(%arg9 : memref<128x128xf32, #tpu.memory_space<vmem>>) target_semaphore(%arg12 : memref<!tpu.dma_semaphore, #tpu.memory_space<semaphore_mem>>)
    %dma_wait3A_235 = tpu.memref_slice %arg2[%add3A_225, %mul3A_19] : memref<80000x256xf32, #tpu.memory_space<hbm>> -> memref<128x128xf32, #tpu.memory_space<hbm>>
    %dma_wait3A_236 = tpu.memref_slice %arg2[%add3A_225, %mul3A_19] : memref<80000x256xf32, #tpu.memory_space<hbm>> -> memref<128x128xf32, #tpu.memory_space<hbm>>
    tpu.wait_dma2 semaphore(%arg11 : memref<!tpu.dma_semaphore, #tpu.memory_space<semaphore_mem>>) src(%dma_wait3A_236 : memref<128x128xf32, #tpu.memory_space<hbm>>) dst(%arg8 : memref<128x128xf32, #tpu.memory_space<vmem>>)
    %run_scoped3A_237 = arith.constant 30 : i32
    "tpu.region"() ({
      %run_scoped3A_300 = tpu.sem_alloc : memref<!tpu.dma_semaphore, #tpu.memory_space<semaphore_mem>>
      %dma_start3A_301 = arith.constant 0 : i32
      %dma_start3A_302 = tpu.memref_slice %arg6[%run_scoped3A_237, %dma_start3A_301] : memref<39x128xi32, #tpu.memory_space<vmem>> -> memref<1x128xi32, #tpu.memory_space<vmem>>
      %dma_start3A_303 = tpu.memref_squeeze %dma_start3A_302 : memref<1x128xi32, #tpu.memory_space<vmem>> -> memref<128xi32, #tpu.memory_space<vmem>>
      %dma_start3A_304 = arith.constant 0 : i32
      %dma_start3A_305 = arith.constant 0 : i32
      %dma_start3A_306 = tpu.memref_slice %arg10[%dma_start3A_304, %dma_start3A_305] : memref<10000x128xf32, #tpu.memory_space<vmem_shared>> -> memref<10000x128xf32, #tpu.memory_space<vmem_shared>>
      tpu.enqueue_indirect_dma source(%arg8 : memref<128x128xf32, #tpu.memory_space<vmem>>) target(%dma_start3A_306 : memref<10000x128xf32, #tpu.memory_space<vmem_shared>>) offsets(%dma_start3A_303 : memref<128xi32, #tpu.memory_space<vmem>>) semaphore(%run_scoped3A_300 : memref<!tpu.dma_semaphore, #tpu.memory_space<semaphore_mem>>) {add = true}
      %dma_wait3A_307 = arith.constant 0 : i32
      %dma_wait3A_308 = tpu.memref_slice %arg6[%run_scoped3A_237, %dma_wait3A_307] : memref<39x128xi32, #tpu.memory_space<vmem>> -> memref<1x128xi32, #tpu.memory_space<vmem>>
      %dma_wait3A_309 = tpu.memref_squeeze %dma_wait3A_308 : memref<1x128xi32, #tpu.memory_space<vmem>> -> memref<128xi32, #tpu.memory_space<vmem>>
      %dma_wait3A_310 = arith.constant 0 : i32
      %dma_wait3A_311 = arith.constant 0 : i32
      %dma_wait3A_312 = tpu.memref_slice %arg10[%dma_wait3A_310, %dma_wait3A_311] : memref<10000x128xf32, #tpu.memory_space<vmem_shared>> -> memref<10000x128xf32, #tpu.memory_space<vmem_shared>>
      tpu.wait_indirect_dma semaphore(%run_scoped3A_300 : memref<!tpu.dma_semaphore, #tpu.memory_space<semaphore_mem>>) src(%arg8 : memref<128x128xf32, #tpu.memory_space<vmem>>) dst(%dma_wait3A_312 : memref<10000x128xf32, #tpu.memory_space<vmem_shared>>)
      tpu.yield
    }) : () -> ()
    %add3A_238 = arith.constant 4096 : i32
    %add3A_239 = arith.addi %mul3A_17, %add3A_238 : i32
    %dma_start3A_240 = tpu.memref_slice %arg2[%add3A_239, %mul3A_19] : memref<80000x256xf32, #tpu.memory_space<hbm>> -> memref<128x128xf32, #tpu.memory_space<hbm>>
    %dma_start3A_241 = tpu.memref_slice %arg2[%add3A_239, %mul3A_19] : memref<80000x256xf32, #tpu.memory_space<hbm>> -> memref<128x128xf32, #tpu.memory_space<hbm>>
    tpu.enqueue_dma source(%dma_start3A_241 : memref<128x128xf32, #tpu.memory_space<hbm>>) target(%arg8 : memref<128x128xf32, #tpu.memory_space<vmem>>) target_semaphore(%arg11 : memref<!tpu.dma_semaphore, #tpu.memory_space<semaphore_mem>>)
    %dma_wait3A_242 = tpu.memref_slice %arg2[%add3A_232, %mul3A_19] : memref<80000x256xf32, #tpu.memory_space<hbm>> -> memref<128x128xf32, #tpu.memory_space<hbm>>
    %dma_wait3A_243 = tpu.memref_slice %arg2[%add3A_232, %mul3A_19] : memref<80000x256xf32, #tpu.memory_space<hbm>> -> memref<128x128xf32, #tpu.memory_space<hbm>>
    tpu.wait_dma2 semaphore(%arg12 : memref<!tpu.dma_semaphore, #tpu.memory_space<semaphore_mem>>) src(%dma_wait3A_243 : memref<128x128xf32, #tpu.memory_space<hbm>>) dst(%arg9 : memref<128x128xf32, #tpu.memory_space<vmem>>)
    %run_scoped3A_244 = arith.constant 31 : i32
    "tpu.region"() ({
      %run_scoped3A_300 = tpu.sem_alloc : memref<!tpu.dma_semaphore, #tpu.memory_space<semaphore_mem>>
      %dma_start3A_301 = arith.constant 0 : i32
      %dma_start3A_302 = tpu.memref_slice %arg6[%run_scoped3A_244, %dma_start3A_301] : memref<39x128xi32, #tpu.memory_space<vmem>> -> memref<1x128xi32, #tpu.memory_space<vmem>>
      %dma_start3A_303 = tpu.memref_squeeze %dma_start3A_302 : memref<1x128xi32, #tpu.memory_space<vmem>> -> memref<128xi32, #tpu.memory_space<vmem>>
      %dma_start3A_304 = arith.constant 0 : i32
      %dma_start3A_305 = arith.constant 0 : i32
      %dma_start3A_306 = tpu.memref_slice %arg10[%dma_start3A_304, %dma_start3A_305] : memref<10000x128xf32, #tpu.memory_space<vmem_shared>> -> memref<10000x128xf32, #tpu.memory_space<vmem_shared>>
      tpu.enqueue_indirect_dma source(%arg9 : memref<128x128xf32, #tpu.memory_space<vmem>>) target(%dma_start3A_306 : memref<10000x128xf32, #tpu.memory_space<vmem_shared>>) offsets(%dma_start3A_303 : memref<128xi32, #tpu.memory_space<vmem>>) semaphore(%run_scoped3A_300 : memref<!tpu.dma_semaphore, #tpu.memory_space<semaphore_mem>>) {add = true}
      %dma_wait3A_307 = arith.constant 0 : i32
      %dma_wait3A_308 = tpu.memref_slice %arg6[%run_scoped3A_244, %dma_wait3A_307] : memref<39x128xi32, #tpu.memory_space<vmem>> -> memref<1x128xi32, #tpu.memory_space<vmem>>
      %dma_wait3A_309 = tpu.memref_squeeze %dma_wait3A_308 : memref<1x128xi32, #tpu.memory_space<vmem>> -> memref<128xi32, #tpu.memory_space<vmem>>
      %dma_wait3A_310 = arith.constant 0 : i32
      %dma_wait3A_311 = arith.constant 0 : i32
      %dma_wait3A_312 = tpu.memref_slice %arg10[%dma_wait3A_310, %dma_wait3A_311] : memref<10000x128xf32, #tpu.memory_space<vmem_shared>> -> memref<10000x128xf32, #tpu.memory_space<vmem_shared>>
      tpu.wait_indirect_dma semaphore(%run_scoped3A_300 : memref<!tpu.dma_semaphore, #tpu.memory_space<semaphore_mem>>) src(%arg9 : memref<128x128xf32, #tpu.memory_space<vmem>>) dst(%dma_wait3A_312 : memref<10000x128xf32, #tpu.memory_space<vmem_shared>>)
      tpu.yield
    }) : () -> ()
    %add3A_245 = arith.constant 4224 : i32
    %add3A_246 = arith.addi %mul3A_17, %add3A_245 : i32
    %dma_start3A_247 = tpu.memref_slice %arg2[%add3A_246, %mul3A_19] : memref<80000x256xf32, #tpu.memory_space<hbm>> -> memref<128x128xf32, #tpu.memory_space<hbm>>
    %dma_start3A_248 = tpu.memref_slice %arg2[%add3A_246, %mul3A_19] : memref<80000x256xf32, #tpu.memory_space<hbm>> -> memref<128x128xf32, #tpu.memory_space<hbm>>
    tpu.enqueue_dma source(%dma_start3A_248 : memref<128x128xf32, #tpu.memory_space<hbm>>) target(%arg9 : memref<128x128xf32, #tpu.memory_space<vmem>>) target_semaphore(%arg12 : memref<!tpu.dma_semaphore, #tpu.memory_space<semaphore_mem>>)
    %dma_wait3A_249 = tpu.memref_slice %arg2[%add3A_239, %mul3A_19] : memref<80000x256xf32, #tpu.memory_space<hbm>> -> memref<128x128xf32, #tpu.memory_space<hbm>>
    %dma_wait3A_250 = tpu.memref_slice %arg2[%add3A_239, %mul3A_19] : memref<80000x256xf32, #tpu.memory_space<hbm>> -> memref<128x128xf32, #tpu.memory_space<hbm>>
    tpu.wait_dma2 semaphore(%arg11 : memref<!tpu.dma_semaphore, #tpu.memory_space<semaphore_mem>>) src(%dma_wait3A_250 : memref<128x128xf32, #tpu.memory_space<hbm>>) dst(%arg8 : memref<128x128xf32, #tpu.memory_space<vmem>>)
    %run_scoped3A_251 = arith.constant 32 : i32
    "tpu.region"() ({
      %run_scoped3A_300 = tpu.sem_alloc : memref<!tpu.dma_semaphore, #tpu.memory_space<semaphore_mem>>
      %dma_start3A_301 = arith.constant 0 : i32
      %dma_start3A_302 = tpu.memref_slice %arg6[%run_scoped3A_251, %dma_start3A_301] : memref<39x128xi32, #tpu.memory_space<vmem>> -> memref<1x128xi32, #tpu.memory_space<vmem>>
      %dma_start3A_303 = tpu.memref_squeeze %dma_start3A_302 : memref<1x128xi32, #tpu.memory_space<vmem>> -> memref<128xi32, #tpu.memory_space<vmem>>
      %dma_start3A_304 = arith.constant 0 : i32
      %dma_start3A_305 = arith.constant 0 : i32
      %dma_start3A_306 = tpu.memref_slice %arg10[%dma_start3A_304, %dma_start3A_305] : memref<10000x128xf32, #tpu.memory_space<vmem_shared>> -> memref<10000x128xf32, #tpu.memory_space<vmem_shared>>
      tpu.enqueue_indirect_dma source(%arg8 : memref<128x128xf32, #tpu.memory_space<vmem>>) target(%dma_start3A_306 : memref<10000x128xf32, #tpu.memory_space<vmem_shared>>) offsets(%dma_start3A_303 : memref<128xi32, #tpu.memory_space<vmem>>) semaphore(%run_scoped3A_300 : memref<!tpu.dma_semaphore, #tpu.memory_space<semaphore_mem>>) {add = true}
      %dma_wait3A_307 = arith.constant 0 : i32
      %dma_wait3A_308 = tpu.memref_slice %arg6[%run_scoped3A_251, %dma_wait3A_307] : memref<39x128xi32, #tpu.memory_space<vmem>> -> memref<1x128xi32, #tpu.memory_space<vmem>>
      %dma_wait3A_309 = tpu.memref_squeeze %dma_wait3A_308 : memref<1x128xi32, #tpu.memory_space<vmem>> -> memref<128xi32, #tpu.memory_space<vmem>>
      %dma_wait3A_310 = arith.constant 0 : i32
      %dma_wait3A_311 = arith.constant 0 : i32
      %dma_wait3A_312 = tpu.memref_slice %arg10[%dma_wait3A_310, %dma_wait3A_311] : memref<10000x128xf32, #tpu.memory_space<vmem_shared>> -> memref<10000x128xf32, #tpu.memory_space<vmem_shared>>
      tpu.wait_indirect_dma semaphore(%run_scoped3A_300 : memref<!tpu.dma_semaphore, #tpu.memory_space<semaphore_mem>>) src(%arg8 : memref<128x128xf32, #tpu.memory_space<vmem>>) dst(%dma_wait3A_312 : memref<10000x128xf32, #tpu.memory_space<vmem_shared>>)
      tpu.yield
    }) : () -> ()
    %add3A_252 = arith.constant 4352 : i32
    %add3A_253 = arith.addi %mul3A_17, %add3A_252 : i32
    %dma_start3A_254 = tpu.memref_slice %arg2[%add3A_253, %mul3A_19] : memref<80000x256xf32, #tpu.memory_space<hbm>> -> memref<128x128xf32, #tpu.memory_space<hbm>>
    %dma_start3A_255 = tpu.memref_slice %arg2[%add3A_253, %mul3A_19] : memref<80000x256xf32, #tpu.memory_space<hbm>> -> memref<128x128xf32, #tpu.memory_space<hbm>>
    tpu.enqueue_dma source(%dma_start3A_255 : memref<128x128xf32, #tpu.memory_space<hbm>>) target(%arg8 : memref<128x128xf32, #tpu.memory_space<vmem>>) target_semaphore(%arg11 : memref<!tpu.dma_semaphore, #tpu.memory_space<semaphore_mem>>)
    %dma_wait3A_256 = tpu.memref_slice %arg2[%add3A_246, %mul3A_19] : memref<80000x256xf32, #tpu.memory_space<hbm>> -> memref<128x128xf32, #tpu.memory_space<hbm>>
    %dma_wait3A_257 = tpu.memref_slice %arg2[%add3A_246, %mul3A_19] : memref<80000x256xf32, #tpu.memory_space<hbm>> -> memref<128x128xf32, #tpu.memory_space<hbm>>
    tpu.wait_dma2 semaphore(%arg12 : memref<!tpu.dma_semaphore, #tpu.memory_space<semaphore_mem>>) src(%dma_wait3A_257 : memref<128x128xf32, #tpu.memory_space<hbm>>) dst(%arg9 : memref<128x128xf32, #tpu.memory_space<vmem>>)
    %run_scoped3A_258 = arith.constant 33 : i32
    "tpu.region"() ({
      %run_scoped3A_300 = tpu.sem_alloc : memref<!tpu.dma_semaphore, #tpu.memory_space<semaphore_mem>>
      %dma_start3A_301 = arith.constant 0 : i32
      %dma_start3A_302 = tpu.memref_slice %arg6[%run_scoped3A_258, %dma_start3A_301] : memref<39x128xi32, #tpu.memory_space<vmem>> -> memref<1x128xi32, #tpu.memory_space<vmem>>
      %dma_start3A_303 = tpu.memref_squeeze %dma_start3A_302 : memref<1x128xi32, #tpu.memory_space<vmem>> -> memref<128xi32, #tpu.memory_space<vmem>>
      %dma_start3A_304 = arith.constant 0 : i32
      %dma_start3A_305 = arith.constant 0 : i32
      %dma_start3A_306 = tpu.memref_slice %arg10[%dma_start3A_304, %dma_start3A_305] : memref<10000x128xf32, #tpu.memory_space<vmem_shared>> -> memref<10000x128xf32, #tpu.memory_space<vmem_shared>>
      tpu.enqueue_indirect_dma source(%arg9 : memref<128x128xf32, #tpu.memory_space<vmem>>) target(%dma_start3A_306 : memref<10000x128xf32, #tpu.memory_space<vmem_shared>>) offsets(%dma_start3A_303 : memref<128xi32, #tpu.memory_space<vmem>>) semaphore(%run_scoped3A_300 : memref<!tpu.dma_semaphore, #tpu.memory_space<semaphore_mem>>) {add = true}
      %dma_wait3A_307 = arith.constant 0 : i32
      %dma_wait3A_308 = tpu.memref_slice %arg6[%run_scoped3A_258, %dma_wait3A_307] : memref<39x128xi32, #tpu.memory_space<vmem>> -> memref<1x128xi32, #tpu.memory_space<vmem>>
      %dma_wait3A_309 = tpu.memref_squeeze %dma_wait3A_308 : memref<1x128xi32, #tpu.memory_space<vmem>> -> memref<128xi32, #tpu.memory_space<vmem>>
      %dma_wait3A_310 = arith.constant 0 : i32
      %dma_wait3A_311 = arith.constant 0 : i32
      %dma_wait3A_312 = tpu.memref_slice %arg10[%dma_wait3A_310, %dma_wait3A_311] : memref<10000x128xf32, #tpu.memory_space<vmem_shared>> -> memref<10000x128xf32, #tpu.memory_space<vmem_shared>>
      tpu.wait_indirect_dma semaphore(%run_scoped3A_300 : memref<!tpu.dma_semaphore, #tpu.memory_space<semaphore_mem>>) src(%arg9 : memref<128x128xf32, #tpu.memory_space<vmem>>) dst(%dma_wait3A_312 : memref<10000x128xf32, #tpu.memory_space<vmem_shared>>)
      tpu.yield
    }) : () -> ()
    %add3A_259 = arith.constant 4480 : i32
    %add3A_260 = arith.addi %mul3A_17, %add3A_259 : i32
    %dma_start3A_261 = tpu.memref_slice %arg2[%add3A_260, %mul3A_19] : memref<80000x256xf32, #tpu.memory_space<hbm>> -> memref<128x128xf32, #tpu.memory_space<hbm>>
    %dma_start3A_262 = tpu.memref_slice %arg2[%add3A_260, %mul3A_19] : memref<80000x256xf32, #tpu.memory_space<hbm>> -> memref<128x128xf32, #tpu.memory_space<hbm>>
    tpu.enqueue_dma source(%dma_start3A_262 : memref<128x128xf32, #tpu.memory_space<hbm>>) target(%arg9 : memref<128x128xf32, #tpu.memory_space<vmem>>) target_semaphore(%arg12 : memref<!tpu.dma_semaphore, #tpu.memory_space<semaphore_mem>>)
    %dma_wait3A_263 = tpu.memref_slice %arg2[%add3A_253, %mul3A_19] : memref<80000x256xf32, #tpu.memory_space<hbm>> -> memref<128x128xf32, #tpu.memory_space<hbm>>
    %dma_wait3A_264 = tpu.memref_slice %arg2[%add3A_253, %mul3A_19] : memref<80000x256xf32, #tpu.memory_space<hbm>> -> memref<128x128xf32, #tpu.memory_space<hbm>>
    tpu.wait_dma2 semaphore(%arg11 : memref<!tpu.dma_semaphore, #tpu.memory_space<semaphore_mem>>) src(%dma_wait3A_264 : memref<128x128xf32, #tpu.memory_space<hbm>>) dst(%arg8 : memref<128x128xf32, #tpu.memory_space<vmem>>)
    %run_scoped3A_265 = arith.constant 34 : i32
    "tpu.region"() ({
      %run_scoped3A_300 = tpu.sem_alloc : memref<!tpu.dma_semaphore, #tpu.memory_space<semaphore_mem>>
      %dma_start3A_301 = arith.constant 0 : i32
      %dma_start3A_302 = tpu.memref_slice %arg6[%run_scoped3A_265, %dma_start3A_301] : memref<39x128xi32, #tpu.memory_space<vmem>> -> memref<1x128xi32, #tpu.memory_space<vmem>>
      %dma_start3A_303 = tpu.memref_squeeze %dma_start3A_302 : memref<1x128xi32, #tpu.memory_space<vmem>> -> memref<128xi32, #tpu.memory_space<vmem>>
      %dma_start3A_304 = arith.constant 0 : i32
      %dma_start3A_305 = arith.constant 0 : i32
      %dma_start3A_306 = tpu.memref_slice %arg10[%dma_start3A_304, %dma_start3A_305] : memref<10000x128xf32, #tpu.memory_space<vmem_shared>> -> memref<10000x128xf32, #tpu.memory_space<vmem_shared>>
      tpu.enqueue_indirect_dma source(%arg8 : memref<128x128xf32, #tpu.memory_space<vmem>>) target(%dma_start3A_306 : memref<10000x128xf32, #tpu.memory_space<vmem_shared>>) offsets(%dma_start3A_303 : memref<128xi32, #tpu.memory_space<vmem>>) semaphore(%run_scoped3A_300 : memref<!tpu.dma_semaphore, #tpu.memory_space<semaphore_mem>>) {add = true}
      %dma_wait3A_307 = arith.constant 0 : i32
      %dma_wait3A_308 = tpu.memref_slice %arg6[%run_scoped3A_265, %dma_wait3A_307] : memref<39x128xi32, #tpu.memory_space<vmem>> -> memref<1x128xi32, #tpu.memory_space<vmem>>
      %dma_wait3A_309 = tpu.memref_squeeze %dma_wait3A_308 : memref<1x128xi32, #tpu.memory_space<vmem>> -> memref<128xi32, #tpu.memory_space<vmem>>
      %dma_wait3A_310 = arith.constant 0 : i32
      %dma_wait3A_311 = arith.constant 0 : i32
      %dma_wait3A_312 = tpu.memref_slice %arg10[%dma_wait3A_310, %dma_wait3A_311] : memref<10000x128xf32, #tpu.memory_space<vmem_shared>> -> memref<10000x128xf32, #tpu.memory_space<vmem_shared>>
      tpu.wait_indirect_dma semaphore(%run_scoped3A_300 : memref<!tpu.dma_semaphore, #tpu.memory_space<semaphore_mem>>) src(%arg8 : memref<128x128xf32, #tpu.memory_space<vmem>>) dst(%dma_wait3A_312 : memref<10000x128xf32, #tpu.memory_space<vmem_shared>>)
      tpu.yield
    }) : () -> ()
    %add3A_266 = arith.constant 4608 : i32
    %add3A_267 = arith.addi %mul3A_17, %add3A_266 : i32
    %dma_start3A_268 = tpu.memref_slice %arg2[%add3A_267, %mul3A_19] : memref<80000x256xf32, #tpu.memory_space<hbm>> -> memref<128x128xf32, #tpu.memory_space<hbm>>
    %dma_start3A_269 = tpu.memref_slice %arg2[%add3A_267, %mul3A_19] : memref<80000x256xf32, #tpu.memory_space<hbm>> -> memref<128x128xf32, #tpu.memory_space<hbm>>
    tpu.enqueue_dma source(%dma_start3A_269 : memref<128x128xf32, #tpu.memory_space<hbm>>) target(%arg8 : memref<128x128xf32, #tpu.memory_space<vmem>>) target_semaphore(%arg11 : memref<!tpu.dma_semaphore, #tpu.memory_space<semaphore_mem>>)
    %dma_wait3A_270 = tpu.memref_slice %arg2[%add3A_260, %mul3A_19] : memref<80000x256xf32, #tpu.memory_space<hbm>> -> memref<128x128xf32, #tpu.memory_space<hbm>>
    %dma_wait3A_271 = tpu.memref_slice %arg2[%add3A_260, %mul3A_19] : memref<80000x256xf32, #tpu.memory_space<hbm>> -> memref<128x128xf32, #tpu.memory_space<hbm>>
    tpu.wait_dma2 semaphore(%arg12 : memref<!tpu.dma_semaphore, #tpu.memory_space<semaphore_mem>>) src(%dma_wait3A_271 : memref<128x128xf32, #tpu.memory_space<hbm>>) dst(%arg9 : memref<128x128xf32, #tpu.memory_space<vmem>>)
    %run_scoped3A_272 = arith.constant 35 : i32
    "tpu.region"() ({
      %run_scoped3A_300 = tpu.sem_alloc : memref<!tpu.dma_semaphore, #tpu.memory_space<semaphore_mem>>
      %dma_start3A_301 = arith.constant 0 : i32
      %dma_start3A_302 = tpu.memref_slice %arg6[%run_scoped3A_272, %dma_start3A_301] : memref<39x128xi32, #tpu.memory_space<vmem>> -> memref<1x128xi32, #tpu.memory_space<vmem>>
      %dma_start3A_303 = tpu.memref_squeeze %dma_start3A_302 : memref<1x128xi32, #tpu.memory_space<vmem>> -> memref<128xi32, #tpu.memory_space<vmem>>
      %dma_start3A_304 = arith.constant 0 : i32
      %dma_start3A_305 = arith.constant 0 : i32
      %dma_start3A_306 = tpu.memref_slice %arg10[%dma_start3A_304, %dma_start3A_305] : memref<10000x128xf32, #tpu.memory_space<vmem_shared>> -> memref<10000x128xf32, #tpu.memory_space<vmem_shared>>
      tpu.enqueue_indirect_dma source(%arg9 : memref<128x128xf32, #tpu.memory_space<vmem>>) target(%dma_start3A_306 : memref<10000x128xf32, #tpu.memory_space<vmem_shared>>) offsets(%dma_start3A_303 : memref<128xi32, #tpu.memory_space<vmem>>) semaphore(%run_scoped3A_300 : memref<!tpu.dma_semaphore, #tpu.memory_space<semaphore_mem>>) {add = true}
      %dma_wait3A_307 = arith.constant 0 : i32
      %dma_wait3A_308 = tpu.memref_slice %arg6[%run_scoped3A_272, %dma_wait3A_307] : memref<39x128xi32, #tpu.memory_space<vmem>> -> memref<1x128xi32, #tpu.memory_space<vmem>>
      %dma_wait3A_309 = tpu.memref_squeeze %dma_wait3A_308 : memref<1x128xi32, #tpu.memory_space<vmem>> -> memref<128xi32, #tpu.memory_space<vmem>>
      %dma_wait3A_310 = arith.constant 0 : i32
      %dma_wait3A_311 = arith.constant 0 : i32
      %dma_wait3A_312 = tpu.memref_slice %arg10[%dma_wait3A_310, %dma_wait3A_311] : memref<10000x128xf32, #tpu.memory_space<vmem_shared>> -> memref<10000x128xf32, #tpu.memory_space<vmem_shared>>
      tpu.wait_indirect_dma semaphore(%run_scoped3A_300 : memref<!tpu.dma_semaphore, #tpu.memory_space<semaphore_mem>>) src(%arg9 : memref<128x128xf32, #tpu.memory_space<vmem>>) dst(%dma_wait3A_312 : memref<10000x128xf32, #tpu.memory_space<vmem_shared>>)
      tpu.yield
    }) : () -> ()
    %add3A_273 = arith.constant 4736 : i32
    %add3A_274 = arith.addi %mul3A_17, %add3A_273 : i32
    %dma_start3A_275 = tpu.memref_slice %arg2[%add3A_274, %mul3A_19] : memref<80000x256xf32, #tpu.memory_space<hbm>> -> memref<128x128xf32, #tpu.memory_space<hbm>>
    %dma_start3A_276 = tpu.memref_slice %arg2[%add3A_274, %mul3A_19] : memref<80000x256xf32, #tpu.memory_space<hbm>> -> memref<128x128xf32, #tpu.memory_space<hbm>>
    tpu.enqueue_dma source(%dma_start3A_276 : memref<128x128xf32, #tpu.memory_space<hbm>>) target(%arg9 : memref<128x128xf32, #tpu.memory_space<vmem>>) target_semaphore(%arg12 : memref<!tpu.dma_semaphore, #tpu.memory_space<semaphore_mem>>)
    %dma_wait3A_277 = tpu.memref_slice %arg2[%add3A_267, %mul3A_19] : memref<80000x256xf32, #tpu.memory_space<hbm>> -> memref<128x128xf32, #tpu.memory_space<hbm>>
    %dma_wait3A_278 = tpu.memref_slice %arg2[%add3A_267, %mul3A_19] : memref<80000x256xf32, #tpu.memory_space<hbm>> -> memref<128x128xf32, #tpu.memory_space<hbm>>
    tpu.wait_dma2 semaphore(%arg11 : memref<!tpu.dma_semaphore, #tpu.memory_space<semaphore_mem>>) src(%dma_wait3A_278 : memref<128x128xf32, #tpu.memory_space<hbm>>) dst(%arg8 : memref<128x128xf32, #tpu.memory_space<vmem>>)
    %run_scoped3A_279 = arith.constant 36 : i32
    "tpu.region"() ({
      %run_scoped3A_300 = tpu.sem_alloc : memref<!tpu.dma_semaphore, #tpu.memory_space<semaphore_mem>>
      %dma_start3A_301 = arith.constant 0 : i32
      %dma_start3A_302 = tpu.memref_slice %arg6[%run_scoped3A_279, %dma_start3A_301] : memref<39x128xi32, #tpu.memory_space<vmem>> -> memref<1x128xi32, #tpu.memory_space<vmem>>
      %dma_start3A_303 = tpu.memref_squeeze %dma_start3A_302 : memref<1x128xi32, #tpu.memory_space<vmem>> -> memref<128xi32, #tpu.memory_space<vmem>>
      %dma_start3A_304 = arith.constant 0 : i32
      %dma_start3A_305 = arith.constant 0 : i32
      %dma_start3A_306 = tpu.memref_slice %arg10[%dma_start3A_304, %dma_start3A_305] : memref<10000x128xf32, #tpu.memory_space<vmem_shared>> -> memref<10000x128xf32, #tpu.memory_space<vmem_shared>>
      tpu.enqueue_indirect_dma source(%arg8 : memref<128x128xf32, #tpu.memory_space<vmem>>) target(%dma_start3A_306 : memref<10000x128xf32, #tpu.memory_space<vmem_shared>>) offsets(%dma_start3A_303 : memref<128xi32, #tpu.memory_space<vmem>>) semaphore(%run_scoped3A_300 : memref<!tpu.dma_semaphore, #tpu.memory_space<semaphore_mem>>) {add = true}
      %dma_wait3A_307 = arith.constant 0 : i32
      %dma_wait3A_308 = tpu.memref_slice %arg6[%run_scoped3A_279, %dma_wait3A_307] : memref<39x128xi32, #tpu.memory_space<vmem>> -> memref<1x128xi32, #tpu.memory_space<vmem>>
      %dma_wait3A_309 = tpu.memref_squeeze %dma_wait3A_308 : memref<1x128xi32, #tpu.memory_space<vmem>> -> memref<128xi32, #tpu.memory_space<vmem>>
      %dma_wait3A_310 = arith.constant 0 : i32
      %dma_wait3A_311 = arith.constant 0 : i32
      %dma_wait3A_312 = tpu.memref_slice %arg10[%dma_wait3A_310, %dma_wait3A_311] : memref<10000x128xf32, #tpu.memory_space<vmem_shared>> -> memref<10000x128xf32, #tpu.memory_space<vmem_shared>>
      tpu.wait_indirect_dma semaphore(%run_scoped3A_300 : memref<!tpu.dma_semaphore, #tpu.memory_space<semaphore_mem>>) src(%arg8 : memref<128x128xf32, #tpu.memory_space<vmem>>) dst(%dma_wait3A_312 : memref<10000x128xf32, #tpu.memory_space<vmem_shared>>)
      tpu.yield
    }) : () -> ()
    %add3A_280 = arith.constant 4864 : i32
    %add3A_281 = arith.addi %mul3A_17, %add3A_280 : i32
    %dma_start3A_282 = tpu.memref_slice %arg2[%add3A_281, %mul3A_19] : memref<80000x256xf32, #tpu.memory_space<hbm>> -> memref<128x128xf32, #tpu.memory_space<hbm>>
    %dma_start3A_283 = tpu.memref_slice %arg2[%add3A_281, %mul3A_19] : memref<80000x256xf32, #tpu.memory_space<hbm>> -> memref<128x128xf32, #tpu.memory_space<hbm>>
    tpu.enqueue_dma source(%dma_start3A_283 : memref<128x128xf32, #tpu.memory_space<hbm>>) target(%arg8 : memref<128x128xf32, #tpu.memory_space<vmem>>) target_semaphore(%arg11 : memref<!tpu.dma_semaphore, #tpu.memory_space<semaphore_mem>>)
    %dma_wait3A_284 = tpu.memref_slice %arg2[%add3A_274, %mul3A_19] : memref<80000x256xf32, #tpu.memory_space<hbm>> -> memref<128x128xf32, #tpu.memory_space<hbm>>
    %dma_wait3A_285 = tpu.memref_slice %arg2[%add3A_274, %mul3A_19] : memref<80000x256xf32, #tpu.memory_space<hbm>> -> memref<128x128xf32, #tpu.memory_space<hbm>>
    tpu.wait_dma2 semaphore(%arg12 : memref<!tpu.dma_semaphore, #tpu.memory_space<semaphore_mem>>) src(%dma_wait3A_285 : memref<128x128xf32, #tpu.memory_space<hbm>>) dst(%arg9 : memref<128x128xf32, #tpu.memory_space<vmem>>)
    %run_scoped3A_286 = arith.constant 37 : i32
    "tpu.region"() ({
      %run_scoped3A_300 = tpu.sem_alloc : memref<!tpu.dma_semaphore, #tpu.memory_space<semaphore_mem>>
      %dma_start3A_301 = arith.constant 0 : i32
      %dma_start3A_302 = tpu.memref_slice %arg6[%run_scoped3A_286, %dma_start3A_301] : memref<39x128xi32, #tpu.memory_space<vmem>> -> memref<1x128xi32, #tpu.memory_space<vmem>>
      %dma_start3A_303 = tpu.memref_squeeze %dma_start3A_302 : memref<1x128xi32, #tpu.memory_space<vmem>> -> memref<128xi32, #tpu.memory_space<vmem>>
      %dma_start3A_304 = arith.constant 0 : i32
      %dma_start3A_305 = arith.constant 0 : i32
      %dma_start3A_306 = tpu.memref_slice %arg10[%dma_start3A_304, %dma_start3A_305] : memref<10000x128xf32, #tpu.memory_space<vmem_shared>> -> memref<10000x128xf32, #tpu.memory_space<vmem_shared>>
      tpu.enqueue_indirect_dma source(%arg9 : memref<128x128xf32, #tpu.memory_space<vmem>>) target(%dma_start3A_306 : memref<10000x128xf32, #tpu.memory_space<vmem_shared>>) offsets(%dma_start3A_303 : memref<128xi32, #tpu.memory_space<vmem>>) semaphore(%run_scoped3A_300 : memref<!tpu.dma_semaphore, #tpu.memory_space<semaphore_mem>>) {add = true}
      %dma_wait3A_307 = arith.constant 0 : i32
      %dma_wait3A_308 = tpu.memref_slice %arg6[%run_scoped3A_286, %dma_wait3A_307] : memref<39x128xi32, #tpu.memory_space<vmem>> -> memref<1x128xi32, #tpu.memory_space<vmem>>
      %dma_wait3A_309 = tpu.memref_squeeze %dma_wait3A_308 : memref<1x128xi32, #tpu.memory_space<vmem>> -> memref<128xi32, #tpu.memory_space<vmem>>
      %dma_wait3A_310 = arith.constant 0 : i32
      %dma_wait3A_311 = arith.constant 0 : i32
      %dma_wait3A_312 = tpu.memref_slice %arg10[%dma_wait3A_310, %dma_wait3A_311] : memref<10000x128xf32, #tpu.memory_space<vmem_shared>> -> memref<10000x128xf32, #tpu.memory_space<vmem_shared>>
      tpu.wait_indirect_dma semaphore(%run_scoped3A_300 : memref<!tpu.dma_semaphore, #tpu.memory_space<semaphore_mem>>) src(%arg9 : memref<128x128xf32, #tpu.memory_space<vmem>>) dst(%dma_wait3A_312 : memref<10000x128xf32, #tpu.memory_space<vmem_shared>>)
      tpu.yield
    }) : () -> ()
    %dma_wait3A_287 = tpu.memref_slice %arg2[%add3A_281, %mul3A_19] : memref<80000x256xf32, #tpu.memory_space<hbm>> -> memref<128x128xf32, #tpu.memory_space<hbm>>
    %dma_wait3A_288 = tpu.memref_slice %arg2[%add3A_281, %mul3A_19] : memref<80000x256xf32, #tpu.memory_space<hbm>> -> memref<128x128xf32, #tpu.memory_space<hbm>>
    tpu.wait_dma2 semaphore(%arg11 : memref<!tpu.dma_semaphore, #tpu.memory_space<semaphore_mem>>) src(%dma_wait3A_288 : memref<128x128xf32, #tpu.memory_space<hbm>>) dst(%arg8 : memref<128x128xf32, #tpu.memory_space<vmem>>)
    %run_scoped3A_289 = arith.constant 38 : i32
    "tpu.region"() ({
      %run_scoped3A_300 = tpu.sem_alloc : memref<!tpu.dma_semaphore, #tpu.memory_space<semaphore_mem>>
      %dma_start3A_301 = arith.constant 0 : i32
      %dma_start3A_302 = tpu.memref_slice %arg6[%run_scoped3A_289, %dma_start3A_301] : memref<39x128xi32, #tpu.memory_space<vmem>> -> memref<1x128xi32, #tpu.memory_space<vmem>>
      %dma_start3A_303 = tpu.memref_squeeze %dma_start3A_302 : memref<1x128xi32, #tpu.memory_space<vmem>> -> memref<128xi32, #tpu.memory_space<vmem>>
      %dma_start3A_304 = arith.constant 0 : i32
      %dma_start3A_305 = arith.constant 0 : i32
      %dma_start3A_306 = tpu.memref_slice %arg10[%dma_start3A_304, %dma_start3A_305] : memref<10000x128xf32, #tpu.memory_space<vmem_shared>> -> memref<10000x128xf32, #tpu.memory_space<vmem_shared>>
      tpu.enqueue_indirect_dma source(%arg8 : memref<128x128xf32, #tpu.memory_space<vmem>>) target(%dma_start3A_306 : memref<10000x128xf32, #tpu.memory_space<vmem_shared>>) offsets(%dma_start3A_303 : memref<128xi32, #tpu.memory_space<vmem>>) semaphore(%run_scoped3A_300 : memref<!tpu.dma_semaphore, #tpu.memory_space<semaphore_mem>>) {add = true}
      %dma_wait3A_307 = arith.constant 0 : i32
      %dma_wait3A_308 = tpu.memref_slice %arg6[%run_scoped3A_289, %dma_wait3A_307] : memref<39x128xi32, #tpu.memory_space<vmem>> -> memref<1x128xi32, #tpu.memory_space<vmem>>
      %dma_wait3A_309 = tpu.memref_squeeze %dma_wait3A_308 : memref<1x128xi32, #tpu.memory_space<vmem>> -> memref<128xi32, #tpu.memory_space<vmem>>
      %dma_wait3A_310 = arith.constant 0 : i32
      %dma_wait3A_311 = arith.constant 0 : i32
      %dma_wait3A_312 = tpu.memref_slice %arg10[%dma_wait3A_310, %dma_wait3A_311] : memref<10000x128xf32, #tpu.memory_space<vmem_shared>> -> memref<10000x128xf32, #tpu.memory_space<vmem_shared>>
      tpu.wait_indirect_dma semaphore(%run_scoped3A_300 : memref<!tpu.dma_semaphore, #tpu.memory_space<semaphore_mem>>) src(%arg8 : memref<128x128xf32, #tpu.memory_space<vmem>>) dst(%dma_wait3A_312 : memref<10000x128xf32, #tpu.memory_space<vmem_shared>>)
      tpu.yield
    }) : () -> ()
    %add3A_290 = arith.constant 4992 : i32
    %add3A_291 = arith.addi %mul3A_17, %add3A_290 : i32
    "tpu.region"() ({
      %run_scoped3A_300 = tpu.sem_alloc : memref<!tpu.dma_semaphore, #tpu.memory_space<semaphore_mem>>
      %dma_start3A_301 = arith.constant 0 : i32
      %dma_start3A_302 = arith.constant 0 : i32
      %dma_start3A_303 = tpu.memref_slice %arg8[%dma_start3A_301, %dma_start3A_302] : memref<128x128xf32, #tpu.memory_space<vmem>> -> memref<8x128xf32, #tpu.memory_space<vmem>>
      %dma_start3A_304 = tpu.memref_slice %arg2[%add3A_291, %mul3A_19] : memref<80000x256xf32, #tpu.memory_space<hbm>> -> memref<8x128xf32, #tpu.memory_space<hbm>>
      %dma_start3A_305 = arith.constant 0 : i32
      %dma_start3A_306 = arith.constant 0 : i32
      %dma_start3A_307 = tpu.memref_slice %arg8[%dma_start3A_305, %dma_start3A_306] : memref<128x128xf32, #tpu.memory_space<vmem>> -> memref<8x128xf32, #tpu.memory_space<vmem>>
      %dma_start3A_308 = tpu.memref_slice %arg2[%add3A_291, %mul3A_19] : memref<80000x256xf32, #tpu.memory_space<hbm>> -> memref<8x128xf32, #tpu.memory_space<hbm>>
      tpu.enqueue_dma source(%dma_start3A_308 : memref<8x128xf32, #tpu.memory_space<hbm>>) target(%dma_start3A_307 : memref<8x128xf32, #tpu.memory_space<vmem>>) target_semaphore(%run_scoped3A_300 : memref<!tpu.dma_semaphore, #tpu.memory_space<semaphore_mem>>)
      %dma_wait3A_309 = arith.constant 0 : i32
      %dma_wait3A_310 = arith.constant 0 : i32
      %dma_wait3A_311 = tpu.memref_slice %arg8[%dma_wait3A_309, %dma_wait3A_310] : memref<128x128xf32, #tpu.memory_space<vmem>> -> memref<8x128xf32, #tpu.memory_space<vmem>>
      %dma_wait3A_312 = tpu.memref_slice %arg2[%add3A_291, %mul3A_19] : memref<80000x256xf32, #tpu.memory_space<hbm>> -> memref<8x128xf32, #tpu.memory_space<hbm>>
      %dma_wait3A_313 = arith.constant 0 : i32
      %dma_wait3A_314 = arith.constant 0 : i32
      %dma_wait3A_315 = tpu.memref_slice %arg8[%dma_wait3A_313, %dma_wait3A_314] : memref<128x128xf32, #tpu.memory_space<vmem>> -> memref<8x128xf32, #tpu.memory_space<vmem>>
      %dma_wait3A_316 = tpu.memref_slice %arg2[%add3A_291, %mul3A_19] : memref<80000x256xf32, #tpu.memory_space<hbm>> -> memref<8x128xf32, #tpu.memory_space<hbm>>
      tpu.wait_dma2 semaphore(%run_scoped3A_300 : memref<!tpu.dma_semaphore, #tpu.memory_space<semaphore_mem>>) src(%dma_wait3A_316 : memref<8x128xf32, #tpu.memory_space<hbm>>) dst(%dma_wait3A_315 : memref<8x128xf32, #tpu.memory_space<vmem>>)
      tpu.yield
    }) : () -> ()
    "tpu.region"() ({
      %run_scoped3A_300 = tpu.sem_alloc : memref<!tpu.dma_semaphore, #tpu.memory_space<semaphore_mem>>
      %dma_start3A_301 = arith.constant 0 : i32
      %dma_start3A_302 = arith.constant 0 : i32
      %dma_start3A_303 = tpu.memref_slice %arg8[%dma_start3A_301, %dma_start3A_302] : memref<128x128xf32, #tpu.memory_space<vmem>> -> memref<8x128xf32, #tpu.memory_space<vmem>>
      %dma_start3A_304 = arith.constant 0 : i32
      %dma_start3A_305 = arith.constant 0 : i32
      %dma_start3A_306 = tpu.memref_slice %arg10[%dma_start3A_304, %dma_start3A_305] : memref<10000x128xf32, #tpu.memory_space<vmem_shared>> -> memref<10000x128xf32, #tpu.memory_space<vmem_shared>>
      tpu.enqueue_indirect_dma source(%dma_start3A_303 : memref<8x128xf32, #tpu.memory_space<vmem>>) target(%dma_start3A_306 : memref<10000x128xf32, #tpu.memory_space<vmem_shared>>) offsets(%arg7 : memref<8xi32, #tpu.memory_space<vmem>>) semaphore(%run_scoped3A_300 : memref<!tpu.dma_semaphore, #tpu.memory_space<semaphore_mem>>) {add = true}
      %dma_wait3A_307 = arith.constant 0 : i32
      %dma_wait3A_308 = arith.constant 0 : i32
      %dma_wait3A_309 = tpu.memref_slice %arg8[%dma_wait3A_307, %dma_wait3A_308] : memref<128x128xf32, #tpu.memory_space<vmem>> -> memref<8x128xf32, #tpu.memory_space<vmem>>
      %dma_wait3A_310 = arith.constant 0 : i32
      %dma_wait3A_311 = arith.constant 0 : i32
      %dma_wait3A_312 = tpu.memref_slice %arg10[%dma_wait3A_310, %dma_wait3A_311] : memref<10000x128xf32, #tpu.memory_space<vmem_shared>> -> memref<10000x128xf32, #tpu.memory_space<vmem_shared>>
      tpu.wait_indirect_dma semaphore(%run_scoped3A_300 : memref<!tpu.dma_semaphore, #tpu.memory_space<semaphore_mem>>) src(%dma_wait3A_309 : memref<8x128xf32, #tpu.memory_space<vmem>>) dst(%dma_wait3A_312 : memref<10000x128xf32, #tpu.memory_space<vmem_shared>>)
      tpu.yield
    }) : () -> ()
    %barrier3A_292 = arith.constant 0 : index
    tpu.barrier barrier_id(%barrier3A_292)
    %mul3A_293 = arith.constant 128 : i32
    %mul3A_294 = arith.muli %arg0, %mul3A_293 : i32
    "tpu.region"() ({
      %run_scoped3A_300 = tpu.sem_alloc : memref<!tpu.dma_semaphore, #tpu.memory_space<semaphore_mem>>
      %dma_start3A_301 = tpu.memref_slice %arg5[%mul3A_4, %mul3A_294] : memref<10000x256xf32, #tpu.memory_space<hbm>> -> memref<624x128xf32, #tpu.memory_space<hbm>>
      %dma_start3A_302 = arith.constant 0 : i32
      %dma_start3A_303 = tpu.memref_slice %arg10[%mul3A_4, %dma_start3A_302] : memref<10000x128xf32, #tpu.memory_space<vmem_shared>> -> memref<624x128xf32, #tpu.memory_space<vmem_shared>>
      tpu.enqueue_dma source(%dma_start3A_303 : memref<624x128xf32, #tpu.memory_space<vmem_shared>>) target(%dma_start3A_301 : memref<624x128xf32, #tpu.memory_space<hbm>>) target_semaphore(%run_scoped3A_300 : memref<!tpu.dma_semaphore, #tpu.memory_space<semaphore_mem>>)
      %dma_wait3A_304 = tpu.memref_slice %arg5[%mul3A_4, %mul3A_294] : memref<10000x256xf32, #tpu.memory_space<hbm>> -> memref<624x128xf32, #tpu.memory_space<hbm>>
      %dma_wait3A_305 = arith.constant 0 : i32
      %dma_wait3A_306 = tpu.memref_slice %arg10[%mul3A_4, %dma_wait3A_305] : memref<10000x128xf32, #tpu.memory_space<vmem_shared>> -> memref<624x128xf32, #tpu.memory_space<vmem_shared>>
      tpu.wait_dma2 semaphore(%run_scoped3A_300 : memref<!tpu.dma_semaphore, #tpu.memory_space<semaphore_mem>>) src(%dma_wait3A_306 : memref<624x128xf32, #tpu.memory_space<vmem_shared>>) dst(%dma_wait3A_304 : memref<624x128xf32, #tpu.memory_space<hbm>>)
      tpu.yield
    }) : () -> ()
    %eq3A_295 = arith.constant 15 : i32
    %eq3A_296 = arith.cmpi eq, %arg1, %eq3A_295 : i32
    %convert_element_type3A_297 = arith.extui %eq3A_296 : i1 to i32
    %cond3A_298 = arith.constant 0 : i32
    %cond3A_299 = arith.cmpi ne, %convert_element_type3A_297, %cond3A_298 : i32
    scf.if %cond3A_299 {
      %mul3A_300 = arith.constant 128 : i32
      %mul3A_301 = arith.muli %arg0, %mul3A_300 : i32
      "tpu.region"() ({
        %run_scoped3A_302 = tpu.sem_alloc : memref<!tpu.dma_semaphore, #tpu.memory_space<semaphore_mem>>
        %dma_start3A_303 = arith.constant 9984 : i32
        %dma_start3A_304 = tpu.memref_slice %arg5[%dma_start3A_303, %mul3A_301] : memref<10000x256xf32, #tpu.memory_space<hbm>> -> memref<16x128xf32, #tpu.memory_space<hbm>>
        %dma_start3A_305 = arith.constant 9984 : i32
        %dma_start3A_306 = arith.constant 0 : i32
        %dma_start3A_307 = tpu.memref_slice %arg10[%dma_start3A_305, %dma_start3A_306] : memref<10000x128xf32, #tpu.memory_space<vmem_shared>> -> memref<16x128xf32, #tpu.memory_space<vmem_shared>>
        tpu.enqueue_dma source(%dma_start3A_307 : memref<16x128xf32, #tpu.memory_space<vmem_shared>>) target(%dma_start3A_304 : memref<16x128xf32, #tpu.memory_space<hbm>>) target_semaphore(%run_scoped3A_302 : memref<!tpu.dma_semaphore, #tpu.memory_space<semaphore_mem>>)
        %dma_wait3A_308 = arith.constant 9984 : i32
        %dma_wait3A_309 = tpu.memref_slice %arg5[%dma_wait3A_308, %mul3A_301] : memref<10000x256xf32, #tpu.memory_space<hbm>> -> memref<16x128xf32, #tpu.memory_space<hbm>>
        %dma_wait3A_310 = arith.constant 9984 : i32
        %dma_wait3A_311 = arith.constant 0 : i32
        %dma_wait3A_312 = tpu.memref_slice %arg10[%dma_wait3A_310, %dma_wait3A_311] : memref<10000x128xf32, #tpu.memory_space<vmem_shared>> -> memref<16x128xf32, #tpu.memory_space<vmem_shared>>
        tpu.wait_dma2 semaphore(%run_scoped3A_302 : memref<!tpu.dma_semaphore, #tpu.memory_space<semaphore_mem>>) src(%dma_wait3A_312 : memref<16x128xf32, #tpu.memory_space<vmem_shared>>) dst(%dma_wait3A_309 : memref<16x128xf32, #tpu.memory_space<hbm>>)
        tpu.yield
      }) : () -> ()
    } else {
    }
    return
  }
}

module attributes {stable_mosaic.version = 14 : i64} {
  func.func @_fused_body(%arg0: i32, %arg1: memref<4000x256xf32, #tpu.memory_space<vmem>>, %arg2: memref<4000x16xbf16, #tpu.memory_space<vmem>>, %arg3: memref<16x256xbf16, #tpu.memory_space<vmem>>, %arg4: memref<256x256xbf16, #tpu.memory_space<vmem>>, %arg5: memref<3x2x256x256xbf16, #tpu.memory_space<vmem>>, %arg6: memref<256x1xbf16, #tpu.memory_space<vmem>>, %arg7: memref<4000x256xf32, #tpu.memory_space<vmem>>, %arg8: memref<4000x1xf32, #tpu.memory_space<vmem>>) attributes {dimension_semantics = [#tpu.dimension_semantics<arbitrary>], iteration_bounds = array<i64: 20>, scalar_prefetch = 0 : i64, scratch_operands = 0 : i64, tpu.core_type = #tpu.core_type<tc>, window_params = [{transform_indices = @transform_0, window_bounds = array<i64: 4000, 256>}, {transform_indices = @transform_1, window_bounds = array<i64: 4000, 16>}, {pipeline_mode = #tpu.pipeline_mode<synchronous>, transform_indices = @transform_2, window_bounds = array<i64: 16, 256>}, {pipeline_mode = #tpu.pipeline_mode<synchronous>, transform_indices = @transform_3, window_bounds = array<i64: 256, 256>}, {pipeline_mode = #tpu.pipeline_mode<synchronous>, transform_indices = @transform_4, window_bounds = array<i64: 3, 2, 256, 256>}, {pipeline_mode = #tpu.pipeline_mode<synchronous>, transform_indices = @transform_5, window_bounds = array<i64: 256, 1>}, {transform_indices = @transform_6, window_bounds = array<i64: 4000, 256>}, {transform_indices = @transform_7, window_bounds = array<i64: 4000, 1>}]} {
    %get3A = arith.constant 0 : index
    %get3A_0 = arith.constant 0 : index
    %get3A_1 = vector.load %arg2[%get3A, %get3A_0] : memref<4000x16xbf16, #tpu.memory_space<vmem>>, vector<4000x16xbf16>
    %get3A_2 = arith.constant 0 : index
    %get3A_3 = arith.constant 0 : index
    %get3A_4 = vector.load %arg3[%get3A_2, %get3A_3] : memref<16x256xbf16, #tpu.memory_space<vmem>>, vector<16x256xbf16>
    %dot_general3A = arith.constant dense<0.000000e+00> : vector<4000x256xf32>
    %dot_general3A_5 = tpu.matmul %get3A_1, %get3A_4, %dot_general3A {dimension_numbers = #tpu.dot_dimension_numbers<[1], [0], [0], [1], [0, 0, 1, 1], [], []>, transpose_lhs_hint = false} : vector<4000x16xbf16>, vector<16x256xbf16>, vector<4000x256xf32> -> vector<4000x256xf32>
    %get3A_6 = arith.constant 0 : index
    %get3A_7 = arith.constant 0 : index
    %get3A_8 = vector.load %arg1[%get3A_6, %get3A_7] : memref<4000x256xf32, #tpu.memory_space<vmem>>, vector<4000x256xf32>
    %mul3A = arith.mulf %get3A_8, %dot_general3A_5 : vector<4000x256xf32>
    %swap3A = arith.constant 0 : index
    %swap3A_9 = arith.constant 0 : index
    %swap3A_10 = vector.load %arg7[%swap3A, %swap3A_9] : memref<4000x256xf32, #tpu.memory_space<vmem>>, vector<4000x256xf32>
    tpu.vector_store %arg7[%swap3A, %swap3A_9], %mul3A {strides = array<i32>} : memref<4000x256xf32, #tpu.memory_space<vmem>>, vector<4000x256xf32>,
    %convert_element_type3A = arith.truncf %mul3A : vector<4000x256xf32> to vector<4000x256xbf16>
    %get3A_11 = arith.constant 0 : index
    %get3A_12 = arith.constant 0 : index
    %get3A_13 = vector.load %arg4[%get3A_11, %get3A_12] : memref<256x256xbf16, #tpu.memory_space<vmem>>, vector<256x256xbf16>
    %dot_general3A_14 = arith.constant dense<0.000000e+00> : vector<4000x256xf32>
    %dot_general3A_15 = tpu.matmul %convert_element_type3A, %get3A_13, %dot_general3A_14 {dimension_numbers = #tpu.dot_dimension_numbers<[1], [0], [0], [1], [0, 0, 1, 1], [], []>, transpose_lhs_hint = false} : vector<4000x256xbf16>, vector<256x256xbf16>, vector<4000x256xf32> -> vector<4000x256xf32>
    %convert_element_type3A_16 = arith.truncf %dot_general3A_15 : vector<4000x256xf32> to vector<4000x256xbf16>
    %tanh3A = math.tanh %convert_element_type3A_16 : vector<4000x256xbf16>
    %mul3A_17 = arith.mulf %convert_element_type3A_16, %tanh3A : vector<4000x256xbf16>
    %add3A = arith.addf %convert_element_type3A_16, %mul3A_17 : vector<4000x256xbf16>
    %convert_element_type3A_18 = arith.extf %add3A : vector<4000x256xbf16> to vector<4000x256xf32>
    %get3A_19 = arith.constant 0 : index
    %get3A_20 = arith.constant 0 : index
    %get3A_21 = arith.constant 0 : index
    %get3A_22 = arith.constant 0 : index
    %get3A_23 = vector.load %arg5[%get3A_19, %get3A_20, %get3A_21, %get3A_22] : memref<3x2x256x256xbf16, #tpu.memory_space<vmem>>, vector<1x1x256x256xbf16>
    %get3A_24 = vector.shape_cast %get3A_23 : vector<1x1x256x256xbf16> to vector<256x256xbf16>
    %dot_general3A_25 = arith.constant dense<0.000000e+00> : vector<4000x256xf32>
    %dot_general3A_26 = tpu.matmul %add3A, %get3A_24, %dot_general3A_25 {dimension_numbers = #tpu.dot_dimension_numbers<[1], [0], [0], [1], [0, 0, 1, 1], [], []>, transpose_lhs_hint = false} : vector<4000x256xbf16>, vector<256x256xbf16>, vector<4000x256xf32> -> vector<4000x256xf32>
    %convert_element_type3A_27 = arith.truncf %dot_general3A_26 : vector<4000x256xf32> to vector<4000x256xbf16>
    %tanh3A_28 = math.tanh %convert_element_type3A_27 : vector<4000x256xbf16>
    %mul3A_29 = arith.mulf %convert_element_type3A_27, %tanh3A_28 : vector<4000x256xbf16>
    %add3A_30 = arith.addf %convert_element_type3A_27, %mul3A_29 : vector<4000x256xbf16>
    %get3A_31 = arith.constant 0 : index
    %get3A_32 = arith.constant 1 : index
    %get3A_33 = arith.constant 0 : index
    %get3A_34 = arith.constant 0 : index
    %get3A_35 = vector.load %arg5[%get3A_31, %get3A_32, %get3A_33, %get3A_34] : memref<3x2x256x256xbf16, #tpu.memory_space<vmem>>, vector<1x1x256x256xbf16>
    %get3A_36 = vector.shape_cast %get3A_35 : vector<1x1x256x256xbf16> to vector<256x256xbf16>
    %dot_general3A_37 = arith.constant dense<0.000000e+00> : vector<4000x256xf32>
    %dot_general3A_38 = tpu.matmul %add3A_30, %get3A_36, %dot_general3A_37 {dimension_numbers = #tpu.dot_dimension_numbers<[1], [0], [0], [1], [0, 0, 1, 1], [], []>, transpose_lhs_hint = false} : vector<4000x256xbf16>, vector<256x256xbf16>, vector<4000x256xf32> -> vector<4000x256xf32>
    %convert_element_type3A_39 = arith.truncf %dot_general3A_38 : vector<4000x256xf32> to vector<4000x256xbf16>
    %tanh3A_40 = math.tanh %convert_element_type3A_39 : vector<4000x256xbf16>
    %mul3A_41 = arith.mulf %convert_element_type3A_39, %tanh3A_40 : vector<4000x256xbf16>
    %add3A_42 = arith.addf %convert_element_type3A_39, %mul3A_41 : vector<4000x256xbf16>
    %convert_element_type3A_43 = arith.extf %add3A_42 : vector<4000x256xbf16> to vector<4000x256xf32>
    %add3A_44 = arith.addf %convert_element_type3A_18, %convert_element_type3A_43 : vector<4000x256xf32>
    %mul3A_45 = arith.constant 0.707106769 : f32
    %mul3A_46 = vector.broadcast %mul3A_45 : f32 to vector<4000x256xf32>
    %mul3A_47 = arith.mulf %add3A_44, %mul3A_46 : vector<4000x256xf32>
    %convert_element_type3A_48 = arith.truncf %mul3A_47 : vector<4000x256xf32> to vector<4000x256xbf16>
    %get3A_49 = arith.constant 1 : index
    %get3A_50 = arith.constant 0 : index
    %get3A_51 = arith.constant 0 : index
    %get3A_52 = arith.constant 0 : index
    %get3A_53 = vector.load %arg5[%get3A_49, %get3A_50, %get3A_51, %get3A_52] : memref<3x2x256x256xbf16, #tpu.memory_space<vmem>>, vector<1x1x256x256xbf16>
    %get3A_54 = vector.shape_cast %get3A_53 : vector<1x1x256x256xbf16> to vector<256x256xbf16>
    %dot_general3A_55 = arith.constant dense<0.000000e+00> : vector<4000x256xf32>
    %dot_general3A_56 = tpu.matmul %convert_element_type3A_48, %get3A_54, %dot_general3A_55 {dimension_numbers = #tpu.dot_dimension_numbers<[1], [0], [0], [1], [0, 0, 1, 1], [], []>, transpose_lhs_hint = false} : vector<4000x256xbf16>, vector<256x256xbf16>, vector<4000x256xf32> -> vector<4000x256xf32>
    %convert_element_type3A_57 = arith.truncf %dot_general3A_56 : vector<4000x256xf32> to vector<4000x256xbf16>
    %tanh3A_58 = math.tanh %convert_element_type3A_57 : vector<4000x256xbf16>
    %mul3A_59 = arith.mulf %convert_element_type3A_57, %tanh3A_58 : vector<4000x256xbf16>
    %add3A_60 = arith.addf %convert_element_type3A_57, %mul3A_59 : vector<4000x256xbf16>
    %get3A_61 = arith.constant 1 : index
    %get3A_62 = arith.constant 1 : index
    %get3A_63 = arith.constant 0 : index
    %get3A_64 = arith.constant 0 : index
    %get3A_65 = vector.load %arg5[%get3A_61, %get3A_62, %get3A_63, %get3A_64] : memref<3x2x256x256xbf16, #tpu.memory_space<vmem>>, vector<1x1x256x256xbf16>
    %get3A_66 = vector.shape_cast %get3A_65 : vector<1x1x256x256xbf16> to vector<256x256xbf16>
    %dot_general3A_67 = arith.constant dense<0.000000e+00> : vector<4000x256xf32>
    %dot_general3A_68 = tpu.matmul %add3A_60, %get3A_66, %dot_general3A_67 {dimension_numbers = #tpu.dot_dimension_numbers<[1], [0], [0], [1], [0, 0, 1, 1], [], []>, transpose_lhs_hint = false} : vector<4000x256xbf16>, vector<256x256xbf16>, vector<4000x256xf32> -> vector<4000x256xf32>
    %convert_element_type3A_69 = arith.truncf %dot_general3A_68 : vector<4000x256xf32> to vector<4000x256xbf16>
    %tanh3A_70 = math.tanh %convert_element_type3A_69 : vector<4000x256xbf16>
    %mul3A_71 = arith.mulf %convert_element_type3A_69, %tanh3A_70 : vector<4000x256xbf16>
    %add3A_72 = arith.addf %convert_element_type3A_69, %mul3A_71 : vector<4000x256xbf16>
    %convert_element_type3A_73 = arith.extf %add3A_72 : vector<4000x256xbf16> to vector<4000x256xf32>
    %add3A_74 = arith.addf %mul3A_47, %convert_element_type3A_73 : vector<4000x256xf32>
    %mul3A_75 = arith.constant 0.707106769 : f32
    %mul3A_76 = vector.broadcast %mul3A_75 : f32 to vector<4000x256xf32>
    %mul3A_77 = arith.mulf %add3A_74, %mul3A_76 : vector<4000x256xf32>
    %convert_element_type3A_78 = arith.truncf %mul3A_77 : vector<4000x256xf32> to vector<4000x256xbf16>
    %get3A_79 = arith.constant 2 : index
    %get3A_80 = arith.constant 0 : index
    %get3A_81 = arith.constant 0 : index
    %get3A_82 = arith.constant 0 : index
    %get3A_83 = vector.load %arg5[%get3A_79, %get3A_80, %get3A_81, %get3A_82] : memref<3x2x256x256xbf16, #tpu.memory_space<vmem>>, vector<1x1x256x256xbf16>
    %get3A_84 = vector.shape_cast %get3A_83 : vector<1x1x256x256xbf16> to vector<256x256xbf16>
    %dot_general3A_85 = arith.constant dense<0.000000e+00> : vector<4000x256xf32>
    %dot_general3A_86 = tpu.matmul %convert_element_type3A_78, %get3A_84, %dot_general3A_85 {dimension_numbers = #tpu.dot_dimension_numbers<[1], [0], [0], [1], [0, 0, 1, 1], [], []>, transpose_lhs_hint = false} : vector<4000x256xbf16>, vector<256x256xbf16>, vector<4000x256xf32> -> vector<4000x256xf32>
    %convert_element_type3A_87 = arith.truncf %dot_general3A_86 : vector<4000x256xf32> to vector<4000x256xbf16>
    %tanh3A_88 = math.tanh %convert_element_type3A_87 : vector<4000x256xbf16>
    %mul3A_89 = arith.mulf %convert_element_type3A_87, %tanh3A_88 : vector<4000x256xbf16>
    %add3A_90 = arith.addf %convert_element_type3A_87, %mul3A_89 : vector<4000x256xbf16>
    %get3A_91 = arith.constant 2 : index
    %get3A_92 = arith.constant 1 : index
    %get3A_93 = arith.constant 0 : index
    %get3A_94 = arith.constant 0 : index
    %get3A_95 = vector.load %arg5[%get3A_91, %get3A_92, %get3A_93, %get3A_94] : memref<3x2x256x256xbf16, #tpu.memory_space<vmem>>, vector<1x1x256x256xbf16>
    %get3A_96 = vector.shape_cast %get3A_95 : vector<1x1x256x256xbf16> to vector<256x256xbf16>
    %dot_general3A_97 = arith.constant dense<0.000000e+00> : vector<4000x256xf32>
    %dot_general3A_98 = tpu.matmul %add3A_90, %get3A_96, %dot_general3A_97 {dimension_numbers = #tpu.dot_dimension_numbers<[1], [0], [0], [1], [0, 0, 1, 1], [], []>, transpose_lhs_hint = false} : vector<4000x256xbf16>, vector<256x256xbf16>, vector<4000x256xf32> -> vector<4000x256xf32>
    %convert_element_type3A_99 = arith.truncf %dot_general3A_98 : vector<4000x256xf32> to vector<4000x256xbf16>
    %tanh3A_100 = math.tanh %convert_element_type3A_99 : vector<4000x256xbf16>
    %mul3A_101 = arith.mulf %convert_element_type3A_99, %tanh3A_100 : vector<4000x256xbf16>
    %add3A_102 = arith.addf %convert_element_type3A_99, %mul3A_101 : vector<4000x256xbf16>
    %convert_element_type3A_103 = arith.extf %add3A_102 : vector<4000x256xbf16> to vector<4000x256xf32>
    %add3A_104 = arith.addf %mul3A_77, %convert_element_type3A_103 : vector<4000x256xf32>
    %mul3A_105 = arith.constant 0.707106769 : f32
    %mul3A_106 = vector.broadcast %mul3A_105 : f32 to vector<4000x256xf32>
    %mul3A_107 = arith.mulf %add3A_104, %mul3A_106 : vector<4000x256xf32>
    %convert_element_type3A_108 = arith.truncf %mul3A_107 : vector<4000x256xf32> to vector<4000x256xbf16>
    %get3A_109 = arith.constant 0 : index
    %get3A_110 = arith.constant 0 : index
    %get3A_111 = vector.load %arg6[%get3A_109, %get3A_110] : memref<256x1xbf16, #tpu.memory_space<vmem>>, vector<256x1xbf16>
    %dot_general3A_112 = arith.constant dense<0.000000e+00> : vector<4000x1xf32>
    %dot_general3A_113 = tpu.matmul %convert_element_type3A_108, %get3A_111, %dot_general3A_112 {dimension_numbers = #tpu.dot_dimension_numbers<[1], [0], [0], [1], [0, 0, 1, 1], [], []>, transpose_lhs_hint = false} : vector<4000x256xbf16>, vector<256x1xbf16>, vector<4000x1xf32> -> vector<4000x1xf32>
    %swap3A_114 = arith.constant 0 : index
    %swap3A_115 = arith.constant 0 : index
    %swap3A_116 = vector.load %arg8[%swap3A_114, %swap3A_115] : memref<4000x1xf32, #tpu.memory_space<vmem>>, vector<4000x1xf32>
    tpu.vector_store %arg8[%swap3A_114, %swap3A_115], %dot_general3A_113 {strides = array<i32>} : memref<4000x1xf32, #tpu.memory_space<vmem>>, vector<4000x1xf32>,
    return
  }
  func.func @transform_0(%arg0: i32) -> (i32, i32) {
    %add3A = arith.constant 0 : i32
    %add3A_0 = arith.addi %arg0, %add3A : i32
    %c0_i32 = arith.constant 0 : i32
    %c0_i32_1 = arith.constant 0 : i32
    return %add3A_0, %c0_i32 : i32, i32
  }
  func.func @transform_1(%arg0: i32) -> (i32, i32) {
    %add3A = arith.constant 0 : i32
    %add3A_0 = arith.addi %arg0, %add3A : i32
    %c0_i32 = arith.constant 0 : i32
    %c0_i32_1 = arith.constant 0 : i32
    return %add3A_0, %c0_i32 : i32, i32
  }
  func.func @transform_2(%arg0: i32) -> (i32, i32) {
    %c0_i32 = arith.constant 0 : i32
    %c0_i32_0 = arith.constant 0 : i32
    %c0_i32_1 = arith.constant 0 : i32
    return %c0_i32, %c0_i32_0 : i32, i32
  }
  func.func @transform_3(%arg0: i32) -> (i32, i32) {
    %c0_i32 = arith.constant 0 : i32
    %c0_i32_0 = arith.constant 0 : i32
    %c0_i32_1 = arith.constant 0 : i32
    return %c0_i32, %c0_i32_0 : i32, i32
  }
  func.func @transform_4(%arg0: i32) -> (i32, i32, i32, i32) {
    %c0_i32 = arith.constant 0 : i32
    %c0_i32_0 = arith.constant 0 : i32
    %c0_i32_1 = arith.constant 0 : i32
    %c0_i32_2 = arith.constant 0 : i32
    %c0_i32_3 = arith.constant 0 : i32
    return %c0_i32, %c0_i32_0, %c0_i32_1, %c0_i32_2 : i32, i32, i32, i32
  }
  func.func @transform_5(%arg0: i32) -> (i32, i32) {
    %c0_i32 = arith.constant 0 : i32
    %c0_i32_0 = arith.constant 0 : i32
    %c0_i32_1 = arith.constant 0 : i32
    return %c0_i32, %c0_i32_0 : i32, i32
  }
  func.func @transform_6(%arg0: i32) -> (i32, i32) {
    %c0_i32 = arith.constant 0 : i32
    %c0_i32_0 = arith.constant 0 : i32
    return %arg0, %c0_i32 : i32, i32
  }
  func.func @transform_7(%arg0: i32) -> (i32, i32) {
    %c0_i32 = arith.constant 0 : i32
    %c0_i32_0 = arith.constant 0 : i32
    return %arg0, %c0_i32 : i32, i32
  }
}

module attributes {stable_mosaic.version = 14 : i64} {
  func.func @_fused_body(%arg0: i32, %arg1: memref<4000x256xf32, #tpu.memory_space<vmem>>, %arg2: memref<4000x16xbf16, #tpu.memory_space<vmem>>, %arg3: memref<16x256xbf16, #tpu.memory_space<vmem>>, %arg4: memref<256x256xbf16, #tpu.memory_space<vmem>>, %arg5: memref<3x2x256x256xbf16, #tpu.memory_space<vmem>>, %arg6: memref<256x1xbf16, #tpu.memory_space<vmem>>, %arg7: memref<4000x256xf32, #tpu.memory_space<vmem>>, %arg8: memref<4000x1xf32, #tpu.memory_space<vmem>>) attributes {dimension_semantics = [#tpu.dimension_semantics<arbitrary>], iteration_bounds = array<i64: 20>, scalar_prefetch = 0 : i64, scratch_operands = 0 : i64, tpu.core_type = #tpu.core_type<tc>, window_params = [{transform_indices = @transform_0, window_bounds = array<i64: 4000, 256>}, {transform_indices = @transform_1, window_bounds = array<i64: 4000, 16>}, {pipeline_mode = #tpu.pipeline_mode<synchronous>, transform_indices = @transform_2, window_bounds = array<i64: 16, 256>}, {pipeline_mode = #tpu.pipeline_mode<synchronous>, transform_indices = @transform_3, window_bounds = array<i64: 256, 256>}, {pipeline_mode = #tpu.pipeline_mode<synchronous>, transform_indices = @transform_4, window_bounds = array<i64: 3, 2, 256, 256>}, {pipeline_mode = #tpu.pipeline_mode<synchronous>, transform_indices = @transform_5, window_bounds = array<i64: 256, 1>}, {transform_indices = @transform_6, window_bounds = array<i64: 4000, 256>}, {transform_indices = @transform_7, window_bounds = array<i64: 4000, 1>}]} {
    %get3A = arith.constant 0 : index
    %get3A_0 = arith.constant 0 : index
    %get3A_1 = vector.load %arg2[%get3A, %get3A_0] : memref<4000x16xbf16, #tpu.memory_space<vmem>>, vector<4000x16xbf16>
    %get3A_2 = arith.constant 0 : index
    %get3A_3 = arith.constant 0 : index
    %get3A_4 = vector.load %arg3[%get3A_2, %get3A_3] : memref<16x256xbf16, #tpu.memory_space<vmem>>, vector<16x256xbf16>
    %dot_general3A = arith.constant dense<0.000000e+00> : vector<4000x256xf32>
    %dot_general3A_5 = tpu.matmul %get3A_1, %get3A_4, %dot_general3A {dimension_numbers = #tpu.dot_dimension_numbers<[1], [0], [0], [1], [0, 0, 1, 1], [], []>, transpose_lhs_hint = false} : vector<4000x16xbf16>, vector<16x256xbf16>, vector<4000x256xf32> -> vector<4000x256xf32>
    %get3A_6 = arith.constant 0 : index
    %get3A_7 = arith.constant 0 : index
    %get3A_8 = vector.load %arg1[%get3A_6, %get3A_7] : memref<4000x256xf32, #tpu.memory_space<vmem>>, vector<4000x256xf32>
    %mul3A = arith.mulf %get3A_8, %dot_general3A_5 : vector<4000x256xf32>
    %swap3A = arith.constant 0 : index
    %swap3A_9 = arith.constant 0 : index
    %swap3A_10 = vector.load %arg7[%swap3A, %swap3A_9] : memref<4000x256xf32, #tpu.memory_space<vmem>>, vector<4000x256xf32>
    tpu.vector_store %arg7[%swap3A, %swap3A_9], %mul3A {strides = array<i32>} : memref<4000x256xf32, #tpu.memory_space<vmem>>, vector<4000x256xf32>,
    %convert_element_type3A = arith.truncf %mul3A : vector<4000x256xf32> to vector<4000x256xbf16>
    %get3A_11 = arith.constant 0 : index
    %get3A_12 = arith.constant 0 : index
    %get3A_13 = vector.load %arg4[%get3A_11, %get3A_12] : memref<256x256xbf16, #tpu.memory_space<vmem>>, vector<256x256xbf16>
    %dot_general3A_14 = arith.constant dense<0.000000e+00> : vector<4000x256xf32>
    %dot_general3A_15 = tpu.matmul %convert_element_type3A, %get3A_13, %dot_general3A_14 {dimension_numbers = #tpu.dot_dimension_numbers<[1], [0], [0], [1], [0, 0, 1, 1], [], []>, transpose_lhs_hint = false} : vector<4000x256xbf16>, vector<256x256xbf16>, vector<4000x256xf32> -> vector<4000x256xf32>
    %convert_element_type3A_16 = arith.truncf %dot_general3A_15 : vector<4000x256xf32> to vector<4000x256xbf16>
    %tanh3A = math.tanh %convert_element_type3A_16 : vector<4000x256xbf16>
    %mul3A_17 = arith.mulf %convert_element_type3A_16, %tanh3A : vector<4000x256xbf16>
    %add3A = arith.addf %convert_element_type3A_16, %mul3A_17 : vector<4000x256xbf16>
    %convert_element_type3A_18 = arith.extf %add3A : vector<4000x256xbf16> to vector<4000x256xf32>
    %get3A_19 = arith.constant 0 : index
    %get3A_20 = arith.constant 0 : index
    %get3A_21 = arith.constant 0 : index
    %get3A_22 = arith.constant 0 : index
    %get3A_23 = vector.load %arg5[%get3A_19, %get3A_20, %get3A_21, %get3A_22] : memref<3x2x256x256xbf16, #tpu.memory_space<vmem>>, vector<1x1x256x256xbf16>
    %get3A_24 = vector.shape_cast %get3A_23 : vector<1x1x256x256xbf16> to vector<256x256xbf16>
    %dot_general3A_25 = arith.constant dense<0.000000e+00> : vector<4000x256xf32>
    %dot_general3A_26 = tpu.matmul %add3A, %get3A_24, %dot_general3A_25 {dimension_numbers = #tpu.dot_dimension_numbers<[1], [0], [0], [1], [0, 0, 1, 1], [], []>, transpose_lhs_hint = false} : vector<4000x256xbf16>, vector<256x256xbf16>, vector<4000x256xf32> -> vector<4000x256xf32>
    %convert_element_type3A_27 = arith.truncf %dot_general3A_26 : vector<4000x256xf32> to vector<4000x256xbf16>
    %tanh3A_28 = math.tanh %convert_element_type3A_27 : vector<4000x256xbf16>
    %mul3A_29 = arith.mulf %convert_element_type3A_27, %tanh3A_28 : vector<4000x256xbf16>
    %add3A_30 = arith.addf %convert_element_type3A_27, %mul3A_29 : vector<4000x256xbf16>
    %get3A_31 = arith.constant 0 : index
    %get3A_32 = arith.constant 1 : index
    %get3A_33 = arith.constant 0 : index
    %get3A_34 = arith.constant 0 : index
    %get3A_35 = vector.load %arg5[%get3A_31, %get3A_32, %get3A_33, %get3A_34] : memref<3x2x256x256xbf16, #tpu.memory_space<vmem>>, vector<1x1x256x256xbf16>
    %get3A_36 = vector.shape_cast %get3A_35 : vector<1x1x256x256xbf16> to vector<256x256xbf16>
    %dot_general3A_37 = arith.constant dense<0.000000e+00> : vector<4000x256xf32>
    %dot_general3A_38 = tpu.matmul %add3A_30, %get3A_36, %dot_general3A_37 {dimension_numbers = #tpu.dot_dimension_numbers<[1], [0], [0], [1], [0, 0, 1, 1], [], []>, transpose_lhs_hint = false} : vector<4000x256xbf16>, vector<256x256xbf16>, vector<4000x256xf32> -> vector<4000x256xf32>
    %convert_element_type3A_39 = arith.truncf %dot_general3A_38 : vector<4000x256xf32> to vector<4000x256xbf16>
    %tanh3A_40 = math.tanh %convert_element_type3A_39 : vector<4000x256xbf16>
    %mul3A_41 = arith.mulf %convert_element_type3A_39, %tanh3A_40 : vector<4000x256xbf16>
    %add3A_42 = arith.addf %convert_element_type3A_39, %mul3A_41 : vector<4000x256xbf16>
    %convert_element_type3A_43 = arith.extf %add3A_42 : vector<4000x256xbf16> to vector<4000x256xf32>
    %add3A_44 = arith.addf %convert_element_type3A_18, %convert_element_type3A_43 : vector<4000x256xf32>
    %mul3A_45 = arith.constant 0.707106769 : f32
    %mul3A_46 = vector.broadcast %mul3A_45 : f32 to vector<4000x256xf32>
    %mul3A_47 = arith.mulf %add3A_44, %mul3A_46 : vector<4000x256xf32>
    %convert_element_type3A_48 = arith.truncf %mul3A_47 : vector<4000x256xf32> to vector<4000x256xbf16>
    %get3A_49 = arith.constant 1 : index
    %get3A_50 = arith.constant 0 : index
    %get3A_51 = arith.constant 0 : index
    %get3A_52 = arith.constant 0 : index
    %get3A_53 = vector.load %arg5[%get3A_49, %get3A_50, %get3A_51, %get3A_52] : memref<3x2x256x256xbf16, #tpu.memory_space<vmem>>, vector<1x1x256x256xbf16>
    %get3A_54 = vector.shape_cast %get3A_53 : vector<1x1x256x256xbf16> to vector<256x256xbf16>
    %dot_general3A_55 = arith.constant dense<0.000000e+00> : vector<4000x256xf32>
    %dot_general3A_56 = tpu.matmul %convert_element_type3A_48, %get3A_54, %dot_general3A_55 {dimension_numbers = #tpu.dot_dimension_numbers<[1], [0], [0], [1], [0, 0, 1, 1], [], []>, transpose_lhs_hint = false} : vector<4000x256xbf16>, vector<256x256xbf16>, vector<4000x256xf32> -> vector<4000x256xf32>
    %convert_element_type3A_57 = arith.truncf %dot_general3A_56 : vector<4000x256xf32> to vector<4000x256xbf16>
    %tanh3A_58 = math.tanh %convert_element_type3A_57 : vector<4000x256xbf16>
    %mul3A_59 = arith.mulf %convert_element_type3A_57, %tanh3A_58 : vector<4000x256xbf16>
    %add3A_60 = arith.addf %convert_element_type3A_57, %mul3A_59 : vector<4000x256xbf16>
    %get3A_61 = arith.constant 1 : index
    %get3A_62 = arith.constant 1 : index
    %get3A_63 = arith.constant 0 : index
    %get3A_64 = arith.constant 0 : index
    %get3A_65 = vector.load %arg5[%get3A_61, %get3A_62, %get3A_63, %get3A_64] : memref<3x2x256x256xbf16, #tpu.memory_space<vmem>>, vector<1x1x256x256xbf16>
    %get3A_66 = vector.shape_cast %get3A_65 : vector<1x1x256x256xbf16> to vector<256x256xbf16>
    %dot_general3A_67 = arith.constant dense<0.000000e+00> : vector<4000x256xf32>
    %dot_general3A_68 = tpu.matmul %add3A_60, %get3A_66, %dot_general3A_67 {dimension_numbers = #tpu.dot_dimension_numbers<[1], [0], [0], [1], [0, 0, 1, 1], [], []>, transpose_lhs_hint = false} : vector<4000x256xbf16>, vector<256x256xbf16>, vector<4000x256xf32> -> vector<4000x256xf32>
    %convert_element_type3A_69 = arith.truncf %dot_general3A_68 : vector<4000x256xf32> to vector<4000x256xbf16>
    %tanh3A_70 = math.tanh %convert_element_type3A_69 : vector<4000x256xbf16>
    %mul3A_71 = arith.mulf %convert_element_type3A_69, %tanh3A_70 : vector<4000x256xbf16>
    %add3A_72 = arith.addf %convert_element_type3A_69, %mul3A_71 : vector<4000x256xbf16>
    %convert_element_type3A_73 = arith.extf %add3A_72 : vector<4000x256xbf16> to vector<4000x256xf32>
    %add3A_74 = arith.addf %mul3A_47, %convert_element_type3A_73 : vector<4000x256xf32>
    %mul3A_75 = arith.constant 0.707106769 : f32
    %mul3A_76 = vector.broadcast %mul3A_75 : f32 to vector<4000x256xf32>
    %mul3A_77 = arith.mulf %add3A_74, %mul3A_76 : vector<4000x256xf32>
    %convert_element_type3A_78 = arith.truncf %mul3A_77 : vector<4000x256xf32> to vector<4000x256xbf16>
    %get3A_79 = arith.constant 2 : index
    %get3A_80 = arith.constant 0 : index
    %get3A_81 = arith.constant 0 : index
    %get3A_82 = arith.constant 0 : index
    %get3A_83 = vector.load %arg5[%get3A_79, %get3A_80, %get3A_81, %get3A_82] : memref<3x2x256x256xbf16, #tpu.memory_space<vmem>>, vector<1x1x256x256xbf16>
    %get3A_84 = vector.shape_cast %get3A_83 : vector<1x1x256x256xbf16> to vector<256x256xbf16>
    %dot_general3A_85 = arith.constant dense<0.000000e+00> : vector<4000x256xf32>
    %dot_general3A_86 = tpu.matmul %convert_element_type3A_78, %get3A_84, %dot_general3A_85 {dimension_numbers = #tpu.dot_dimension_numbers<[1], [0], [0], [1], [0, 0, 1, 1], [], []>, transpose_lhs_hint = false} : vector<4000x256xbf16>, vector<256x256xbf16>, vector<4000x256xf32> -> vector<4000x256xf32>
    %convert_element_type3A_87 = arith.truncf %dot_general3A_86 : vector<4000x256xf32> to vector<4000x256xbf16>
    %tanh3A_88 = math.tanh %convert_element_type3A_87 : vector<4000x256xbf16>
    %mul3A_89 = arith.mulf %convert_element_type3A_87, %tanh3A_88 : vector<4000x256xbf16>
    %add3A_90 = arith.addf %convert_element_type3A_87, %mul3A_89 : vector<4000x256xbf16>
    %get3A_91 = arith.constant 2 : index
    %get3A_92 = arith.constant 1 : index
    %get3A_93 = arith.constant 0 : index
    %get3A_94 = arith.constant 0 : index
    %get3A_95 = vector.load %arg5[%get3A_91, %get3A_92, %get3A_93, %get3A_94] : memref<3x2x256x256xbf16, #tpu.memory_space<vmem>>, vector<1x1x256x256xbf16>
    %get3A_96 = vector.shape_cast %get3A_95 : vector<1x1x256x256xbf16> to vector<256x256xbf16>
    %dot_general3A_97 = arith.constant dense<0.000000e+00> : vector<4000x256xf32>
    %dot_general3A_98 = tpu.matmul %add3A_90, %get3A_96, %dot_general3A_97 {dimension_numbers = #tpu.dot_dimension_numbers<[1], [0], [0], [1], [0, 0, 1, 1], [], []>, transpose_lhs_hint = false} : vector<4000x256xbf16>, vector<256x256xbf16>, vector<4000x256xf32> -> vector<4000x256xf32>
    %convert_element_type3A_99 = arith.truncf %dot_general3A_98 : vector<4000x256xf32> to vector<4000x256xbf16>
    %tanh3A_100 = math.tanh %convert_element_type3A_99 : vector<4000x256xbf16>
    %mul3A_101 = arith.mulf %convert_element_type3A_99, %tanh3A_100 : vector<4000x256xbf16>
    %add3A_102 = arith.addf %convert_element_type3A_99, %mul3A_101 : vector<4000x256xbf16>
    %convert_element_type3A_103 = arith.extf %add3A_102 : vector<4000x256xbf16> to vector<4000x256xf32>
    %add3A_104 = arith.addf %mul3A_77, %convert_element_type3A_103 : vector<4000x256xf32>
    %mul3A_105 = arith.constant 0.707106769 : f32
    %mul3A_106 = vector.broadcast %mul3A_105 : f32 to vector<4000x256xf32>
    %mul3A_107 = arith.mulf %add3A_104, %mul3A_106 : vector<4000x256xf32>
    %convert_element_type3A_108 = arith.truncf %mul3A_107 : vector<4000x256xf32> to vector<4000x256xbf16>
    %get3A_109 = arith.constant 0 : index
    %get3A_110 = arith.constant 0 : index
    %get3A_111 = vector.load %arg6[%get3A_109, %get3A_110] : memref<256x1xbf16, #tpu.memory_space<vmem>>, vector<256x1xbf16>
    %dot_general3A_112 = arith.constant dense<0.000000e+00> : vector<4000x1xf32>
    %dot_general3A_113 = tpu.matmul %convert_element_type3A_108, %get3A_111, %dot_general3A_112 {dimension_numbers = #tpu.dot_dimension_numbers<[1], [0], [0], [1], [0, 0, 1, 1], [], []>, transpose_lhs_hint = false} : vector<4000x256xbf16>, vector<256x1xbf16>, vector<4000x1xf32> -> vector<4000x1xf32>
    %swap3A_114 = arith.constant 0 : index
    %swap3A_115 = arith.constant 0 : index
    %swap3A_116 = vector.load %arg8[%swap3A_114, %swap3A_115] : memref<4000x1xf32, #tpu.memory_space<vmem>>, vector<4000x1xf32>
    tpu.vector_store %arg8[%swap3A_114, %swap3A_115], %dot_general3A_113 {strides = array<i32>} : memref<4000x1xf32, #tpu.memory_space<vmem>>, vector<4000x1xf32>,
    return
  }
  func.func @transform_0(%arg0: i32) -> (i32, i32) {
    %add3A = arith.constant 20 : i32
    %add3A_0 = arith.addi %arg0, %add3A : i32
    %c0_i32 = arith.constant 0 : i32
    %c0_i32_1 = arith.constant 0 : i32
    return %add3A_0, %c0_i32 : i32, i32
  }
  func.func @transform_1(%arg0: i32) -> (i32, i32) {
    %add3A = arith.constant 20 : i32
    %add3A_0 = arith.addi %arg0, %add3A : i32
    %c0_i32 = arith.constant 0 : i32
    %c0_i32_1 = arith.constant 0 : i32
    return %add3A_0, %c0_i32 : i32, i32
  }
  func.func @transform_2(%arg0: i32) -> (i32, i32) {
    %c0_i32 = arith.constant 0 : i32
    %c0_i32_0 = arith.constant 0 : i32
    %c0_i32_1 = arith.constant 0 : i32
    return %c0_i32, %c0_i32_0 : i32, i32
  }
  func.func @transform_3(%arg0: i32) -> (i32, i32) {
    %c0_i32 = arith.constant 0 : i32
    %c0_i32_0 = arith.constant 0 : i32
    %c0_i32_1 = arith.constant 0 : i32
    return %c0_i32, %c0_i32_0 : i32, i32
  }
  func.func @transform_4(%arg0: i32) -> (i32, i32, i32, i32) {
    %c0_i32 = arith.constant 0 : i32
    %c0_i32_0 = arith.constant 0 : i32
    %c0_i32_1 = arith.constant 0 : i32
    %c0_i32_2 = arith.constant 0 : i32
    %c0_i32_3 = arith.constant 0 : i32
    return %c0_i32, %c0_i32_0, %c0_i32_1, %c0_i32_2 : i32, i32, i32, i32
  }
  func.func @transform_5(%arg0: i32) -> (i32, i32) {
    %c0_i32 = arith.constant 0 : i32
    %c0_i32_0 = arith.constant 0 : i32
    %c0_i32_1 = arith.constant 0 : i32
    return %c0_i32, %c0_i32_0 : i32, i32
  }
  func.func @transform_6(%arg0: i32) -> (i32, i32) {
    %c0_i32 = arith.constant 0 : i32
    %c0_i32_0 = arith.constant 0 : i32
    return %arg0, %c0_i32 : i32, i32
  }
  func.func @transform_7(%arg0: i32) -> (i32, i32) {
    %c0_i32 = arith.constant 0 : i32
    %c0_i32_0 = arith.constant 0 : i32
    return %arg0, %c0_i32 : i32, i32
  }
}

module attributes {stable_mosaic.version = 14 : i64} {
  func.func @_energy_body(%arg0: i32, %arg1: memref<2000x256xf32, #tpu.memory_space<vmem>>, %arg2: memref<2000x256xf32, #tpu.memory_space<vmem>>, %arg3: memref<256x256xbf16, #tpu.memory_space<vmem>>, %arg4: memref<3x2x256x256xbf16, #tpu.memory_space<vmem>>, %arg5: memref<256x1xbf16, #tpu.memory_space<vmem>>, %arg6: memref<2000x1xf32, #tpu.memory_space<vmem>>) attributes {dimension_semantics = [#tpu.dimension_semantics<arbitrary>], iteration_bounds = array<i64: 5>, scalar_prefetch = 0 : i64, scratch_operands = 0 : i64, tpu.core_type = #tpu.core_type<tc>, window_params = [{transform_indices = @transform_0, window_bounds = array<i64: 2000, 256>}, {transform_indices = @transform_1, window_bounds = array<i64: 2000, 256>}, {pipeline_mode = #tpu.pipeline_mode<synchronous>, transform_indices = @transform_2, window_bounds = array<i64: 256, 256>}, {pipeline_mode = #tpu.pipeline_mode<synchronous>, transform_indices = @transform_3, window_bounds = array<i64: 3, 2, 256, 256>}, {pipeline_mode = #tpu.pipeline_mode<synchronous>, transform_indices = @transform_4, window_bounds = array<i64: 256, 1>}, {transform_indices = @transform_5, window_bounds = array<i64: 2000, 1>}]} {
    %get3A = arith.constant 0 : index
    %get3A_0 = arith.constant 0 : index
    %get3A_1 = vector.load %arg1[%get3A, %get3A_0] : memref<2000x256xf32, #tpu.memory_space<vmem>>, vector<2000x256xf32>
    %get3A_2 = arith.constant 0 : index
    %get3A_3 = arith.constant 0 : index
    %get3A_4 = vector.load %arg2[%get3A_2, %get3A_3] : memref<2000x256xf32, #tpu.memory_space<vmem>>, vector<2000x256xf32>
    %add3A = arith.addf %get3A_1, %get3A_4 : vector<2000x256xf32>
    %convert_element_type3A = arith.truncf %add3A : vector<2000x256xf32> to vector<2000x256xbf16>
    %get3A_5 = arith.constant 0 : index
    %get3A_6 = arith.constant 0 : index
    %get3A_7 = vector.load %arg3[%get3A_5, %get3A_6] : memref<256x256xbf16, #tpu.memory_space<vmem>>, vector<256x256xbf16>
    %dot_general3A = arith.constant dense<0.000000e+00> : vector<2000x256xf32>
    %dot_general3A_8 = tpu.matmul %convert_element_type3A, %get3A_7, %dot_general3A {dimension_numbers = #tpu.dot_dimension_numbers<[1], [0], [0], [1], [0, 0, 1, 1], [], []>, transpose_lhs_hint = false} : vector<2000x256xbf16>, vector<256x256xbf16>, vector<2000x256xf32> -> vector<2000x256xf32>
    %convert_element_type3A_9 = arith.truncf %dot_general3A_8 : vector<2000x256xf32> to vector<2000x256xbf16>
    %tanh3A = math.tanh %convert_element_type3A_9 : vector<2000x256xbf16>
    %mul3A = arith.mulf %convert_element_type3A_9, %tanh3A : vector<2000x256xbf16>
    %add3A_10 = arith.addf %convert_element_type3A_9, %mul3A : vector<2000x256xbf16>
    %convert_element_type3A_11 = arith.extf %add3A_10 : vector<2000x256xbf16> to vector<2000x256xf32>
    %get3A_12 = arith.constant 0 : index
    %get3A_13 = arith.constant 0 : index
    %get3A_14 = arith.constant 0 : index
    %get3A_15 = arith.constant 0 : index
    %get3A_16 = vector.load %arg4[%get3A_12, %get3A_13, %get3A_14, %get3A_15] : memref<3x2x256x256xbf16, #tpu.memory_space<vmem>>, vector<1x1x256x256xbf16>
    %get3A_17 = vector.shape_cast %get3A_16 : vector<1x1x256x256xbf16> to vector<256x256xbf16>
    %dot_general3A_18 = arith.constant dense<0.000000e+00> : vector<2000x256xf32>
    %dot_general3A_19 = tpu.matmul %add3A_10, %get3A_17, %dot_general3A_18 {dimension_numbers = #tpu.dot_dimension_numbers<[1], [0], [0], [1], [0, 0, 1, 1], [], []>, transpose_lhs_hint = false} : vector<2000x256xbf16>, vector<256x256xbf16>, vector<2000x256xf32> -> vector<2000x256xf32>
    %convert_element_type3A_20 = arith.truncf %dot_general3A_19 : vector<2000x256xf32> to vector<2000x256xbf16>
    %tanh3A_21 = math.tanh %convert_element_type3A_20 : vector<2000x256xbf16>
    %mul3A_22 = arith.mulf %convert_element_type3A_20, %tanh3A_21 : vector<2000x256xbf16>
    %add3A_23 = arith.addf %convert_element_type3A_20, %mul3A_22 : vector<2000x256xbf16>
    %get3A_24 = arith.constant 0 : index
    %get3A_25 = arith.constant 1 : index
    %get3A_26 = arith.constant 0 : index
    %get3A_27 = arith.constant 0 : index
    %get3A_28 = vector.load %arg4[%get3A_24, %get3A_25, %get3A_26, %get3A_27] : memref<3x2x256x256xbf16, #tpu.memory_space<vmem>>, vector<1x1x256x256xbf16>
    %get3A_29 = vector.shape_cast %get3A_28 : vector<1x1x256x256xbf16> to vector<256x256xbf16>
    %dot_general3A_30 = arith.constant dense<0.000000e+00> : vector<2000x256xf32>
    %dot_general3A_31 = tpu.matmul %add3A_23, %get3A_29, %dot_general3A_30 {dimension_numbers = #tpu.dot_dimension_numbers<[1], [0], [0], [1], [0, 0, 1, 1], [], []>, transpose_lhs_hint = false} : vector<2000x256xbf16>, vector<256x256xbf16>, vector<2000x256xf32> -> vector<2000x256xf32>
    %convert_element_type3A_32 = arith.truncf %dot_general3A_31 : vector<2000x256xf32> to vector<2000x256xbf16>
    %tanh3A_33 = math.tanh %convert_element_type3A_32 : vector<2000x256xbf16>
    %mul3A_34 = arith.mulf %convert_element_type3A_32, %tanh3A_33 : vector<2000x256xbf16>
    %add3A_35 = arith.addf %convert_element_type3A_32, %mul3A_34 : vector<2000x256xbf16>
    %convert_element_type3A_36 = arith.extf %add3A_35 : vector<2000x256xbf16> to vector<2000x256xf32>
    %add3A_37 = arith.addf %convert_element_type3A_11, %convert_element_type3A_36 : vector<2000x256xf32>
    %mul3A_38 = arith.constant 0.707106769 : f32
    %mul3A_39 = vector.broadcast %mul3A_38 : f32 to vector<2000x256xf32>
    %mul3A_40 = arith.mulf %add3A_37, %mul3A_39 : vector<2000x256xf32>
    %convert_element_type3A_41 = arith.truncf %mul3A_40 : vector<2000x256xf32> to vector<2000x256xbf16>
    %get3A_42 = arith.constant 1 : index
    %get3A_43 = arith.constant 0 : index
    %get3A_44 = arith.constant 0 : index
    %get3A_45 = arith.constant 0 : index
    %get3A_46 = vector.load %arg4[%get3A_42, %get3A_43, %get3A_44, %get3A_45] : memref<3x2x256x256xbf16, #tpu.memory_space<vmem>>, vector<1x1x256x256xbf16>
    %get3A_47 = vector.shape_cast %get3A_46 : vector<1x1x256x256xbf16> to vector<256x256xbf16>
    %dot_general3A_48 = arith.constant dense<0.000000e+00> : vector<2000x256xf32>
    %dot_general3A_49 = tpu.matmul %convert_element_type3A_41, %get3A_47, %dot_general3A_48 {dimension_numbers = #tpu.dot_dimension_numbers<[1], [0], [0], [1], [0, 0, 1, 1], [], []>, transpose_lhs_hint = false} : vector<2000x256xbf16>, vector<256x256xbf16>, vector<2000x256xf32> -> vector<2000x256xf32>
    %convert_element_type3A_50 = arith.truncf %dot_general3A_49 : vector<2000x256xf32> to vector<2000x256xbf16>
    %tanh3A_51 = math.tanh %convert_element_type3A_50 : vector<2000x256xbf16>
    %mul3A_52 = arith.mulf %convert_element_type3A_50, %tanh3A_51 : vector<2000x256xbf16>
    %add3A_53 = arith.addf %convert_element_type3A_50, %mul3A_52 : vector<2000x256xbf16>
    %get3A_54 = arith.constant 1 : index
    %get3A_55 = arith.constant 1 : index
    %get3A_56 = arith.constant 0 : index
    %get3A_57 = arith.constant 0 : index
    %get3A_58 = vector.load %arg4[%get3A_54, %get3A_55, %get3A_56, %get3A_57] : memref<3x2x256x256xbf16, #tpu.memory_space<vmem>>, vector<1x1x256x256xbf16>
    %get3A_59 = vector.shape_cast %get3A_58 : vector<1x1x256x256xbf16> to vector<256x256xbf16>
    %dot_general3A_60 = arith.constant dense<0.000000e+00> : vector<2000x256xf32>
    %dot_general3A_61 = tpu.matmul %add3A_53, %get3A_59, %dot_general3A_60 {dimension_numbers = #tpu.dot_dimension_numbers<[1], [0], [0], [1], [0, 0, 1, 1], [], []>, transpose_lhs_hint = false} : vector<2000x256xbf16>, vector<256x256xbf16>, vector<2000x256xf32> -> vector<2000x256xf32>
    %convert_element_type3A_62 = arith.truncf %dot_general3A_61 : vector<2000x256xf32> to vector<2000x256xbf16>
    %tanh3A_63 = math.tanh %convert_element_type3A_62 : vector<2000x256xbf16>
    %mul3A_64 = arith.mulf %convert_element_type3A_62, %tanh3A_63 : vector<2000x256xbf16>
    %add3A_65 = arith.addf %convert_element_type3A_62, %mul3A_64 : vector<2000x256xbf16>
    %convert_element_type3A_66 = arith.extf %add3A_65 : vector<2000x256xbf16> to vector<2000x256xf32>
    %add3A_67 = arith.addf %mul3A_40, %convert_element_type3A_66 : vector<2000x256xf32>
    %mul3A_68 = arith.constant 0.707106769 : f32
    %mul3A_69 = vector.broadcast %mul3A_68 : f32 to vector<2000x256xf32>
    %mul3A_70 = arith.mulf %add3A_67, %mul3A_69 : vector<2000x256xf32>
    %convert_element_type3A_71 = arith.truncf %mul3A_70 : vector<2000x256xf32> to vector<2000x256xbf16>
    %get3A_72 = arith.constant 2 : index
    %get3A_73 = arith.constant 0 : index
    %get3A_74 = arith.constant 0 : index
    %get3A_75 = arith.constant 0 : index
    %get3A_76 = vector.load %arg4[%get3A_72, %get3A_73, %get3A_74, %get3A_75] : memref<3x2x256x256xbf16, #tpu.memory_space<vmem>>, vector<1x1x256x256xbf16>
    %get3A_77 = vector.shape_cast %get3A_76 : vector<1x1x256x256xbf16> to vector<256x256xbf16>
    %dot_general3A_78 = arith.constant dense<0.000000e+00> : vector<2000x256xf32>
    %dot_general3A_79 = tpu.matmul %convert_element_type3A_71, %get3A_77, %dot_general3A_78 {dimension_numbers = #tpu.dot_dimension_numbers<[1], [0], [0], [1], [0, 0, 1, 1], [], []>, transpose_lhs_hint = false} : vector<2000x256xbf16>, vector<256x256xbf16>, vector<2000x256xf32> -> vector<2000x256xf32>
    %convert_element_type3A_80 = arith.truncf %dot_general3A_79 : vector<2000x256xf32> to vector<2000x256xbf16>
    %tanh3A_81 = math.tanh %convert_element_type3A_80 : vector<2000x256xbf16>
    %mul3A_82 = arith.mulf %convert_element_type3A_80, %tanh3A_81 : vector<2000x256xbf16>
    %add3A_83 = arith.addf %convert_element_type3A_80, %mul3A_82 : vector<2000x256xbf16>
    %get3A_84 = arith.constant 2 : index
    %get3A_85 = arith.constant 1 : index
    %get3A_86 = arith.constant 0 : index
    %get3A_87 = arith.constant 0 : index
    %get3A_88 = vector.load %arg4[%get3A_84, %get3A_85, %get3A_86, %get3A_87] : memref<3x2x256x256xbf16, #tpu.memory_space<vmem>>, vector<1x1x256x256xbf16>
    %get3A_89 = vector.shape_cast %get3A_88 : vector<1x1x256x256xbf16> to vector<256x256xbf16>
    %dot_general3A_90 = arith.constant dense<0.000000e+00> : vector<2000x256xf32>
    %dot_general3A_91 = tpu.matmul %add3A_83, %get3A_89, %dot_general3A_90 {dimension_numbers = #tpu.dot_dimension_numbers<[1], [0], [0], [1], [0, 0, 1, 1], [], []>, transpose_lhs_hint = false} : vector<2000x256xbf16>, vector<256x256xbf16>, vector<2000x256xf32> -> vector<2000x256xf32>
    %convert_element_type3A_92 = arith.truncf %dot_general3A_91 : vector<2000x256xf32> to vector<2000x256xbf16>
    %tanh3A_93 = math.tanh %convert_element_type3A_92 : vector<2000x256xbf16>
    %mul3A_94 = arith.mulf %convert_element_type3A_92, %tanh3A_93 : vector<2000x256xbf16>
    %add3A_95 = arith.addf %convert_element_type3A_92, %mul3A_94 : vector<2000x256xbf16>
    %convert_element_type3A_96 = arith.extf %add3A_95 : vector<2000x256xbf16> to vector<2000x256xf32>
    %add3A_97 = arith.addf %mul3A_70, %convert_element_type3A_96 : vector<2000x256xf32>
    %mul3A_98 = arith.constant 0.707106769 : f32
    %mul3A_99 = vector.broadcast %mul3A_98 : f32 to vector<2000x256xf32>
    %mul3A_100 = arith.mulf %add3A_97, %mul3A_99 : vector<2000x256xf32>
    %convert_element_type3A_101 = arith.truncf %mul3A_100 : vector<2000x256xf32> to vector<2000x256xbf16>
    %get3A_102 = arith.constant 0 : index
    %get3A_103 = arith.constant 0 : index
    %get3A_104 = vector.load %arg5[%get3A_102, %get3A_103] : memref<256x1xbf16, #tpu.memory_space<vmem>>, vector<256x1xbf16>
    %dot_general3A_105 = arith.constant dense<0.000000e+00> : vector<2000x1xf32>
    %dot_general3A_106 = tpu.matmul %convert_element_type3A_101, %get3A_104, %dot_general3A_105 {dimension_numbers = #tpu.dot_dimension_numbers<[1], [0], [0], [1], [0, 0, 1, 1], [], []>, transpose_lhs_hint = false} : vector<2000x256xbf16>, vector<256x1xbf16>, vector<2000x1xf32> -> vector<2000x1xf32>
    %swap3A = arith.constant 0 : index
    %swap3A_107 = arith.constant 0 : index
    %swap3A_108 = vector.load %arg6[%swap3A, %swap3A_107] : memref<2000x1xf32, #tpu.memory_space<vmem>>, vector<2000x1xf32>
    tpu.vector_store %arg6[%swap3A, %swap3A_107], %dot_general3A_106 {strides = array<i32>} : memref<2000x1xf32, #tpu.memory_space<vmem>>, vector<2000x1xf32>,
    return
  }
  func.func @transform_0(%arg0: i32) -> (i32, i32) {
    %c0_i32 = arith.constant 0 : i32
    %c0_i32_0 = arith.constant 0 : i32
    return %arg0, %c0_i32 : i32, i32
  }
  func.func @transform_1(%arg0: i32) -> (i32, i32) {
    %c0_i32 = arith.constant 0 : i32
    %c0_i32_0 = arith.constant 0 : i32
    return %arg0, %c0_i32 : i32, i32
  }
  func.func @transform_2(%arg0: i32) -> (i32, i32) {
    %c0_i32 = arith.constant 0 : i32
    %c0_i32_0 = arith.constant 0 : i32
    %c0_i32_1 = arith.constant 0 : i32
    return %c0_i32, %c0_i32_0 : i32, i32
  }
  func.func @transform_3(%arg0: i32) -> (i32, i32, i32, i32) {
    %c0_i32 = arith.constant 0 : i32
    %c0_i32_0 = arith.constant 0 : i32
    %c0_i32_1 = arith.constant 0 : i32
    %c0_i32_2 = arith.constant 0 : i32
    %c0_i32_3 = arith.constant 0 : i32
    return %c0_i32, %c0_i32_0, %c0_i32_1, %c0_i32_2 : i32, i32, i32, i32
  }
  func.func @transform_4(%arg0: i32) -> (i32, i32) {
    %c0_i32 = arith.constant 0 : i32
    %c0_i32_0 = arith.constant 0 : i32
    %c0_i32_1 = arith.constant 0 : i32
    return %c0_i32, %c0_i32_0 : i32, i32
  }
  func.func @transform_5(%arg0: i32) -> (i32, i32) {
    %c0_i32 = arith.constant 0 : i32
    %c0_i32_0 = arith.constant 0 : i32
    return %arg0, %c0_i32 : i32, i32
  }
}

</mosaic_0001>

<sc_bundles>
// kernel: kernel.10.cloned.1.call-start
scs
__scs_entry_jumppad:
0x0: {  	(pc) =	sbr.rel $0x88, $3  }
0x1: {  	(tag) =	ssettag $0x0;
	lr =	simm.s32 $0x1  }
0x2: {  	[smem:$0x3F95] =	sst lr;
	_ =	strace $0xD0000000  }
0x3: {  	_ = 	snop  }
0x4: {  	_ = 	snop  }
0x5: {  	_ = 	snop  }
0x6: {  	_ = 	snop  }
0x7: {  	_ = 	snop  }
__scs_overlays_trampoline_lowered:
0x8: {  	[smem:$0x3FA4] =	sst s0  }
0x9: {  	[smem:$0x3FA5] =	sst s1  }
0xa: {  	[smem:$0x3FA6] =	sst s2  }
0xb: {  	[smem:$0x3FA7] =	sst s3  }
0xc: {  	[smem:$0x3FA8] =	sst s4  }
0xd: {  	[smem:$0x3FA9] =	sst s5  }
0xe: {  	[smem:$0x3FAA] =	sst s6  }
0xf: {  	[smem:$0x3FAB] =	sst s7  }
0x10: {  	[smem:$0x3FAC] =	sst s8  }
0x11: {  	[smem:$0x3FAD] =	sst s9;
	s0 =	simm.s32 @!p0 $0x0  }
0x12: {  	s1 =	sld [smem:$0x3F93];
	s0 =	simm.s32 @p0 $0x1  }
0x13: {  	[smem:$0x3FAE] =	sst s0;
	s0 =	simm.s32 @!p1 $0x0  }
0x14: {  	s2 =	sld [smem:$0x3F92];
	s0 =	simm.s32 @p1 $0x1  }
0x15: {  	[smem:$0x3FAF] =	sst s0;
	s0 =	simm.s32 @!p2 $0x0  }
0x16: {  	s3 =	sld [smem:$0x3FDB];
	s0 =	simm.s32 @p2 $0x1  }
0x17: {  	s4 =	simm.s32 $0x1BF5;
	[smem:$0x3FB1] =	sst s0  }
0x18: {  	s0 =	sld [smem:$0x3F94];
	_ =	swait.ge [sflag:s4], $0x0  }
0x19: {  	s7 =	sld [smem:$0x3F95]  }
0x1a: {  	s8 =	sadd.s32 $0xFFFFE003, lr  }
0x1b: {  	s9 =	sadd.s32 $0xFFFFFEF7, lr;
	s5 =	simm.s32 $0xFFFFFFFF;
	p2 =	slt.u32 s8, $0xFFFFF086  }
0x1c: {  	p1 =	slt.u32 s9, $0xF7A;
	s5 =	simm.s32 @!p2 $0x0  }
0x1d: {  	s5 =	simm.s32 @p1 $0x1;
	p0 =	seq.s32 s7, s2  }
0x1e: {  	s7 =	smul.u32 @!p0 $0xF7A, s2;
	p2 =	seq.s32 @!p0 s5, $0x0  }
0x1f: {  	s9 =	smul.u32 $0xF7A, s1;
	s8 =	simm.s32 @!p0 $0x1BF5;
	p2 =	por !p2, p0  }
0x20: {  	[sflag:s8] =	ssyncset.s32 @!p0 $0xFFFFF086;
	s6 =	sadd.s32 @!p0 s3, s7;
	s7 =	simm.s32 @!p0 $0x108  }
0x21: {  	s3 =	sadd.s32 s3, s9;
	s6 =	sadd.s32 @!p0 $0x88, s6;
	s7 =	simm.s32 @p2 $0x1082  }
0x22: {  	[simem:s7], [sflag:s8] =	dma.local @!p0 [hbm:s6], $0xF7A  }
0x23: {  	s9 =	sor.u32 $0xD0000000, s2;
	s6 =	simm.s32 $0x108;
	_ =	swait.ge @!p0 [sflag:s8], $0x0  }
0x24: {  	s3 =	sadd.s32 $0x88, s3;
	s6 =	simm.s32 @!p1 $0x1082;
	[sflag:s4] =	ssyncset.s32 $0xFFFFF086  }
0x25: {  	[simem:s6], [sflag:s4] =	dma.local [hbm:s3], $0xF7A  }
0x26: {  	[smem:$0x3F95] =	sst s1;
	(tag) =	ssettag s2;
	_ =	strace s9  }
0x27: {  	s1 =	sld [smem:$0x3FA5]  }
0x28: {  	s2 =	sld [smem:$0x3FA6]  }
0x29: {  	s4 =	sld [smem:$0x3FA8]  }
0x2a: {  	p0 =	seq.s32 s5, $0x0;
	s5 =	sld [smem:$0x3FA9]  }
0x2b: {  	s6 =	sld [smem:$0x3FAA]  }
0x2c: {  	s7 =	sld [smem:$0x3FAB]  }
0x2d: {  	s3 =	simm.s32 $0x108;
	s8 =	sld [smem:$0x3FAC]  }
0x2e: {  	s3 =	simm.s32 @!p0 $0x1082;
	s9 =	sld [smem:$0x3FAD]  }
0x2f: {  	lr =	sadd.s32 s0, s3;
	s0 =	sld [smem:$0x3FA4]  }
0x30: {  	s3 =	sld [smem:$0x3FA7]  }
0x31: {  	[smem:$0x3FB0] =	sst s10  }
0x32: {  	s10 =	sld [smem:$0x3FAE];
	_ =	sdelay $0x3  }
0x33: {  	p0 =	seq.s32 s10, $0x1;
	s10 =	sld [smem:$0x3FB0];
	_ =	sdelay $0x3  }
0x34: {  	[smem:$0x3FB0] =	sst s10  }
0x35: {  	s10 =	sld [smem:$0x3FAF];
	_ =	sdelay $0x3  }
0x36: {  	p1 =	seq.s32 s10, $0x1;
	s10 =	sld [smem:$0x3FB0];
	_ =	sdelay $0x3  }
0x37: {  	[smem:$0x3FB0] =	sst s10  }
0x38: {  	s10 =	sld [smem:$0x3FB1]  }
0x39: {  	_ = 	snop;
	(pc) =	sbr.ind lr, $3  }
0x3a: {  	_ = 	snop  }
0x3b: {  	_ = 	snop  }
0x3c: {  	p2 =	seq.s32 s10, $0x1;
	s10 =	sld [smem:$0x3FB0]  }
0x3d: {  	_ =	shalt  }
0x3e: {  	_ =	shalt  }
0x3f: {  	_ =	shalt  }
0x40: {  	_ =	shalt  }
0x41: {  	_ =	shalt  }
0x42: {  	_ =	shalt  }
0x43: {  	_ =	shalt  }
0x44: {  	_ =	shalt  }
0x45: {  	_ =	shalt  }
0x46: {  	_ =	shalt  }
0x47: {  	_ =	shalt  }
0x48: {  	_ =	shalt  }
0x49: {  	_ =	shalt  }
0x4a: {  	_ =	shalt  }
0x4b: {  	_ =	shalt  }
0x4c: {  	_ =	shalt  }
0x4d: {  	_ =	shalt  }
0x4e: {  	_ =	shalt  }
0x4f: {  	_ =	shalt  }
0x50: {  	_ =	shalt  }
0x51: {  	_ =	shalt  }
0x52: {  	_ =	shalt  }
0x53: {  	_ =	shalt  }
0x54: {  	_ =	shalt  }
0x55: {  	_ =	shalt  }
0x56: {  	_ =	shalt  }
0x57: {  	_ =	shalt  }
0x58: {  	_ =	shalt  }
0x59: {  	_ =	shalt  }
0x5a: {  	_ =	shalt  }
0x5b: {  	_ =	shalt  }
0x5c: {  	_ =	shalt  }
0x5d: {  	_ =	shalt  }
0x5e: {  	_ =	shalt  }
0x5f: {  	_ =	shalt  }
0x60: {  	_ =	shalt  }
0x61: {  	_ =	shalt  }
0x62: {  	_ =	shalt  }
0x63: {  	_ =	shalt  }
0x64: {  	_ =	shalt  }
0x65: {  	_ =	shalt  }
0x66: {  	_ =	shalt  }
0x67: {  	_ =	shalt  }
0x68: {  	_ =	shalt  }
0x69: {  	_ =	shalt  }
0x6a: {  	_ =	shalt  }
0x6b: {  	_ =	shalt  }
0x6c: {  	_ =	shalt  }
0x6d: {  	_ =	shalt  }
0x6e: {  	_ =	shalt  }
0x6f: {  	_ =	shalt  }
0x70: {  	_ =	shalt  }
0x71: {  	_ =	shalt  }
0x72: {  	_ =	shalt  }
0x73: {  	_ =	shalt  }
0x74: {  	_ =	shalt  }
0x75: {  	_ =	shalt  }
0x76: {  	_ =	shalt  }
0x77: {  	_ =	shalt  }
0x78: {  	_ =	shalt  }
0x79: {  	_ =	shalt  }
0x7a: {  	_ =	shalt  }
0x7b: {  	_ =	shalt  }
0x7c: {  	_ =	shalt  }
0x7d: {  	_ =	shalt  }
0x7e: {  	_ =	shalt  }
0x7f: {  	_ =	shalt  }
0x80: {  	_ =	shalt  }
0x81: {  	_ =	shalt  }
0x82: {  	_ =	shalt  }
0x83: {  	_ =	shalt  }
0x84: {  	_ =	shalt  }
0x85: {  	_ =	shalt  }
0x86: {  	_ =	shalt  }
0x87: {  	_ =	shalt  }
.Lfunc_end0:
.L_simem_size_0:
called_computation.1_lowered:
.L_overlay_start_0:
0x88: {  	s2 =	sld [smem:$0x3FD9]  }
0x89: {  	s3 =	sld [smem:$0x3FFE];
	_ =	sdelay $0x1  }
0x8a: {  	s1 =	srdreg.scid  }
0x8b: {  	s0 =	sand.u32 $0x1, s1  }
0x8c: {  	s17 =	sshll.u32 s0, $0xA;
	s2 =	sadd.s32 s3, s2  }
0x8d: {  	s2 =	sadd.s32 s2, s17  }
0x8e: {  	[smem:$0x3FBC] =	sst s2  }
0x8f: {  	_ = 	snop  }
0x90: {  	(tm) =	ssettm $0x1  }
0x91: {  	s18 =	sld [smem:$0x3FFB];
	_ =	sdelay $0x3  }
0x92: {  	_ =	strace s18  }
0x93: {  	s2 =	sld [smem:$0x3FFC];
	_ =	sdelay $0x3  }
0x94: {  	_ =	strace s2  }
0x95: {  	s2 =	sld [smem:$0x3FFD];
	_ =	sdelay $0x3  }
0x96: {  	_ =	strace s2  }
0x97: {  	_ =	strace $0x8FFFFFFF  }
0x98: {  	s19 =	sld [smem:$0x3FDB];
	_ =	sdelay $0x1  }
0x99: {  	s20 =	simm.s32 $_scs_section_size  }
0x9a: {  	s4 =	simm.s32 $_size__tile_overlayer_lowered;
	s5 =	simm.s32 $_tile_overlayer_lowered  }
0x9b: {  	s6 =	simm.s32 $0x1BFF;
	s21 =	sshll.u32 s5, $0x1;
	s3 =	sadd.s32 s20, s19  }
0x9c: {  	s22 =	simm.s32 $0x0;
	s4 =	sshll.u32 s4, $0x1;
	s5 =	sadd.s32 s21, s3  }
0x9d: {  	[timem:s22], [sflag:s6] =	dma.local [hbm:s5], s4  }
0x9e: {  	_ =	swait.ge [sflag:s6], s4  }
0x9f: {  	s4 =	ssub.s32 $0x0, s4;
	[sflag:s6] =	ssyncset.done $0x0  }
0xa0: {  	[sflag:s6] =	ssyncadd.s32 s4;
	_ =	sdelay $0x1  }
0xa1: {  	s23 =	simm.s32 $0x1B8B  }
0xa2: {  	_ =	swait.ge [sflag:s23], $0x1  }
0xa3: {  	[sflag:s23] =	ssyncset.done $0x0  }
0xa4: {  	[sflag:s23] =	ssyncadd.s32 $0xFFFFFFFF  }
0xa5: {  	s4 =	sld [smem:$0x0]  }
0xa6: {  	s5 =	sand.u32 $0xFFFFFFFE, s1  }
0xa7: {  	p0 =	sne.s32 s1, s5  }
0xa8: {  	s5 =	sshll.u32 @p0 s5, $0xE  }
0xa9: {  	s5 =	sadd.s32 @p0 $0x11B8D, s5;
	s6 =	sshll.u32 @p0 s4, $0x11  }
0xaa: {  	s5 =	sor.u32 @p0 s6, s5  }
0xab: {  	[sflag:s5] =	ssyncadd.remote.s32 @p0 $0x1;
	_ =	sdelay $0x1  }
0xac: {  	s5 =	simm.s32 @p0 $0x1B8D  }
0xad: {  	_ =	swait.eq @p0 [sflag:s5], $0x1  }
0xae: {  	[sflag:s5] =	ssyncadd.s32 @p0 $0xFFFFFFFF  }
0xaf: {  	s6 =	sshll.u32 @!p0 s1, $0xE  }
0xb0: {  	s6 =	sor.u32 @!p0 $0x4000, s6;
	s5 =	simm.s32 @!p0 $0x1B8D  }
0xb1: {  	s4 =	sshll.u32 @!p0 s4, $0x11;
	s6 =	sadd.s32 @!p0 $0x11B8D, s6;
	_ =	swait.eq @!p0 [sflag:s5], $0x1  }
0xb2: {  	s4 =	sor.u32 @!p0 s4, s6;
	[sflag:s5] =	ssyncadd.s32 @!p0 $0xFFFFFFFF  }
0xb3: {  	s25 =	simm.s32 $0x1B8E;
	s24 =	sld [smem:$0x3FFE];
	[sflag:s4] =	ssyncadd.remote.s32 @!p0 $0x1  }
0xb4: {  	s26 =	simm.s32 $execute0_lowered;
	[smem:$0x3FD2] =	sst s25  }
0xb5: {  	s5 =	sshll.u32 s26, $0x1;
	_ =	strace $0x80000049;
	[dreg:$0x1] =	wrdreg $0xFFFFFFFF  }
0xb6: {  	s28 =	simm.s32 $_size_execute0_lowered;
	s3 =	sadd.s32 s3, s5;
	[dreg:$0x0] =	wrdreg $0x0  }
0xb7: {  	s5 =	sshll.u32 s28, $0x1;
	[dreg:$0x2] =	wrdreg s3  }
0xb8: {  	[dreg:$0x3] =	wrdreg s5  }
0xb9: {  	[dreg:$0x4] =	wrdreg $0xC0  }
0xba: {  	_ =	task [dreg:s22], $0x5FFFF  }
0xbb: {  	[dreg:$0x1] =	wrdreg $0xFFFFFFFF  }
0xbc: {  	[dreg:$0x0] =	wrdreg $0x60  }
0xbd: {  	[dreg:$0x2] =	wrdreg s24  }
0xbe: {  	[dreg:$0x3] =	wrdreg $0x94800  }
0xbf: {  	[dreg:$0x4] =	wrdreg $0xA  }
0xc0: {  	_ =	task.clear_ibuf [dreg:s22], $0x5FFFF;
	_ =	strace $0x90000049  }
0xc1: {  	s29 =	simm.s32 $0xA;
	_ =	strace $0x8000004B  }
0xc2: {  	_ =	swait.ge [sflag:s29], $0x1  }
0xc3: {  	[sflag:s29] =	ssyncadd.s32 $0xFFFFFFFF  }
0xc4: {  	_ =	strace $0x9000004B  }
0xc5: {  	_ =	sfence  }
0xc6: {  	s30 =	sld [smem:$0x0];
	_ =	sdelay $0x2  }
0xc7: {  	s31 =	sshll.u32 s1, $0xD;
	s1 =	sshrl.u32 s1, $0x2  }
0xc8: {  	s4 =	sand.u32 $0x4000, s31;
	s1 =	sadd.s32 s1, s30  }
0xc9: {  	s0 =	sor.u32 s4, s0;
	s1 =	sshll.u32 s1, $0x11  }
0xca: {  	s0 =	sor.u32 s1, s0  }
0xcb: {  	s0 =	sadd.s32 $0x8F2B, s0  }
0xcc: {  	[sflag:s0] =	ssyncadd.remote.s32 $0x1  }
0xcd: {  	_ =	sfence.sel $0xFFFF  }
0xce: {  	[dreg:$0x0] =	wrdreg $0xFFFFFFFF;
	(pc) =	sbr.abs _section_cstart, $3  }
0xcf: {  	[dreg:$0x1] =	wrdreg $0xFFFFFFFF  }
0xd0: {  	_ =	task.clear_ibuf [dreg:s22], $0x2FFFF;
	_ =	strace $0x9FFFFFFF  }
0xd1: {  	(tm) =	ssettm $0x7FFFFFFF  }
tec
execute0_lowered:
.L_overlay_start_1:
0x0: {  	(tag) =	ssettag $0x1  }
0x1: {  	s18 =	stileid.u32  }
0x2: {  	s0 =	srdreg.scid;
	s2 =	rddreg [dreg:$0x0]  }
0x3: {  	s28 =	simm.s32 $0x800;
	s29 =	simm.s32 $0x5480;
	s30 =	simm.s32 $0x1  }
0x4: {  	s31 =	simm.s32 $0x80;
	s1 =	sand.u32 $0x1, s0;
	s17 =	smul.u32 $0x138800, s18  }
0x5: {  	s4 =	sadd.s32 $0x66CC00, s2;
	s5 =	ssub.s32 $0x2, s1;
	s3 =	sshll.u32 s1, $0xA  }
0x6: {  	p0 =	sne.s32 s18, $0xF;
	s6 =	sshrl.u32 s5, $0x1;
	s8 =	sor.u32 s3, s17  }
0x7: {  	s1 =	sshll.u32 s1, $0x7;
	s0 =	ssub.s32 s5, s6;
	s19 =	sshrl.u32 s8, $0x3  }
0x8: {  	s20 =	sadd.s32 $0x8000, s8;
	s22 =	sadd.s32 $0x10000, s8;
	s24 =	sadd.s32 $0x18000, s8  }
0x9: {  	s26 =	sadd.s32 $0x20000, s8;
	s9 =	sadd.s32 $0x28000, s8;
	s11 =	sadd.s32 $0x30000, s8  }
0xa: {  	s13 =	sadd.s32 $0x38000, s8;
	s15 =	sadd.s32 $0x40000, s8;
	s17 =	sadd.s32 $0x48000, s8  }
0xb: {  	s5 =	sadd.s32 s4, s19;
	s21 =	sshrl.u32 s20, $0x3;
	s23 =	sshrl.u32 s22, $0x3  }
0xc: {  	s25 =	sshrl.u32 s24, $0x3;
	s7 =	sshrl.u32 s26, $0x3;
	s10 =	sshrl.u32 s9, $0x3  }
0xd: {  	s12 =	sshrl.u32 s11, $0x3;
	s14 =	sshrl.u32 s13, $0x3;
	s16 =	sshrl.u32 s15, $0x3  }
0xe: {  	s19 =	sshrl.u32 s17, $0x3;
	s20 =	sadd.s32 $0x50000, s8;
	s22 =	sadd.s32 $0x58000, s8  }
0xf: {  	s24 =	sadd.s32 $0x60000, s8;
	s26 =	sadd.s32 $0x68000, s8;
	s9 =	sadd.s32 $0x70000, s8  }
0x10: {  	s11 =	sadd.s32 $0x78000, s8;
	s13 =	sadd.s32 $0x80000, s8;
	s15 =	sadd.s32 $0x88000, s8  }
0x11: {  	s17 =	sadd.s32 $0x90000, s8;
	[dreg:$0x3] =	wrdreg s5;
	s5 =	sadd.s32 s4, s21  }
0x12: {  	s21 =	sshrl.u32 s20, $0x3;
	s20 =	sadd.s32 $0x98000, s8;
	[dreg:$0x4] =	wrdreg s5  }
0x13: {  	s5 =	sadd.s32 s4, s23;
	s23 =	sshrl.u32 s22, $0x3;
	s22 =	sadd.s32 $0xA0000, s8  }
0x14: {  	[dreg:$0x5] =	wrdreg s5;
	s5 =	sadd.s32 s4, s25;
	s25 =	sshrl.u32 s24, $0x3  }
0x15: {  	s24 =	sadd.s32 $0xA8000, s8;
	[dreg:$0x6] =	wrdreg s5;
	s5 =	sadd.s32 s4, s7  }
0x16: {  	s7 =	sshrl.u32 s26, $0x3;
	s26 =	sadd.s32 $0xB0000, s8;
	[dreg:$0x7] =	wrdreg s5  }
0x17: {  	s5 =	sadd.s32 s4, s10;
	s10 =	sshrl.u32 s9, $0x3;
	s9 =	sadd.s32 $0xB8000, s8  }
0x18: {  	[dreg:$0x8] =	wrdreg s5;
	s5 =	sadd.s32 s4, s12;
	s12 =	sshrl.u32 s11, $0x3  }
0x19: {  	s11 =	sadd.s32 $0xC0000, s8;
	[dreg:$0x9] =	wrdreg s5;
	s5 =	sadd.s32 s4, s14  }
0x1a: {  	s14 =	sshrl.u32 s13, $0x3;
	s13 =	sadd.s32 $0xC8000, s8;
	[dreg:$0xa] =	wrdreg s5  }
0x1b: {  	s5 =	sadd.s32 s4, s16;
	s16 =	sshrl.u32 s15, $0x3;
	s15 =	sadd.s32 $0xD0000, s8  }
0x1c: {  	[dreg:$0xb] =	wrdreg s5;
	s5 =	sadd.s32 s4, s19;
	s19 =	sshrl.u32 s17, $0x3  }
0x1d: {  	s17 =	sadd.s32 $0xD8000, s8;
	[dreg:$0xc] =	wrdreg s5;
	s5 =	sadd.s32 s4, s21  }
0x1e: {  	s21 =	sshrl.u32 s20, $0x3;
	s20 =	sadd.s32 $0xE0000, s8;
	[dreg:$0xd] =	wrdreg s5  }
0x1f: {  	s5 =	sadd.s32 s4, s23;
	s23 =	sshrl.u32 s22, $0x3;
	s22 =	sadd.s32 $0xE8000, s8  }
0x20: {  	[dreg:$0xe] =	wrdreg s5;
	s5 =	sadd.s32 s4, s25;
	s25 =	sshrl.u32 s24, $0x3  }
0x21: {  	s24 =	sadd.s32 $0xF0000, s8;
	[dreg:$0xf] =	wrdreg s5;
	s5 =	sadd.s32 s4, s7  }
0x22: {  	s7 =	sshrl.u32 s26, $0x3;
	s26 =	sadd.s32 $0xF8000, s8;
	[dreg:$0x10] =	wrdreg s5  }
0x23: {  	s5 =	sadd.s32 s4, s10;
	s10 =	sshrl.u32 s9, $0x3;
	s9 =	sadd.s32 $0x100000, s8  }
0x24: {  	[dreg:$0x11] =	wrdreg s5;
	s5 =	sadd.s32 s4, s12;
	s12 =	sshrl.u32 s11, $0x3  }
0x25: {  	s11 =	sadd.s32 $0x108000, s8;
	[dreg:$0x12] =	wrdreg s5;
	s5 =	sadd.s32 s4, s14  }
0x26: {  	s14 =	sshrl.u32 s13, $0x3;
	s13 =	sadd.s32 $0x110000, s8;
	[dreg:$0x13] =	wrdreg s5  }
0x27: {  	s5 =	sadd.s32 s4, s16;
	s16 =	sshrl.u32 s15, $0x3;
	s15 =	sadd.s32 $0x118000, s8  }
0x28: {  	[dreg:$0x14] =	wrdreg s5;
	s5 =	sadd.s32 s4, s19;
	s19 =	sshrl.u32 s17, $0x3  }
0x29: {  	s17 =	sadd.s32 $0x120000, s8;
	[dreg:$0x15] =	wrdreg s5;
	s5 =	sadd.s32 s4, s21  }
0x2a: {  	s21 =	sshrl.u32 s20, $0x3;
	[dreg:$0x16] =	wrdreg s5;
	s5 =	sadd.s32 s4, s23  }
0x2b: {  	s23 =	sshrl.u32 s22, $0x3;
	s22 =	sadd.s32 $0x138000, s8;
	[dreg:$0x17] =	wrdreg s5  }
0x2c: {  	s5 =	sadd.s32 s4, s25;
	s25 =	sshrl.u32 s24, $0x3;
	s24 =	smul.u32 $0x280, s18  }
0x2d: {  	[dreg:$0x18] =	wrdreg s5;
	s5 =	sadd.s32 s4, s7;
	s7 =	sshrl.u32 s26, $0x3  }
0x2e: {  	[dreg:$0x19] =	wrdreg s5;
	s5 =	sadd.s32 s4, s10;
	s10 =	sshrl.u32 s9, $0x3  }
0x2f: {  	[dreg:$0x1a] =	wrdreg s5;
	s5 =	sadd.s32 s4, s12;
	s12 =	sshrl.u32 s11, $0x3  }
0x30: {  	s11 =	smul.u32 $0x27000, s18;
	[dreg:$0x1b] =	wrdreg s5;
	s5 =	sadd.s32 s4, s14  }
0x31: {  	s9 =	sadd.s32 $0x130000, s8;
	s14 =	sshrl.u32 s13, $0x3;
	[dreg:$0x1c] =	wrdreg s5  }
0x32: {  	s5 =	sadd.s32 s4, s16;
	s3 =	sor.u32 s3, s11;
	s11 =	rddreg [dreg:$0x1]  }
0x33: {  	s13 =	smul.u32 $0x4E000, s18;
	s16 =	sshrl.u32 s15, $0x3;
	[dreg:$0x1d] =	wrdreg s5  }
0x34: {  	s5 =	sadd.s32 s4, s19;
	s19 =	sshrl.u32 s17, $0x3;
	s3 =	sshrl.u32 s3, $0x3  }
0x35: {  	s26 =	sshrl.u32 s13, $0x2;
	s17 =	smax.u32 s0, $0x1;
	s0 =	simm.s32 $0x2  }
0x36: {  	[dreg:$0x1e] =	wrdreg s5;
	s5 =	sadd.s32 s4, s21;
	s21 =	sshrl.u32 s9, $0x3  }
0x37: {  	s13 =	sadd.s32 s26, s11;
	[dreg:$0x1f] =	wrdreg s5;
	s5 =	sadd.s32 s4, s23  }
0x38: {  	s26 =	simm.s32 $0x400;
	[smem:$0x7F3] =	sst s5;
	s5 =	sadd.s32 s4, s25  }
0x39: {  	s23 =	sshrl.u32 s22, $0x3;
	[smem:$0x7F4] =	sst s5;
	s5 =	sadd.s32 s4, s7  }
0x3a: {  	s22 =	sadd.s32 $0x138000, s11;
	[smem:$0x7F5] =	sst s5;
	s5 =	sadd.s32 s4, s10  }
0x3b: {  	s25 =	sshll.u32 s18, $0x4;
	s10 =	simm.s32 $0x0;
	[smem:$0x7F6] =	sst s5  }
0x3c: {  	s18 =	sadd.s32 $0x4000, s13;
	s5 =	sadd.s32 s4, s12;
	[smem:$0x7FF] =	sst s10  }
0x3d: {  	s7 =	sadd.s32 $0x128000, s8;
	[smem:$0x7F7] =	sst s5;
	s5 =	sadd.s32 s4, s14  }
0x3e: {  	s20 =	sshrl.u32 s7, $0x3;
	[smem:$0x7F8] =	sst s5;
	s5 =	sadd.s32 s4, s16  }
0x3f: {  	[smem:$0x7F9] =	sst s5;
	s5 =	sadd.s32 s4, s19;
	s19 =	sadd.s32 $0x8000, s13  }
0x40: {  	[smem:$0x7FA] =	sst s5;
	s5 =	sadd.s32 s4, s20;
	s20 =	sadd.s32 $0xC000, s13  }
0x41: {  	[smem:$0x7FB] =	sst s5;
	s5 =	sadd.s32 s4, s21;
	s4 =	sadd.s32 s4, s23  }
0x42: {  	s21 =	sadd.s32 $0x10000, s13;
	s23 =	simm.s32 $0x1480;
	[smem:$0x7FC] =	sst s5  }
0x43: {  	[smem:$0x7FD] =	sst s4;
	s4 =	sadd.s32 s24, s2;
	s5 =	sadd.s32 s25, s2  }
0x44: {  	s2 =	sadd.s32 $0x6800, s2;
	s24 =	simm.s32 $0x3;
	s25 =	simm.s32 $0x1400  }
0x45: {  	s12 =	sadd.s32 s2, s3;
	s1 =	sadd.s32 s1, s2;
	_ =	strace $0x8000004A  }
0x46: {  	s14 =	sadd.s32 $0x4000, s4;
	s15 =	sadd.s32 $0x534200, s5;
	s2 =	simm.s32 $0x8  }
0x47: {  	v0 =	vimm.f32 $0.0e+00;
	s3 =	simm.s32 $0x0;
	s16 =	sadd.s32 $0x4E000, s1;
	s1 =	simm.s32 $0x100  }
.LBB2_1:
0x48: {  	s4 =	simm.s32 $0x0;
	s5 =	simm.s32 $0x200  }
.LBB2_2:
0x49: {  	p1 =	sne.s32 s5, $0xFE00;
	[tilespmem:s4+$0x14F0] =	vst v0  }
0x4a: {  	[tilespmem:s4+$0x1480] =	vst v0  }
0x4b: {  	[tilespmem:s4+$0x1490] =	vst v0  }
.Ltmp0:
0x4c: {  	[tilespmem:s4+$0x14A0] =	vst v0;
	(pc) =	sbr.rel @p1 .LBB2_2-.Ltmp0, $4  }
0x4d: {  	[tilespmem:s4+$0x14B0] =	vst v0  }
0x4e: {  	[tilespmem:s4+$0x14C0] =	vst v0  }
0x4f: {  	[tilespmem:s4+$0x14D0] =	vst v0  }
0x50: {  	[tilespmem:s4+$0x14E0] =	vst v0;
	s4 =	sshra.s32 s5, $0x2;
	s5 =	sadd.s32 $0x200, s5  }
0x51: {  	[tilespmem:s4+$0x14F0] =	vst v0  }
0x52: {  	[tilespmem:s4+$0x1480] =	vst v0  }
0x53: {  	[tilespmem:s4+$0x1490] =	vst v0  }
0x54: {  	[tilespmem:s4+$0x14A0] =	vst v0  }
0x55: {  	[tilespmem:s4+$0x14B0] =	vst v0  }
0x56: {  	[tilespmem:s4+$0x14C0] =	vst v0  }
0x57: {  	[tilespmem:s4+$0x14D0] =	vst v0  }
0x58: {  	[tilespmem:s4+$0x14E0] =	vst v0  }
0x59: {  	[spmem:s13] =	stream.linear.scatter [tilespmem:s23], [sflag:$0x3], $0x4000, $0x38;
	[tilespmem:$0x1CD00] =	vst v63  }
0x5a: {  	_ =	swait.ge [sflag:s24], $0x4000  }
0x5b: {  	[sflag:s24] =	ssyncset.done $0x0  }
0x5c: {  	[sflag:s24] =	ssyncadd.s32 $0xFFFFC000  }
0x5d: {  	[spmem:s18] =	stream.linear.scatter [tilespmem:s23], [sflag:$0x3], $0x4000, $0x38;
	[tilespmem:$0x1CD00] =	vst v63  }
0x5e: {  	_ =	swait.ge [sflag:s24], $0x4000  }
0x5f: {  	[sflag:s24] =	ssyncset.done $0x0  }
0x60: {  	[sflag:s24] =	ssyncadd.s32 $0xFFFFC000  }
0x61: {  	[spmem:s19] =	stream.linear.scatter [tilespmem:s23], [sflag:$0x3], $0x4000, $0x38;
	[tilespmem:$0x1CD00] =	vst v63  }
0x62: {  	_ =	swait.ge [sflag:s24], $0x4000  }
0x63: {  	[sflag:s24] =	ssyncset.done $0x0  }
0x64: {  	[sflag:s24] =	ssyncadd.s32 $0xFFFFC000  }
0x65: {  	[spmem:s20] =	stream.linear.scatter [tilespmem:s23], [sflag:$0x3], $0x4000, $0x38;
	[tilespmem:$0x1CD00] =	vst v63  }
0x66: {  	_ =	swait.ge [sflag:s24], $0x4000  }
0x67: {  	[sflag:s24] =	ssyncset.done $0x0  }
0x68: {  	[sflag:s24] =	ssyncadd.s32 $0xFFFFC000  }
0x69: {  	[spmem:s21] =	stream.linear.scatter [tilespmem:s23], [sflag:$0x3], $0x3800, $0x38;
	[tilespmem:$0x1CD00] =	vst v63  }
0x6a: {  	_ =	swait.ge [sflag:s24], $0x3800  }
0x6b: {  	[sflag:s24] =	ssyncset.done $0x0  }
0x6c: {  	s4 =	simm.s32 @!p0 $0x1480;
	[sflag:s24] =	ssyncadd.s32 $0xFFFFC800  }
0x6d: {  	[spmem:s22] =	stream.linear.scatter @!p0 [tilespmem:s4], [sflag:$0x3], $0x800, $0x38;
	[tilespmem:$0x1CD00] =	vst v63  }
0x6e: {  	s4 =	simm.s32 @!p0 $0x3  }
0x6f: {  	_ =	swait.ge @!p0 [sflag:s4], $0x800  }
0x70: {  	[sflag:s4] =	ssyncset.done @!p0 $0x0  }
0x71: {  	[sflag:s4] =	ssyncadd.s32 @!p0 $0xFFFFF800  }
0x72: {  	[tilespmem:s10], [sflag:$0x3] =	stream.linear.gather [hbm4b:s14+s10], $0x1380, $0x38;
	[tilespmem:$0x1CD00] =	vst v63  }
0x73: {  	_ =	swait.ge [sflag:s24], $0x1380  }
0x74: {  	[sflag:s24] =	ssyncset.done $0x0  }
0x75: {  	[sflag:s24] =	ssyncadd.s32 $0xFFFFEC80  }
0x76: {  	[tilespmem:s25], [sflag:$0x3] =	stream.linear.gather [hbm4b:s15+s10], $0x80, $0x38;
	[tilespmem:$0x1CD00] =	vst v63  }
0x77: {  	_ =	swait.ge [sflag:s24], $0x80  }
0x78: {  	[sflag:s24] =	ssyncset.done $0x0  }
0x79: {  	[sflag:s24] =	ssyncadd.s32 $0xFFFFFF80  }
0x7a: {  	[bflag:$0x0] =	sbarrier.arrive $0xFFFF  }
0x7b: {  	s5 =	rddreg [dreg:$0x3]  }
0x7c: {  	[tilespmem:s23], [sflag:$0x1] =	stream.strided.gather [hbm4b:s5+s26], $0x4000, s28, s26, $0x38;
	[tilespmem:$0x1CD00] =	vst v63  }
0x7d: {  	s8 =	rddreg [dreg:$0x4]  }
0x7e: {  	[tilespmem:s29], [sflag:$0x2] =	stream.strided.gather [hbm4b:s8+s26], $0x4000, s28, s26, $0x38;
	[tilespmem:$0x1CD00] =	vst v63  }
0x7f: {  	_ =	swait.ge [sflag:s30], $0x4000  }
0x80: {  	[sflag:s30] =	ssyncset.done $0x0  }
0x81: {  	[sflag:s30] =	ssyncadd.s32 $0xFFFFC000  }
0x82: {  	[spmem:s11] =	stream.indirect.scatter.add.f32 [tilespmem:s23], [sflag:$0x3], $0x80, s10, s31, $0xb8;
	[tilespmem:$0x1CD00] =	vst v63  }
0x83: {  	_ =	swait.ge [sflag:s24], $0x4000  }
0x84: {  	[sflag:s24] =	ssyncset.done $0x0  }
0x85: {  	s9 =	rddreg [dreg:$0x5];
	[sflag:s24] =	ssyncadd.s32 $0xFFFFC000  }
0x86: {  	[tilespmem:s23], [sflag:$0x1] =	stream.strided.gather [hbm4b:s9+s26], $0x4000, s28, s26, $0x38;
	[tilespmem:$0x1CD00] =	vst v63  }
0x87: {  	_ =	swait.ge [sflag:s0], $0x4000  }
0x88: {  	[sflag:s0] =	ssyncset.done $0x0  }
0x89: {  	[sflag:s0] =	ssyncadd.s32 $0xFFFFC000  }
0x8a: {  	[spmem:s11] =	stream.indirect.scatter.add.f32 [tilespmem:s29], [sflag:$0x3], $0x80, s31, s31, $0xb8;
	[tilespmem:$0x1CD00] =	vst v63  }
0x8b: {  	_ =	swait.ge [sflag:s24], $0x4000  }
0x8c: {  	[sflag:s24] =	ssyncset.done $0x0  }
0x8d: {  	s6 =	rddreg [dreg:$0x6];
	[sflag:s24] =	ssyncadd.s32 $0xFFFFC000  }
0x8e: {  	[tilespmem:s29], [sflag:$0x2] =	stream.strided.gather [hbm4b:s6+s26], $0x4000, s28, s26, $0x38;
	[tilespmem:$0x1CD00] =	vst v63  }
0x8f: {  	_ =	swait.ge [sflag:s30], $0x4000  }
0x90: {  	[sflag:s30] =	ssyncset.done $0x0  }
0x91: {  	[sflag:s30] =	ssyncadd.s32 $0xFFFFC000  }
0x92: {  	[spmem:s11] =	stream.indirect.scatter.add.f32 [tilespmem:s23], [sflag:$0x3], $0x80, s1, s31, $0xb8;
	[tilespmem:$0x1CD00] =	vst v63  }
0x93: {  	_ =	swait.ge [sflag:s24], $0x4000  }
0x94: {  	[sflag:s24] =	ssyncset.done $0x0  }
0x95: {  	s7 =	rddreg [dreg:$0x7];
	[sflag:s24] =	ssyncadd.s32 $0xFFFFC000  }
0x96: {  	[tilespmem:s23], [sflag:$0x1] =	stream.strided.gather [hbm4b:s7+s26], $0x4000, s28, s26, $0x38;
	[tilespmem:$0x1CD00] =	vst v63  }
0x97: {  	_ =	swait.ge [sflag:s0], $0x4000  }
0x98: {  	[sflag:s0] =	ssyncset.done $0x0  }
0x99: {  	s8 =	simm.s32 $0x180;
	[sflag:s0] =	ssyncadd.s32 $0xFFFFC000  }
0x9a: {  	[spmem:s11] =	stream.indirect.scatter.add.f32 [tilespmem:s29], [sflag:$0x3], $0x80, s8, s31, $0xb8;
	[tilespmem:$0x1CD00] =	vst v63  }
0x9b: {  	_ =	swait.ge [sflag:s24], $0x4000  }
0x9c: {  	[sflag:s24] =	ssyncset.done $0x0  }
0x9d: {  	s9 =	rddreg [dreg:$0x8];
	[sflag:s24] =	ssyncadd.s32 $0xFFFFC000  }
0x9e: {  	[tilespmem:s29], [sflag:$0x2] =	stream.strided.gather [hbm4b:s9+s26], $0x4000, s28, s26, $0x38;
	[tilespmem:$0x1CD00] =	vst v63  }
0x9f: {  	_ =	swait.ge [sflag:s30], $0x4000  }
0xa0: {  	[sflag:s30] =	ssyncset.done $0x0  }
0xa1: {  	s6 =	simm.s32 $0x200;
	[sflag:s30] =	ssyncadd.s32 $0xFFFFC000  }
0xa2: {  	[spmem:s11] =	stream.indirect.scatter.add.f32 [tilespmem:s23], [sflag:$0x3], $0x80, s6, s31, $0xb8;
	[tilespmem:$0x1CD00] =	vst v63  }
0xa3: {  	_ =	swait.ge [sflag:s24], $0x4000  }
0xa4: {  	[sflag:s24] =	ssyncset.done $0x0  }
0xa5: {  	s7 =	rddreg [dreg:$0x9];
	[sflag:s24] =	ssyncadd.s32 $0xFFFFC000  }
0xa6: {  	[tilespmem:s23], [sflag:$0x1] =	stream.strided.gather [hbm4b:s7+s26], $0x4000, s28, s26, $0x38;
	[tilespmem:$0x1CD00] =	vst v63  }
0xa7: {  	_ =	swait.ge [sflag:s0], $0x4000  }
0xa8: {  	[sflag:s0] =	ssyncset.done $0x0  }
0xa9: {  	s8 =	simm.s32 $0x280;
	[sflag:s0] =	ssyncadd.s32 $0xFFFFC000  }
0xaa: {  	[spmem:s11] =	stream.indirect.scatter.add.f32 [tilespmem:s29], [sflag:$0x3], $0x80, s8, s31, $0xb8;
	[tilespmem:$0x1CD00] =	vst v63  }
0xab: {  	_ =	swait.ge [sflag:s24], $0x4000  }
0xac: {  	[sflag:s24] =	ssyncset.done $0x0  }
0xad: {  	s9 =	rddreg [dreg:$0xa];
	[sflag:s24] =	ssyncadd.s32 $0xFFFFC000  }
0xae: {  	[tilespmem:s29], [sflag:$0x2] =	stream.strided.gather [hbm4b:s9+s26], $0x4000, s28, s26, $0x38;
	[tilespmem:$0x1CD00] =	vst v63  }
0xaf: {  	_ =	swait.ge [sflag:s30], $0x4000  }
0xb0: {  	[sflag:s30] =	ssyncset.done $0x0  }
0xb1: {  	s6 =	simm.s32 $0x300;
	[sflag:s30] =	ssyncadd.s32 $0xFFFFC000  }
0xb2: {  	[spmem:s11] =	stream.indirect.scatter.add.f32 [tilespmem:s23], [sflag:$0x3], $0x80, s6, s31, $0xb8;
	[tilespmem:$0x1CD00] =	vst v63  }
0xb3: {  	_ =	swait.ge [sflag:s24], $0x4000  }
0xb4: {  	[sflag:s24] =	ssyncset.done $0x0  }
0xb5: {  	s7 =	rddreg [dreg:$0xb];
	[sflag:s24] =	ssyncadd.s32 $0xFFFFC000  }
0xb6: {  	[tilespmem:s23], [sflag:$0x1] =	stream.strided.gather [hbm4b:s7+s26], $0x4000, s28, s26, $0x38;
	[tilespmem:$0x1CD00] =	vst v63  }
0xb7: {  	_ =	swait.ge [sflag:s0], $0x4000  }
0xb8: {  	[sflag:s0] =	ssyncset.done $0x0  }
0xb9: {  	s8 =	simm.s32 $0x380;
	[sflag:s0] =	ssyncadd.s32 $0xFFFFC000  }
0xba: {  	[spmem:s11] =	stream.indirect.scatter.add.f32 [tilespmem:s29], [sflag:$0x3], $0x80, s8, s31, $0xb8;
	[tilespmem:$0x1CD00] =	vst v63  }
0xbb: {  	_ =	swait.ge [sflag:s24], $0x4000  }
0xbc: {  	[sflag:s24] =	ssyncset.done $0x0  }
0xbd: {  	s9 =	rddreg [dreg:$0xc];
	[sflag:s24] =	ssyncadd.s32 $0xFFFFC000  }
0xbe: {  	[tilespmem:s29], [sflag:$0x2] =	stream.strided.gather [hbm4b:s9+s26], $0x4000, s28, s26, $0x38;
	[tilespmem:$0x1CD00] =	vst v63  }
0xbf: {  	_ =	swait.ge [sflag:s30], $0x4000  }
0xc0: {  	[sflag:s30] =	ssyncset.done $0x0  }
0xc1: {  	[sflag:s30] =	ssyncadd.s32 $0xFFFFC000  }
0xc2: {  	[spmem:s11] =	stream.indirect.scatter.add.f32 [tilespmem:s23], [sflag:$0x3], $0x80, s26, s31, $0xb8;
	[tilespmem:$0x1CD00] =	vst v63  }
0xc3: {  	_ =	swait.ge [sflag:s24], $0x4000  }
0xc4: {  	[sflag:s24] =	ssyncset.done $0x0  }
0xc5: {  	s6 =	rddreg [dreg:$0xd];
	[sflag:s24] =	ssyncadd.s32 $0xFFFFC000  }
0xc6: {  	[tilespmem:s23], [sflag:$0x1] =	stream.strided.gather [hbm4b:s6+s26], $0x4000, s28, s26, $0x38;
	[tilespmem:$0x1CD00] =	vst v63  }
0xc7: {  	_ =	swait.ge [sflag:s0], $0x4000  }
0xc8: {  	[sflag:s0] =	ssyncset.done $0x0  }
0xc9: {  	s7 =	simm.s32 $0x480;
	[sflag:s0] =	ssyncadd.s32 $0xFFFFC000  }
0xca: {  	[spmem:s11] =	stream.indirect.scatter.add.f32 [tilespmem:s29], [sflag:$0x3], $0x80, s7, s31, $0xb8;
	[tilespmem:$0x1CD00] =	vst v63  }
0xcb: {  	_ =	swait.ge [sflag:s24], $0x4000  }
0xcc: {  	[sflag:s24] =	ssyncset.done $0x0  }
0xcd: {  	s8 =	rddreg [dreg:$0xe];
	[sflag:s24] =	ssyncadd.s32 $0xFFFFC000  }
0xce: {  	[tilespmem:s29], [sflag:$0x2] =	stream.strided.gather [hbm4b:s8+s26], $0x4000, s28, s26, $0x38;
	[tilespmem:$0x1CD00] =	vst v63  }
0xcf: {  	_ =	swait.ge [sflag:s30], $0x4000  }
0xd0: {  	[sflag:s30] =	ssyncset.done $0x0  }
0xd1: {  	s9 =	simm.s32 $0x500;
	[sflag:s30] =	ssyncadd.s32 $0xFFFFC000  }
0xd2: {  	[spmem:s11] =	stream.indirect.scatter.add.f32 [tilespmem:s23], [sflag:$0x3], $0x80, s9, s31, $0xb8;
	[tilespmem:$0x1CD00] =	vst v63  }
0xd3: {  	_ =	swait.ge [sflag:s24], $0x4000  }
0xd4: {  	[sflag:s24] =	ssyncset.done $0x0  }
0xd5: {  	s6 =	rddreg [dreg:$0xf];
	[sflag:s24] =	ssyncadd.s32 $0xFFFFC000  }
0xd6: {  	[tilespmem:s23], [sflag:$0x1] =	stream.strided.gather [hbm4b:s6+s26], $0x4000, s28, s26, $0x38;
	[tilespmem:$0x1CD00] =	vst v63  }
0xd7: {  	_ =	swait.ge [sflag:s0], $0x4000  }
0xd8: {  	[sflag:s0] =	ssyncset.done $0x0  }
0xd9: {  	s7 =	simm.s32 $0x580;
	[sflag:s0] =	ssyncadd.s32 $0xFFFFC000  }
0xda: {  	[spmem:s11] =	stream.indirect.scatter.add.f32 [tilespmem:s29], [sflag:$0x3], $0x80, s7, s31, $0xb8;
	[tilespmem:$0x1CD00] =	vst v63  }
0xdb: {  	_ =	swait.ge [sflag:s24], $0x4000  }
0xdc: {  	[sflag:s24] =	ssyncset.done $0x0  }
0xdd: {  	s8 =	rddreg [dreg:$0x10];
	[sflag:s24] =	ssyncadd.s32 $0xFFFFC000  }
0xde: {  	[tilespmem:s29], [sflag:$0x2] =	stream.strided.gather [hbm4b:s8+s26], $0x4000, s28, s26, $0x38;
	[tilespmem:$0x1CD00] =	vst v63  }
0xdf: {  	_ =	swait.ge [sflag:s30], $0x4000  }
0xe0: {  	[sflag:s30] =	ssyncset.done $0x0  }
0xe1: {  	s9 =	simm.s32 $0x600;
	[sflag:s30] =	ssyncadd.s32 $0xFFFFC000  }
0xe2: {  	[spmem:s11] =	stream.indirect.scatter.add.f32 [tilespmem:s23], [sflag:$0x3], $0x80, s9, s31, $0xb8;
	[tilespmem:$0x1CD00] =	vst v63  }
0xe3: {  	_ =	swait.ge [sflag:s24], $0x4000  }
0xe4: {  	[sflag:s24] =	ssyncset.done $0x0  }
0xe5: {  	s6 =	rddreg [dreg:$0x11];
	[sflag:s24] =	ssyncadd.s32 $0xFFFFC000  }
0xe6: {  	[tilespmem:s23], [sflag:$0x1] =	stream.strided.gather [hbm4b:s6+s26], $0x4000, s28, s26, $0x38;
	[tilespmem:$0x1CD00] =	vst v63  }
0xe7: {  	_ =	swait.ge [sflag:s0], $0x4000  }
0xe8: {  	[sflag:s0] =	ssyncset.done $0x0  }
0xe9: {  	s7 =	simm.s32 $0x680;
	[sflag:s0] =	ssyncadd.s32 $0xFFFFC000  }
0xea: {  	[spmem:s11] =	stream.indirect.scatter.add.f32 [tilespmem:s29], [sflag:$0x3], $0x80, s7, s31, $0xb8;
	[tilespmem:$0x1CD00] =	vst v63  }
0xeb: {  	_ =	swait.ge [sflag:s24], $0x4000  }
0xec: {  	[sflag:s24] =	ssyncset.done $0x0  }
0xed: {  	s8 =	rddreg [dreg:$0x12];
	[sflag:s24] =	ssyncadd.s32 $0xFFFFC000  }
0xee: {  	[tilespmem:s29], [sflag:$0x2] =	stream.strided.gather [hbm4b:s8+s26], $0x4000, s28, s26, $0x38;
	[tilespmem:$0x1CD00] =	vst v63  }
0xef: {  	_ =	swait.ge [sflag:s30], $0x4000  }
0xf0: {  	[sflag:s30] =	ssyncset.done $0x0  }
0xf1: {  	s9 =	simm.s32 $0x700;
	[sflag:s30] =	ssyncadd.s32 $0xFFFFC000  }
0xf2: {  	[spmem:s11] =	stream.indirect.scatter.add.f32 [tilespmem:s23], [sflag:$0x3], $0x80, s9, s31, $0xb8;
	[tilespmem:$0x1CD00] =	vst v63  }
0xf3: {  	_ =	swait.ge [sflag:s24], $0x4000  }
0xf4: {  	[sflag:s24] =	ssyncset.done $0x0  }
0xf5: {  	s6 =	rddreg [dreg:$0x13];
	[sflag:s24] =	ssyncadd.s32 $0xFFFFC000  }
0xf6: {  	[tilespmem:s23], [sflag:$0x1] =	stream.strided.gather [hbm4b:s6+s26], $0x4000, s28, s26, $0x38;
	[tilespmem:$0x1CD00] =	vst v63  }
0xf7: {  	_ =	swait.ge [sflag:s0], $0x4000  }
0xf8: {  	[sflag:s0] =	ssyncset.done $0x0  }
0xf9: {  	s7 =	simm.s32 $0x780;
	[sflag:s0] =	ssyncadd.s32 $0xFFFFC000  }
0xfa: {  	[spmem:s11] =	stream.indirect.scatter.add.f32 [tilespmem:s29], [sflag:$0x3], $0x80, s7, s31, $0xb8;
	[tilespmem:$0x1CD00] =	vst v63  }
0xfb: {  	_ =	swait.ge [sflag:s24], $0x4000  }
0xfc: {  	[sflag:s24] =	ssyncset.done $0x0  }
0xfd: {  	s8 =	rddreg [dreg:$0x14];
	[sflag:s24] =	ssyncadd.s32 $0xFFFFC000  }
0xfe: {  	[tilespmem:s29], [sflag:$0x2] =	stream.strided.gather [hbm4b:s8+s26], $0x4000, s28, s26, $0x38;
	[tilespmem:$0x1CD00] =	vst v63  }
0xff: {  	_ =	swait.ge [sflag:s30], $0x4000  }
0x100: {  	[sflag:s30] =	ssyncset.done $0x0  }
0x101: {  	[sflag:s30] =	ssyncadd.s32 $0xFFFFC000  }
0x102: {  	[spmem:s11] =	stream.indirect.scatter.add.f32 [tilespmem:s23], [sflag:$0x3], $0x80, s28, s31, $0xb8;
	[tilespmem:$0x1CD00] =	vst v63  }
0x103: {  	_ =	swait.ge [sflag:s24], $0x4000  }
0x104: {  	[sflag:s24] =	ssyncset.done $0x0  }
0x105: {  	s9 =	rddreg [dreg:$0x15];
	[sflag:s24] =	ssyncadd.s32 $0xFFFFC000  }
0x106: {  	[tilespmem:s23], [sflag:$0x1] =	stream.strided.gather [hbm4b:s9+s26], $0x4000, s28, s26, $0x38;
	[tilespmem:$0x1CD00] =	vst v63  }
0x107: {  	_ =	swait.ge [sflag:s0], $0x4000  }
0x108: {  	[sflag:s0] =	ssyncset.done $0x0  }
0x109: {  	s6 =	simm.s32 $0x880;
	[sflag:s0] =	ssyncadd.s32 $0xFFFFC000  }
0x10a: {  	[spmem:s11] =	stream.indirect.scatter.add.f32 [tilespmem:s29], [sflag:$0x3], $0x80, s6, s31, $0xb8;
	[tilespmem:$0x1CD00] =	vst v63  }
0x10b: {  	_ =	swait.ge [sflag:s24], $0x4000  }
0x10c: {  	[sflag:s24] =	ssyncset.done $0x0  }
0x10d: {  	s7 =	rddreg [dreg:$0x16];
	[sflag:s24] =	ssyncadd.s32 $0xFFFFC000  }
0x10e: {  	[tilespmem:s29], [sflag:$0x2] =	stream.strided.gather [hbm4b:s7+s26], $0x4000, s28, s26, $0x38;
	[tilespmem:$0x1CD00] =	vst v63  }
0x10f: {  	_ =	swait.ge [sflag:s30], $0x4000  }
0x110: {  	[sflag:s30] =	ssyncset.done $0x0  }
0x111: {  	s8 =	simm.s32 $0x900;
	[sflag:s30] =	ssyncadd.s32 $0xFFFFC000  }
0x112: {  	[spmem:s11] =	stream.indirect.scatter.add.f32 [tilespmem:s23], [sflag:$0x3], $0x80, s8, s31, $0xb8;
	[tilespmem:$0x1CD00] =	vst v63  }
0x113: {  	_ =	swait.ge [sflag:s24], $0x4000  }
0x114: {  	[sflag:s24] =	ssyncset.done $0x0  }
0x115: {  	s9 =	rddreg [dreg:$0x17];
	[sflag:s24] =	ssyncadd.s32 $0xFFFFC000  }
0x116: {  	[tilespmem:s23], [sflag:$0x1] =	stream.strided.gather [hbm4b:s9+s26], $0x4000, s28, s26, $0x38;
	[tilespmem:$0x1CD00] =	vst v63  }
0x117: {  	_ =	swait.ge [sflag:s0], $0x4000  }
0x118: {  	[sflag:s0] =	ssyncset.done $0x0  }
0x119: {  	s6 =	simm.s32 $0x980;
	[sflag:s0] =	ssyncadd.s32 $0xFFFFC000  }
0x11a: {  	[spmem:s11] =	stream.indirect.scatter.add.f32 [tilespmem:s29], [sflag:$0x3], $0x80, s6, s31, $0xb8;
	[tilespmem:$0x1CD00] =	vst v63  }
0x11b: {  	_ =	swait.ge [sflag:s24], $0x4000  }
0x11c: {  	[sflag:s24] =	ssyncset.done $0x0  }
0x11d: {  	s7 =	rddreg [dreg:$0x18];
	[sflag:s24] =	ssyncadd.s32 $0xFFFFC000  }
0x11e: {  	[tilespmem:s29], [sflag:$0x2] =	stream.strided.gather [hbm4b:s7+s26], $0x4000, s28, s26, $0x38;
	[tilespmem:$0x1CD00] =	vst v63  }
0x11f: {  	_ =	swait.ge [sflag:s30], $0x4000  }
0x120: {  	[sflag:s30] =	ssyncset.done $0x0  }
0x121: {  	s8 =	simm.s32 $0xA00;
	[sflag:s30] =	ssyncadd.s32 $0xFFFFC000  }
0x122: {  	[spmem:s11] =	stream.indirect.scatter.add.f32 [tilespmem:s23], [sflag:$0x3], $0x80, s8, s31, $0xb8;
	[tilespmem:$0x1CD00] =	vst v63  }
0x123: {  	_ =	swait.ge [sflag:s24], $0x4000  }
0x124: {  	[sflag:s24] =	ssyncset.done $0x0  }
0x125: {  	s9 =	rddreg [dreg:$0x19];
	[sflag:s24] =	ssyncadd.s32 $0xFFFFC000  }
0x126: {  	[tilespmem:s23], [sflag:$0x1] =	stream.strided.gather [hbm4b:s9+s26], $0x4000, s28, s26, $0x38;
	[tilespmem:$0x1CD00] =	vst v63  }
0x127: {  	_ =	swait.ge [sflag:s0], $0x4000  }
0x128: {  	[sflag:s0] =	ssyncset.done $0x0  }
0x129: {  	s6 =	simm.s32 $0xA80;
	[sflag:s0] =	ssyncadd.s32 $0xFFFFC000  }
0x12a: {  	[spmem:s11] =	stream.indirect.scatter.add.f32 [tilespmem:s29], [sflag:$0x3], $0x80, s6, s31, $0xb8;
	[tilespmem:$0x1CD00] =	vst v63  }
0x12b: {  	_ =	swait.ge [sflag:s24], $0x4000  }
0x12c: {  	[sflag:s24] =	ssyncset.done $0x0  }
0x12d: {  	s7 =	rddreg [dreg:$0x1a];
	[sflag:s24] =	ssyncadd.s32 $0xFFFFC000  }
0x12e: {  	[tilespmem:s29], [sflag:$0x2] =	stream.strided.gather [hbm4b:s7+s26], $0x4000, s28, s26, $0x38;
	[tilespmem:$0x1CD00] =	vst v63  }
0x12f: {  	_ =	swait.ge [sflag:s30], $0x4000  }
0x130: {  	[sflag:s30] =	ssyncset.done $0x0  }
0x131: {  	s8 =	simm.s32 $0xB00;
	[sflag:s30] =	ssyncadd.s32 $0xFFFFC000  }
0x132: {  	[spmem:s11] =	stream.indirect.scatter.add.f32 [tilespmem:s23], [sflag:$0x3], $0x80, s8, s31, $0xb8;
	[tilespmem:$0x1CD00] =	vst v63  }
0x133: {  	_ =	swait.ge [sflag:s24], $0x4000  }
0x134: {  	[sflag:s24] =	ssyncset.done $0x0  }
0x135: {  	s9 =	rddreg [dreg:$0x1b];
	[sflag:s24] =	ssyncadd.s32 $0xFFFFC000  }
0x136: {  	[tilespmem:s23], [sflag:$0x1] =	stream.strided.gather [hbm4b:s9+s26], $0x4000, s28, s26, $0x38;
	[tilespmem:$0x1CD00] =	vst v63  }
0x137: {  	_ =	swait.ge [sflag:s0], $0x4000  }
0x138: {  	[sflag:s0] =	ssyncset.done $0x0  }
0x139: {  	s6 =	simm.s32 $0xB80;
	[sflag:s0] =	ssyncadd.s32 $0xFFFFC000  }
0x13a: {  	[spmem:s11] =	stream.indirect.scatter.add.f32 [tilespmem:s29], [sflag:$0x3], $0x80, s6, s31, $0xb8;
	[tilespmem:$0x1CD00] =	vst v63  }
0x13b: {  	_ =	swait.ge [sflag:s24], $0x4000  }
0x13c: {  	[sflag:s24] =	ssyncset.done $0x0  }
0x13d: {  	s7 =	rddreg [dreg:$0x1c];
	[sflag:s24] =	ssyncadd.s32 $0xFFFFC000  }
0x13e: {  	[tilespmem:s29], [sflag:$0x2] =	stream.strided.gather [hbm4b:s7+s26], $0x4000, s28, s26, $0x38;
	[tilespmem:$0x1CD00] =	vst v63  }
0x13f: {  	_ =	swait.ge [sflag:s30], $0x4000  }
0x140: {  	[sflag:s30] =	ssyncset.done $0x0  }
0x141: {  	s8 =	simm.s32 $0xC00;
	[sflag:s30] =	ssyncadd.s32 $0xFFFFC000  }
0x142: {  	[spmem:s11] =	stream.indirect.scatter.add.f32 [tilespmem:s23], [sflag:$0x3], $0x80, s8, s31, $0xb8;
	[tilespmem:$0x1CD00] =	vst v63  }
0x143: {  	_ =	swait.ge [sflag:s24], $0x4000  }
0x144: {  	[sflag:s24] =	ssyncset.done $0x0  }
0x145: {  	s9 =	rddreg [dreg:$0x1d];
	[sflag:s24] =	ssyncadd.s32 $0xFFFFC000  }
0x146: {  	[tilespmem:s23], [sflag:$0x1] =	stream.strided.gather [hbm4b:s9+s26], $0x4000, s28, s26, $0x38;
	[tilespmem:$0x1CD00] =	vst v63  }
0x147: {  	_ =	swait.ge [sflag:s0], $0x4000  }
0x148: {  	[sflag:s0] =	ssyncset.done $0x0  }
0x149: {  	s6 =	simm.s32 $0xC80;
	[sflag:s0] =	ssyncadd.s32 $0xFFFFC000  }
0x14a: {  	[spmem:s11] =	stream.indirect.scatter.add.f32 [tilespmem:s29], [sflag:$0x3], $0x80, s6, s31, $0xb8;
	[tilespmem:$0x1CD00] =	vst v63  }
0x14b: {  	_ =	swait.ge [sflag:s24], $0x4000  }
0x14c: {  	[sflag:s24] =	ssyncset.done $0x0  }
0x14d: {  	s7 =	rddreg [dreg:$0x1e];
	[sflag:s24] =	ssyncadd.s32 $0xFFFFC000  }
0x14e: {  	[tilespmem:s29], [sflag:$0x2] =	stream.strided.gather [hbm4b:s7+s26], $0x4000, s28, s26, $0x38;
	[tilespmem:$0x1CD00] =	vst v63  }
0x14f: {  	_ =	swait.ge [sflag:s30], $0x4000  }
0x150: {  	[sflag:s30] =	ssyncset.done $0x0  }
0x151: {  	s8 =	simm.s32 $0xD00;
	[sflag:s30] =	ssyncadd.s32 $0xFFFFC000  }
0x152: {  	[spmem:s11] =	stream.indirect.scatter.add.f32 [tilespmem:s23], [sflag:$0x3], $0x80, s8, s31, $0xb8;
	[tilespmem:$0x1CD00] =	vst v63  }
0x153: {  	_ =	swait.ge [sflag:s24], $0x4000  }
0x154: {  	[sflag:s24] =	ssyncset.done $0x0  }
0x155: {  	s9 =	rddreg [dreg:$0x1f];
	[sflag:s24] =	ssyncadd.s32 $0xFFFFC000  }
0x156: {  	[tilespmem:s23], [sflag:$0x1] =	stream.strided.gather [hbm4b:s9+s26], $0x4000, s28, s26, $0x38;
	[tilespmem:$0x1CD00] =	vst v63  }
0x157: {  	_ =	swait.ge [sflag:s0], $0x4000  }
0x158: {  	[sflag:s0] =	ssyncset.done $0x0  }
0x159: {  	s6 =	simm.s32 $0xD80;
	[sflag:s0] =	ssyncadd.s32 $0xFFFFC000  }
0x15a: {  	[spmem:s11] =	stream.indirect.scatter.add.f32 [tilespmem:s29], [sflag:$0x3], $0x80, s6, s31, $0xb8;
	[tilespmem:$0x1CD00] =	vst v63  }
0x15b: {  	_ =	swait.ge [sflag:s24], $0x4000  }
0x15c: {  	s7 =	sld [smem:$0x7F3]  }
0x15d: {  	[sflag:s24] =	ssyncset.done $0x0  }
0x15e: {  	[sflag:s24] =	ssyncadd.s32 $0xFFFFC000  }
0x15f: {  	[tilespmem:s29], [sflag:$0x2] =	stream.strided.gather [hbm4b:s7+s26], $0x4000, s28, s26, $0x38;
	[tilespmem:$0x1CD00] =	vst v63  }
0x160: {  	_ =	swait.ge [sflag:s30], $0x4000  }
0x161: {  	[sflag:s30] =	ssyncset.done $0x0  }
0x162: {  	s8 =	simm.s32 $0xE00;
	[sflag:s30] =	ssyncadd.s32 $0xFFFFC000  }
0x163: {  	[spmem:s11] =	stream.indirect.scatter.add.f32 [tilespmem:s23], [sflag:$0x3], $0x80, s8, s31, $0xb8;
	[tilespmem:$0x1CD00] =	vst v63  }
0x164: {  	_ =	swait.ge [sflag:s24], $0x4000  }
0x165: {  	s9 =	sld [smem:$0x7F4]  }
0x166: {  	[sflag:s24] =	ssyncset.done $0x0  }
0x167: {  	[sflag:s24] =	ssyncadd.s32 $0xFFFFC000  }
0x168: {  	[tilespmem:s23], [sflag:$0x1] =	stream.strided.gather [hbm4b:s9+s26], $0x4000, s28, s26, $0x38;
	[tilespmem:$0x1CD00] =	vst v63  }
0x169: {  	_ =	swait.ge [sflag:s0], $0x4000  }
0x16a: {  	[sflag:s0] =	ssyncset.done $0x0  }
0x16b: {  	s6 =	simm.s32 $0xE80;
	[sflag:s0] =	ssyncadd.s32 $0xFFFFC000  }
0x16c: {  	[spmem:s11] =	stream.indirect.scatter.add.f32 [tilespmem:s29], [sflag:$0x3], $0x80, s6, s31, $0xb8;
	[tilespmem:$0x1CD00] =	vst v63  }
0x16d: {  	_ =	swait.ge [sflag:s24], $0x4000  }
0x16e: {  	s7 =	sld [smem:$0x7F5]  }
0x16f: {  	[sflag:s24] =	ssyncset.done $0x0  }
0x170: {  	[sflag:s24] =	ssyncadd.s32 $0xFFFFC000  }
0x171: {  	[tilespmem:s29], [sflag:$0x2] =	stream.strided.gather [hbm4b:s7+s26], $0x4000, s28, s26, $0x38;
	[tilespmem:$0x1CD00] =	vst v63  }
0x172: {  	_ =	swait.ge [sflag:s30], $0x4000  }
0x173: {  	[sflag:s30] =	ssyncset.done $0x0  }
0x174: {  	s8 =	simm.s32 $0xF00;
	[sflag:s30] =	ssyncadd.s32 $0xFFFFC000  }
0x175: {  	[spmem:s11] =	stream.indirect.scatter.add.f32 [tilespmem:s23], [sflag:$0x3], $0x80, s8, s31, $0xb8;
	[tilespmem:$0x1CD00] =	vst v63  }
0x176: {  	_ =	swait.ge [sflag:s24], $0x4000  }
0x177: {  	s9 =	sld [smem:$0x7F6]  }
0x178: {  	[sflag:s24] =	ssyncset.done $0x0  }
0x179: {  	[sflag:s24] =	ssyncadd.s32 $0xFFFFC000  }
0x17a: {  	[tilespmem:s23], [sflag:$0x1] =	stream.strided.gather [hbm4b:s9+s26], $0x4000, s28, s26, $0x38;
	[tilespmem:$0x1CD00] =	vst v63  }
0x17b: {  	_ =	swait.ge [sflag:s0], $0x4000  }
0x17c: {  	[sflag:s0] =	ssyncset.done $0x0  }
0x17d: {  	s6 =	simm.s32 $0xF80;
	[sflag:s0] =	ssyncadd.s32 $0xFFFFC000  }
0x17e: {  	[spmem:s11] =	stream.indirect.scatter.add.f32 [tilespmem:s29], [sflag:$0x3], $0x80, s6, s31, $0xb8;
	[tilespmem:$0x1CD00] =	vst v63  }
0x17f: {  	_ =	swait.ge [sflag:s24], $0x4000  }
0x180: {  	s7 =	sld [smem:$0x7F7]  }
0x181: {  	[sflag:s24] =	ssyncset.done $0x0  }
0x182: {  	[sflag:s24] =	ssyncadd.s32 $0xFFFFC000  }
0x183: {  	[tilespmem:s29], [sflag:$0x2] =	stream.strided.gather [hbm4b:s7+s26], $0x4000, s28, s26, $0x38;
	[tilespmem:$0x1CD00] =	vst v63  }
0x184: {  	_ =	swait.ge [sflag:s30], $0x4000  }
0x185: {  	[sflag:s30] =	ssyncset.done $0x0  }
0x186: {  	s8 =	simm.s32 $0x1000;
	[sflag:s30] =	ssyncadd.s32 $0xFFFFC000  }
0x187: {  	[spmem:s11] =	stream.indirect.scatter.add.f32 [tilespmem:s23], [sflag:$0x3], $0x80, s8, s31, $0xb8;
	[tilespmem:$0x1CD00] =	vst v63  }
0x188: {  	_ =	swait.ge [sflag:s24], $0x4000  }
0x189: {  	s9 =	sld [smem:$0x7F8]  }
0x18a: {  	[sflag:s24] =	ssyncset.done $0x0  }
0x18b: {  	[sflag:s24] =	ssyncadd.s32 $0xFFFFC000  }
0x18c: {  	[tilespmem:s23], [sflag:$0x1] =	stream.strided.gather [hbm4b:s9+s26], $0x4000, s28, s26, $0x38;
	[tilespmem:$0x1CD00] =	vst v63  }
0x18d: {  	_ =	swait.ge [sflag:s0], $0x4000  }
0x18e: {  	[sflag:s0] =	ssyncset.done $0x0  }
0x18f: {  	s6 =	simm.s32 $0x1080;
	[sflag:s0] =	ssyncadd.s32 $0xFFFFC000  }
0x190: {  	[spmem:s11] =	stream.indirect.scatter.add.f32 [tilespmem:s29], [sflag:$0x3], $0x80, s6, s31, $0xb8;
	[tilespmem:$0x1CD00] =	vst v63  }
0x191: {  	_ =	swait.ge [sflag:s24], $0x4000  }
0x192: {  	s7 =	sld [smem:$0x7F9]  }
0x193: {  	[sflag:s24] =	ssyncset.done $0x0  }
0x194: {  	[sflag:s24] =	ssyncadd.s32 $0xFFFFC000  }
0x195: {  	[tilespmem:s29], [sflag:$0x2] =	stream.strided.gather [hbm4b:s7+s26], $0x4000, s28, s26, $0x38;
	[tilespmem:$0x1CD00] =	vst v63  }
0x196: {  	_ =	swait.ge [sflag:s30], $0x4000  }
0x197: {  	[sflag:s30] =	ssyncset.done $0x0  }
0x198: {  	s8 =	simm.s32 $0x1100;
	[sflag:s30] =	ssyncadd.s32 $0xFFFFC000  }
0x199: {  	[spmem:s11] =	stream.indirect.scatter.add.f32 [tilespmem:s23], [sflag:$0x3], $0x80, s8, s31, $0xb8;
	[tilespmem:$0x1CD00] =	vst v63  }
0x19a: {  	_ =	swait.ge [sflag:s24], $0x4000  }
0x19b: {  	s9 =	sld [smem:$0x7FA]  }
0x19c: {  	[sflag:s24] =	ssyncset.done $0x0  }
0x19d: {  	[sflag:s24] =	ssyncadd.s32 $0xFFFFC000  }
0x19e: {  	[tilespmem:s23], [sflag:$0x1] =	stream.strided.gather [hbm4b:s9+s26], $0x4000, s28, s26, $0x38;
	[tilespmem:$0x1CD00] =	vst v63  }
0x19f: {  	_ =	swait.ge [sflag:s0], $0x4000  }
0x1a0: {  	[sflag:s0] =	ssyncset.done $0x0  }
0x1a1: {  	s6 =	simm.s32 $0x1180;
	[sflag:s0] =	ssyncadd.s32 $0xFFFFC000  }
0x1a2: {  	[spmem:s11] =	stream.indirect.scatter.add.f32 [tilespmem:s29], [sflag:$0x3], $0x80, s6, s31, $0xb8;
	[tilespmem:$0x1CD00] =	vst v63  }
0x1a3: {  	_ =	swait.ge [sflag:s24], $0x4000  }
0x1a4: {  	s7 =	sld [smem:$0x7FB]  }
0x1a5: {  	[sflag:s24] =	ssyncset.done $0x0  }
0x1a6: {  	[sflag:s24] =	ssyncadd.s32 $0xFFFFC000  }
0x1a7: {  	[tilespmem:s29], [sflag:$0x2] =	stream.strided.gather [hbm4b:s7+s26], $0x4000, s28, s26, $0x38;
	[tilespmem:$0x1CD00] =	vst v63  }
0x1a8: {  	_ =	swait.ge [sflag:s30], $0x4000  }
0x1a9: {  	[sflag:s30] =	ssyncset.done $0x0  }
0x1aa: {  	s8 =	simm.s32 $0x1200;
	[sflag:s30] =	ssyncadd.s32 $0xFFFFC000  }
0x1ab: {  	[spmem:s11] =	stream.indirect.scatter.add.f32 [tilespmem:s23], [sflag:$0x3], $0x80, s8, s31, $0xb8;
	[tilespmem:$0x1CD00] =	vst v63  }
0x1ac: {  	_ =	swait.ge [sflag:s24], $0x4000  }
0x1ad: {  	s9 =	sld [smem:$0x7FC]  }
0x1ae: {  	[sflag:s24] =	ssyncset.done $0x0  }
0x1af: {  	[sflag:s24] =	ssyncadd.s32 $0xFFFFC000  }
0x1b0: {  	[tilespmem:s23], [sflag:$0x1] =	stream.strided.gather [hbm4b:s9+s26], $0x4000, s28, s26, $0x38;
	[tilespmem:$0x1CD00] =	vst v63  }
0x1b1: {  	_ =	swait.ge [sflag:s0], $0x4000  }
0x1b2: {  	[sflag:s0] =	ssyncset.done $0x0  }
0x1b3: {  	s6 =	simm.s32 $0x1280;
	[sflag:s0] =	ssyncadd.s32 $0xFFFFC000  }
0x1b4: {  	[spmem:s11] =	stream.indirect.scatter.add.f32 [tilespmem:s29], [sflag:$0x3], $0x80, s6, s31, $0xb8;
	[tilespmem:$0x1CD00] =	vst v63  }
0x1b5: {  	_ =	swait.ge [sflag:s24], $0x4000  }
0x1b6: {  	[sflag:s24] =	ssyncset.done $0x0  }
0x1b7: {  	[sflag:s24] =	ssyncadd.s32 $0xFFFFC000  }
0x1b8: {  	_ =	swait.ge [sflag:s30], $0x4000  }
0x1b9: {  	[sflag:s30] =	ssyncset.done $0x0  }
0x1ba: {  	s7 =	simm.s32 $0x1300;
	[sflag:s30] =	ssyncadd.s32 $0xFFFFC000  }
0x1bb: {  	[spmem:s11] =	stream.indirect.scatter.add.f32 [tilespmem:s23], [sflag:$0x3], $0x80, s7, s31, $0xb8;
	[tilespmem:$0x1CD00] =	vst v63  }
0x1bc: {  	_ =	swait.ge [sflag:s24], $0x4000  }
0x1bd: {  	s8 =	sld [smem:$0x7FD]  }
0x1be: {  	[sflag:s24] =	ssyncset.done $0x0  }
0x1bf: {  	[sflag:s24] =	ssyncadd.s32 $0xFFFFC000  }
0x1c0: {  	[tilespmem:s23], [sflag:$0x3] =	stream.linear.gather [hbm4b:s8+s10], $0x400, $0x38;
	[tilespmem:$0x1CD00] =	vst v63  }
0x1c1: {  	_ =	swait.ge [sflag:s24], $0x400  }
0x1c2: {  	[sflag:s24] =	ssyncset.done $0x0  }
0x1c3: {  	[sflag:s24] =	ssyncadd.s32 $0xFFFFFC00  }
0x1c4: {  	[spmem:s11] =	stream.indirect.scatter.add.f32 [tilespmem:s23], [sflag:$0x3], $0x80, s25, s2, $0xb8;
	[tilespmem:$0x1CD00] =	vst v63  }
0x1c5: {  	_ =	swait.ge [sflag:s24], $0x400  }
0x1c6: {  	s9 =	stileid.u32;
	[sflag:s24] =	ssyncset.done $0x0  }
0x1c7: {  	s3 =	sadd.s32 $0x1, s3;
	s5 =	sshll.u32 s9, $0x6;
	[sflag:s24] =	ssyncadd.s32 $0xFFFFFC00  }
0x1c8: {  	s5 =	sor.u32 $0x1C03, s5;
	s6 =	sshrl.u32 s13, $0x3;
	[bflag:$0x0] =	sbarrier.arrive $0xFFFF  }
0x1c9: {  	[hbm:s12@s1], [sflag:s5] =	dma.strided [spmem:s6@s31], $0x2700, s2, $0x10   }
0x1ca: {  	p1 =	sne.s32 s3, s17;
	s9 =	simm.s32 @!p0 $0x80;
	_ =	swait.ge [sflag:s24], $0x2700  }
0x1cb: {  	s7 =	simm.s32 @!p0 $0x8;
	s8 =	simm.s32 @!p0 $0x100;
	[sflag:s24] =	ssyncset.done $0x0  }
.Ltmp1:
0x1cc: {  	s6 =	sshrl.u32 @!p0 s22, $0x3;
	[sflag:s24] =	ssyncadd.s32 $0xFFFFD900;
	(pc) =	sbr.rel @p1 .LBB2_1-.Ltmp1, $4  }
0x1cd: {  	[hbm:s16@s8], [sflag:s5] =	dma.strided @!p0 [spmem:s6@s9], $0x100, s7, $0x10   }
0x1ce: {  	_ =	swait.ge @!p0 [sflag:s4], $0x100  }
0x1cf: {  	[sflag:s4] =	ssyncset.done @!p0 $0x0  }
0x1d0: {  	[sflag:s4] =	ssyncadd.s32 @!p0 $0xFFFFFF00  }
0x1d1: {  	_ =	sfence.sel $0x180000  }
0x1d2: {  	[bflag:$0x0] =	sbarrier.arrive $0xFFFF  }
0x1d3: {  	_ =	strace $0x9000004A  }
0x1d4: {  	s0 =	stileid.u32;
	[bflag:$0x2] =	sbarrier.arrive $0xFFFF  }
0x1d5: {  	p0 =	sne.s32 s0, $0x0;
	s0 =	rddreg [dreg:$0x2]  }
0x1d6: {  	s0 =	sadd.s32 @!p0 $0x100000, s0  }
0x1d7: {  	[sflag:s0] =	ssyncadd.tile.s32 @!p0 $0x1;
	_ =	shalt  }
.Lfunc_end2:
_tile_overlayer_lowered:
.L_overlay_start_2:
0x1d8: {  	(tag) =	ssettag $0x2  }
0x1d9: {  	s0 =	rddreg [dreg:$0x0];
	s2 =	stileid.u32  }
0x1da: {  	s1 =	rddreg [dreg:$0x1];
	p0 =	sne.s32 s2, $0x0  }
0x1db: {  	s3 =	rddreg [dreg:$0x2];
	[bflag:$0x3] =	sbarrier.arrive $0xFFFF;
	s2 =	simm.s32 @!p0 $0x1C03  }
0x1dc: {  	[timem:s3], [sflag:s2] =	dma.local @!p0 [hbm:s0], s1  }
0x1dd: {  	s0 =	simm.s32 @!p0 $0x3  }
0x1de: {  	_ =	swait.ge @!p0 [sflag:s0], s1  }
0x1df: {  	s1 =	ssub.s32 @!p0 $0x0, s1;
	[sflag:s0] =	ssyncset.done @!p0 $0x0  }
0x1e0: {  	[sflag:s0] =	ssyncadd.s32 @!p0 s1  }
0x1e1: {  	[bflag:$0x3] =	sbarrier.arrive $0xFFFF  }
0x1e2: {  	_ =	shalt  }

// kernel: kernel.7.cloned.1.call-start
scs
__scs_entry_jumppad:
0x0: {  	(pc) =	sbr.rel $0x88, $3  }
0x1: {  	(tag) =	ssettag $0x0;
	lr =	simm.s32 $0x1  }
0x2: {  	[smem:$0x3F95] =	sst lr;
	_ =	strace $0xD0000000  }
0x3: {  	_ = 	snop  }
0x4: {  	_ = 	snop  }
0x5: {  	_ = 	snop  }
0x6: {  	_ = 	snop  }
0x7: {  	_ = 	snop  }
__scs_overlays_trampoline_lowered:
0x8: {  	[smem:$0x3FA4] =	sst s0  }
0x9: {  	[smem:$0x3FA5] =	sst s1  }
0xa: {  	[smem:$0x3FA6] =	sst s2  }
0xb: {  	[smem:$0x3FA7] =	sst s3  }
0xc: {  	[smem:$0x3FA8] =	sst s4  }
0xd: {  	[smem:$0x3FA9] =	sst s5  }
0xe: {  	[smem:$0x3FAA] =	sst s6  }
0xf: {  	[smem:$0x3FAB] =	sst s7  }
0x10: {  	[smem:$0x3FAC] =	sst s8  }
0x11: {  	[smem:$0x3FAD] =	sst s9;
	s0 =	simm.s32 @!p0 $0x0  }
0x12: {  	s1 =	sld [smem:$0x3F93];
	s0 =	simm.s32 @p0 $0x1  }
0x13: {  	[smem:$0x3FAE] =	sst s0;
	s0 =	simm.s32 @!p1 $0x0  }
0x14: {  	s2 =	sld [smem:$0x3F92];
	s0 =	simm.s32 @p1 $0x1  }
0x15: {  	[smem:$0x3FAF] =	sst s0;
	s0 =	simm.s32 @!p2 $0x0  }
0x16: {  	s3 =	sld [smem:$0x3FDB];
	s0 =	simm.s32 @p2 $0x1  }
0x17: {  	s4 =	simm.s32 $0x1BF5;
	[smem:$0x3FB1] =	sst s0  }
0x18: {  	s0 =	sld [smem:$0x3F94];
	_ =	swait.ge [sflag:s4], $0x0  }
0x19: {  	s7 =	sld [smem:$0x3F95]  }
0x1a: {  	s8 =	sadd.s32 $0xFFFFE003, lr  }
0x1b: {  	s9 =	sadd.s32 $0xFFFFFEF7, lr;
	s5 =	simm.s32 $0xFFFFFFFF;
	p2 =	slt.u32 s8, $0xFFFFF086  }
0x1c: {  	p1 =	slt.u32 s9, $0xF7A;
	s5 =	simm.s32 @!p2 $0x0  }
0x1d: {  	s5 =	simm.s32 @p1 $0x1;
	p0 =	seq.s32 s7, s2  }
0x1e: {  	s7 =	smul.u32 @!p0 $0xF7A, s2;
	p2 =	seq.s32 @!p0 s5, $0x0  }
0x1f: {  	s9 =	smul.u32 $0xF7A, s1;
	s8 =	simm.s32 @!p0 $0x1BF5;
	p2 =	por !p2, p0  }
0x20: {  	[sflag:s8] =	ssyncset.s32 @!p0 $0xFFFFF086;
	s6 =	sadd.s32 @!p0 s3, s7;
	s7 =	simm.s32 @!p0 $0x108  }
0x21: {  	s3 =	sadd.s32 s3, s9;
	s6 =	sadd.s32 @!p0 $0x88, s6;
	s7 =	simm.s32 @p2 $0x1082  }
0x22: {  	[simem:s7], [sflag:s8] =	dma.local @!p0 [hbm:s6], $0xF7A  }
0x23: {  	s9 =	sor.u32 $0xD0000000, s2;
	s6 =	simm.s32 $0x108;
	_ =	swait.ge @!p0 [sflag:s8], $0x0  }
0x24: {  	s3 =	sadd.s32 $0x88, s3;
	s6 =	simm.s32 @!p1 $0x1082;
	[sflag:s4] =	ssyncset.s32 $0xFFFFF086  }
0x25: {  	[simem:s6], [sflag:s4] =	dma.local [hbm:s3], $0xF7A  }
0x26: {  	[smem:$0x3F95] =	sst s1;
	(tag) =	ssettag s2;
	_ =	strace s9  }
0x27: {  	s1 =	sld [smem:$0x3FA5]  }
0x28: {  	s2 =	sld [smem:$0x3FA6]  }
0x29: {  	s4 =	sld [smem:$0x3FA8]  }
0x2a: {  	p0 =	seq.s32 s5, $0x0;
	s5 =	sld [smem:$0x3FA9]  }
0x2b: {  	s6 =	sld [smem:$0x3FAA]  }
0x2c: {  	s7 =	sld [smem:$0x3FAB]  }
0x2d: {  	s3 =	simm.s32 $0x108;
	s8 =	sld [smem:$0x3FAC]  }
0x2e: {  	s3 =	simm.s32 @!p0 $0x1082;
	s9 =	sld [smem:$0x3FAD]  }
0x2f: {  	lr =	sadd.s32 s0, s3;
	s0 =	sld [smem:$0x3FA4]  }
0x30: {  	s3 =	sld [smem:$0x3FA7]  }
0x31: {  	[smem:$0x3FB0] =	sst s10  }
0x32: {  	s10 =	sld [smem:$0x3FAE];
	_ =	sdelay $0x3  }
0x33: {  	p0 =	seq.s32 s10, $0x1;
	s10 =	sld [smem:$0x3FB0];
	_ =	sdelay $0x3  }
0x34: {  	[smem:$0x3FB0] =	sst s10  }
0x35: {  	s10 =	sld [smem:$0x3FAF];
	_ =	sdelay $0x3  }
0x36: {  	p1 =	seq.s32 s10, $0x1;
	s10 =	sld [smem:$0x3FB0];
	_ =	sdelay $0x3  }
0x37: {  	[smem:$0x3FB0] =	sst s10  }
0x38: {  	s10 =	sld [smem:$0x3FB1]  }
0x39: {  	_ = 	snop;
	(pc) =	sbr.ind lr, $3  }
0x3a: {  	_ = 	snop  }
0x3b: {  	_ = 	snop  }
0x3c: {  	p2 =	seq.s32 s10, $0x1;
	s10 =	sld [smem:$0x3FB0]  }
0x3d: {  	_ =	shalt  }
0x3e: {  	_ =	shalt  }
0x3f: {  	_ =	shalt  }
0x40: {  	_ =	shalt  }
0x41: {  	_ =	shalt  }
0x42: {  	_ =	shalt  }
0x43: {  	_ =	shalt  }
0x44: {  	_ =	shalt  }
0x45: {  	_ =	shalt  }
0x46: {  	_ =	shalt  }
0x47: {  	_ =	shalt  }
0x48: {  	_ =	shalt  }
0x49: {  	_ =	shalt  }
0x4a: {  	_ =	shalt  }
0x4b: {  	_ =	shalt  }
0x4c: {  	_ =	shalt  }
0x4d: {  	_ =	shalt  }
0x4e: {  	_ =	shalt  }
0x4f: {  	_ =	shalt  }
0x50: {  	_ =	shalt  }
0x51: {  	_ =	shalt  }
0x52: {  	_ =	shalt  }
0x53: {  	_ =	shalt  }
0x54: {  	_ =	shalt  }
0x55: {  	_ =	shalt  }
0x56: {  	_ =	shalt  }
0x57: {  	_ =	shalt  }
0x58: {  	_ =	shalt  }
0x59: {  	_ =	shalt  }
0x5a: {  	_ =	shalt  }
0x5b: {  	_ =	shalt  }
0x5c: {  	_ =	shalt  }
0x5d: {  	_ =	shalt  }
0x5e: {  	_ =	shalt  }
0x5f: {  	_ =	shalt  }
0x60: {  	_ =	shalt  }
0x61: {  	_ =	shalt  }
0x62: {  	_ =	shalt  }
0x63: {  	_ =	shalt  }
0x64: {  	_ =	shalt  }
0x65: {  	_ =	shalt  }
0x66: {  	_ =	shalt  }
0x67: {  	_ =	shalt  }
0x68: {  	_ =	shalt  }
0x69: {  	_ =	shalt  }
0x6a: {  	_ =	shalt  }
0x6b: {  	_ =	shalt  }
0x6c: {  	_ =	shalt  }
0x6d: {  	_ =	shalt  }
0x6e: {  	_ =	shalt  }
0x6f: {  	_ =	shalt  }
0x70: {  	_ =	shalt  }
0x71: {  	_ =	shalt  }
0x72: {  	_ =	shalt  }
0x73: {  	_ =	shalt  }
0x74: {  	_ =	shalt  }
0x75: {  	_ =	shalt  }
0x76: {  	_ =	shalt  }
0x77: {  	_ =	shalt  }
0x78: {  	_ =	shalt  }
0x79: {  	_ =	shalt  }
0x7a: {  	_ =	shalt  }
0x7b: {  	_ =	shalt  }
0x7c: {  	_ =	shalt  }
0x7d: {  	_ =	shalt  }
0x7e: {  	_ =	shalt  }
0x7f: {  	_ =	shalt  }
0x80: {  	_ =	shalt  }
0x81: {  	_ =	shalt  }
0x82: {  	_ =	shalt  }
0x83: {  	_ =	shalt  }
0x84: {  	_ =	shalt  }
0x85: {  	_ =	shalt  }
0x86: {  	_ =	shalt  }
0x87: {  	_ =	shalt  }
.Lfunc_end0:
.L_simem_size_0:
called_computation_lowered:
.L_overlay_start_0:
0x88: {  	s2 =	sld [smem:$0x3FD9]  }
0x89: {  	s3 =	sld [smem:$0x3FFE];
	_ =	sdelay $0x1  }
0x8a: {  	s1 =	srdreg.scid  }
0x8b: {  	s0 =	sand.u32 $0x1, s1  }
0x8c: {  	s14 =	sshll.u32 s0, $0xA;
	s2 =	sadd.s32 s3, s2  }
0x8d: {  	s2 =	sadd.s32 s2, s14  }
0x8e: {  	[smem:$0x3FBC] =	sst s2  }
0x8f: {  	_ = 	snop  }
0x90: {  	s2 =	sld [smem:$0x3FD0];
	_ =	sdelay $0x2  }
0x91: {  	s15 =	simm.s32 $0xB;
	s4 =	simm.s32 $0x10  }
0x92: {  	[smem:s4], [sflag:s15] =	dma.local [hbm:s2], $0x1  }
0x93: {  	_ =	swait.eq [sflag:s15], $0x1  }
0x94: {  	[sflag:s15] =	ssyncset.done $0x0  }
0x95: {  	[sflag:s15] =	ssyncadd.s32 $0xFFFFFFFF  }
0x96: {  	s16 =	sld [smem:$0x10];
	(tm) =	ssettm $0x1  }
0x97: {  	s17 =	sld [smem:$0x3FFB];
	_ =	sdelay $0x3  }
0x98: {  	_ =	strace s17  }
0x99: {  	s3 =	sld [smem:$0x3FFC];
	_ =	sdelay $0x3  }
0x9a: {  	_ =	strace s3  }
0x9b: {  	s3 =	sld [smem:$0x3FFD];
	_ =	sdelay $0x3  }
0x9c: {  	_ =	strace s3  }
0x9d: {  	_ =	strace $0x8FFFFFFF  }
0x9e: {  	s18 =	sld [smem:$0x3FDB];
	_ =	sdelay $0x1  }
0x9f: {  	s19 =	simm.s32 $_scs_section_size  }
0xa0: {  	s5 =	simm.s32 $_size__tile_overlayer_lowered;
	s6 =	simm.s32 $_tile_overlayer_lowered  }
0xa1: {  	s22 =	simm.s32 $0x1BFF;
	s21 =	sshll.u32 s6, $0x1;
	s3 =	sadd.s32 s19, s18  }
0xa2: {  	s7 =	simm.s32 $0x0;
	s20 =	sshll.u32 s5, $0x1;
	s5 =	sadd.s32 s21, s3  }
0xa3: {  	[timem:s7], [sflag:s22] =	dma.local [hbm:s5], s20  }
0xa4: {  	_ =	swait.ge [sflag:s22], s20  }
0xa5: {  	s4 =	ssub.s32 $0x0, s20;
	[sflag:s22] =	ssyncset.done $0x0  }
0xa6: {  	[sflag:s22] =	ssyncadd.s32 s4;
	_ =	sdelay $0x1  }
0xa7: {  	s23 =	simm.s32 $0x1B8B  }
0xa8: {  	_ =	swait.ge [sflag:s23], $0x1  }
0xa9: {  	[sflag:s23] =	ssyncset.done $0x0  }
0xaa: {  	s25 =	simm.s32 $0x1B8E;
	s24 =	sld [smem:$0x3FFE];
	[sflag:s23] =	ssyncadd.s32 $0xFFFFFFFF  }
0xab: {  	s26 =	simm.s32 $execute0_lowered;
	[smem:$0x3FD2] =	sst s25  }
0xac: {  	s5 =	sshll.u32 s26, $0x1;
	_ =	strace $0x80000046;
	[dreg:$0x1] =	wrdreg $0xFFFFFFFF  }
0xad: {  	s28 =	simm.s32 $_size_execute0_lowered;
	s3 =	sadd.s32 s3, s5;
	[dreg:$0x0] =	wrdreg $0x0  }
0xae: {  	s5 =	sshll.u32 s28, $0x1;
	[dreg:$0x2] =	wrdreg s3  }
0xaf: {  	[dreg:$0x3] =	wrdreg s5  }
0xb0: {  	[dreg:$0x4] =	wrdreg $0xC0  }
0xb1: {  	_ =	task [dreg:s7], $0x5FFFF  }
0xb2: {  	[dreg:$0x1] =	wrdreg $0xFFFFFFFF  }
0xb3: {  	[dreg:$0x0] =	wrdreg $0x60  }
0xb4: {  	[dreg:$0x2] =	wrdreg s24  }
0xb5: {  	[dreg:$0x3] =	wrdreg s16  }
0xb6: {  	[dreg:$0x4] =	wrdreg $0x94800  }
0xb7: {  	[dreg:$0x5] =	wrdreg $0x9  }
0xb8: {  	_ =	task.clear_ibuf [dreg:s7], $0x6FFFF;
	_ =	strace $0x90000046  }
0xb9: {  	s29 =	simm.s32 $0x9;
	_ =	strace $0x80000048  }
0xba: {  	_ =	swait.ge [sflag:s29], $0x1  }
0xbb: {  	[sflag:s29] =	ssyncadd.s32 $0xFFFFFFFF  }
0xbc: {  	_ =	strace $0x90000048  }
0xbd: {  	_ =	sfence  }
0xbe: {  	s30 =	sld [smem:$0x0];
	_ =	sdelay $0x2  }
0xbf: {  	s31 =	sshll.u32 s1, $0xD;
	s1 =	sshrl.u32 s1, $0x2  }
0xc0: {  	s3 =	sand.u32 $0x4000, s31;
	s1 =	sadd.s32 s1, s30  }
0xc1: {  	s0 =	sor.u32 s3, s0;
	s1 =	sshll.u32 s1, $0x11  }
0xc2: {  	s0 =	sor.u32 s1, s0  }
0xc3: {  	s0 =	sadd.s32 $0x8F2B, s0  }
0xc4: {  	[sflag:s0] =	ssyncadd.remote.s32 $0x1  }
0xc5: {  	_ =	sfence.sel $0xFFFF  }
0xc6: {  	[dreg:$0x0] =	wrdreg $0xFFFFFFFF;
	(pc) =	sbr.abs _section_cstart, $3  }
0xc7: {  	[dreg:$0x1] =	wrdreg $0xFFFFFFFF  }
0xc8: {  	_ =	task.clear_ibuf [dreg:s7], $0x2FFFF;
	_ =	strace $0x9FFFFFFF  }
0xc9: {  	(tm) =	ssettm $0x7FFFFFFF  }
tec
execute0_lowered:
.L_overlay_start_1:
0x0: {  	(tag) =	ssettag $0x1  }
0x1: {  	s18 =	stileid.u32  }
0x2: {  	s0 =	srdreg.scid;
	s2 =	rddreg [dreg:$0x0]  }
0x3: {  	s6 =	rddreg [dreg:$0x1];
	s28 =	simm.s32 $0x800;
	s29 =	simm.s32 $0x5480  }
0x4: {  	s30 =	simm.s32 $0x1;
	s31 =	simm.s32 $0x80;
	s0 =	sand.u32 $0x1, s0  }
0x5: {  	s1 =	smul.u32 $0x138800, s18;
	s4 =	sadd.s32 $0x275000, s2;
	s14 =	sshll.u32 s18, $0x4  }
0x6: {  	p0 =	sne.s32 s18, $0xF;
	s5 =	ssub.s32 $0x2, s0;
	s3 =	sshll.u32 s0, $0xA  }
0x7: {  	s6 =	sadd.s32 s6, s14;
	s0 =	sshll.u32 s0, $0x7;
	s7 =	sshrl.u32 s5, $0x1  }
0x8: {  	s9 =	sor.u32 s3, s1;
	[dreg:$0x4] =	wrdreg s6;
	s1 =	ssub.s32 s5, s7  }
0x9: {  	s13 =	sadd.s32 $0x8000, s9;
	s8 =	sshrl.u32 s9, $0x3;
	s16 =	sadd.s32 $0x10000, s9  }
0xa: {  	s17 =	sadd.s32 $0x18000, s9;
	s19 =	sadd.s32 $0x20000, s9;
	s22 =	sadd.s32 $0x28000, s9  }
0xb: {  	s23 =	sadd.s32 $0x30000, s9;
	s24 =	sadd.s32 $0x38000, s9;
	s12 =	sadd.s32 $0x58000, s9  }
0xc: {  	s14 =	sadd.s32 $0x68000, s9;
	s5 =	sshrl.u32 s13, $0x3;
	s15 =	sadd.s32 s4, s8  }
0xd: {  	s6 =	sshrl.u32 s17, $0x3;
	s7 =	sshrl.u32 s19, $0x3;
	s8 =	sadd.s32 $0x50000, s9  }
0xe: {  	s13 =	sadd.s32 $0x60000, s9;
	s17 =	sadd.s32 $0x70000, s9;
	s19 =	sadd.s32 $0x78000, s9  }
0xf: {  	[dreg:$0x5] =	wrdreg s15;
	s5 =	sadd.s32 s4, s5;
	s20 =	sadd.s32 s4, s6  }
0x10: {  	s21 =	sadd.s32 s4, s7;
	s6 =	sshrl.u32 s23, $0x3;
	[dreg:$0x6] =	wrdreg s5  }
0x11: {  	s7 =	sshrl.u32 s24, $0x3;
	s23 =	sadd.s32 $0x88000, s9;
	[dreg:$0x8] =	wrdreg s20  }
0x12: {  	s24 =	sadd.s32 $0x90000, s9;
	s5 =	sshrl.u32 s16, $0x3;
	[dreg:$0x9] =	wrdreg s21  }
0x13: {  	s25 =	sadd.s32 s4, s6;
	s26 =	sadd.s32 s4, s7;
	s6 =	sadd.s32 $0x40000, s9  }
0x14: {  	s7 =	sadd.s32 $0x48000, s9;
	s5 =	sadd.s32 s4, s5;
	[dreg:$0xb] =	wrdreg s25  }
0x15: {  	s20 =	sadd.s32 $0x80000, s9;
	[dreg:$0x7] =	wrdreg s5;
	s5 =	sshrl.u32 s22, $0x3  }
0x16: {  	[dreg:$0xc] =	wrdreg s26;
	s25 =	sadd.s32 $0x98000, s9;
	s5 =	sadd.s32 s4, s5  }
0x17: {  	[dreg:$0xa] =	wrdreg s5;
	s5 =	sshrl.u32 s6, $0x3;
	s6 =	sshrl.u32 s7, $0x3  }
0x18: {  	s7 =	sshrl.u32 s8, $0x3;
	s8 =	sadd.s32 $0xA8000, s9;
	s5 =	sadd.s32 s4, s5  }
0x19: {  	s10 =	sadd.s32 s4, s6;
	s11 =	sadd.s32 s4, s7;
	[dreg:$0xd] =	wrdreg s5  }
0x1a: {  	s6 =	sshrl.u32 s13, $0x3;
	s7 =	sshrl.u32 s14, $0x3;
	[dreg:$0xe] =	wrdreg s10  }
0x1b: {  	s13 =	sadd.s32 $0xB8000, s9;
	s14 =	sadd.s32 $0xC0000, s9;
	[dreg:$0xf] =	wrdreg s11  }
0x1c: {  	s5 =	sshrl.u32 s12, $0x3;
	s15 =	sadd.s32 s4, s6;
	s16 =	sadd.s32 s4, s7  }
0x1d: {  	s6 =	sshrl.u32 s19, $0x3;
	s7 =	sshrl.u32 s20, $0x3;
	s10 =	sadd.s32 $0xB0000, s9  }
0x1e: {  	s19 =	sadd.s32 $0xD0000, s9;
	s20 =	sadd.s32 $0xD8000, s9;
	[dreg:$0x11] =	wrdreg s15  }
0x1f: {  	s5 =	sadd.s32 s4, s5;
	[dreg:$0x12] =	wrdreg s16;
	s21 =	sadd.s32 s4, s6  }
0x20: {  	s22 =	sadd.s32 s4, s7;
	s6 =	sshrl.u32 s24, $0x3;
	s7 =	sshrl.u32 s25, $0x3  }
0x21: {  	s15 =	sadd.s32 $0xC8000, s9;
	s24 =	sadd.s32 $0xE8000, s9;
	[dreg:$0x10] =	wrdreg s5  }
0x22: {  	s25 =	sadd.s32 $0xF0000, s9;
	s5 =	sshrl.u32 s17, $0x3;
	[dreg:$0x14] =	wrdreg s21  }
0x23: {  	[dreg:$0x15] =	wrdreg s22;
	s26 =	sadd.s32 s4, s6;
	s6 =	sadd.s32 s4, s7  }
0x24: {  	s7 =	sadd.s32 $0xA0000, s9;
	s21 =	sadd.s32 $0xE0000, s9;
	[dreg:$0x17] =	wrdreg s26  }
0x25: {  	s5 =	sadd.s32 s4, s5;
	[dreg:$0x18] =	wrdreg s6;
	s6 =	sshrl.u32 s8, $0x3  }
0x26: {  	s26 =	sadd.s32 $0xF8000, s9;
	[dreg:$0x13] =	wrdreg s5;
	s5 =	sshrl.u32 s23, $0x3  }
0x27: {  	s11 =	sadd.s32 s4, s6;
	s6 =	sshrl.u32 s14, $0x3;
	s5 =	sadd.s32 s4, s5  }
0x28: {  	[dreg:$0x1a] =	wrdreg s11;
	s16 =	sadd.s32 s4, s6;
	s6 =	sshrl.u32 s20, $0x3  }
0x29: {  	s11 =	sadd.s32 $0x108000, s9;
	[dreg:$0x16] =	wrdreg s5;
	s5 =	sshrl.u32 s7, $0x3  }
0x2a: {  	s7 =	sshrl.u32 s10, $0x3;
	[dreg:$0x1d] =	wrdreg s16;
	s22 =	sadd.s32 s4, s6  }
0x2b: {  	s6 =	sshrl.u32 s25, $0x3;
	s10 =	sadd.s32 $0x100000, s9;
	s16 =	sadd.s32 $0x120000, s9  }
0x2c: {  	s25 =	smul.u32 $0x4E000, s18;
	s5 =	sadd.s32 s4, s5;
	s12 =	sadd.s32 s4, s7  }
0x2d: {  	s7 =	sshrl.u32 s15, $0x3;
	[smem:$0x7F2] =	sst s22;
	s6 =	sadd.s32 s4, s6  }
0x2e: {  	s15 =	sadd.s32 $0x118000, s9;
	s22 =	sadd.s32 $0x130000, s9;
	[dreg:$0x19] =	wrdreg s5  }
0x2f: {  	[dreg:$0x1b] =	wrdreg s12;
	s5 =	sshrl.u32 s13, $0x3;
	s17 =	sadd.s32 s4, s7  }
0x30: {  	s7 =	sshrl.u32 s21, $0x3;
	[smem:$0x7F5] =	sst s6;
	s12 =	sadd.s32 $0x110000, s9  }
0x31: {  	s6 =	sshrl.u32 s11, $0x3;
	s11 =	simm.s32 $0x0;
	s5 =	sadd.s32 s4, s5  }
0x32: {  	[dreg:$0x1e] =	wrdreg s17;
	s23 =	sadd.s32 s4, s7;
	s7 =	sshrl.u32 s26, $0x3  }
0x33: {  	s13 =	sadd.s32 s4, s6;
	s17 =	sadd.s32 $0x128000, s9;
	[smem:$0x7FF] =	sst s11  }
0x34: {  	s9 =	sadd.s32 $0x138000, s9;
	s26 =	sshrl.u32 s25, $0x2;
	[dreg:$0x1c] =	wrdreg s5  }
0x35: {  	s25 =	simm.s32 $0x1400;
	s5 =	sshrl.u32 s19, $0x3;
	[smem:$0x7F3] =	sst s23  }
0x36: {  	s8 =	sadd.s32 s4, s7;
	s7 =	sshrl.u32 s12, $0x3;
	[smem:$0x7F8] =	sst s13  }
0x37: {  	s19 =	sshrl.u32 s16, $0x3;
	s5 =	sadd.s32 s4, s5;
	[smem:$0x7F6] =	sst s8  }
0x38: {  	s12 =	smul.u32 $0x280, s18;
	s14 =	sadd.s32 s4, s7;
	[dreg:$0x1f] =	wrdreg s5  }
0x39: {  	s13 =	smul.u32 $0x27000, s18;
	s20 =	sadd.s32 s4, s19;
	[smem:$0x7F9] =	sst s14  }
0x3a: {  	s23 =	sshrl.u32 s9, $0x3;
	s5 =	sshrl.u32 s24, $0x3;
	[smem:$0x7FB] =	sst s20  }
0x3b: {  	s3 =	sor.u32 s3, s13;
	s24 =	sadd.s32 s12, s2;
	s2 =	sadd.s32 $0x4E6000, s2  }
0x3c: {  	s13 =	rddreg [dreg:$0x2];
	s5 =	sadd.s32 s4, s5;
	s3 =	sshrl.u32 s3, $0x3  }
0x3d: {  	s0 =	sadd.s32 s0, s2;
	s14 =	sadd.s32 s26, s13;
	s26 =	simm.s32 $0x400  }
0x3e: {  	[smem:$0x7F4] =	sst s5;
	s5 =	sshrl.u32 s10, $0x3;
	s10 =	sshrl.u32 s17, $0x3  }
0x3f: {  	s12 =	sadd.s32 s2, s3;
	s16 =	sadd.s32 $0x4E000, s0;
	s17 =	smax.u32 s1, $0x1  }
0x40: {  	s18 =	sadd.s32 $0x4000, s14;
	s19 =	sadd.s32 $0x8000, s14;
	s20 =	sadd.s32 $0xC000, s14  }
0x41: {  	s0 =	simm.s32 $0x2;
	s1 =	simm.s32 $0x100;
	s5 =	sadd.s32 s4, s5  }
0x42: {  	s2 =	simm.s32 $0x8;
	[smem:$0x7F7] =	sst s5;
	s5 =	sshrl.u32 s15, $0x3  }
0x43: {  	s3 =	simm.s32 $0x0;
	s21 =	sadd.s32 s4, s10;
	s5 =	sadd.s32 s4, s5  }
0x44: {  	s10 =	sadd.s32 s4, s23;
	[smem:$0x7FA] =	sst s5;
	s5 =	sshrl.u32 s22, $0x3  }
0x45: {  	s23 =	simm.s32 $0x1480;
	[smem:$0x7FC] =	sst s21;
	s5 =	sadd.s32 s4, s5  }
0x46: {  	s15 =	sadd.s32 $0x1800, s24;
	s21 =	sadd.s32 $0x10000, s14;
	[smem:$0x7FD] =	sst s5  }
0x47: {  	v0 =	vimm.f32 $0.0e+00;
	s24 =	simm.s32 $0x3;
	s22 =	sadd.s32 $0x138000, s13;
	_ =	strace $0x80000047  }
.LBB2_1:
0x48: {  	s4 =	simm.s32 $0x0;
	s5 =	simm.s32 $0x200  }
.LBB2_2:
0x49: {  	p1 =	sne.s32 s5, $0xFE00;
	[tilespmem:s4+$0x14F0] =	vst v0  }
0x4a: {  	[tilespmem:s4+$0x1480] =	vst v0  }
0x4b: {  	[tilespmem:s4+$0x1490] =	vst v0  }
.Ltmp0:
0x4c: {  	[tilespmem:s4+$0x14A0] =	vst v0;
	(pc) =	sbr.rel @p1 .LBB2_2-.Ltmp0, $4  }
0x4d: {  	[tilespmem:s4+$0x14B0] =	vst v0  }
0x4e: {  	[tilespmem:s4+$0x14C0] =	vst v0  }
0x4f: {  	[tilespmem:s4+$0x14D0] =	vst v0  }
0x50: {  	[tilespmem:s4+$0x14E0] =	vst v0;
	s4 =	sshra.s32 s5, $0x2;
	s5 =	sadd.s32 $0x200, s5  }
0x51: {  	[tilespmem:s4+$0x14F0] =	vst v0  }
0x52: {  	[tilespmem:s4+$0x1480] =	vst v0  }
0x53: {  	[tilespmem:s4+$0x1490] =	vst v0  }
0x54: {  	[tilespmem:s4+$0x14A0] =	vst v0  }
0x55: {  	[tilespmem:s4+$0x14B0] =	vst v0  }
0x56: {  	[tilespmem:s4+$0x14C0] =	vst v0  }
0x57: {  	[tilespmem:s4+$0x14D0] =	vst v0  }
0x58: {  	[tilespmem:s4+$0x14E0] =	vst v0  }
0x59: {  	[spmem:s14] =	stream.linear.scatter [tilespmem:s23], [sflag:$0x3], $0x4000, $0x38;
	[tilespmem:$0x1CD00] =	vst v63  }
0x5a: {  	_ =	swait.ge [sflag:s24], $0x4000  }
0x5b: {  	[sflag:s24] =	ssyncset.done $0x0  }
0x5c: {  	[sflag:s24] =	ssyncadd.s32 $0xFFFFC000  }
0x5d: {  	[spmem:s18] =	stream.linear.scatter [tilespmem:s23], [sflag:$0x3], $0x4000, $0x38;
	[tilespmem:$0x1CD00] =	vst v63  }
0x5e: {  	_ =	swait.ge [sflag:s24], $0x4000  }
0x5f: {  	[sflag:s24] =	ssyncset.done $0x0  }
0x60: {  	[sflag:s24] =	ssyncadd.s32 $0xFFFFC000  }
0x61: {  	[spmem:s19] =	stream.linear.scatter [tilespmem:s23], [sflag:$0x3], $0x4000, $0x38;
	[tilespmem:$0x1CD00] =	vst v63  }
0x62: {  	_ =	swait.ge [sflag:s24], $0x4000  }
0x63: {  	[sflag:s24] =	ssyncset.done $0x0  }
0x64: {  	[sflag:s24] =	ssyncadd.s32 $0xFFFFC000  }
0x65: {  	[spmem:s20] =	stream.linear.scatter [tilespmem:s23], [sflag:$0x3], $0x4000, $0x38;
	[tilespmem:$0x1CD00] =	vst v63  }
0x66: {  	_ =	swait.ge [sflag:s24], $0x4000  }
0x67: {  	[sflag:s24] =	ssyncset.done $0x0  }
0x68: {  	[sflag:s24] =	ssyncadd.s32 $0xFFFFC000  }
0x69: {  	[spmem:s21] =	stream.linear.scatter [tilespmem:s23], [sflag:$0x3], $0x3800, $0x38;
	[tilespmem:$0x1CD00] =	vst v63  }
0x6a: {  	_ =	swait.ge [sflag:s24], $0x3800  }
0x6b: {  	[sflag:s24] =	ssyncset.done $0x0  }
0x6c: {  	s4 =	simm.s32 @!p0 $0x1480;
	[sflag:s24] =	ssyncadd.s32 $0xFFFFC800  }
0x6d: {  	[spmem:s22] =	stream.linear.scatter @!p0 [tilespmem:s4], [sflag:$0x3], $0x800, $0x38;
	[tilespmem:$0x1CD00] =	vst v63  }
0x6e: {  	s4 =	simm.s32 @!p0 $0x3  }
0x6f: {  	_ =	swait.ge @!p0 [sflag:s4], $0x800  }
0x70: {  	[sflag:s4] =	ssyncset.done @!p0 $0x0  }
0x71: {  	[sflag:s4] =	ssyncadd.s32 @!p0 $0xFFFFF800  }
0x72: {  	[tilespmem:s11], [sflag:$0x3] =	stream.linear.gather [hbm4b:s15+s11], $0x1380, $0x38;
	[tilespmem:$0x1CD00] =	vst v63  }
0x73: {  	_ =	swait.ge [sflag:s24], $0x1380  }
0x74: {  	[sflag:s24] =	ssyncset.done $0x0  }
0x75: {  	s5 =	rddreg [dreg:$0x4];
	[sflag:s24] =	ssyncadd.s32 $0xFFFFEC80  }
0x76: {  	[tilespmem:s25], [sflag:$0x3] =	stream.linear.gather [hbm4b:s5+s11], $0x80, $0x38;
	[tilespmem:$0x1CD00] =	vst v63  }
0x77: {  	_ =	swait.ge [sflag:s24], $0x80  }
0x78: {  	[sflag:s24] =	ssyncset.done $0x0  }
0x79: {  	[sflag:s24] =	ssyncadd.s32 $0xFFFFFF80  }
0x7a: {  	[bflag:$0x0] =	sbarrier.arrive $0xFFFF  }
0x7b: {  	s8 =	rddreg [dreg:$0x5]  }
0x7c: {  	[tilespmem:s23], [sflag:$0x1] =	stream.strided.gather [hbm4b:s8+s26], $0x4000, s28, s26, $0x38;
	[tilespmem:$0x1CD00] =	vst v63  }
0x7d: {  	s9 =	rddreg [dreg:$0x6]  }
0x7e: {  	[tilespmem:s29], [sflag:$0x2] =	stream.strided.gather [hbm4b:s9+s26], $0x4000, s28, s26, $0x38;
	[tilespmem:$0x1CD00] =	vst v63  }
0x7f: {  	_ =	swait.ge [sflag:s30], $0x4000  }
0x80: {  	[sflag:s30] =	ssyncset.done $0x0  }
0x81: {  	[sflag:s30] =	ssyncadd.s32 $0xFFFFC000  }
0x82: {  	[spmem:s13] =	stream.indirect.scatter.add.f32 [tilespmem:s23], [sflag:$0x3], $0x80, s11, s31, $0xb8;
	[tilespmem:$0x1CD00] =	vst v63  }
0x83: {  	_ =	swait.ge [sflag:s24], $0x4000  }
0x84: {  	[sflag:s24] =	ssyncset.done $0x0  }
0x85: {  	s6 =	rddreg [dreg:$0x7];
	[sflag:s24] =	ssyncadd.s32 $0xFFFFC000  }
0x86: {  	[tilespmem:s23], [sflag:$0x1] =	stream.strided.gather [hbm4b:s6+s26], $0x4000, s28, s26, $0x38;
	[tilespmem:$0x1CD00] =	vst v63  }
0x87: {  	_ =	swait.ge [sflag:s0], $0x4000  }
0x88: {  	[sflag:s0] =	ssyncset.done $0x0  }
0x89: {  	[sflag:s0] =	ssyncadd.s32 $0xFFFFC000  }
0x8a: {  	[spmem:s13] =	stream.indirect.scatter.add.f32 [tilespmem:s29], [sflag:$0x3], $0x80, s31, s31, $0xb8;
	[tilespmem:$0x1CD00] =	vst v63  }
0x8b: {  	_ =	swait.ge [sflag:s24], $0x4000  }
0x8c: {  	[sflag:s24] =	ssyncset.done $0x0  }
0x8d: {  	s7 =	rddreg [dreg:$0x8];
	[sflag:s24] =	ssyncadd.s32 $0xFFFFC000  }
0x8e: {  	[tilespmem:s29], [sflag:$0x2] =	stream.strided.gather [hbm4b:s7+s26], $0x4000, s28, s26, $0x38;
	[tilespmem:$0x1CD00] =	vst v63  }
0x8f: {  	_ =	swait.ge [sflag:s30], $0x4000  }
0x90: {  	[sflag:s30] =	ssyncset.done $0x0  }
0x91: {  	[sflag:s30] =	ssyncadd.s32 $0xFFFFC000  }
0x92: {  	[spmem:s13] =	stream.indirect.scatter.add.f32 [tilespmem:s23], [sflag:$0x3], $0x80, s1, s31, $0xb8;
	[tilespmem:$0x1CD00] =	vst v63  }
0x93: {  	_ =	swait.ge [sflag:s24], $0x4000  }
0x94: {  	[sflag:s24] =	ssyncset.done $0x0  }
0x95: {  	s8 =	rddreg [dreg:$0x9];
	[sflag:s24] =	ssyncadd.s32 $0xFFFFC000  }
0x96: {  	[tilespmem:s23], [sflag:$0x1] =	stream.strided.gather [hbm4b:s8+s26], $0x4000, s28, s26, $0x38;
	[tilespmem:$0x1CD00] =	vst v63  }
0x97: {  	_ =	swait.ge [sflag:s0], $0x4000  }
0x98: {  	[sflag:s0] =	ssyncset.done $0x0  }
0x99: {  	s9 =	simm.s32 $0x180;
	[sflag:s0] =	ssyncadd.s32 $0xFFFFC000  }
0x9a: {  	[spmem:s13] =	stream.indirect.scatter.add.f32 [tilespmem:s29], [sflag:$0x3], $0x80, s9, s31, $0xb8;
	[tilespmem:$0x1CD00] =	vst v63  }
0x9b: {  	_ =	swait.ge [sflag:s24], $0x4000  }
0x9c: {  	[sflag:s24] =	ssyncset.done $0x0  }
0x9d: {  	s6 =	rddreg [dreg:$0xa];
	[sflag:s24] =	ssyncadd.s32 $0xFFFFC000  }
0x9e: {  	[tilespmem:s29], [sflag:$0x2] =	stream.strided.gather [hbm4b:s6+s26], $0x4000, s28, s26, $0x38;
	[tilespmem:$0x1CD00] =	vst v63  }
0x9f: {  	_ =	swait.ge [sflag:s30], $0x4000  }
0xa0: {  	[sflag:s30] =	ssyncset.done $0x0  }
0xa1: {  	s7 =	simm.s32 $0x200;
	[sflag:s30] =	ssyncadd.s32 $0xFFFFC000  }
0xa2: {  	[spmem:s13] =	stream.indirect.scatter.add.f32 [tilespmem:s23], [sflag:$0x3], $0x80, s7, s31, $0xb8;
	[tilespmem:$0x1CD00] =	vst v63  }
0xa3: {  	_ =	swait.ge [sflag:s24], $0x4000  }
0xa4: {  	[sflag:s24] =	ssyncset.done $0x0  }
0xa5: {  	s8 =	rddreg [dreg:$0xb];
	[sflag:s24] =	ssyncadd.s32 $0xFFFFC000  }
0xa6: {  	[tilespmem:s23], [sflag:$0x1] =	stream.strided.gather [hbm4b:s8+s26], $0x4000, s28, s26, $0x38;
	[tilespmem:$0x1CD00] =	vst v63  }
0xa7: {  	_ =	swait.ge [sflag:s0], $0x4000  }
0xa8: {  	[sflag:s0] =	ssyncset.done $0x0  }
0xa9: {  	s9 =	simm.s32 $0x280;
	[sflag:s0] =	ssyncadd.s32 $0xFFFFC000  }
0xaa: {  	[spmem:s13] =	stream.indirect.scatter.add.f32 [tilespmem:s29], [sflag:$0x3], $0x80, s9, s31, $0xb8;
	[tilespmem:$0x1CD00] =	vst v63  }
0xab: {  	_ =	swait.ge [sflag:s24], $0x4000  }
0xac: {  	[sflag:s24] =	ssyncset.done $0x0  }
0xad: {  	s6 =	rddreg [dreg:$0xc];
	[sflag:s24] =	ssyncadd.s32 $0xFFFFC000  }
0xae: {  	[tilespmem:s29], [sflag:$0x2] =	stream.strided.gather [hbm4b:s6+s26], $0x4000, s28, s26, $0x38;
	[tilespmem:$0x1CD00] =	vst v63  }
0xaf: {  	_ =	swait.ge [sflag:s30], $0x4000  }
0xb0: {  	[sflag:s30] =	ssyncset.done $0x0  }
0xb1: {  	s7 =	simm.s32 $0x300;
	[sflag:s30] =	ssyncadd.s32 $0xFFFFC000  }
0xb2: {  	[spmem:s13] =	stream.indirect.scatter.add.f32 [tilespmem:s23], [sflag:$0x3], $0x80, s7, s31, $0xb8;
	[tilespmem:$0x1CD00] =	vst v63  }
0xb3: {  	_ =	swait.ge [sflag:s24], $0x4000  }
0xb4: {  	[sflag:s24] =	ssyncset.done $0x0  }
0xb5: {  	s8 =	rddreg [dreg:$0xd];
	[sflag:s24] =	ssyncadd.s32 $0xFFFFC000  }
0xb6: {  	[tilespmem:s23], [sflag:$0x1] =	stream.strided.gather [hbm4b:s8+s26], $0x4000, s28, s26, $0x38;
	[tilespmem:$0x1CD00] =	vst v63  }
0xb7: {  	_ =	swait.ge [sflag:s0], $0x4000  }
0xb8: {  	[sflag:s0] =	ssyncset.done $0x0  }
0xb9: {  	s9 =	simm.s32 $0x380;
	[sflag:s0] =	ssyncadd.s32 $0xFFFFC000  }
0xba: {  	[spmem:s13] =	stream.indirect.scatter.add.f32 [tilespmem:s29], [sflag:$0x3], $0x80, s9, s31, $0xb8;
	[tilespmem:$0x1CD00] =	vst v63  }
0xbb: {  	_ =	swait.ge [sflag:s24], $0x4000  }
0xbc: {  	[sflag:s24] =	ssyncset.done $0x0  }
0xbd: {  	s6 =	rddreg [dreg:$0xe];
	[sflag:s24] =	ssyncadd.s32 $0xFFFFC000  }
0xbe: {  	[tilespmem:s29], [sflag:$0x2] =	stream.strided.gather [hbm4b:s6+s26], $0x4000, s28, s26, $0x38;
	[tilespmem:$0x1CD00] =	vst v63  }
0xbf: {  	_ =	swait.ge [sflag:s30], $0x4000  }
0xc0: {  	[sflag:s30] =	ssyncset.done $0x0  }
0xc1: {  	[sflag:s30] =	ssyncadd.s32 $0xFFFFC000  }
0xc2: {  	[spmem:s13] =	stream.indirect.scatter.add.f32 [tilespmem:s23], [sflag:$0x3], $0x80, s26, s31, $0xb8;
	[tilespmem:$0x1CD00] =	vst v63  }
0xc3: {  	_ =	swait.ge [sflag:s24], $0x4000  }
0xc4: {  	[sflag:s24] =	ssyncset.done $0x0  }
0xc5: {  	s7 =	rddreg [dreg:$0xf];
	[sflag:s24] =	ssyncadd.s32 $0xFFFFC000  }
0xc6: {  	[tilespmem:s23], [sflag:$0x1] =	stream.strided.gather [hbm4b:s7+s26], $0x4000, s28, s26, $0x38;
	[tilespmem:$0x1CD00] =	vst v63  }
0xc7: {  	_ =	swait.ge [sflag:s0], $0x4000  }
0xc8: {  	[sflag:s0] =	ssyncset.done $0x0  }
0xc9: {  	s8 =	simm.s32 $0x480;
	[sflag:s0] =	ssyncadd.s32 $0xFFFFC000  }
0xca: {  	[spmem:s13] =	stream.indirect.scatter.add.f32 [tilespmem:s29], [sflag:$0x3], $0x80, s8, s31, $0xb8;
	[tilespmem:$0x1CD00] =	vst v63  }
0xcb: {  	_ =	swait.ge [sflag:s24], $0x4000  }
0xcc: {  	[sflag:s24] =	ssyncset.done $0x0  }
0xcd: {  	s9 =	rddreg [dreg:$0x10];
	[sflag:s24] =	ssyncadd.s32 $0xFFFFC000  }
0xce: {  	[tilespmem:s29], [sflag:$0x2] =	stream.strided.gather [hbm4b:s9+s26], $0x4000, s28, s26, $0x38;
	[tilespmem:$0x1CD00] =	vst v63  }
0xcf: {  	_ =	swait.ge [sflag:s30], $0x4000  }
0xd0: {  	[sflag:s30] =	ssyncset.done $0x0  }
0xd1: {  	s6 =	simm.s32 $0x500;
	[sflag:s30] =	ssyncadd.s32 $0xFFFFC000  }
0xd2: {  	[spmem:s13] =	stream.indirect.scatter.add.f32 [tilespmem:s23], [sflag:$0x3], $0x80, s6, s31, $0xb8;
	[tilespmem:$0x1CD00] =	vst v63  }
0xd3: {  	_ =	swait.ge [sflag:s24], $0x4000  }
0xd4: {  	[sflag:s24] =	ssyncset.done $0x0  }
0xd5: {  	s7 =	rddreg [dreg:$0x11];
	[sflag:s24] =	ssyncadd.s32 $0xFFFFC000  }
0xd6: {  	[tilespmem:s23], [sflag:$0x1] =	stream.strided.gather [hbm4b:s7+s26], $0x4000, s28, s26, $0x38;
	[tilespmem:$0x1CD00] =	vst v63  }
0xd7: {  	_ =	swait.ge [sflag:s0], $0x4000  }
0xd8: {  	[sflag:s0] =	ssyncset.done $0x0  }
0xd9: {  	s8 =	simm.s32 $0x580;
	[sflag:s0] =	ssyncadd.s32 $0xFFFFC000  }
0xda: {  	[spmem:s13] =	stream.indirect.scatter.add.f32 [tilespmem:s29], [sflag:$0x3], $0x80, s8, s31, $0xb8;
	[tilespmem:$0x1CD00] =	vst v63  }
0xdb: {  	_ =	swait.ge [sflag:s24], $0x4000  }
0xdc: {  	[sflag:s24] =	ssyncset.done $0x0  }
0xdd: {  	s9 =	rddreg [dreg:$0x12];
	[sflag:s24] =	ssyncadd.s32 $0xFFFFC000  }
0xde: {  	[tilespmem:s29], [sflag:$0x2] =	stream.strided.gather [hbm4b:s9+s26], $0x4000, s28, s26, $0x38;
	[tilespmem:$0x1CD00] =	vst v63  }
0xdf: {  	_ =	swait.ge [sflag:s30], $0x4000  }
0xe0: {  	[sflag:s30] =	ssyncset.done $0x0  }
0xe1: {  	s6 =	simm.s32 $0x600;
	[sflag:s30] =	ssyncadd.s32 $0xFFFFC000  }
0xe2: {  	[spmem:s13] =	stream.indirect.scatter.add.f32 [tilespmem:s23], [sflag:$0x3], $0x80, s6, s31, $0xb8;
	[tilespmem:$0x1CD00] =	vst v63  }
0xe3: {  	_ =	swait.ge [sflag:s24], $0x4000  }
0xe4: {  	[sflag:s24] =	ssyncset.done $0x0  }
0xe5: {  	s7 =	rddreg [dreg:$0x13];
	[sflag:s24] =	ssyncadd.s32 $0xFFFFC000  }
0xe6: {  	[tilespmem:s23], [sflag:$0x1] =	stream.strided.gather [hbm4b:s7+s26], $0x4000, s28, s26, $0x38;
	[tilespmem:$0x1CD00] =	vst v63  }
0xe7: {  	_ =	swait.ge [sflag:s0], $0x4000  }
0xe8: {  	[sflag:s0] =	ssyncset.done $0x0  }
0xe9: {  	s8 =	simm.s32 $0x680;
	[sflag:s0] =	ssyncadd.s32 $0xFFFFC000  }
0xea: {  	[spmem:s13] =	stream.indirect.scatter.add.f32 [tilespmem:s29], [sflag:$0x3], $0x80, s8, s31, $0xb8;
	[tilespmem:$0x1CD00] =	vst v63  }
0xeb: {  	_ =	swait.ge [sflag:s24], $0x4000  }
0xec: {  	[sflag:s24] =	ssyncset.done $0x0  }
0xed: {  	s9 =	rddreg [dreg:$0x14];
	[sflag:s24] =	ssyncadd.s32 $0xFFFFC000  }
0xee: {  	[tilespmem:s29], [sflag:$0x2] =	stream.strided.gather [hbm4b:s9+s26], $0x4000, s28, s26, $0x38;
	[tilespmem:$0x1CD00] =	vst v63  }
0xef: {  	_ =	swait.ge [sflag:s30], $0x4000  }
0xf0: {  	[sflag:s30] =	ssyncset.done $0x0  }
0xf1: {  	s6 =	simm.s32 $0x700;
	[sflag:s30] =	ssyncadd.s32 $0xFFFFC000  }
0xf2: {  	[spmem:s13] =	stream.indirect.scatter.add.f32 [tilespmem:s23], [sflag:$0x3], $0x80, s6, s31, $0xb8;
	[tilespmem:$0x1CD00] =	vst v63  }
0xf3: {  	_ =	swait.ge [sflag:s24], $0x4000  }
0xf4: {  	[sflag:s24] =	ssyncset.done $0x0  }
0xf5: {  	s7 =	rddreg [dreg:$0x15];
	[sflag:s24] =	ssyncadd.s32 $0xFFFFC000  }
0xf6: {  	[tilespmem:s23], [sflag:$0x1] =	stream.strided.gather [hbm4b:s7+s26], $0x4000, s28, s26, $0x38;
	[tilespmem:$0x1CD00] =	vst v63  }
0xf7: {  	_ =	swait.ge [sflag:s0], $0x4000  }
0xf8: {  	[sflag:s0] =	ssyncset.done $0x0  }
0xf9: {  	s8 =	simm.s32 $0x780;
	[sflag:s0] =	ssyncadd.s32 $0xFFFFC000  }
0xfa: {  	[spmem:s13] =	stream.indirect.scatter.add.f32 [tilespmem:s29], [sflag:$0x3], $0x80, s8, s31, $0xb8;
	[tilespmem:$0x1CD00] =	vst v63  }
0xfb: {  	_ =	swait.ge [sflag:s24], $0x4000  }
0xfc: {  	[sflag:s24] =	ssyncset.done $0x0  }
0xfd: {  	s9 =	rddreg [dreg:$0x16];
	[sflag:s24] =	ssyncadd.s32 $0xFFFFC000  }
0xfe: {  	[tilespmem:s29], [sflag:$0x2] =	stream.strided.gather [hbm4b:s9+s26], $0x4000, s28, s26, $0x38;
	[tilespmem:$0x1CD00] =	vst v63  }
0xff: {  	_ =	swait.ge [sflag:s30], $0x4000  }
0x100: {  	[sflag:s30] =	ssyncset.done $0x0  }
0x101: {  	[sflag:s30] =	ssyncadd.s32 $0xFFFFC000  }
0x102: {  	[spmem:s13] =	stream.indirect.scatter.add.f32 [tilespmem:s23], [sflag:$0x3], $0x80, s28, s31, $0xb8;
	[tilespmem:$0x1CD00] =	vst v63  }
0x103: {  	_ =	swait.ge [sflag:s24], $0x4000  }
0x104: {  	[sflag:s24] =	ssyncset.done $0x0  }
0x105: {  	s6 =	rddreg [dreg:$0x17];
	[sflag:s24] =	ssyncadd.s32 $0xFFFFC000  }
0x106: {  	[tilespmem:s23], [sflag:$0x1] =	stream.strided.gather [hbm4b:s6+s26], $0x4000, s28, s26, $0x38;
	[tilespmem:$0x1CD00] =	vst v63  }
0x107: {  	_ =	swait.ge [sflag:s0], $0x4000  }
0x108: {  	[sflag:s0] =	ssyncset.done $0x0  }
0x109: {  	s7 =	simm.s32 $0x880;
	[sflag:s0] =	ssyncadd.s32 $0xFFFFC000  }
0x10a: {  	[spmem:s13] =	stream.indirect.scatter.add.f32 [tilespmem:s29], [sflag:$0x3], $0x80, s7, s31, $0xb8;
	[tilespmem:$0x1CD00] =	vst v63  }
0x10b: {  	_ =	swait.ge [sflag:s24], $0x4000  }
0x10c: {  	[sflag:s24] =	ssyncset.done $0x0  }
0x10d: {  	s8 =	rddreg [dreg:$0x18];
	[sflag:s24] =	ssyncadd.s32 $0xFFFFC000  }
0x10e: {  	[tilespmem:s29], [sflag:$0x2] =	stream.strided.gather [hbm4b:s8+s26], $0x4000, s28, s26, $0x38;
	[tilespmem:$0x1CD00] =	vst v63  }
0x10f: {  	_ =	swait.ge [sflag:s30], $0x4000  }
0x110: {  	[sflag:s30] =	ssyncset.done $0x0  }
0x111: {  	s9 =	simm.s32 $0x900;
	[sflag:s30] =	ssyncadd.s32 $0xFFFFC000  }
0x112: {  	[spmem:s13] =	stream.indirect.scatter.add.f32 [tilespmem:s23], [sflag:$0x3], $0x80, s9, s31, $0xb8;
	[tilespmem:$0x1CD00] =	vst v63  }
0x113: {  	_ =	swait.ge [sflag:s24], $0x4000  }
0x114: {  	[sflag:s24] =	ssyncset.done $0x0  }
0x115: {  	s6 =	rddreg [dreg:$0x19];
	[sflag:s24] =	ssyncadd.s32 $0xFFFFC000  }
0x116: {  	[tilespmem:s23], [sflag:$0x1] =	stream.strided.gather [hbm4b:s6+s26], $0x4000, s28, s26, $0x38;
	[tilespmem:$0x1CD00] =	vst v63  }
0x117: {  	_ =	swait.ge [sflag:s0], $0x4000  }
0x118: {  	[sflag:s0] =	ssyncset.done $0x0  }
0x119: {  	s7 =	simm.s32 $0x980;
	[sflag:s0] =	ssyncadd.s32 $0xFFFFC000  }
0x11a: {  	[spmem:s13] =	stream.indirect.scatter.add.f32 [tilespmem:s29], [sflag:$0x3], $0x80, s7, s31, $0xb8;
	[tilespmem:$0x1CD00] =	vst v63  }
0x11b: {  	_ =	swait.ge [sflag:s24], $0x4000  }
0x11c: {  	[sflag:s24] =	ssyncset.done $0x0  }
0x11d: {  	s8 =	rddreg [dreg:$0x1a];
	[sflag:s24] =	ssyncadd.s32 $0xFFFFC000  }
0x11e: {  	[tilespmem:s29], [sflag:$0x2] =	stream.strided.gather [hbm4b:s8+s26], $0x4000, s28, s26, $0x38;
	[tilespmem:$0x1CD00] =	vst v63  }
0x11f: {  	_ =	swait.ge [sflag:s30], $0x4000  }
0x120: {  	[sflag:s30] =	ssyncset.done $0x0  }
0x121: {  	s9 =	simm.s32 $0xA00;
	[sflag:s30] =	ssyncadd.s32 $0xFFFFC000  }
0x122: {  	[spmem:s13] =	stream.indirect.scatter.add.f32 [tilespmem:s23], [sflag:$0x3], $0x80, s9, s31, $0xb8;
	[tilespmem:$0x1CD00] =	vst v63  }
0x123: {  	_ =	swait.ge [sflag:s24], $0x4000  }
0x124: {  	[sflag:s24] =	ssyncset.done $0x0  }
0x125: {  	s6 =	rddreg [dreg:$0x1b];
	[sflag:s24] =	ssyncadd.s32 $0xFFFFC000  }
0x126: {  	[tilespmem:s23], [sflag:$0x1] =	stream.strided.gather [hbm4b:s6+s26], $0x4000, s28, s26, $0x38;
	[tilespmem:$0x1CD00] =	vst v63  }
0x127: {  	_ =	swait.ge [sflag:s0], $0x4000  }
0x128: {  	[sflag:s0] =	ssyncset.done $0x0  }
0x129: {  	s7 =	simm.s32 $0xA80;
	[sflag:s0] =	ssyncadd.s32 $0xFFFFC000  }
0x12a: {  	[spmem:s13] =	stream.indirect.scatter.add.f32 [tilespmem:s29], [sflag:$0x3], $0x80, s7, s31, $0xb8;
	[tilespmem:$0x1CD00] =	vst v63  }
0x12b: {  	_ =	swait.ge [sflag:s24], $0x4000  }
0x12c: {  	[sflag:s24] =	ssyncset.done $0x0  }
0x12d: {  	s8 =	rddreg [dreg:$0x1c];
	[sflag:s24] =	ssyncadd.s32 $0xFFFFC000  }
0x12e: {  	[tilespmem:s29], [sflag:$0x2] =	stream.strided.gather [hbm4b:s8+s26], $0x4000, s28, s26, $0x38;
	[tilespmem:$0x1CD00] =	vst v63  }
0x12f: {  	_ =	swait.ge [sflag:s30], $0x4000  }
0x130: {  	[sflag:s30] =	ssyncset.done $0x0  }
0x131: {  	s9 =	simm.s32 $0xB00;
	[sflag:s30] =	ssyncadd.s32 $0xFFFFC000  }
0x132: {  	[spmem:s13] =	stream.indirect.scatter.add.f32 [tilespmem:s23], [sflag:$0x3], $0x80, s9, s31, $0xb8;
	[tilespmem:$0x1CD00] =	vst v63  }
0x133: {  	_ =	swait.ge [sflag:s24], $0x4000  }
0x134: {  	[sflag:s24] =	ssyncset.done $0x0  }
0x135: {  	s6 =	rddreg [dreg:$0x1d];
	[sflag:s24] =	ssyncadd.s32 $0xFFFFC000  }
0x136: {  	[tilespmem:s23], [sflag:$0x1] =	stream.strided.gather [hbm4b:s6+s26], $0x4000, s28, s26, $0x38;
	[tilespmem:$0x1CD00] =	vst v63  }
0x137: {  	_ =	swait.ge [sflag:s0], $0x4000  }
0x138: {  	[sflag:s0] =	ssyncset.done $0x0  }
0x139: {  	s7 =	simm.s32 $0xB80;
	[sflag:s0] =	ssyncadd.s32 $0xFFFFC000  }
0x13a: {  	[spmem:s13] =	stream.indirect.scatter.add.f32 [tilespmem:s29], [sflag:$0x3], $0x80, s7, s31, $0xb8;
	[tilespmem:$0x1CD00] =	vst v63  }
0x13b: {  	_ =	swait.ge [sflag:s24], $0x4000  }
0x13c: {  	[sflag:s24] =	ssyncset.done $0x0  }
0x13d: {  	s8 =	rddreg [dreg:$0x1e];
	[sflag:s24] =	ssyncadd.s32 $0xFFFFC000  }
0x13e: {  	[tilespmem:s29], [sflag:$0x2] =	stream.strided.gather [hbm4b:s8+s26], $0x4000, s28, s26, $0x38;
	[tilespmem:$0x1CD00] =	vst v63  }
0x13f: {  	_ =	swait.ge [sflag:s30], $0x4000  }
0x140: {  	[sflag:s30] =	ssyncset.done $0x0  }
0x141: {  	s9 =	simm.s32 $0xC00;
	[sflag:s30] =	ssyncadd.s32 $0xFFFFC000  }
0x142: {  	[spmem:s13] =	stream.indirect.scatter.add.f32 [tilespmem:s23], [sflag:$0x3], $0x80, s9, s31, $0xb8;
	[tilespmem:$0x1CD00] =	vst v63  }
0x143: {  	_ =	swait.ge [sflag:s24], $0x4000  }
0x144: {  	[sflag:s24] =	ssyncset.done $0x0  }
0x145: {  	s6 =	rddreg [dreg:$0x1f];
	[sflag:s24] =	ssyncadd.s32 $0xFFFFC000  }
0x146: {  	[tilespmem:s23], [sflag:$0x1] =	stream.strided.gather [hbm4b:s6+s26], $0x4000, s28, s26, $0x38;
	[tilespmem:$0x1CD00] =	vst v63  }
0x147: {  	_ =	swait.ge [sflag:s0], $0x4000  }
0x148: {  	[sflag:s0] =	ssyncset.done $0x0  }
0x149: {  	s7 =	simm.s32 $0xC80;
	[sflag:s0] =	ssyncadd.s32 $0xFFFFC000  }
0x14a: {  	[spmem:s13] =	stream.indirect.scatter.add.f32 [tilespmem:s29], [sflag:$0x3], $0x80, s7, s31, $0xb8;
	[tilespmem:$0x1CD00] =	vst v63  }
0x14b: {  	_ =	swait.ge [sflag:s24], $0x4000  }
0x14c: {  	s8 =	sld [smem:$0x7F2]  }
0x14d: {  	[sflag:s24] =	ssyncset.done $0x0  }
0x14e: {  	[sflag:s24] =	ssyncadd.s32 $0xFFFFC000  }
0x14f: {  	[tilespmem:s29], [sflag:$0x2] =	stream.strided.gather [hbm4b:s8+s26], $0x4000, s28, s26, $0x38;
	[tilespmem:$0x1CD00] =	vst v63  }
0x150: {  	_ =	swait.ge [sflag:s30], $0x4000  }
0x151: {  	[sflag:s30] =	ssyncset.done $0x0  }
0x152: {  	s9 =	simm.s32 $0xD00;
	[sflag:s30] =	ssyncadd.s32 $0xFFFFC000  }
0x153: {  	[spmem:s13] =	stream.indirect.scatter.add.f32 [tilespmem:s23], [sflag:$0x3], $0x80, s9, s31, $0xb8;
	[tilespmem:$0x1CD00] =	vst v63  }
0x154: {  	_ =	swait.ge [sflag:s24], $0x4000  }
0x155: {  	s6 =	sld [smem:$0x7F3]  }
0x156: {  	[sflag:s24] =	ssyncset.done $0x0  }
0x157: {  	[sflag:s24] =	ssyncadd.s32 $0xFFFFC000  }
0x158: {  	[tilespmem:s23], [sflag:$0x1] =	stream.strided.gather [hbm4b:s6+s26], $0x4000, s28, s26, $0x38;
	[tilespmem:$0x1CD00] =	vst v63  }
0x159: {  	_ =	swait.ge [sflag:s0], $0x4000  }
0x15a: {  	[sflag:s0] =	ssyncset.done $0x0  }
0x15b: {  	s7 =	simm.s32 $0xD80;
	[sflag:s0] =	ssyncadd.s32 $0xFFFFC000  }
0x15c: {  	[spmem:s13] =	stream.indirect.scatter.add.f32 [tilespmem:s29], [sflag:$0x3], $0x80, s7, s31, $0xb8;
	[tilespmem:$0x1CD00] =	vst v63  }
0x15d: {  	_ =	swait.ge [sflag:s24], $0x4000  }
0x15e: {  	s8 =	sld [smem:$0x7F4]  }
0x15f: {  	[sflag:s24] =	ssyncset.done $0x0  }
0x160: {  	[sflag:s24] =	ssyncadd.s32 $0xFFFFC000  }
0x161: {  	[tilespmem:s29], [sflag:$0x2] =	stream.strided.gather [hbm4b:s8+s26], $0x4000, s28, s26, $0x38;
	[tilespmem:$0x1CD00] =	vst v63  }
0x162: {  	_ =	swait.ge [sflag:s30], $0x4000  }
0x163: {  	[sflag:s30] =	ssyncset.done $0x0  }
0x164: {  	s9 =	simm.s32 $0xE00;
	[sflag:s30] =	ssyncadd.s32 $0xFFFFC000  }
0x165: {  	[spmem:s13] =	stream.indirect.scatter.add.f32 [tilespmem:s23], [sflag:$0x3], $0x80, s9, s31, $0xb8;
	[tilespmem:$0x1CD00] =	vst v63  }
0x166: {  	_ =	swait.ge [sflag:s24], $0x4000  }
0x167: {  	s6 =	sld [smem:$0x7F5]  }
0x168: {  	[sflag:s24] =	ssyncset.done $0x0  }
0x169: {  	[sflag:s24] =	ssyncadd.s32 $0xFFFFC000  }
0x16a: {  	[tilespmem:s23], [sflag:$0x1] =	stream.strided.gather [hbm4b:s6+s26], $0x4000, s28, s26, $0x38;
	[tilespmem:$0x1CD00] =	vst v63  }
0x16b: {  	_ =	swait.ge [sflag:s0], $0x4000  }
0x16c: {  	[sflag:s0] =	ssyncset.done $0x0  }
0x16d: {  	s7 =	simm.s32 $0xE80;
	[sflag:s0] =	ssyncadd.s32 $0xFFFFC000  }
0x16e: {  	[spmem:s13] =	stream.indirect.scatter.add.f32 [tilespmem:s29], [sflag:$0x3], $0x80, s7, s31, $0xb8;
	[tilespmem:$0x1CD00] =	vst v63  }
0x16f: {  	_ =	swait.ge [sflag:s24], $0x4000  }
0x170: {  	s8 =	sld [smem:$0x7F6]  }
0x171: {  	[sflag:s24] =	ssyncset.done $0x0  }
0x172: {  	[sflag:s24] =	ssyncadd.s32 $0xFFFFC000  }
0x173: {  	[tilespmem:s29], [sflag:$0x2] =	stream.strided.gather [hbm4b:s8+s26], $0x4000, s28, s26, $0x38;
	[tilespmem:$0x1CD00] =	vst v63  }
0x174: {  	_ =	swait.ge [sflag:s30], $0x4000  }
0x175: {  	[sflag:s30] =	ssyncset.done $0x0  }
0x176: {  	s9 =	simm.s32 $0xF00;
	[sflag:s30] =	ssyncadd.s32 $0xFFFFC000  }
0x177: {  	[spmem:s13] =	stream.indirect.scatter.add.f32 [tilespmem:s23], [sflag:$0x3], $0x80, s9, s31, $0xb8;
	[tilespmem:$0x1CD00] =	vst v63  }
0x178: {  	_ =	swait.ge [sflag:s24], $0x4000  }
0x179: {  	s6 =	sld [smem:$0x7F7]  }
0x17a: {  	[sflag:s24] =	ssyncset.done $0x0  }
0x17b: {  	[sflag:s24] =	ssyncadd.s32 $0xFFFFC000  }
0x17c: {  	[tilespmem:s23], [sflag:$0x1] =	stream.strided.gather [hbm4b:s6+s26], $0x4000, s28, s26, $0x38;
	[tilespmem:$0x1CD00] =	vst v63  }
0x17d: {  	_ =	swait.ge [sflag:s0], $0x4000  }
0x17e: {  	[sflag:s0] =	ssyncset.done $0x0  }
0x17f: {  	s7 =	simm.s32 $0xF80;
	[sflag:s0] =	ssyncadd.s32 $0xFFFFC000  }
0x180: {  	[spmem:s13] =	stream.indirect.scatter.add.f32 [tilespmem:s29], [sflag:$0x3], $0x80, s7, s31, $0xb8;
	[tilespmem:$0x1CD00] =	vst v63  }
0x181: {  	_ =	swait.ge [sflag:s24], $0x4000  }
0x182: {  	s8 =	sld [smem:$0x7F8]  }
0x183: {  	[sflag:s24] =	ssyncset.done $0x0  }
0x184: {  	[sflag:s24] =	ssyncadd.s32 $0xFFFFC000  }
0x185: {  	[tilespmem:s29], [sflag:$0x2] =	stream.strided.gather [hbm4b:s8+s26], $0x4000, s28, s26, $0x38;
	[tilespmem:$0x1CD00] =	vst v63  }
0x186: {  	_ =	swait.ge [sflag:s30], $0x4000  }
0x187: {  	[sflag:s30] =	ssyncset.done $0x0  }
0x188: {  	s9 =	simm.s32 $0x1000;
	[sflag:s30] =	ssyncadd.s32 $0xFFFFC000  }
0x189: {  	[spmem:s13] =	stream.indirect.scatter.add.f32 [tilespmem:s23], [sflag:$0x3], $0x80, s9, s31, $0xb8;
	[tilespmem:$0x1CD00] =	vst v63  }
0x18a: {  	_ =	swait.ge [sflag:s24], $0x4000  }
0x18b: {  	s6 =	sld [smem:$0x7F9]  }
0x18c: {  	[sflag:s24] =	ssyncset.done $0x0  }
0x18d: {  	[sflag:s24] =	ssyncadd.s32 $0xFFFFC000  }
0x18e: {  	[tilespmem:s23], [sflag:$0x1] =	stream.strided.gather [hbm4b:s6+s26], $0x4000, s28, s26, $0x38;
	[tilespmem:$0x1CD00] =	vst v63  }
0x18f: {  	_ =	swait.ge [sflag:s0], $0x4000  }
0x190: {  	[sflag:s0] =	ssyncset.done $0x0  }
0x191: {  	s7 =	simm.s32 $0x1080;
	[sflag:s0] =	ssyncadd.s32 $0xFFFFC000  }
0x192: {  	[spmem:s13] =	stream.indirect.scatter.add.f32 [tilespmem:s29], [sflag:$0x3], $0x80, s7, s31, $0xb8;
	[tilespmem:$0x1CD00] =	vst v63  }
0x193: {  	_ =	swait.ge [sflag:s24], $0x4000  }
0x194: {  	s8 =	sld [smem:$0x7FA]  }
0x195: {  	[sflag:s24] =	ssyncset.done $0x0  }
0x196: {  	[sflag:s24] =	ssyncadd.s32 $0xFFFFC000  }
0x197: {  	[tilespmem:s29], [sflag:$0x2] =	stream.strided.gather [hbm4b:s8+s26], $0x4000, s28, s26, $0x38;
	[tilespmem:$0x1CD00] =	vst v63  }
0x198: {  	_ =	swait.ge [sflag:s30], $0x4000  }
0x199: {  	[sflag:s30] =	ssyncset.done $0x0  }
0x19a: {  	s9 =	simm.s32 $0x1100;
	[sflag:s30] =	ssyncadd.s32 $0xFFFFC000  }
0x19b: {  	[spmem:s13] =	stream.indirect.scatter.add.f32 [tilespmem:s23], [sflag:$0x3], $0x80, s9, s31, $0xb8;
	[tilespmem:$0x1CD00] =	vst v63  }
0x19c: {  	_ =	swait.ge [sflag:s24], $0x4000  }
0x19d: {  	s6 =	sld [smem:$0x7FB]  }
0x19e: {  	[sflag:s24] =	ssyncset.done $0x0  }
0x19f: {  	[sflag:s24] =	ssyncadd.s32 $0xFFFFC000  }
0x1a0: {  	[tilespmem:s23], [sflag:$0x1] =	stream.strided.gather [hbm4b:s6+s26], $0x4000, s28, s26, $0x38;
	[tilespmem:$0x1CD00] =	vst v63  }
0x1a1: {  	_ =	swait.ge [sflag:s0], $0x4000  }
0x1a2: {  	[sflag:s0] =	ssyncset.done $0x0  }
0x1a3: {  	s7 =	simm.s32 $0x1180;
	[sflag:s0] =	ssyncadd.s32 $0xFFFFC000  }
0x1a4: {  	[spmem:s13] =	stream.indirect.scatter.add.f32 [tilespmem:s29], [sflag:$0x3], $0x80, s7, s31, $0xb8;
	[tilespmem:$0x1CD00] =	vst v63  }
0x1a5: {  	_ =	swait.ge [sflag:s24], $0x4000  }
0x1a6: {  	s8 =	sld [smem:$0x7FC]  }
0x1a7: {  	[sflag:s24] =	ssyncset.done $0x0  }
0x1a8: {  	[sflag:s24] =	ssyncadd.s32 $0xFFFFC000  }
0x1a9: {  	[tilespmem:s29], [sflag:$0x2] =	stream.strided.gather [hbm4b:s8+s26], $0x4000, s28, s26, $0x38;
	[tilespmem:$0x1CD00] =	vst v63  }
0x1aa: {  	_ =	swait.ge [sflag:s30], $0x4000  }
0x1ab: {  	[sflag:s30] =	ssyncset.done $0x0  }
0x1ac: {  	s9 =	simm.s32 $0x1200;
	[sflag:s30] =	ssyncadd.s32 $0xFFFFC000  }
0x1ad: {  	[spmem:s13] =	stream.indirect.scatter.add.f32 [tilespmem:s23], [sflag:$0x3], $0x80, s9, s31, $0xb8;
	[tilespmem:$0x1CD00] =	vst v63  }
0x1ae: {  	_ =	swait.ge [sflag:s24], $0x4000  }
0x1af: {  	s6 =	sld [smem:$0x7FD]  }
0x1b0: {  	[sflag:s24] =	ssyncset.done $0x0  }
0x1b1: {  	[sflag:s24] =	ssyncadd.s32 $0xFFFFC000  }
0x1b2: {  	[tilespmem:s23], [sflag:$0x1] =	stream.strided.gather [hbm4b:s6+s26], $0x4000, s28, s26, $0x38;
	[tilespmem:$0x1CD00] =	vst v63  }
0x1b3: {  	_ =	swait.ge [sflag:s0], $0x4000  }
0x1b4: {  	[sflag:s0] =	ssyncset.done $0x0  }
0x1b5: {  	s7 =	simm.s32 $0x1280;
	[sflag:s0] =	ssyncadd.s32 $0xFFFFC000  }
0x1b6: {  	[spmem:s13] =	stream.indirect.scatter.add.f32 [tilespmem:s29], [sflag:$0x3], $0x80, s7, s31, $0xb8;
	[tilespmem:$0x1CD00] =	vst v63  }
0x1b7: {  	_ =	swait.ge [sflag:s24], $0x4000  }
0x1b8: {  	[sflag:s24] =	ssyncset.done $0x0  }
0x1b9: {  	[sflag:s24] =	ssyncadd.s32 $0xFFFFC000  }
0x1ba: {  	_ =	swait.ge [sflag:s30], $0x4000  }
0x1bb: {  	[sflag:s30] =	ssyncset.done $0x0  }
0x1bc: {  	s8 =	simm.s32 $0x1300;
	[sflag:s30] =	ssyncadd.s32 $0xFFFFC000  }
0x1bd: {  	[spmem:s13] =	stream.indirect.scatter.add.f32 [tilespmem:s23], [sflag:$0x3], $0x80, s8, s31, $0xb8;
	[tilespmem:$0x1CD00] =	vst v63  }
0x1be: {  	_ =	swait.ge [sflag:s24], $0x4000  }
0x1bf: {  	[sflag:s24] =	ssyncset.done $0x0  }
0x1c0: {  	[sflag:s24] =	ssyncadd.s32 $0xFFFFC000  }
0x1c1: {  	[tilespmem:s23], [sflag:$0x3] =	stream.linear.gather [hbm4b:s10+s11], $0x400, $0x38;
	[tilespmem:$0x1CD00] =	vst v63  }
0x1c2: {  	_ =	swait.ge [sflag:s24], $0x400  }
0x1c3: {  	[sflag:s24] =	ssyncset.done $0x0  }
0x1c4: {  	[sflag:s24] =	ssyncadd.s32 $0xFFFFFC00  }
0x1c5: {  	[spmem:s13] =	stream.indirect.scatter.add.f32 [tilespmem:s23], [sflag:$0x3], $0x80, s25, s2, $0xb8;
	[tilespmem:$0x1CD00] =	vst v63  }
0x1c6: {  	_ =	swait.ge [sflag:s24], $0x400  }
0x1c7: {  	s9 =	stileid.u32;
	[sflag:s24] =	ssyncset.done $0x0  }
0x1c8: {  	s3 =	sadd.s32 $0x1, s3;
	s5 =	sshll.u32 s9, $0x6;
	[sflag:s24] =	ssyncadd.s32 $0xFFFFFC00  }
0x1c9: {  	s5 =	sor.u32 $0x1C03, s5;
	s6 =	sshrl.u32 s14, $0x3;
	[bflag:$0x0] =	sbarrier.arrive $0xFFFF  }
0x1ca: {  	[hbm:s12@s1], [sflag:s5] =	dma.strided [spmem:s6@s31], $0x2700, s2, $0x10   }
0x1cb: {  	p1 =	sne.s32 s3, s17;
	s9 =	simm.s32 @!p0 $0x80;
	_ =	swait.ge [sflag:s24], $0x2700  }
0x1cc: {  	s7 =	simm.s32 @!p0 $0x8;
	s8 =	simm.s32 @!p0 $0x100;
	[sflag:s24] =	ssyncset.done $0x0  }
.Ltmp1:
0x1cd: {  	s6 =	sshrl.u32 @!p0 s22, $0x3;
	[sflag:s24] =	ssyncadd.s32 $0xFFFFD900;
	(pc) =	sbr.rel @p1 .LBB2_1-.Ltmp1, $4  }
0x1ce: {  	[hbm:s16@s8], [sflag:s5] =	dma.strided @!p0 [spmem:s6@s9], $0x100, s7, $0x10   }
0x1cf: {  	_ =	swait.ge @!p0 [sflag:s4], $0x100  }
0x1d0: {  	[sflag:s4] =	ssyncset.done @!p0 $0x0  }
0x1d1: {  	[sflag:s4] =	ssyncadd.s32 @!p0 $0xFFFFFF00  }
0x1d2: {  	_ =	sfence.sel $0x180000  }
0x1d3: {  	[bflag:$0x0] =	sbarrier.arrive $0xFFFF  }
0x1d4: {  	_ =	strace $0x90000047  }
0x1d5: {  	s0 =	stileid.u32;
	[bflag:$0x2] =	sbarrier.arrive $0xFFFF  }
0x1d6: {  	p0 =	sne.s32 s0, $0x0;
	s0 =	rddreg [dreg:$0x3]  }
0x1d7: {  	s0 =	sadd.s32 @!p0 $0x100000, s0  }
0x1d8: {  	[sflag:s0] =	ssyncadd.tile.s32 @!p0 $0x1;
	_ =	shalt  }
.Lfunc_end2:
_tile_overlayer_lowered:
.L_overlay_start_2:
0x1d9: {  	(tag) =	ssettag $0x2  }
0x1da: {  	s0 =	rddreg [dreg:$0x0];
	s2 =	stileid.u32  }
0x1db: {  	s1 =	rddreg [dreg:$0x1];
	p0 =	sne.s32 s2, $0x0  }
0x1dc: {  	s3 =	rddreg [dreg:$0x2];
	[bflag:$0x3] =	sbarrier.arrive $0xFFFF;
	s2 =	simm.s32 @!p0 $0x1C03  }
0x1dd: {  	[timem:s3], [sflag:s2] =	dma.local @!p0 [hbm:s0], s1  }
0x1de: {  	s0 =	simm.s32 @!p0 $0x3  }
0x1df: {  	_ =	swait.ge @!p0 [sflag:s0], s1  }
0x1e0: {  	s1 =	ssub.s32 @!p0 $0x0, s1;
	[sflag:s0] =	ssyncset.done @!p0 $0x0  }
0x1e1: {  	[sflag:s0] =	ssyncadd.s32 @!p0 s1  }
0x1e2: {  	[bflag:$0x3] =	sbarrier.arrive $0xFFFF  }
0x1e3: {  	_ =	shalt  }

</sc_bundles>
